<compile_context>
chip_gen: v7x
topology: tpu7x:2x2x1
jax: 0.10.2.dev20260603
libtpu: 0.0.44.dev20260713+nightly
codegen_flags: <defaults>
</compile_context>

<pallas_src>
import functools

import numpy as np

import jax
import jax.numpy as jnp
from jax import lax
from jax.experimental import pallas as pl
from jax.experimental.pallas import tpu as pltpu
from jax.experimental.pallas import tpu_sc as plsc

_N = 10000
_E = 160000
_F = 16
_NPAD = 10240
_NW = 32
_CHUNK = 128
_CHUNKS = 40
_EPW = _CHUNK * _CHUNKS
_EPAD = _EPW * _NW
_BR = 1024
_BE = 8 * _BR
_BN = 1024
_SLAB = _NPAD // 16

_R_MAT = np.kron(np.eye(_F, dtype=np.float32), np.ones((1, _F), np.float32))
_S_MAT = np.kron(np.ones((_F, 1), np.float32), np.eye(_F, dtype=np.float32))

def _gather_body(table_hbm, idx_hbm, out_hbm, idx_v, rows_v, sem):
    c = lax.axis_index("c")
    s = lax.axis_index("s")
    wid = s * 2 + c
    pltpu.sync_copy(idx_hbm.at[wid], idx_v)

    def body(g, carry):
        cps = [
            pltpu.async_copy(
                table_hbm.at[idx_v.at[g * 8 + i]],
                rows_v.at[pl.ds((g * 8 + i) * _CHUNK, _CHUNK)],
                sem,
            )
            for i in range(8)
        ]
        for cp in cps:
            cp.wait()
        return carry

    lax.fori_loop(0, _CHUNKS // 8, body, 0)
    pltpu.sync_copy(rows_v, out_hbm.at[pl.ds(wid * _EPW, _EPW)])


@functools.cache
def _gather():
    return pl.kernel(
        _gather_body,
        out_type=jax.ShapeDtypeStruct((_EPAD, _F), jnp.float32),
        mesh=plsc.VectorSubcoreMesh(core_axis_name="c", subcore_axis_name="s"),
        compiler_params=pltpu.CompilerParams(use_tc_tiling_on_sc=False),
        scratch_types=[
            pltpu.VMEM((_CHUNKS, _CHUNK), jnp.int32),
            pltpu.VMEM((_EPW, _F), jnp.float32),
            pltpu.SemaphoreType.DMA,
        ],
    )


def _scatter_cnt_body(msg_hbm, idx_hbm, zeros_hbm, ones_hbm,
                      out_s, out_c, msg_v, idx_v, ones_v, acc_s, acc_c, sem):
    c = lax.axis_index("c")
    s = lax.axis_index("s")
    wid = s * 2 + c
    pltpu.sync_copy(zeros_hbm.at[pl.ds(s * _SLAB, _SLAB)],
                    acc_s.at[pl.ds(s * _SLAB, _SLAB)])
    pltpu.sync_copy(zeros_hbm.at[pl.ds(s * _SLAB, _SLAB)],
                    acc_c.at[pl.ds(s * _SLAB, _SLAB)])
    pltpu.sync_copy(msg_hbm.at[pl.ds(wid * _EPW, _EPW)], msg_v)
    pltpu.sync_copy(idx_hbm.at[wid], idx_v)
    pltpu.sync_copy(ones_hbm, ones_v)
    plsc.subcore_barrier()

    def body(g, carry):
        cps = []
        for i in range(4):
            j = g * 4 + i
            cps.append(pltpu.async_copy(msg_v.at[pl.ds(j * _CHUNK, _CHUNK)],
                                        acc_s.at[idx_v.at[j]], sem, add=True))
            cps.append(pltpu.async_copy(ones_v, acc_c.at[idx_v.at[j]], sem,
                                        add=True))
        for cp in cps:
            cp.wait()
        return carry

    lax.fori_loop(0, _CHUNKS // 4, body, 0)
    plsc.subcore_barrier()
    pltpu.sync_copy(acc_s.at[pl.ds(s * _SLAB, _SLAB)],
                    out_s.at[c].at[pl.ds(s * _SLAB, _SLAB)])
    pltpu.sync_copy(acc_c.at[pl.ds(s * _SLAB, _SLAB)],
                    out_c.at[c].at[pl.ds(s * _SLAB, _SLAB)])


@functools.cache
def _scatter_cnt():
    return pl.kernel(
        _scatter_cnt_body,
        out_type=(jax.ShapeDtypeStruct((2, _NPAD, _F), jnp.float32),
                  jax.ShapeDtypeStruct((2, _NPAD, _F), jnp.float32)),
        mesh=plsc.VectorSubcoreMesh(core_axis_name="c", subcore_axis_name="s"),
        compiler_params=pltpu.CompilerParams(use_tc_tiling_on_sc=False),
        scratch_types=[
            pltpu.VMEM((_EPW, _F), jnp.float32),
            pltpu.VMEM((_CHUNKS, _CHUNK), jnp.int32),
            pltpu.VMEM((_CHUNK, _F), jnp.float32),
            pltpu.VMEM_SHARED((_NPAD, _F), jnp.float32),
            pltpu.VMEM_SHARED((_NPAD, _F), jnp.float32),
            pltpu.SemaphoreType.DMA,
        ],
    )


def _scatter_body(msg_hbm, idx_hbm, zeros_hbm,
                  out_s, msg_v, idx_v, acc_s, sem):
    c = lax.axis_index("c")
    s = lax.axis_index("s")
    wid = s * 2 + c
    pltpu.sync_copy(zeros_hbm.at[pl.ds(s * _SLAB, _SLAB)],
                    acc_s.at[pl.ds(s * _SLAB, _SLAB)])
    pltpu.sync_copy(msg_hbm.at[pl.ds(wid * _EPW, _EPW)], msg_v)
    pltpu.sync_copy(idx_hbm.at[wid], idx_v)
    plsc.subcore_barrier()

    def body(g, carry):
        cps = [
            pltpu.async_copy(msg_v.at[pl.ds((g * 8 + i) * _CHUNK, _CHUNK)],
                             acc_s.at[idx_v.at[g * 8 + i]], sem, add=True)
            for i in range(8)
        ]
        for cp in cps:
            cp.wait()
        return carry

    lax.fori_loop(0, _CHUNKS // 8, body, 0)
    plsc.subcore_barrier()
    pltpu.sync_copy(acc_s.at[pl.ds(s * _SLAB, _SLAB)],
                    out_s.at[c].at[pl.ds(s * _SLAB, _SLAB)])


@functools.cache
def _scatter():
    return pl.kernel(
        _scatter_body,
        out_type=jax.ShapeDtypeStruct((2, _NPAD, _F), jnp.float32),
        mesh=plsc.VectorSubcoreMesh(core_axis_name="c", subcore_axis_name="s"),
        compiler_params=pltpu.CompilerParams(use_tc_tiling_on_sc=False),
        scratch_types=[
            pltpu.VMEM((_EPW, _F), jnp.float32),
            pltpu.VMEM((_CHUNKS, _CHUNK), jnp.int32),
            pltpu.VMEM_SHARED((_NPAD, _F), jnp.float32),
            pltpu.SemaphoreType.DMA,
        ],
    )


def _msg_body(ea_ref, y_ref, w1a_ref, w2a_ref, r_ref, s_ref, out_ref):
    ea_t = ea_ref[...].T
    y = y_ref[...]
    col = jnp.concatenate([ea_t[:, a:a + 1] for a in range(8)], axis=0)
    y_all = jnp.concatenate([y[:, 16 * a:16 * (a + 1)] for a in range(8)],
                            axis=0)
    ones = jnp.ones((8 * _BR, 1), jnp.float32)
    w1a = w1a_ref[...]
    h = jnp.maximum(col * w1a[0:1, :] + w1a[1:2, :], 0.0)
    w = jnp.dot(jnp.concatenate([h, ones], axis=1), w2a_ref[...],
                preferred_element_type=jnp.float32)
    yt = jnp.dot(y_all, r_ref[...], preferred_element_type=jnp.float32)
    msg = jnp.dot(w * yt, s_ref[...],
                  preferred_element_type=jnp.float32)
    out_ref[...] = jnp.concatenate(
        [msg[_BR * a:_BR * (a + 1), :] for a in range(8)], axis=1)


def _msg_call(ea_p, y128, w1, b1, w2, b2, r_mat, s_mat):
    zero = lambda i: (0, 0)
    w1a = jnp.concatenate([w1.reshape(1, 64), b1.reshape(1, 64)], axis=0)
    w2a = jnp.concatenate([w2, b2.reshape(1, 256)], axis=0)
    return pl.pallas_call(
        _msg_body,
        grid=(_EPAD // _BE,),
        in_specs=[
            pl.BlockSpec((8, _BR), lambda i: (i, 0)),
            pl.BlockSpec((_BR, 128), lambda i: (i, 0)),
            pl.BlockSpec((2, 64), zero),
            pl.BlockSpec((65, 256), zero),
            pl.BlockSpec((_F, 256), zero),
            pl.BlockSpec((256, _F), zero),
        ],
        out_specs=pl.BlockSpec((_BR, 128), lambda i: (i, 0)),
        out_shape=jax.ShapeDtypeStruct((_EPAD // 8, 128), jnp.float32),
    )(ea_p, y128, w1a, w2a, r_mat, s_mat)


def _unpack8(ref):
    v = ref[...]
    return jnp.concatenate([v[:, 16 * a:16 * (a + 1)] for a in range(8)],
                           axis=0)


def _pack8(v):
    return jnp.concatenate([v[128 * a:128 * (a + 1), :] for a in range(8)],
                           axis=1)


def _update_body(s0_ref, s1_ref, c0_ref, c1_ref, x_ref, root_ref, bias_ref,
                 out_ref):
    cnt = jnp.maximum(_unpack8(c0_ref) + _unpack8(c1_ref), 1.0)
    agg = (_unpack8(s0_ref) + _unpack8(s1_ref)) / cnt
    xr = jnp.dot(_unpack8(x_ref), root_ref[...],
                 preferred_element_type=jnp.float32)
    out_ref[...] = _pack8(jnp.maximum(agg + xr + bias_ref[...], 0.0))


def _update_call(s0, s1, c0, c1, x, root, bias):
    zero = lambda i: (0, 0)
    blk = lambda i: (i, 0)
    return pl.pallas_call(
        _update_body,
        grid=(_NPAD // _BN,),
        in_specs=[
            pl.BlockSpec((128, 128), blk),
            pl.BlockSpec((128, 128), blk),
            pl.BlockSpec((128, 128), blk),
            pl.BlockSpec((128, 128), blk),
            pl.BlockSpec((128, 128), blk),
            pl.BlockSpec((_F, _F), zero),
            pl.BlockSpec((1, _F), zero),
        ],
        out_specs=pl.BlockSpec((128, 128), blk),
        out_shape=jax.ShapeDtypeStruct((_NPAD // 8, 128), jnp.float32),
    )(s0, s1, c0, c1, x, root, bias)


def _pool_body(s0_ref, s1_ref, c0_ref, c1_ref, h_ref, root_ref, bias_ref,
               b_ref, l1w_ref, l1b_ref, l2w_ref, l2b_ref, out_ref,
               gsum, gcnt):
    i = pl.program_id(0)

    @pl.when(i == 0)
    def _():
        gsum[...] = jnp.zeros_like(gsum)
        gcnt[...] = jnp.zeros_like(gcnt)

    cnt = jnp.maximum(_unpack8(c0_ref) + _unpack8(c1_ref), 1.0)
    agg = (_unpack8(s0_ref) + _unpack8(s1_ref)) / cnt
    hr = jnp.dot(_unpack8(h_ref), root_ref[...],
                 preferred_element_type=jnp.float32)
    h2 = jnp.maximum(agg + hr + bias_ref[...], 0.0)
    b = b_ref[...]
    iota = lax.broadcasted_iota(jnp.int32, (64, 128), 0)
    oh = jnp.concatenate([(iota == b[a:a + 1, :]) for a in range(8)],
                         axis=1).astype(jnp.float32)
    gsum[...] += jnp.dot(oh, h2, preferred_element_type=jnp.float32)
    gcnt[...] += jnp.dot(oh, jnp.ones((_BN, _F), jnp.float32),
                         preferred_element_type=jnp.float32)

    @pl.when(i == pl.num_programs(0) - 1)
    def _():
        g = gsum[...] / jnp.maximum(gcnt[...], 1.0)
        z = jnp.maximum(jnp.dot(g, l1w_ref[...],
                                preferred_element_type=jnp.float32)
                        + l1b_ref[...], 0.0)
        out_ref[...] = jnp.dot(z, l2w_ref[...],
                               preferred_element_type=jnp.float32) + l2b_ref[...]


def _pool_call(s0, s1, c0, c1, h, root, bias, batch_p, l1w, l1b, l2w, l2b):
    zero = lambda i: (0, 0)
    blk = lambda i: (i, 0)
    return pl.pallas_call(
        _pool_body,
        grid=(_NPAD // _BN,),
        in_specs=[
            pl.BlockSpec((128, 128), blk),
            pl.BlockSpec((128, 128), blk),
            pl.BlockSpec((128, 128), blk),
            pl.BlockSpec((128, 128), blk),
            pl.BlockSpec((128, 128), blk),
            pl.BlockSpec((_F, _F), zero),
            pl.BlockSpec((1, _F), zero),
            pl.BlockSpec((8, 128), blk),
            pl.BlockSpec((_F, _F), zero),
            pl.BlockSpec((1, _F), zero),
            pl.BlockSpec((_F, 10), zero),
            pl.BlockSpec((1, 10), zero),
        ],
        out_specs=pl.BlockSpec((64, 10), zero),
        out_shape=jax.ShapeDtypeStruct((64, 10), jnp.float32),
        scratch_shapes=[
            pltpu.VMEM((64, _F), jnp.float32),
            pltpu.VMEM((64, _F), jnp.float32),
        ],
    )(s0, s1, c0, c1, h, root, bias, batch_p, l1w, l1b, l2w, l2b)


def kernel(x, edge_index, edge_attr, batch,
           nn1_W1, nn1_b1, nn1_W2, nn1_b2, root1_W, bias1,
           nn2_W1, nn2_b1, nn2_W2, nn2_b2, root2_W, bias2,
           lin1_W, lin1_b, lin2_W, lin2_b):
    src = edge_index[0].astype(jnp.int32)
    dst = edge_index[1].astype(jnp.int32)
    pad_e = _EPAD - _E
    src3 = jnp.concatenate([src, jnp.zeros((pad_e,), jnp.int32)]) \
        .reshape(_NW, _CHUNKS, _CHUNK)
    dst3 = jnp.concatenate([dst, jnp.full((pad_e,), _N, jnp.int32)]) \
        .reshape(_NW, _CHUNKS, _CHUNK)
    ea_flat = jnp.concatenate([edge_attr[:, 0],
                               jnp.zeros((pad_e,), jnp.float32)])
    ea_p = ea_flat.reshape(_EPAD // _BE, _BR, 8).transpose(0, 2, 1) \
        .reshape(_EPAD // _BE * 8, _BR)
    x_p = jnp.concatenate([x, jnp.zeros((_NPAD - _N, _F), jnp.float32)],
                          axis=0)
    x128 = x_p.reshape(_NPAD // 8, 128)
    batch_p = jnp.concatenate([batch.astype(jnp.int32),
                               jnp.full((_NPAD - _N,), 64, jnp.int32)]) \
        .reshape(_NPAD // _BN, 128, 8).transpose(0, 2, 1) \
        .reshape(_NPAD // _BN * 8, 128)

    r_mat = _R_MAT
    s_mat = _S_MAT
    zeros_n = jnp.zeros((_NPAD, _F), jnp.float32)
    ones_c = jnp.ones((_CHUNK, _F), jnp.float32)

    row = lambda v: v.reshape(1, -1)

    y1 = _gather()(x_p, src3)
    msg1 = _msg_call(ea_p, y1.reshape(_EPAD // 8, 128),
                     row(nn1_W1), row(nn1_b1), nn1_W2, row(nn1_b2),
                     r_mat, s_mat).reshape(_EPAD, _F)
    s_parts, c_parts = _scatter_cnt()(msg1, dst3, zeros_n, ones_c)
    sp = s_parts.reshape(2, _NPAD // 8, 128)
    cp = c_parts.reshape(2, _NPAD // 8, 128)
    h128 = _update_call(sp[0], sp[1], cp[0], cp[1], x128,
                        root1_W, row(bias1))

    y2 = _gather()(h128.reshape(_NPAD, _F), src3)
    msg2 = _msg_call(ea_p, y2.reshape(_EPAD // 8, 128),
                     row(nn2_W1), row(nn2_b1), nn2_W2, row(nn2_b2),
                     r_mat, s_mat).reshape(_EPAD, _F)
    s2_parts = _scatter()(msg2, dst3, zeros_n)
    sp2 = s2_parts.reshape(2, _NPAD // 8, 128)

    return _pool_call(sp2[0], sp2[1], cp[0], cp[1], h128,
                      root2_W, row(bias2), batch_p,
                      lin1_W, row(lin1_b), lin2_W, row(lin2_b))

# --- scband reference (transcript-rebuilt; emitter-appended) ---
"""Pipeline reference for scband-edge-attr-gnn-79731772883552 (READ-ONLY COPY).

The authoritative reference and input builder live on the scoring server;
editing this copy changes nothing except your own understanding.
"""

import jax, jax.numpy as jnp
import numpy as np

N = 10000
E = 160000
IN_F = 16
HID = 16
NUM_CLASSES = 10
NUM_GRAPHS = 64


def _mlp(ea, W1, b1, W2, b2):
    h = jax.nn.relu(ea @ W1 + b1)
    return h @ W2 + b2


def _nnconv(x, src, dst, ea, W1, b1, W2, b2, rootW, bias, in_c, out_c, n_nodes):
    # PyG NNConv with aggr='mean': out_i = x_i @ root + mean_{j->i} x_j @ nn(e_ji) + bias
    w = _mlp(ea, W1, b1, W2, b2).reshape(-1, in_c, out_c)
    msg = jnp.einsum('ei,eio->eo', x[src], w)
    s = jax.ops.segment_sum(msg, dst, num_segments=n_nodes)
    cnt = jax.ops.segment_sum(jnp.ones((dst.shape[0],), x.dtype), dst, num_segments=n_nodes)
    agg = s / jnp.clip(cnt, 1.0)[:, None]
    return agg + x @ rootW + bias


def setup_inputs(seed: int = 0):
    key = jax.random.key(seed)
    ks = [jax.random.fold_in(key, i) for i in range(16)]
    x = jax.random.normal(ks[0], (N, IN_F), jnp.float32)
    edge_index = jax.random.randint(ks[1], (2, E), 0, N)
    edge_attr = jax.random.uniform(ks[2], (E, 1), dtype=jnp.float32)
    batch = jnp.sort(jax.random.randint(ks[3], (N,), 0, NUM_GRAPHS))

    def lin(k, fi, fo):
        return jax.random.normal(k, (fi, fo), jnp.float32) / np.sqrt(fi)

    out = {"x": x, "edge_index": edge_index, "edge_attr": edge_attr, "batch": batch}
    out.update(dict(
        nn1_W1=lin(ks[4], 1, 64), nn1_b1=jnp.zeros((64,), jnp.float32),
        nn1_W2=lin(ks[5], 64, IN_F * HID), nn1_b2=jnp.zeros((IN_F * HID,), jnp.float32),
        root1_W=lin(ks[6], IN_F, HID), bias1=jnp.zeros((HID,), jnp.float32),
        nn2_W1=lin(ks[7], 1, 64), nn2_b1=jnp.zeros((64,), jnp.float32),
        nn2_W2=lin(ks[8], 64, HID * HID), nn2_b2=jnp.zeros((HID * HID,), jnp.float32),
        root2_W=lin(ks[9], HID, HID), bias2=jnp.zeros((HID,), jnp.float32),
        lin1_W=lin(ks[10], HID, HID), lin1_b=jnp.zeros((HID,), jnp.float32),
        lin2_W=lin(ks[11], HID, NUM_CLASSES), lin2_b=jnp.zeros((NUM_CLASSES,), jnp.float32),
    ))
    return out


def reference(x, edge_index, edge_attr, batch,
              nn1_W1, nn1_b1, nn1_W2, nn1_b2, root1_W, bias1,
              nn2_W1, nn2_b1, nn2_W2, nn2_b2, root2_W, bias2,
              lin1_W, lin1_b, lin2_W, lin2_b):
    src, dst = edge_index[0], edge_index[1]
    h = jax.nn.relu(_nnconv(x, src, dst, edge_attr, nn1_W1, nn1_b1, nn1_W2, nn1_b2, root1_W, bias1, IN_F, HID, N))
    h = jax.nn.relu(_nnconv(h, src, dst, edge_attr, nn2_W1, nn2_b1, nn2_W2, nn2_b2, root2_W, bias2, HID, HID, N))
    s = jax.ops.segment_sum(h, batch, num_segments=NUM_GRAPHS)
    cnt = jax.ops.segment_sum(jnp.ones((N,), h.dtype), batch, num_segments=NUM_GRAPHS)
    g = s / jnp.clip(cnt, 1.0)[:, None]
    # Dropout(0.3) is identity in eval mode
    g = jax.nn.relu(g @ lin1_W + lin1_b)
    return g @ lin2_W + lin2_b

if __name__ == "__main__":
    import jax
    _d = setup_inputs()
    print(jax.jit(kernel)(*tuple(_d.values())))

</pallas_src>

<mosaic_0001>
#map = affine_map<(d0, d1) -> (0, 0)>
#map1 = affine_map<(d0, d1) -> (0, 0, 0)>
module attributes {stable_mosaic.version = 14 : i64} {
  func.func @_gather_body(%arg0: i32, %arg1: i32, %arg2: memref<10240x16xf32, #tpu.memory_space<hbm>>, %arg3: memref<32x40x128xi32, #tpu.memory_space<hbm>>, %arg4: memref<163840x16xf32, #tpu.memory_space<hbm>>, %arg5: memref<40x128xi32, #tpu.memory_space<vmem>>, %arg6: memref<5120x16xf32, #tpu.memory_space<vmem>>, %arg7: memref<!tpu.dma_semaphore, #tpu.memory_space<semaphore_mem>>) attributes {dimension_semantics = [#tpu.dimension_semantics<core_parallel>, #tpu.dimension_semantics<subcore_parallel>], iteration_bounds = array<i64: 2, 16>, scalar_prefetch = 0 : i64, scratch_operands = 3 : i64, tpu.core_type = #tpu.core_type<sc_vector_subcore>, window_params = [{transform_indices = #map}, {transform_indices = #map1}, {transform_indices = #map}]} {
    %mul3A = arith.constant 2 : i32
    %mul3A_0 = arith.muli %arg1, %mul3A : i32
    %add3A = arith.addi %mul3A_0, %arg0 : i32
    "tpu.region"() ({
      %run_scoped3A = tpu.sem_alloc : memref<!tpu.dma_semaphore, #tpu.memory_space<semaphore_mem>>
      %dma_start3A = arith.constant 0 : i32
      %dma_start3A_8 = arith.constant 0 : i32
      %dma_start3A_9 = tpu.memref_slice %arg3[%add3A, %dma_start3A, %dma_start3A_8] : memref<32x40x128xi32, #tpu.memory_space<hbm>> -> memref<1x40x128xi32, #tpu.memory_space<hbm>>
      %dma_start3A_10 = tpu.memref_squeeze %dma_start3A_9 : memref<1x40x128xi32, #tpu.memory_space<hbm>> -> memref<40x128xi32, #tpu.memory_space<hbm>>
      %dma_start3A_11 = arith.constant 0 : i32
      %dma_start3A_12 = arith.constant 0 : i32
      %dma_start3A_13 = tpu.memref_slice %arg3[%add3A, %dma_start3A_11, %dma_start3A_12] : memref<32x40x128xi32, #tpu.memory_space<hbm>> -> memref<1x40x128xi32, #tpu.memory_space<hbm>>
      %dma_start3A_14 = tpu.memref_squeeze %dma_start3A_13 : memref<1x40x128xi32, #tpu.memory_space<hbm>> -> memref<40x128xi32, #tpu.memory_space<hbm>>
      tpu.enqueue_dma source(%dma_start3A_14 : memref<40x128xi32, #tpu.memory_space<hbm>>) target(%arg5 : memref<40x128xi32, #tpu.memory_space<vmem>>) target_semaphore(%run_scoped3A : memref<!tpu.dma_semaphore, #tpu.memory_space<semaphore_mem>>)
      %dma_wait3A = arith.constant 0 : i32
      %dma_wait3A_15 = arith.constant 0 : i32
      %dma_wait3A_16 = tpu.memref_slice %arg3[%add3A, %dma_wait3A, %dma_wait3A_15] : memref<32x40x128xi32, #tpu.memory_space<hbm>> -> memref<1x40x128xi32, #tpu.memory_space<hbm>>
      %dma_wait3A_17 = tpu.memref_squeeze %dma_wait3A_16 : memref<1x40x128xi32, #tpu.memory_space<hbm>> -> memref<40x128xi32, #tpu.memory_space<hbm>>
      %dma_wait3A_18 = arith.constant 0 : i32
      %dma_wait3A_19 = arith.constant 0 : i32
      %dma_wait3A_20 = tpu.memref_slice %arg3[%add3A, %dma_wait3A_18, %dma_wait3A_19] : memref<32x40x128xi32, #tpu.memory_space<hbm>> -> memref<1x40x128xi32, #tpu.memory_space<hbm>>
      %dma_wait3A_21 = tpu.memref_squeeze %dma_wait3A_20 : memref<1x40x128xi32, #tpu.memory_space<hbm>> -> memref<40x128xi32, #tpu.memory_space<hbm>>
      tpu.wait_dma2 semaphore(%run_scoped3A : memref<!tpu.dma_semaphore, #tpu.memory_space<semaphore_mem>>) src(%dma_wait3A_21 : memref<40x128xi32, #tpu.memory_space<hbm>>) dst(%arg5 : memref<40x128xi32, #tpu.memory_space<vmem>>)
      tpu.yield
    }) : () -> ()
    %scan3A = arith.constant 0 : i32
    %scan3A_1 = arith.constant 0 : i32
    %scan3A_2 = arith.constant 5 : i32
    %scan3A_3 = arith.addi %scan3A_1, %scan3A_2 : i32
    %scan3A_4 = arith.constant 1 : i32
    scf.for %scan3A_8 = %scan3A_1 to %scan3A_3 step %scan3A_4  : i32 {
      %mul3A_9 = arith.constant 8 : i32
      %mul3A_10 = arith.muli %scan3A_8, %mul3A_9 : i32
      %add3A_11 = arith.constant 0 : i32
      %add3A_12 = arith.addi %mul3A_10, %add3A_11 : i32
      %mul3A_13 = arith.constant 8 : i32
      %mul3A_14 = arith.muli %scan3A_8, %mul3A_13 : i32
      %add3A_15 = arith.constant 0 : i32
      %add3A_16 = arith.addi %mul3A_14, %add3A_15 : i32
      %mul3A_17 = arith.constant 128 : i32
      %mul3A_18 = arith.muli %add3A_16, %mul3A_17 : i32
      %dma_start3A = arith.constant 0 : i32
      %dma_start3A_19 = tpu.memref_slice %arg6[%mul3A_18, %dma_start3A] : memref<5120x16xf32, #tpu.memory_space<vmem>> -> memref<128x16xf32, #tpu.memory_space<vmem>>
      %dma_start3A_20 = arith.constant 0 : i32
      %dma_start3A_21 = tpu.memref_slice %arg5[%add3A_12, %dma_start3A_20] : memref<40x128xi32, #tpu.memory_space<vmem>> -> memref<1x128xi32, #tpu.memory_space<vmem>>
      %dma_start3A_22 = tpu.memref_squeeze %dma_start3A_21 : memref<1x128xi32, #tpu.memory_space<vmem>> -> memref<128xi32, #tpu.memory_space<vmem>>
      %dma_start3A_23 = arith.constant 0 : i32
      %dma_start3A_24 = arith.constant 0 : i32
      %dma_start3A_25 = tpu.memref_slice %arg2[%dma_start3A_23, %dma_start3A_24] : memref<10240x16xf32, #tpu.memory_space<hbm>> -> memref<10240x16xf32, #tpu.memory_space<hbm>>
      tpu.enqueue_indirect_dma source(%dma_start3A_25 : memref<10240x16xf32, #tpu.memory_space<hbm>>) target(%dma_start3A_19 : memref<128x16xf32, #tpu.memory_space<vmem>>) offsets(%dma_start3A_22 : memref<128xi32, #tpu.memory_space<vmem>>) semaphore(%arg7 : memref<!tpu.dma_semaphore, #tpu.memory_space<semaphore_mem>>)
      %mul3A_26 = arith.constant 8 : i32
      %mul3A_27 = arith.muli %scan3A_8, %mul3A_26 : i32
      %add3A_28 = arith.constant 1 : i32
      %add3A_29 = arith.addi %mul3A_27, %add3A_28 : i32
      %mul3A_30 = arith.constant 8 : i32
      %mul3A_31 = arith.muli %scan3A_8, %mul3A_30 : i32
      %add3A_32 = arith.constant 1 : i32
      %add3A_33 = arith.addi %mul3A_31, %add3A_32 : i32
      %mul3A_34 = arith.constant 128 : i32
      %mul3A_35 = arith.muli %add3A_33, %mul3A_34 : i32
      %dma_start3A_36 = arith.constant 0 : i32
      %dma_start3A_37 = tpu.memref_slice %arg6[%mul3A_35, %dma_start3A_36] : memref<5120x16xf32, #tpu.memory_space<vmem>> -> memref<128x16xf32, #tpu.memory_space<vmem>>
      %dma_start3A_38 = arith.constant 0 : i32
      %dma_start3A_39 = tpu.memref_slice %arg5[%add3A_29, %dma_start3A_38] : memref<40x128xi32, #tpu.memory_space<vmem>> -> memref<1x128xi32, #tpu.memory_space<vmem>>
      %dma_start3A_40 = tpu.memref_squeeze %dma_start3A_39 : memref<1x128xi32, #tpu.memory_space<vmem>> -> memref<128xi32, #tpu.memory_space<vmem>>
      %dma_start3A_41 = arith.constant 0 : i32
      %dma_start3A_42 = arith.constant 0 : i32
      %dma_start3A_43 = tpu.memref_slice %arg2[%dma_start3A_41, %dma_start3A_42] : memref<10240x16xf32, #tpu.memory_space<hbm>> -> memref<10240x16xf32, #tpu.memory_space<hbm>>
      tpu.enqueue_indirect_dma source(%dma_start3A_43 : memref<10240x16xf32, #tpu.memory_space<hbm>>) target(%dma_start3A_37 : memref<128x16xf32, #tpu.memory_space<vmem>>) offsets(%dma_start3A_40 : memref<128xi32, #tpu.memory_space<vmem>>) semaphore(%arg7 : memref<!tpu.dma_semaphore, #tpu.memory_space<semaphore_mem>>)
      %mul3A_44 = arith.constant 8 : i32
      %mul3A_45 = arith.muli %scan3A_8, %mul3A_44 : i32
      %add3A_46 = arith.constant 2 : i32
      %add3A_47 = arith.addi %mul3A_45, %add3A_46 : i32
      %mul3A_48 = arith.constant 8 : i32
      %mul3A_49 = arith.muli %scan3A_8, %mul3A_48 : i32
      %add3A_50 = arith.constant 2 : i32
      %add3A_51 = arith.addi %mul3A_49, %add3A_50 : i32
      %mul3A_52 = arith.constant 128 : i32
      %mul3A_53 = arith.muli %add3A_51, %mul3A_52 : i32
      %dma_start3A_54 = arith.constant 0 : i32
      %dma_start3A_55 = tpu.memref_slice %arg6[%mul3A_53, %dma_start3A_54] : memref<5120x16xf32, #tpu.memory_space<vmem>> -> memref<128x16xf32, #tpu.memory_space<vmem>>
      %dma_start3A_56 = arith.constant 0 : i32
      %dma_start3A_57 = tpu.memref_slice %arg5[%add3A_47, %dma_start3A_56] : memref<40x128xi32, #tpu.memory_space<vmem>> -> memref<1x128xi32, #tpu.memory_space<vmem>>
      %dma_start3A_58 = tpu.memref_squeeze %dma_start3A_57 : memref<1x128xi32, #tpu.memory_space<vmem>> -> memref<128xi32, #tpu.memory_space<vmem>>
      %dma_start3A_59 = arith.constant 0 : i32
      %dma_start3A_60 = arith.constant 0 : i32
      %dma_start3A_61 = tpu.memref_slice %arg2[%dma_start3A_59, %dma_start3A_60] : memref<10240x16xf32, #tpu.memory_space<hbm>> -> memref<10240x16xf32, #tpu.memory_space<hbm>>
      tpu.enqueue_indirect_dma source(%dma_start3A_61 : memref<10240x16xf32, #tpu.memory_space<hbm>>) target(%dma_start3A_55 : memref<128x16xf32, #tpu.memory_space<vmem>>) offsets(%dma_start3A_58 : memref<128xi32, #tpu.memory_space<vmem>>) semaphore(%arg7 : memref<!tpu.dma_semaphore, #tpu.memory_space<semaphore_mem>>)
      %mul3A_62 = arith.constant 8 : i32
      %mul3A_63 = arith.muli %scan3A_8, %mul3A_62 : i32
      %add3A_64 = arith.constant 3 : i32
      %add3A_65 = arith.addi %mul3A_63, %add3A_64 : i32
      %mul3A_66 = arith.constant 8 : i32
      %mul3A_67 = arith.muli %scan3A_8, %mul3A_66 : i32
      %add3A_68 = arith.constant 3 : i32
      %add3A_69 = arith.addi %mul3A_67, %add3A_68 : i32
      %mul3A_70 = arith.constant 128 : i32
      %mul3A_71 = arith.muli %add3A_69, %mul3A_70 : i32
      %dma_start3A_72 = arith.constant 0 : i32
      %dma_start3A_73 = tpu.memref_slice %arg6[%mul3A_71, %dma_start3A_72] : memref<5120x16xf32, #tpu.memory_space<vmem>> -> memref<128x16xf32, #tpu.memory_space<vmem>>
      %dma_start3A_74 = arith.constant 0 : i32
      %dma_start3A_75 = tpu.memref_slice %arg5[%add3A_65, %dma_start3A_74] : memref<40x128xi32, #tpu.memory_space<vmem>> -> memref<1x128xi32, #tpu.memory_space<vmem>>
      %dma_start3A_76 = tpu.memref_squeeze %dma_start3A_75 : memref<1x128xi32, #tpu.memory_space<vmem>> -> memref<128xi32, #tpu.memory_space<vmem>>
      %dma_start3A_77 = arith.constant 0 : i32
      %dma_start3A_78 = arith.constant 0 : i32
      %dma_start3A_79 = tpu.memref_slice %arg2[%dma_start3A_77, %dma_start3A_78] : memref<10240x16xf32, #tpu.memory_space<hbm>> -> memref<10240x16xf32, #tpu.memory_space<hbm>>
      tpu.enqueue_indirect_dma source(%dma_start3A_79 : memref<10240x16xf32, #tpu.memory_space<hbm>>) target(%dma_start3A_73 : memref<128x16xf32, #tpu.memory_space<vmem>>) offsets(%dma_start3A_76 : memref<128xi32, #tpu.memory_space<vmem>>) semaphore(%arg7 : memref<!tpu.dma_semaphore, #tpu.memory_space<semaphore_mem>>)
      %mul3A_80 = arith.constant 8 : i32
      %mul3A_81 = arith.muli %scan3A_8, %mul3A_80 : i32
      %add3A_82 = arith.constant 4 : i32
      %add3A_83 = arith.addi %mul3A_81, %add3A_82 : i32
      %mul3A_84 = arith.constant 8 : i32
      %mul3A_85 = arith.muli %scan3A_8, %mul3A_84 : i32
      %add3A_86 = arith.constant 4 : i32
      %add3A_87 = arith.addi %mul3A_85, %add3A_86 : i32
      %mul3A_88 = arith.constant 128 : i32
      %mul3A_89 = arith.muli %add3A_87, %mul3A_88 : i32
      %dma_start3A_90 = arith.constant 0 : i32
      %dma_start3A_91 = tpu.memref_slice %arg6[%mul3A_89, %dma_start3A_90] : memref<5120x16xf32, #tpu.memory_space<vmem>> -> memref<128x16xf32, #tpu.memory_space<vmem>>
      %dma_start3A_92 = arith.constant 0 : i32
      %dma_start3A_93 = tpu.memref_slice %arg5[%add3A_83, %dma_start3A_92] : memref<40x128xi32, #tpu.memory_space<vmem>> -> memref<1x128xi32, #tpu.memory_space<vmem>>
      %dma_start3A_94 = tpu.memref_squeeze %dma_start3A_93 : memref<1x128xi32, #tpu.memory_space<vmem>> -> memref<128xi32, #tpu.memory_space<vmem>>
      %dma_start3A_95 = arith.constant 0 : i32
      %dma_start3A_96 = arith.constant 0 : i32
      %dma_start3A_97 = tpu.memref_slice %arg2[%dma_start3A_95, %dma_start3A_96] : memref<10240x16xf32, #tpu.memory_space<hbm>> -> memref<10240x16xf32, #tpu.memory_space<hbm>>
      tpu.enqueue_indirect_dma source(%dma_start3A_97 : memref<10240x16xf32, #tpu.memory_space<hbm>>) target(%dma_start3A_91 : memref<128x16xf32, #tpu.memory_space<vmem>>) offsets(%dma_start3A_94 : memref<128xi32, #tpu.memory_space<vmem>>) semaphore(%arg7 : memref<!tpu.dma_semaphore, #tpu.memory_space<semaphore_mem>>)
      %mul3A_98 = arith.constant 8 : i32
      %mul3A_99 = arith.muli %scan3A_8, %mul3A_98 : i32
      %add3A_100 = arith.constant 5 : i32
      %add3A_101 = arith.addi %mul3A_99, %add3A_100 : i32
      %mul3A_102 = arith.constant 8 : i32
      %mul3A_103 = arith.muli %scan3A_8, %mul3A_102 : i32
      %add3A_104 = arith.constant 5 : i32
      %add3A_105 = arith.addi %mul3A_103, %add3A_104 : i32
      %mul3A_106 = arith.constant 128 : i32
      %mul3A_107 = arith.muli %add3A_105, %mul3A_106 : i32
      %dma_start3A_108 = arith.constant 0 : i32
      %dma_start3A_109 = tpu.memref_slice %arg6[%mul3A_107, %dma_start3A_108] : memref<5120x16xf32, #tpu.memory_space<vmem>> -> memref<128x16xf32, #tpu.memory_space<vmem>>
      %dma_start3A_110 = arith.constant 0 : i32
      %dma_start3A_111 = tpu.memref_slice %arg5[%add3A_101, %dma_start3A_110] : memref<40x128xi32, #tpu.memory_space<vmem>> -> memref<1x128xi32, #tpu.memory_space<vmem>>
      %dma_start3A_112 = tpu.memref_squeeze %dma_start3A_111 : memref<1x128xi32, #tpu.memory_space<vmem>> -> memref<128xi32, #tpu.memory_space<vmem>>
      %dma_start3A_113 = arith.constant 0 : i32
      %dma_start3A_114 = arith.constant 0 : i32
      %dma_start3A_115 = tpu.memref_slice %arg2[%dma_start3A_113, %dma_start3A_114] : memref<10240x16xf32, #tpu.memory_space<hbm>> -> memref<10240x16xf32, #tpu.memory_space<hbm>>
      tpu.enqueue_indirect_dma source(%dma_start3A_115 : memref<10240x16xf32, #tpu.memory_space<hbm>>) target(%dma_start3A_109 : memref<128x16xf32, #tpu.memory_space<vmem>>) offsets(%dma_start3A_112 : memref<128xi32, #tpu.memory_space<vmem>>) semaphore(%arg7 : memref<!tpu.dma_semaphore, #tpu.memory_space<semaphore_mem>>)
      %mul3A_116 = arith.constant 8 : i32
      %mul3A_117 = arith.muli %scan3A_8, %mul3A_116 : i32
      %add3A_118 = arith.constant 6 : i32
      %add3A_119 = arith.addi %mul3A_117, %add3A_118 : i32
      %mul3A_120 = arith.constant 8 : i32
      %mul3A_121 = arith.muli %scan3A_8, %mul3A_120 : i32
      %add3A_122 = arith.constant 6 : i32
      %add3A_123 = arith.addi %mul3A_121, %add3A_122 : i32
      %mul3A_124 = arith.constant 128 : i32
      %mul3A_125 = arith.muli %add3A_123, %mul3A_124 : i32
      %dma_start3A_126 = arith.constant 0 : i32
      %dma_start3A_127 = tpu.memref_slice %arg6[%mul3A_125, %dma_start3A_126] : memref<5120x16xf32, #tpu.memory_space<vmem>> -> memref<128x16xf32, #tpu.memory_space<vmem>>
      %dma_start3A_128 = arith.constant 0 : i32
      %dma_start3A_129 = tpu.memref_slice %arg5[%add3A_119, %dma_start3A_128] : memref<40x128xi32, #tpu.memory_space<vmem>> -> memref<1x128xi32, #tpu.memory_space<vmem>>
      %dma_start3A_130 = tpu.memref_squeeze %dma_start3A_129 : memref<1x128xi32, #tpu.memory_space<vmem>> -> memref<128xi32, #tpu.memory_space<vmem>>
      %dma_start3A_131 = arith.constant 0 : i32
      %dma_start3A_132 = arith.constant 0 : i32
      %dma_start3A_133 = tpu.memref_slice %arg2[%dma_start3A_131, %dma_start3A_132] : memref<10240x16xf32, #tpu.memory_space<hbm>> -> memref<10240x16xf32, #tpu.memory_space<hbm>>
      tpu.enqueue_indirect_dma source(%dma_start3A_133 : memref<10240x16xf32, #tpu.memory_space<hbm>>) target(%dma_start3A_127 : memref<128x16xf32, #tpu.memory_space<vmem>>) offsets(%dma_start3A_130 : memref<128xi32, #tpu.memory_space<vmem>>) semaphore(%arg7 : memref<!tpu.dma_semaphore, #tpu.memory_space<semaphore_mem>>)
      %mul3A_134 = arith.constant 8 : i32
      %mul3A_135 = arith.muli %scan3A_8, %mul3A_134 : i32
      %add3A_136 = arith.constant 7 : i32
      %add3A_137 = arith.addi %mul3A_135, %add3A_136 : i32
      %mul3A_138 = arith.constant 8 : i32
      %mul3A_139 = arith.muli %scan3A_8, %mul3A_138 : i32
      %add3A_140 = arith.constant 7 : i32
      %add3A_141 = arith.addi %mul3A_139, %add3A_140 : i32
      %mul3A_142 = arith.constant 128 : i32
      %mul3A_143 = arith.muli %add3A_141, %mul3A_142 : i32
      %dma_start3A_144 = arith.constant 0 : i32
      %dma_start3A_145 = tpu.memref_slice %arg6[%mul3A_143, %dma_start3A_144] : memref<5120x16xf32, #tpu.memory_space<vmem>> -> memref<128x16xf32, #tpu.memory_space<vmem>>
      %dma_start3A_146 = arith.constant 0 : i32
      %dma_start3A_147 = tpu.memref_slice %arg5[%add3A_137, %dma_start3A_146] : memref<40x128xi32, #tpu.memory_space<vmem>> -> memref<1x128xi32, #tpu.memory_space<vmem>>
      %dma_start3A_148 = tpu.memref_squeeze %dma_start3A_147 : memref<1x128xi32, #tpu.memory_space<vmem>> -> memref<128xi32, #tpu.memory_space<vmem>>
      %dma_start3A_149 = arith.constant 0 : i32
      %dma_start3A_150 = arith.constant 0 : i32
      %dma_start3A_151 = tpu.memref_slice %arg2[%dma_start3A_149, %dma_start3A_150] : memref<10240x16xf32, #tpu.memory_space<hbm>> -> memref<10240x16xf32, #tpu.memory_space<hbm>>
      tpu.enqueue_indirect_dma source(%dma_start3A_151 : memref<10240x16xf32, #tpu.memory_space<hbm>>) target(%dma_start3A_145 : memref<128x16xf32, #tpu.memory_space<vmem>>) offsets(%dma_start3A_148 : memref<128xi32, #tpu.memory_space<vmem>>) semaphore(%arg7 : memref<!tpu.dma_semaphore, #tpu.memory_space<semaphore_mem>>)
      %dma_wait3A = arith.constant 0 : i32
      %dma_wait3A_152 = tpu.memref_slice %arg6[%mul3A_18, %dma_wait3A] : memref<5120x16xf32, #tpu.memory_space<vmem>> -> memref<128x16xf32, #tpu.memory_space<vmem>>
      %dma_wait3A_153 = arith.constant 0 : i32
      %dma_wait3A_154 = tpu.memref_slice %arg5[%add3A_12, %dma_wait3A_153] : memref<40x128xi32, #tpu.memory_space<vmem>> -> memref<1x128xi32, #tpu.memory_space<vmem>>
      %dma_wait3A_155 = tpu.memref_squeeze %dma_wait3A_154 : memref<1x128xi32, #tpu.memory_space<vmem>> -> memref<128xi32, #tpu.memory_space<vmem>>
      %dma_wait3A_156 = arith.constant 0 : i32
      %dma_wait3A_157 = arith.constant 0 : i32
      %dma_wait3A_158 = tpu.memref_slice %arg2[%dma_wait3A_156, %dma_wait3A_157] : memref<10240x16xf32, #tpu.memory_space<hbm>> -> memref<10240x16xf32, #tpu.memory_space<hbm>>
      tpu.wait_indirect_dma semaphore(%arg7 : memref<!tpu.dma_semaphore, #tpu.memory_space<semaphore_mem>>) src(%dma_wait3A_158 : memref<10240x16xf32, #tpu.memory_space<hbm>>) dst(%dma_wait3A_152 : memref<128x16xf32, #tpu.memory_space<vmem>>)
      %dma_wait3A_159 = arith.constant 0 : i32
      %dma_wait3A_160 = tpu.memref_slice %arg6[%mul3A_35, %dma_wait3A_159] : memref<5120x16xf32, #tpu.memory_space<vmem>> -> memref<128x16xf32, #tpu.memory_space<vmem>>
      %dma_wait3A_161 = arith.constant 0 : i32
      %dma_wait3A_162 = tpu.memref_slice %arg5[%add3A_29, %dma_wait3A_161] : memref<40x128xi32, #tpu.memory_space<vmem>> -> memref<1x128xi32, #tpu.memory_space<vmem>>
      %dma_wait3A_163 = tpu.memref_squeeze %dma_wait3A_162 : memref<1x128xi32, #tpu.memory_space<vmem>> -> memref<128xi32, #tpu.memory_space<vmem>>
      %dma_wait3A_164 = arith.constant 0 : i32
      %dma_wait3A_165 = arith.constant 0 : i32
      %dma_wait3A_166 = tpu.memref_slice %arg2[%dma_wait3A_164, %dma_wait3A_165] : memref<10240x16xf32, #tpu.memory_space<hbm>> -> memref<10240x16xf32, #tpu.memory_space<hbm>>
      tpu.wait_indirect_dma semaphore(%arg7 : memref<!tpu.dma_semaphore, #tpu.memory_space<semaphore_mem>>) src(%dma_wait3A_166 : memref<10240x16xf32, #tpu.memory_space<hbm>>) dst(%dma_wait3A_160 : memref<128x16xf32, #tpu.memory_space<vmem>>)
      %dma_wait3A_167 = arith.constant 0 : i32
      %dma_wait3A_168 = tpu.memref_slice %arg6[%mul3A_53, %dma_wait3A_167] : memref<5120x16xf32, #tpu.memory_space<vmem>> -> memref<128x16xf32, #tpu.memory_space<vmem>>
      %dma_wait3A_169 = arith.constant 0 : i32
      %dma_wait3A_170 = tpu.memref_slice %arg5[%add3A_47, %dma_wait3A_169] : memref<40x128xi32, #tpu.memory_space<vmem>> -> memref<1x128xi32, #tpu.memory_space<vmem>>
      %dma_wait3A_171 = tpu.memref_squeeze %dma_wait3A_170 : memref<1x128xi32, #tpu.memory_space<vmem>> -> memref<128xi32, #tpu.memory_space<vmem>>
      %dma_wait3A_172 = arith.constant 0 : i32
      %dma_wait3A_173 = arith.constant 0 : i32
      %dma_wait3A_174 = tpu.memref_slice %arg2[%dma_wait3A_172, %dma_wait3A_173] : memref<10240x16xf32, #tpu.memory_space<hbm>> -> memref<10240x16xf32, #tpu.memory_space<hbm>>
      tpu.wait_indirect_dma semaphore(%arg7 : memref<!tpu.dma_semaphore, #tpu.memory_space<semaphore_mem>>) src(%dma_wait3A_174 : memref<10240x16xf32, #tpu.memory_space<hbm>>) dst(%dma_wait3A_168 : memref<128x16xf32, #tpu.memory_space<vmem>>)
      %dma_wait3A_175 = arith.constant 0 : i32
      %dma_wait3A_176 = tpu.memref_slice %arg6[%mul3A_71, %dma_wait3A_175] : memref<5120x16xf32, #tpu.memory_space<vmem>> -> memref<128x16xf32, #tpu.memory_space<vmem>>
      %dma_wait3A_177 = arith.constant 0 : i32
      %dma_wait3A_178 = tpu.memref_slice %arg5[%add3A_65, %dma_wait3A_177] : memref<40x128xi32, #tpu.memory_space<vmem>> -> memref<1x128xi32, #tpu.memory_space<vmem>>
      %dma_wait3A_179 = tpu.memref_squeeze %dma_wait3A_178 : memref<1x128xi32, #tpu.memory_space<vmem>> -> memref<128xi32, #tpu.memory_space<vmem>>
      %dma_wait3A_180 = arith.constant 0 : i32
      %dma_wait3A_181 = arith.constant 0 : i32
      %dma_wait3A_182 = tpu.memref_slice %arg2[%dma_wait3A_180, %dma_wait3A_181] : memref<10240x16xf32, #tpu.memory_space<hbm>> -> memref<10240x16xf32, #tpu.memory_space<hbm>>
      tpu.wait_indirect_dma semaphore(%arg7 : memref<!tpu.dma_semaphore, #tpu.memory_space<semaphore_mem>>) src(%dma_wait3A_182 : memref<10240x16xf32, #tpu.memory_space<hbm>>) dst(%dma_wait3A_176 : memref<128x16xf32, #tpu.memory_space<vmem>>)
      %dma_wait3A_183 = arith.constant 0 : i32
      %dma_wait3A_184 = tpu.memref_slice %arg6[%mul3A_89, %dma_wait3A_183] : memref<5120x16xf32, #tpu.memory_space<vmem>> -> memref<128x16xf32, #tpu.memory_space<vmem>>
      %dma_wait3A_185 = arith.constant 0 : i32
      %dma_wait3A_186 = tpu.memref_slice %arg5[%add3A_83, %dma_wait3A_185] : memref<40x128xi32, #tpu.memory_space<vmem>> -> memref<1x128xi32, #tpu.memory_space<vmem>>
      %dma_wait3A_187 = tpu.memref_squeeze %dma_wait3A_186 : memref<1x128xi32, #tpu.memory_space<vmem>> -> memref<128xi32, #tpu.memory_space<vmem>>
      %dma_wait3A_188 = arith.constant 0 : i32
      %dma_wait3A_189 = arith.constant 0 : i32
      %dma_wait3A_190 = tpu.memref_slice %arg2[%dma_wait3A_188, %dma_wait3A_189] : memref<10240x16xf32, #tpu.memory_space<hbm>> -> memref<10240x16xf32, #tpu.memory_space<hbm>>
      tpu.wait_indirect_dma semaphore(%arg7 : memref<!tpu.dma_semaphore, #tpu.memory_space<semaphore_mem>>) src(%dma_wait3A_190 : memref<10240x16xf32, #tpu.memory_space<hbm>>) dst(%dma_wait3A_184 : memref<128x16xf32, #tpu.memory_space<vmem>>)
      %dma_wait3A_191 = arith.constant 0 : i32
      %dma_wait3A_192 = tpu.memref_slice %arg6[%mul3A_107, %dma_wait3A_191] : memref<5120x16xf32, #tpu.memory_space<vmem>> -> memref<128x16xf32, #tpu.memory_space<vmem>>
      %dma_wait3A_193 = arith.constant 0 : i32
      %dma_wait3A_194 = tpu.memref_slice %arg5[%add3A_101, %dma_wait3A_193] : memref<40x128xi32, #tpu.memory_space<vmem>> -> memref<1x128xi32, #tpu.memory_space<vmem>>
      %dma_wait3A_195 = tpu.memref_squeeze %dma_wait3A_194 : memref<1x128xi32, #tpu.memory_space<vmem>> -> memref<128xi32, #tpu.memory_space<vmem>>
      %dma_wait3A_196 = arith.constant 0 : i32
      %dma_wait3A_197 = arith.constant 0 : i32
      %dma_wait3A_198 = tpu.memref_slice %arg2[%dma_wait3A_196, %dma_wait3A_197] : memref<10240x16xf32, #tpu.memory_space<hbm>> -> memref<10240x16xf32, #tpu.memory_space<hbm>>
      tpu.wait_indirect_dma semaphore(%arg7 : memref<!tpu.dma_semaphore, #tpu.memory_space<semaphore_mem>>) src(%dma_wait3A_198 : memref<10240x16xf32, #tpu.memory_space<hbm>>) dst(%dma_wait3A_192 : memref<128x16xf32, #tpu.memory_space<vmem>>)
      %dma_wait3A_199 = arith.constant 0 : i32
      %dma_wait3A_200 = tpu.memref_slice %arg6[%mul3A_125, %dma_wait3A_199] : memref<5120x16xf32, #tpu.memory_space<vmem>> -> memref<128x16xf32, #tpu.memory_space<vmem>>
      %dma_wait3A_201 = arith.constant 0 : i32
      %dma_wait3A_202 = tpu.memref_slice %arg5[%add3A_119, %dma_wait3A_201] : memref<40x128xi32, #tpu.memory_space<vmem>> -> memref<1x128xi32, #tpu.memory_space<vmem>>
      %dma_wait3A_203 = tpu.memref_squeeze %dma_wait3A_202 : memref<1x128xi32, #tpu.memory_space<vmem>> -> memref<128xi32, #tpu.memory_space<vmem>>
      %dma_wait3A_204 = arith.constant 0 : i32
      %dma_wait3A_205 = arith.constant 0 : i32
      %dma_wait3A_206 = tpu.memref_slice %arg2[%dma_wait3A_204, %dma_wait3A_205] : memref<10240x16xf32, #tpu.memory_space<hbm>> -> memref<10240x16xf32, #tpu.memory_space<hbm>>
      tpu.wait_indirect_dma semaphore(%arg7 : memref<!tpu.dma_semaphore, #tpu.memory_space<semaphore_mem>>) src(%dma_wait3A_206 : memref<10240x16xf32, #tpu.memory_space<hbm>>) dst(%dma_wait3A_200 : memref<128x16xf32, #tpu.memory_space<vmem>>)
      %dma_wait3A_207 = arith.constant 0 : i32
      %dma_wait3A_208 = tpu.memref_slice %arg6[%mul3A_143, %dma_wait3A_207] : memref<5120x16xf32, #tpu.memory_space<vmem>> -> memref<128x16xf32, #tpu.memory_space<vmem>>
      %dma_wait3A_209 = arith.constant 0 : i32
      %dma_wait3A_210 = tpu.memref_slice %arg5[%add3A_137, %dma_wait3A_209] : memref<40x128xi32, #tpu.memory_space<vmem>> -> memref<1x128xi32, #tpu.memory_space<vmem>>
      %dma_wait3A_211 = tpu.memref_squeeze %dma_wait3A_210 : memref<1x128xi32, #tpu.memory_space<vmem>> -> memref<128xi32, #tpu.memory_space<vmem>>
      %dma_wait3A_212 = arith.constant 0 : i32
      %dma_wait3A_213 = arith.constant 0 : i32
      %dma_wait3A_214 = tpu.memref_slice %arg2[%dma_wait3A_212, %dma_wait3A_213] : memref<10240x16xf32, #tpu.memory_space<hbm>> -> memref<10240x16xf32, #tpu.memory_space<hbm>>
      tpu.wait_indirect_dma semaphore(%arg7 : memref<!tpu.dma_semaphore, #tpu.memory_space<semaphore_mem>>) src(%dma_wait3A_214 : memref<10240x16xf32, #tpu.memory_space<hbm>>) dst(%dma_wait3A_208 : memref<128x16xf32, #tpu.memory_space<vmem>>)
    }
    %scan3A_5 = arith.constant 5 : i32
    %mul3A_6 = arith.constant 5120 : i32
    %mul3A_7 = arith.muli %add3A, %mul3A_6 : i32
    "tpu.region"() ({
      %run_scoped3A = tpu.sem_alloc : memref<!tpu.dma_semaphore, #tpu.memory_space<semaphore_mem>>
      %dma_start3A = arith.constant 0 : i32
      %dma_start3A_8 = tpu.memref_slice %arg4[%mul3A_7, %dma_start3A] : memref<163840x16xf32, #tpu.memory_space<hbm>> -> memref<5120x16xf32, #tpu.memory_space<hbm>>
      %dma_start3A_9 = arith.constant 0 : i32
      %dma_start3A_10 = tpu.memref_slice %arg4[%mul3A_7, %dma_start3A_9] : memref<163840x16xf32, #tpu.memory_space<hbm>> -> memref<5120x16xf32, #tpu.memory_space<hbm>>
      tpu.enqueue_dma source(%arg6 : memref<5120x16xf32, #tpu.memory_space<vmem>>) target(%dma_start3A_10 : memref<5120x16xf32, #tpu.memory_space<hbm>>) target_semaphore(%run_scoped3A : memref<!tpu.dma_semaphore, #tpu.memory_space<semaphore_mem>>)
      %dma_wait3A = arith.constant 0 : i32
      %dma_wait3A_11 = tpu.memref_slice %arg4[%mul3A_7, %dma_wait3A] : memref<163840x16xf32, #tpu.memory_space<hbm>> -> memref<5120x16xf32, #tpu.memory_space<hbm>>
      %dma_wait3A_12 = arith.constant 0 : i32
      %dma_wait3A_13 = tpu.memref_slice %arg4[%mul3A_7, %dma_wait3A_12] : memref<163840x16xf32, #tpu.memory_space<hbm>> -> memref<5120x16xf32, #tpu.memory_space<hbm>>
      tpu.wait_dma2 semaphore(%run_scoped3A : memref<!tpu.dma_semaphore, #tpu.memory_space<semaphore_mem>>) src(%arg6 : memref<5120x16xf32, #tpu.memory_space<vmem>>) dst(%dma_wait3A_13 : memref<5120x16xf32, #tpu.memory_space<hbm>>)
      tpu.yield
    }) : () -> ()
    return
  }
}

#map = affine_map<(d0, d1) -> (0, 0)>
#map1 = affine_map<(d0, d1) -> (0, 0, 0)>
module attributes {stable_mosaic.version = 14 : i64} {
  func.func @_scatter_cnt_body(%arg0: i32, %arg1: i32, %arg2: memref<163840x16xf32, #tpu.memory_space<hbm>>, %arg3: memref<32x40x128xi32, #tpu.memory_space<hbm>>, %arg4: memref<10240x16xf32, #tpu.memory_space<hbm>>, %arg5: memref<128x16xf32, #tpu.memory_space<hbm>>, %arg6: memref<2x10240x16xf32, #tpu.memory_space<hbm>>, %arg7: memref<2x10240x16xf32, #tpu.memory_space<hbm>>, %arg8: memref<5120x16xf32, #tpu.memory_space<vmem>>, %arg9: memref<40x128xi32, #tpu.memory_space<vmem>>, %arg10: memref<128x16xf32, #tpu.memory_space<vmem>>, %arg11: memref<10240x16xf32, #tpu.memory_space<vmem_shared>>, %arg12: memref<10240x16xf32, #tpu.memory_space<vmem_shared>>, %arg13: memref<!tpu.dma_semaphore, #tpu.memory_space<semaphore_mem>>) attributes {dimension_semantics = [#tpu.dimension_semantics<core_parallel>, #tpu.dimension_semantics<subcore_parallel>], iteration_bounds = array<i64: 2, 16>, scalar_prefetch = 0 : i64, scratch_operands = 6 : i64, tpu.core_type = #tpu.core_type<sc_vector_subcore>, window_params = [{transform_indices = #map}, {transform_indices = #map1}, {transform_indices = #map}, {transform_indices = #map}, {transform_indices = #map1}, {transform_indices = #map1}]} {
    %mul3A = arith.constant 2 : i32
    %mul3A_0 = arith.muli %arg1, %mul3A : i32
    %add3A = arith.addi %mul3A_0, %arg0 : i32
    %mul3A_1 = arith.constant 640 : i32
    %mul3A_2 = arith.muli %arg1, %mul3A_1 : i32
    %mul3A_3 = arith.constant 640 : i32
    %mul3A_4 = arith.muli %arg1, %mul3A_3 : i32
    "tpu.region"() ({
      %run_scoped3A = tpu.sem_alloc : memref<!tpu.dma_semaphore, #tpu.memory_space<semaphore_mem>>
      %dma_start3A = arith.constant 0 : i32
      %dma_start3A_25 = tpu.memref_slice %arg11[%mul3A_4, %dma_start3A] : memref<10240x16xf32, #tpu.memory_space<vmem_shared>> -> memref<640x16xf32, #tpu.memory_space<vmem_shared>>
      %dma_start3A_26 = arith.constant 0 : i32
      %dma_start3A_27 = tpu.memref_slice %arg4[%mul3A_2, %dma_start3A_26] : memref<10240x16xf32, #tpu.memory_space<hbm>> -> memref<640x16xf32, #tpu.memory_space<hbm>>
      tpu.enqueue_dma source(%dma_start3A_27 : memref<640x16xf32, #tpu.memory_space<hbm>>) target(%dma_start3A_25 : memref<640x16xf32, #tpu.memory_space<vmem_shared>>) target_semaphore(%run_scoped3A : memref<!tpu.dma_semaphore, #tpu.memory_space<semaphore_mem>>)
      %dma_wait3A = arith.constant 0 : i32
      %dma_wait3A_28 = tpu.memref_slice %arg11[%mul3A_4, %dma_wait3A] : memref<10240x16xf32, #tpu.memory_space<vmem_shared>> -> memref<640x16xf32, #tpu.memory_space<vmem_shared>>
      %dma_wait3A_29 = arith.constant 0 : i32
      %dma_wait3A_30 = tpu.memref_slice %arg4[%mul3A_2, %dma_wait3A_29] : memref<10240x16xf32, #tpu.memory_space<hbm>> -> memref<640x16xf32, #tpu.memory_space<hbm>>
      tpu.wait_dma2 semaphore(%run_scoped3A : memref<!tpu.dma_semaphore, #tpu.memory_space<semaphore_mem>>) src(%dma_wait3A_30 : memref<640x16xf32, #tpu.memory_space<hbm>>) dst(%dma_wait3A_28 : memref<640x16xf32, #tpu.memory_space<vmem_shared>>)
      tpu.yield
    }) : () -> ()
    %mul3A_5 = arith.constant 640 : i32
    %mul3A_6 = arith.muli %arg1, %mul3A_5 : i32
    %mul3A_7 = arith.constant 640 : i32
    %mul3A_8 = arith.muli %arg1, %mul3A_7 : i32
    "tpu.region"() ({
      %run_scoped3A = tpu.sem_alloc : memref<!tpu.dma_semaphore, #tpu.memory_space<semaphore_mem>>
      %dma_start3A = arith.constant 0 : i32
      %dma_start3A_25 = tpu.memref_slice %arg12[%mul3A_8, %dma_start3A] : memref<10240x16xf32, #tpu.memory_space<vmem_shared>> -> memref<640x16xf32, #tpu.memory_space<vmem_shared>>
      %dma_start3A_26 = arith.constant 0 : i32
      %dma_start3A_27 = tpu.memref_slice %arg4[%mul3A_6, %dma_start3A_26] : memref<10240x16xf32, #tpu.memory_space<hbm>> -> memref<640x16xf32, #tpu.memory_space<hbm>>
      tpu.enqueue_dma source(%dma_start3A_27 : memref<640x16xf32, #tpu.memory_space<hbm>>) target(%dma_start3A_25 : memref<640x16xf32, #tpu.memory_space<vmem_shared>>) target_semaphore(%run_scoped3A : memref<!tpu.dma_semaphore, #tpu.memory_space<semaphore_mem>>)
      %dma_wait3A = arith.constant 0 : i32
      %dma_wait3A_28 = tpu.memref_slice %arg12[%mul3A_8, %dma_wait3A] : memref<10240x16xf32, #tpu.memory_space<vmem_shared>> -> memref<640x16xf32, #tpu.memory_space<vmem_shared>>
      %dma_wait3A_29 = arith.constant 0 : i32
      %dma_wait3A_30 = tpu.memref_slice %arg4[%mul3A_6, %dma_wait3A_29] : memref<10240x16xf32, #tpu.memory_space<hbm>> -> memref<640x16xf32, #tpu.memory_space<hbm>>
      tpu.wait_dma2 semaphore(%run_scoped3A : memref<!tpu.dma_semaphore, #tpu.memory_space<semaphore_mem>>) src(%dma_wait3A_30 : memref<640x16xf32, #tpu.memory_space<hbm>>) dst(%dma_wait3A_28 : memref<640x16xf32, #tpu.memory_space<vmem_shared>>)
      tpu.yield
    }) : () -> ()
    %mul3A_9 = arith.constant 5120 : i32
    %mul3A_10 = arith.muli %add3A, %mul3A_9 : i32
    "tpu.region"() ({
      %run_scoped3A = tpu.sem_alloc : memref<!tpu.dma_semaphore, #tpu.memory_space<semaphore_mem>>
      %dma_start3A = arith.constant 0 : i32
      %dma_start3A_25 = tpu.memref_slice %arg2[%mul3A_10, %dma_start3A] : memref<163840x16xf32, #tpu.memory_space<hbm>> -> memref<5120x16xf32, #tpu.memory_space<hbm>>
      %dma_start3A_26 = arith.constant 0 : i32
      %dma_start3A_27 = tpu.memref_slice %arg2[%mul3A_10, %dma_start3A_26] : memref<163840x16xf32, #tpu.memory_space<hbm>> -> memref<5120x16xf32, #tpu.memory_space<hbm>>
      tpu.enqueue_dma source(%dma_start3A_27 : memref<5120x16xf32, #tpu.memory_space<hbm>>) target(%arg8 : memref<5120x16xf32, #tpu.memory_space<vmem>>) target_semaphore(%run_scoped3A : memref<!tpu.dma_semaphore, #tpu.memory_space<semaphore_mem>>)
      %dma_wait3A = arith.constant 0 : i32
      %dma_wait3A_28 = tpu.memref_slice %arg2[%mul3A_10, %dma_wait3A] : memref<163840x16xf32, #tpu.memory_space<hbm>> -> memref<5120x16xf32, #tpu.memory_space<hbm>>
      %dma_wait3A_29 = arith.constant 0 : i32
      %dma_wait3A_30 = tpu.memref_slice %arg2[%mul3A_10, %dma_wait3A_29] : memref<163840x16xf32, #tpu.memory_space<hbm>> -> memref<5120x16xf32, #tpu.memory_space<hbm>>
      tpu.wait_dma2 semaphore(%run_scoped3A : memref<!tpu.dma_semaphore, #tpu.memory_space<semaphore_mem>>) src(%dma_wait3A_30 : memref<5120x16xf32, #tpu.memory_space<hbm>>) dst(%arg8 : memref<5120x16xf32, #tpu.memory_space<vmem>>)
      tpu.yield
    }) : () -> ()
    "tpu.region"() ({
      %run_scoped3A = tpu.sem_alloc : memref<!tpu.dma_semaphore, #tpu.memory_space<semaphore_mem>>
      %dma_start3A = arith.constant 0 : i32
      %dma_start3A_25 = arith.constant 0 : i32
      %dma_start3A_26 = tpu.memref_slice %arg3[%add3A, %dma_start3A, %dma_start3A_25] : memref<32x40x128xi32, #tpu.memory_space<hbm>> -> memref<1x40x128xi32, #tpu.memory_space<hbm>>
      %dma_start3A_27 = tpu.memref_squeeze %dma_start3A_26 : memref<1x40x128xi32, #tpu.memory_space<hbm>> -> memref<40x128xi32, #tpu.memory_space<hbm>>
      %dma_start3A_28 = arith.constant 0 : i32
      %dma_start3A_29 = arith.constant 0 : i32
      %dma_start3A_30 = tpu.memref_slice %arg3[%add3A, %dma_start3A_28, %dma_start3A_29] : memref<32x40x128xi32, #tpu.memory_space<hbm>> -> memref<1x40x128xi32, #tpu.memory_space<hbm>>
      %dma_start3A_31 = tpu.memref_squeeze %dma_start3A_30 : memref<1x40x128xi32, #tpu.memory_space<hbm>> -> memref<40x128xi32, #tpu.memory_space<hbm>>
      tpu.enqueue_dma source(%dma_start3A_31 : memref<40x128xi32, #tpu.memory_space<hbm>>) target(%arg9 : memref<40x128xi32, #tpu.memory_space<vmem>>) target_semaphore(%run_scoped3A : memref<!tpu.dma_semaphore, #tpu.memory_space<semaphore_mem>>)
      %dma_wait3A = arith.constant 0 : i32
      %dma_wait3A_32 = arith.constant 0 : i32
      %dma_wait3A_33 = tpu.memref_slice %arg3[%add3A, %dma_wait3A, %dma_wait3A_32] : memref<32x40x128xi32, #tpu.memory_space<hbm>> -> memref<1x40x128xi32, #tpu.memory_space<hbm>>
      %dma_wait3A_34 = tpu.memref_squeeze %dma_wait3A_33 : memref<1x40x128xi32, #tpu.memory_space<hbm>> -> memref<40x128xi32, #tpu.memory_space<hbm>>
      %dma_wait3A_35 = arith.constant 0 : i32
      %dma_wait3A_36 = arith.constant 0 : i32
      %dma_wait3A_37 = tpu.memref_slice %arg3[%add3A, %dma_wait3A_35, %dma_wait3A_36] : memref<32x40x128xi32, #tpu.memory_space<hbm>> -> memref<1x40x128xi32, #tpu.memory_space<hbm>>
      %dma_wait3A_38 = tpu.memref_squeeze %dma_wait3A_37 : memref<1x40x128xi32, #tpu.memory_space<hbm>> -> memref<40x128xi32, #tpu.memory_space<hbm>>
      tpu.wait_dma2 semaphore(%run_scoped3A : memref<!tpu.dma_semaphore, #tpu.memory_space<semaphore_mem>>) src(%dma_wait3A_38 : memref<40x128xi32, #tpu.memory_space<hbm>>) dst(%arg9 : memref<40x128xi32, #tpu.memory_space<vmem>>)
      tpu.yield
    }) : () -> ()
    "tpu.region"() ({
      %run_scoped3A = tpu.sem_alloc : memref<!tpu.dma_semaphore, #tpu.memory_space<semaphore_mem>>
      tpu.enqueue_dma source(%arg5 : memref<128x16xf32, #tpu.memory_space<hbm>>) target(%arg10 : memref<128x16xf32, #tpu.memory_space<vmem>>) target_semaphore(%run_scoped3A : memref<!tpu.dma_semaphore, #tpu.memory_space<semaphore_mem>>)
      tpu.wait_dma2 semaphore(%run_scoped3A : memref<!tpu.dma_semaphore, #tpu.memory_space<semaphore_mem>>) src(%arg5 : memref<128x16xf32, #tpu.memory_space<hbm>>) dst(%arg10 : memref<128x16xf32, #tpu.memory_space<vmem>>)
      tpu.yield
    }) : () -> ()
    %barrier3A = arith.constant 0 : index
    tpu.barrier barrier_id(%barrier3A)
    %scan3A = arith.constant 0 : i32
    %scan3A_11 = arith.constant 0 : i32
    %scan3A_12 = arith.constant 10 : i32
    %scan3A_13 = arith.addi %scan3A_11, %scan3A_12 : i32
    %scan3A_14 = arith.constant 1 : i32
    scf.for %scan3A_25 = %scan3A_11 to %scan3A_13 step %scan3A_14  : i32 {
      %mul3A_26 = arith.constant 4 : i32
      %mul3A_27 = arith.muli %scan3A_25, %mul3A_26 : i32
      %add3A_28 = arith.constant 0 : i32
      %add3A_29 = arith.addi %mul3A_27, %add3A_28 : i32
      %mul3A_30 = arith.constant 128 : i32
      %mul3A_31 = arith.muli %add3A_29, %mul3A_30 : i32
      %dma_start3A = arith.constant 0 : i32
      %dma_start3A_32 = tpu.memref_slice %arg8[%mul3A_31, %dma_start3A] : memref<5120x16xf32, #tpu.memory_space<vmem>> -> memref<128x16xf32, #tpu.memory_space<vmem>>
      %dma_start3A_33 = arith.constant 0 : i32
      %dma_start3A_34 = tpu.memref_slice %arg9[%add3A_29, %dma_start3A_33] : memref<40x128xi32, #tpu.memory_space<vmem>> -> memref<1x128xi32, #tpu.memory_space<vmem>>
      %dma_start3A_35 = tpu.memref_squeeze %dma_start3A_34 : memref<1x128xi32, #tpu.memory_space<vmem>> -> memref<128xi32, #tpu.memory_space<vmem>>
      %dma_start3A_36 = arith.constant 0 : i32
      %dma_start3A_37 = arith.constant 0 : i32
      %dma_start3A_38 = tpu.memref_slice %arg11[%dma_start3A_36, %dma_start3A_37] : memref<10240x16xf32, #tpu.memory_space<vmem_shared>> -> memref<10240x16xf32, #tpu.memory_space<vmem_shared>>
      tpu.enqueue_indirect_dma source(%dma_start3A_32 : memref<128x16xf32, #tpu.memory_space<vmem>>) target(%dma_start3A_38 : memref<10240x16xf32, #tpu.memory_space<vmem_shared>>) offsets(%dma_start3A_35 : memref<128xi32, #tpu.memory_space<vmem>>) semaphore(%arg13 : memref<!tpu.dma_semaphore, #tpu.memory_space<semaphore_mem>>) {add = true}
      %dma_start3A_39 = arith.constant 0 : i32
      %dma_start3A_40 = tpu.memref_slice %arg9[%add3A_29, %dma_start3A_39] : memref<40x128xi32, #tpu.memory_space<vmem>> -> memref<1x128xi32, #tpu.memory_space<vmem>>
      %dma_start3A_41 = tpu.memref_squeeze %dma_start3A_40 : memref<1x128xi32, #tpu.memory_space<vmem>> -> memref<128xi32, #tpu.memory_space<vmem>>
      %dma_start3A_42 = arith.constant 0 : i32
      %dma_start3A_43 = arith.constant 0 : i32
      %dma_start3A_44 = tpu.memref_slice %arg12[%dma_start3A_42, %dma_start3A_43] : memref<10240x16xf32, #tpu.memory_space<vmem_shared>> -> memref<10240x16xf32, #tpu.memory_space<vmem_shared>>
      tpu.enqueue_indirect_dma source(%arg10 : memref<128x16xf32, #tpu.memory_space<vmem>>) target(%dma_start3A_44 : memref<10240x16xf32, #tpu.memory_space<vmem_shared>>) offsets(%dma_start3A_41 : memref<128xi32, #tpu.memory_space<vmem>>) semaphore(%arg13 : memref<!tpu.dma_semaphore, #tpu.memory_space<semaphore_mem>>) {add = true}
      %mul3A_45 = arith.constant 4 : i32
      %mul3A_46 = arith.muli %scan3A_25, %mul3A_45 : i32
      %add3A_47 = arith.constant 1 : i32
      %add3A_48 = arith.addi %mul3A_46, %add3A_47 : i32
      %mul3A_49 = arith.constant 128 : i32
      %mul3A_50 = arith.muli %add3A_48, %mul3A_49 : i32
      %dma_start3A_51 = arith.constant 0 : i32
      %dma_start3A_52 = tpu.memref_slice %arg8[%mul3A_50, %dma_start3A_51] : memref<5120x16xf32, #tpu.memory_space<vmem>> -> memref<128x16xf32, #tpu.memory_space<vmem>>
      %dma_start3A_53 = arith.constant 0 : i32
      %dma_start3A_54 = tpu.memref_slice %arg9[%add3A_48, %dma_start3A_53] : memref<40x128xi32, #tpu.memory_space<vmem>> -> memref<1x128xi32, #tpu.memory_space<vmem>>
      %dma_start3A_55 = tpu.memref_squeeze %dma_start3A_54 : memref<1x128xi32, #tpu.memory_space<vmem>> -> memref<128xi32, #tpu.memory_space<vmem>>
      %dma_start3A_56 = arith.constant 0 : i32
      %dma_start3A_57 = arith.constant 0 : i32
      %dma_start3A_58 = tpu.memref_slice %arg11[%dma_start3A_56, %dma_start3A_57] : memref<10240x16xf32, #tpu.memory_space<vmem_shared>> -> memref<10240x16xf32, #tpu.memory_space<vmem_shared>>
      tpu.enqueue_indirect_dma source(%dma_start3A_52 : memref<128x16xf32, #tpu.memory_space<vmem>>) target(%dma_start3A_58 : memref<10240x16xf32, #tpu.memory_space<vmem_shared>>) offsets(%dma_start3A_55 : memref<128xi32, #tpu.memory_space<vmem>>) semaphore(%arg13 : memref<!tpu.dma_semaphore, #tpu.memory_space<semaphore_mem>>) {add = true}
      %dma_start3A_59 = arith.constant 0 : i32
      %dma_start3A_60 = tpu.memref_slice %arg9[%add3A_48, %dma_start3A_59] : memref<40x128xi32, #tpu.memory_space<vmem>> -> memref<1x128xi32, #tpu.memory_space<vmem>>
      %dma_start3A_61 = tpu.memref_squeeze %dma_start3A_60 : memref<1x128xi32, #tpu.memory_space<vmem>> -> memref<128xi32, #tpu.memory_space<vmem>>
      %dma_start3A_62 = arith.constant 0 : i32
      %dma_start3A_63 = arith.constant 0 : i32
      %dma_start3A_64 = tpu.memref_slice %arg12[%dma_start3A_62, %dma_start3A_63] : memref<10240x16xf32, #tpu.memory_space<vmem_shared>> -> memref<10240x16xf32, #tpu.memory_space<vmem_shared>>
      tpu.enqueue_indirect_dma source(%arg10 : memref<128x16xf32, #tpu.memory_space<vmem>>) target(%dma_start3A_64 : memref<10240x16xf32, #tpu.memory_space<vmem_shared>>) offsets(%dma_start3A_61 : memref<128xi32, #tpu.memory_space<vmem>>) semaphore(%arg13 : memref<!tpu.dma_semaphore, #tpu.memory_space<semaphore_mem>>) {add = true}
      %mul3A_65 = arith.constant 4 : i32
      %mul3A_66 = arith.muli %scan3A_25, %mul3A_65 : i32
      %add3A_67 = arith.constant 2 : i32
      %add3A_68 = arith.addi %mul3A_66, %add3A_67 : i32
      %mul3A_69 = arith.constant 128 : i32
      %mul3A_70 = arith.muli %add3A_68, %mul3A_69 : i32
      %dma_start3A_71 = arith.constant 0 : i32
      %dma_start3A_72 = tpu.memref_slice %arg8[%mul3A_70, %dma_start3A_71] : memref<5120x16xf32, #tpu.memory_space<vmem>> -> memref<128x16xf32, #tpu.memory_space<vmem>>
      %dma_start3A_73 = arith.constant 0 : i32
      %dma_start3A_74 = tpu.memref_slice %arg9[%add3A_68, %dma_start3A_73] : memref<40x128xi32, #tpu.memory_space<vmem>> -> memref<1x128xi32, #tpu.memory_space<vmem>>
      %dma_start3A_75 = tpu.memref_squeeze %dma_start3A_74 : memref<1x128xi32, #tpu.memory_space<vmem>> -> memref<128xi32, #tpu.memory_space<vmem>>
      %dma_start3A_76 = arith.constant 0 : i32
      %dma_start3A_77 = arith.constant 0 : i32
      %dma_start3A_78 = tpu.memref_slice %arg11[%dma_start3A_76, %dma_start3A_77] : memref<10240x16xf32, #tpu.memory_space<vmem_shared>> -> memref<10240x16xf32, #tpu.memory_space<vmem_shared>>
      tpu.enqueue_indirect_dma source(%dma_start3A_72 : memref<128x16xf32, #tpu.memory_space<vmem>>) target(%dma_start3A_78 : memref<10240x16xf32, #tpu.memory_space<vmem_shared>>) offsets(%dma_start3A_75 : memref<128xi32, #tpu.memory_space<vmem>>) semaphore(%arg13 : memref<!tpu.dma_semaphore, #tpu.memory_space<semaphore_mem>>) {add = true}
      %dma_start3A_79 = arith.constant 0 : i32
      %dma_start3A_80 = tpu.memref_slice %arg9[%add3A_68, %dma_start3A_79] : memref<40x128xi32, #tpu.memory_space<vmem>> -> memref<1x128xi32, #tpu.memory_space<vmem>>
      %dma_start3A_81 = tpu.memref_squeeze %dma_start3A_80 : memref<1x128xi32, #tpu.memory_space<vmem>> -> memref<128xi32, #tpu.memory_space<vmem>>
      %dma_start3A_82 = arith.constant 0 : i32
      %dma_start3A_83 = arith.constant 0 : i32
      %dma_start3A_84 = tpu.memref_slice %arg12[%dma_start3A_82, %dma_start3A_83] : memref<10240x16xf32, #tpu.memory_space<vmem_shared>> -> memref<10240x16xf32, #tpu.memory_space<vmem_shared>>
      tpu.enqueue_indirect_dma source(%arg10 : memref<128x16xf32, #tpu.memory_space<vmem>>) target(%dma_start3A_84 : memref<10240x16xf32, #tpu.memory_space<vmem_shared>>) offsets(%dma_start3A_81 : memref<128xi32, #tpu.memory_space<vmem>>) semaphore(%arg13 : memref<!tpu.dma_semaphore, #tpu.memory_space<semaphore_mem>>) {add = true}
      %mul3A_85 = arith.constant 4 : i32
      %mul3A_86 = arith.muli %scan3A_25, %mul3A_85 : i32
      %add3A_87 = arith.constant 3 : i32
      %add3A_88 = arith.addi %mul3A_86, %add3A_87 : i32
      %mul3A_89 = arith.constant 128 : i32
      %mul3A_90 = arith.muli %add3A_88, %mul3A_89 : i32
      %dma_start3A_91 = arith.constant 0 : i32
      %dma_start3A_92 = tpu.memref_slice %arg8[%mul3A_90, %dma_start3A_91] : memref<5120x16xf32, #tpu.memory_space<vmem>> -> memref<128x16xf32, #tpu.memory_space<vmem>>
      %dma_start3A_93 = arith.constant 0 : i32
      %dma_start3A_94 = tpu.memref_slice %arg9[%add3A_88, %dma_start3A_93] : memref<40x128xi32, #tpu.memory_space<vmem>> -> memref<1x128xi32, #tpu.memory_space<vmem>>
      %dma_start3A_95 = tpu.memref_squeeze %dma_start3A_94 : memref<1x128xi32, #tpu.memory_space<vmem>> -> memref<128xi32, #tpu.memory_space<vmem>>
      %dma_start3A_96 = arith.constant 0 : i32
      %dma_start3A_97 = arith.constant 0 : i32
      %dma_start3A_98 = tpu.memref_slice %arg11[%dma_start3A_96, %dma_start3A_97] : memref<10240x16xf32, #tpu.memory_space<vmem_shared>> -> memref<10240x16xf32, #tpu.memory_space<vmem_shared>>
      tpu.enqueue_indirect_dma source(%dma_start3A_92 : memref<128x16xf32, #tpu.memory_space<vmem>>) target(%dma_start3A_98 : memref<10240x16xf32, #tpu.memory_space<vmem_shared>>) offsets(%dma_start3A_95 : memref<128xi32, #tpu.memory_space<vmem>>) semaphore(%arg13 : memref<!tpu.dma_semaphore, #tpu.memory_space<semaphore_mem>>) {add = true}
      %dma_start3A_99 = arith.constant 0 : i32
      %dma_start3A_100 = tpu.memref_slice %arg9[%add3A_88, %dma_start3A_99] : memref<40x128xi32, #tpu.memory_space<vmem>> -> memref<1x128xi32, #tpu.memory_space<vmem>>
      %dma_start3A_101 = tpu.memref_squeeze %dma_start3A_100 : memref<1x128xi32, #tpu.memory_space<vmem>> -> memref<128xi32, #tpu.memory_space<vmem>>
      %dma_start3A_102 = arith.constant 0 : i32
      %dma_start3A_103 = arith.constant 0 : i32
      %dma_start3A_104 = tpu.memref_slice %arg12[%dma_start3A_102, %dma_start3A_103] : memref<10240x16xf32, #tpu.memory_space<vmem_shared>> -> memref<10240x16xf32, #tpu.memory_space<vmem_shared>>
      tpu.enqueue_indirect_dma source(%arg10 : memref<128x16xf32, #tpu.memory_space<vmem>>) target(%dma_start3A_104 : memref<10240x16xf32, #tpu.memory_space<vmem_shared>>) offsets(%dma_start3A_101 : memref<128xi32, #tpu.memory_space<vmem>>) semaphore(%arg13 : memref<!tpu.dma_semaphore, #tpu.memory_space<semaphore_mem>>) {add = true}
      %dma_wait3A = arith.constant 0 : i32
      %dma_wait3A_105 = tpu.memref_slice %arg8[%mul3A_31, %dma_wait3A] : memref<5120x16xf32, #tpu.memory_space<vmem>> -> memref<128x16xf32, #tpu.memory_space<vmem>>
      %dma_wait3A_106 = arith.constant 0 : i32
      %dma_wait3A_107 = tpu.memref_slice %arg9[%add3A_29, %dma_wait3A_106] : memref<40x128xi32, #tpu.memory_space<vmem>> -> memref<1x128xi32, #tpu.memory_space<vmem>>
      %dma_wait3A_108 = tpu.memref_squeeze %dma_wait3A_107 : memref<1x128xi32, #tpu.memory_space<vmem>> -> memref<128xi32, #tpu.memory_space<vmem>>
      %dma_wait3A_109 = arith.constant 0 : i32
      %dma_wait3A_110 = arith.constant 0 : i32
      %dma_wait3A_111 = tpu.memref_slice %arg11[%dma_wait3A_109, %dma_wait3A_110] : memref<10240x16xf32, #tpu.memory_space<vmem_shared>> -> memref<10240x16xf32, #tpu.memory_space<vmem_shared>>
      tpu.wait_indirect_dma semaphore(%arg13 : memref<!tpu.dma_semaphore, #tpu.memory_space<semaphore_mem>>) src(%dma_wait3A_105 : memref<128x16xf32, #tpu.memory_space<vmem>>) dst(%dma_wait3A_111 : memref<10240x16xf32, #tpu.memory_space<vmem_shared>>)
      %dma_wait3A_112 = arith.constant 0 : i32
      %dma_wait3A_113 = tpu.memref_slice %arg9[%add3A_29, %dma_wait3A_112] : memref<40x128xi32, #tpu.memory_space<vmem>> -> memref<1x128xi32, #tpu.memory_space<vmem>>
      %dma_wait3A_114 = tpu.memref_squeeze %dma_wait3A_113 : memref<1x128xi32, #tpu.memory_space<vmem>> -> memref<128xi32, #tpu.memory_space<vmem>>
      %dma_wait3A_115 = arith.constant 0 : i32
      %dma_wait3A_116 = arith.constant 0 : i32
      %dma_wait3A_117 = tpu.memref_slice %arg12[%dma_wait3A_115, %dma_wait3A_116] : memref<10240x16xf32, #tpu.memory_space<vmem_shared>> -> memref<10240x16xf32, #tpu.memory_space<vmem_shared>>
      tpu.wait_indirect_dma semaphore(%arg13 : memref<!tpu.dma_semaphore, #tpu.memory_space<semaphore_mem>>) src(%arg10 : memref<128x16xf32, #tpu.memory_space<vmem>>) dst(%dma_wait3A_117 : memref<10240x16xf32, #tpu.memory_space<vmem_shared>>)
      %dma_wait3A_118 = arith.constant 0 : i32
      %dma_wait3A_119 = tpu.memref_slice %arg8[%mul3A_50, %dma_wait3A_118] : memref<5120x16xf32, #tpu.memory_space<vmem>> -> memref<128x16xf32, #tpu.memory_space<vmem>>
      %dma_wait3A_120 = arith.constant 0 : i32
      %dma_wait3A_121 = tpu.memref_slice %arg9[%add3A_48, %dma_wait3A_120] : memref<40x128xi32, #tpu.memory_space<vmem>> -> memref<1x128xi32, #tpu.memory_space<vmem>>
      %dma_wait3A_122 = tpu.memref_squeeze %dma_wait3A_121 : memref<1x128xi32, #tpu.memory_space<vmem>> -> memref<128xi32, #tpu.memory_space<vmem>>
      %dma_wait3A_123 = arith.constant 0 : i32
      %dma_wait3A_124 = arith.constant 0 : i32
      %dma_wait3A_125 = tpu.memref_slice %arg11[%dma_wait3A_123, %dma_wait3A_124] : memref<10240x16xf32, #tpu.memory_space<vmem_shared>> -> memref<10240x16xf32, #tpu.memory_space<vmem_shared>>
      tpu.wait_indirect_dma semaphore(%arg13 : memref<!tpu.dma_semaphore, #tpu.memory_space<semaphore_mem>>) src(%dma_wait3A_119 : memref<128x16xf32, #tpu.memory_space<vmem>>) dst(%dma_wait3A_125 : memref<10240x16xf32, #tpu.memory_space<vmem_shared>>)
      %dma_wait3A_126 = arith.constant 0 : i32
      %dma_wait3A_127 = tpu.memref_slice %arg9[%add3A_48, %dma_wait3A_126] : memref<40x128xi32, #tpu.memory_space<vmem>> -> memref<1x128xi32, #tpu.memory_space<vmem>>
      %dma_wait3A_128 = tpu.memref_squeeze %dma_wait3A_127 : memref<1x128xi32, #tpu.memory_space<vmem>> -> memref<128xi32, #tpu.memory_space<vmem>>
      %dma_wait3A_129 = arith.constant 0 : i32
      %dma_wait3A_130 = arith.constant 0 : i32
      %dma_wait3A_131 = tpu.memref_slice %arg12[%dma_wait3A_129, %dma_wait3A_130] : memref<10240x16xf32, #tpu.memory_space<vmem_shared>> -> memref<10240x16xf32, #tpu.memory_space<vmem_shared>>
      tpu.wait_indirect_dma semaphore(%arg13 : memref<!tpu.dma_semaphore, #tpu.memory_space<semaphore_mem>>) src(%arg10 : memref<128x16xf32, #tpu.memory_space<vmem>>) dst(%dma_wait3A_131 : memref<10240x16xf32, #tpu.memory_space<vmem_shared>>)
      %dma_wait3A_132 = arith.constant 0 : i32
      %dma_wait3A_133 = tpu.memref_slice %arg8[%mul3A_70, %dma_wait3A_132] : memref<5120x16xf32, #tpu.memory_space<vmem>> -> memref<128x16xf32, #tpu.memory_space<vmem>>
      %dma_wait3A_134 = arith.constant 0 : i32
      %dma_wait3A_135 = tpu.memref_slice %arg9[%add3A_68, %dma_wait3A_134] : memref<40x128xi32, #tpu.memory_space<vmem>> -> memref<1x128xi32, #tpu.memory_space<vmem>>
      %dma_wait3A_136 = tpu.memref_squeeze %dma_wait3A_135 : memref<1x128xi32, #tpu.memory_space<vmem>> -> memref<128xi32, #tpu.memory_space<vmem>>
      %dma_wait3A_137 = arith.constant 0 : i32
      %dma_wait3A_138 = arith.constant 0 : i32
      %dma_wait3A_139 = tpu.memref_slice %arg11[%dma_wait3A_137, %dma_wait3A_138] : memref<10240x16xf32, #tpu.memory_space<vmem_shared>> -> memref<10240x16xf32, #tpu.memory_space<vmem_shared>>
      tpu.wait_indirect_dma semaphore(%arg13 : memref<!tpu.dma_semaphore, #tpu.memory_space<semaphore_mem>>) src(%dma_wait3A_133 : memref<128x16xf32, #tpu.memory_space<vmem>>) dst(%dma_wait3A_139 : memref<10240x16xf32, #tpu.memory_space<vmem_shared>>)
      %dma_wait3A_140 = arith.constant 0 : i32
      %dma_wait3A_141 = tpu.memref_slice %arg9[%add3A_68, %dma_wait3A_140] : memref<40x128xi32, #tpu.memory_space<vmem>> -> memref<1x128xi32, #tpu.memory_space<vmem>>
      %dma_wait3A_142 = tpu.memref_squeeze %dma_wait3A_141 : memref<1x128xi32, #tpu.memory_space<vmem>> -> memref<128xi32, #tpu.memory_space<vmem>>
      %dma_wait3A_143 = arith.constant 0 : i32
      %dma_wait3A_144 = arith.constant 0 : i32
      %dma_wait3A_145 = tpu.memref_slice %arg12[%dma_wait3A_143, %dma_wait3A_144] : memref<10240x16xf32, #tpu.memory_space<vmem_shared>> -> memref<10240x16xf32, #tpu.memory_space<vmem_shared>>
      tpu.wait_indirect_dma semaphore(%arg13 : memref<!tpu.dma_semaphore, #tpu.memory_space<semaphore_mem>>) src(%arg10 : memref<128x16xf32, #tpu.memory_space<vmem>>) dst(%dma_wait3A_145 : memref<10240x16xf32, #tpu.memory_space<vmem_shared>>)
      %dma_wait3A_146 = arith.constant 0 : i32
      %dma_wait3A_147 = tpu.memref_slice %arg8[%mul3A_90, %dma_wait3A_146] : memref<5120x16xf32, #tpu.memory_space<vmem>> -> memref<128x16xf32, #tpu.memory_space<vmem>>
      %dma_wait3A_148 = arith.constant 0 : i32
      %dma_wait3A_149 = tpu.memref_slice %arg9[%add3A_88, %dma_wait3A_148] : memref<40x128xi32, #tpu.memory_space<vmem>> -> memref<1x128xi32, #tpu.memory_space<vmem>>
      %dma_wait3A_150 = tpu.memref_squeeze %dma_wait3A_149 : memref<1x128xi32, #tpu.memory_space<vmem>> -> memref<128xi32, #tpu.memory_space<vmem>>
      %dma_wait3A_151 = arith.constant 0 : i32
      %dma_wait3A_152 = arith.constant 0 : i32
      %dma_wait3A_153 = tpu.memref_slice %arg11[%dma_wait3A_151, %dma_wait3A_152] : memref<10240x16xf32, #tpu.memory_space<vmem_shared>> -> memref<10240x16xf32, #tpu.memory_space<vmem_shared>>
      tpu.wait_indirect_dma semaphore(%arg13 : memref<!tpu.dma_semaphore, #tpu.memory_space<semaphore_mem>>) src(%dma_wait3A_147 : memref<128x16xf32, #tpu.memory_space<vmem>>) dst(%dma_wait3A_153 : memref<10240x16xf32, #tpu.memory_space<vmem_shared>>)
      %dma_wait3A_154 = arith.constant 0 : i32
      %dma_wait3A_155 = tpu.memref_slice %arg9[%add3A_88, %dma_wait3A_154] : memref<40x128xi32, #tpu.memory_space<vmem>> -> memref<1x128xi32, #tpu.memory_space<vmem>>
      %dma_wait3A_156 = tpu.memref_squeeze %dma_wait3A_155 : memref<1x128xi32, #tpu.memory_space<vmem>> -> memref<128xi32, #tpu.memory_space<vmem>>
      %dma_wait3A_157 = arith.constant 0 : i32
      %dma_wait3A_158 = arith.constant 0 : i32
      %dma_wait3A_159 = tpu.memref_slice %arg12[%dma_wait3A_157, %dma_wait3A_158] : memref<10240x16xf32, #tpu.memory_space<vmem_shared>> -> memref<10240x16xf32, #tpu.memory_space<vmem_shared>>
      tpu.wait_indirect_dma semaphore(%arg13 : memref<!tpu.dma_semaphore, #tpu.memory_space<semaphore_mem>>) src(%arg10 : memref<128x16xf32, #tpu.memory_space<vmem>>) dst(%dma_wait3A_159 : memref<10240x16xf32, #tpu.memory_space<vmem_shared>>)
    }
    %scan3A_15 = arith.constant 10 : i32
    %barrier3A_16 = arith.constant 0 : index
    tpu.barrier barrier_id(%barrier3A_16)
    %mul3A_17 = arith.constant 640 : i32
    %mul3A_18 = arith.muli %arg1, %mul3A_17 : i32
    %mul3A_19 = arith.constant 640 : i32
    %mul3A_20 = arith.muli %arg1, %mul3A_19 : i32
    "tpu.region"() ({
      %run_scoped3A = tpu.sem_alloc : memref<!tpu.dma_semaphore, #tpu.memory_space<semaphore_mem>>
      %dma_start3A = arith.constant 0 : i32
      %dma_start3A_25 = arith.constant 0 : i32
      %dma_start3A_26 = tpu.memref_slice %arg6[%arg0, %dma_start3A, %dma_start3A_25] : memref<2x10240x16xf32, #tpu.memory_space<hbm>> -> memref<1x10240x16xf32, #tpu.memory_space<hbm>>
      %dma_start3A_27 = tpu.memref_squeeze %dma_start3A_26 : memref<1x10240x16xf32, #tpu.memory_space<hbm>> -> memref<10240x16xf32, #tpu.memory_space<hbm>>
      %dma_start3A_28 = arith.constant 0 : i32
      %dma_start3A_29 = tpu.memref_slice %dma_start3A_27[%mul3A_20, %dma_start3A_28] : memref<10240x16xf32, #tpu.memory_space<hbm>> -> memref<640x16xf32, #tpu.memory_space<hbm>>
      %dma_start3A_30 = arith.constant 0 : i32
      %dma_start3A_31 = tpu.memref_slice %arg11[%mul3A_18, %dma_start3A_30] : memref<10240x16xf32, #tpu.memory_space<vmem_shared>> -> memref<640x16xf32, #tpu.memory_space<vmem_shared>>
      tpu.enqueue_dma source(%dma_start3A_31 : memref<640x16xf32, #tpu.memory_space<vmem_shared>>) target(%dma_start3A_29 : memref<640x16xf32, #tpu.memory_space<hbm>>) target_semaphore(%run_scoped3A : memref<!tpu.dma_semaphore, #tpu.memory_space<semaphore_mem>>)
      %dma_wait3A = arith.constant 0 : i32
      %dma_wait3A_32 = arith.constant 0 : i32
      %dma_wait3A_33 = tpu.memref_slice %arg6[%arg0, %dma_wait3A, %dma_wait3A_32] : memref<2x10240x16xf32, #tpu.memory_space<hbm>> -> memref<1x10240x16xf32, #tpu.memory_space<hbm>>
      %dma_wait3A_34 = tpu.memref_squeeze %dma_wait3A_33 : memref<1x10240x16xf32, #tpu.memory_space<hbm>> -> memref<10240x16xf32, #tpu.memory_space<hbm>>
      %dma_wait3A_35 = arith.constant 0 : i32
      %dma_wait3A_36 = tpu.memref_slice %dma_wait3A_34[%mul3A_20, %dma_wait3A_35] : memref<10240x16xf32, #tpu.memory_space<hbm>> -> memref<640x16xf32, #tpu.memory_space<hbm>>
      %dma_wait3A_37 = arith.constant 0 : i32
      %dma_wait3A_38 = tpu.memref_slice %arg11[%mul3A_18, %dma_wait3A_37] : memref<10240x16xf32, #tpu.memory_space<vmem_shared>> -> memref<640x16xf32, #tpu.memory_space<vmem_shared>>
      tpu.wait_dma2 semaphore(%run_scoped3A : memref<!tpu.dma_semaphore, #tpu.memory_space<semaphore_mem>>) src(%dma_wait3A_38 : memref<640x16xf32, #tpu.memory_space<vmem_shared>>) dst(%dma_wait3A_36 : memref<640x16xf32, #tpu.memory_space<hbm>>)
      tpu.yield
    }) : () -> ()
    %mul3A_21 = arith.constant 640 : i32
    %mul3A_22 = arith.muli %arg1, %mul3A_21 : i32
    %mul3A_23 = arith.constant 640 : i32
    %mul3A_24 = arith.muli %arg1, %mul3A_23 : i32
    "tpu.region"() ({
      %run_scoped3A = tpu.sem_alloc : memref<!tpu.dma_semaphore, #tpu.memory_space<semaphore_mem>>
      %dma_start3A = arith.constant 0 : i32
      %dma_start3A_25 = arith.constant 0 : i32
      %dma_start3A_26 = tpu.memref_slice %arg7[%arg0, %dma_start3A, %dma_start3A_25] : memref<2x10240x16xf32, #tpu.memory_space<hbm>> -> memref<1x10240x16xf32, #tpu.memory_space<hbm>>
      %dma_start3A_27 = tpu.memref_squeeze %dma_start3A_26 : memref<1x10240x16xf32, #tpu.memory_space<hbm>> -> memref<10240x16xf32, #tpu.memory_space<hbm>>
      %dma_start3A_28 = arith.constant 0 : i32
      %dma_start3A_29 = tpu.memref_slice %dma_start3A_27[%mul3A_24, %dma_start3A_28] : memref<10240x16xf32, #tpu.memory_space<hbm>> -> memref<640x16xf32, #tpu.memory_space<hbm>>
      %dma_start3A_30 = arith.constant 0 : i32
      %dma_start3A_31 = tpu.memref_slice %arg12[%mul3A_22, %dma_start3A_30] : memref<10240x16xf32, #tpu.memory_space<vmem_shared>> -> memref<640x16xf32, #tpu.memory_space<vmem_shared>>
      tpu.enqueue_dma source(%dma_start3A_31 : memref<640x16xf32, #tpu.memory_space<vmem_shared>>) target(%dma_start3A_29 : memref<640x16xf32, #tpu.memory_space<hbm>>) target_semaphore(%run_scoped3A : memref<!tpu.dma_semaphore, #tpu.memory_space<semaphore_mem>>)
      %dma_wait3A = arith.constant 0 : i32
      %dma_wait3A_32 = arith.constant 0 : i32
      %dma_wait3A_33 = tpu.memref_slice %arg7[%arg0, %dma_wait3A, %dma_wait3A_32] : memref<2x10240x16xf32, #tpu.memory_space<hbm>> -> memref<1x10240x16xf32, #tpu.memory_space<hbm>>
      %dma_wait3A_34 = tpu.memref_squeeze %dma_wait3A_33 : memref<1x10240x16xf32, #tpu.memory_space<hbm>> -> memref<10240x16xf32, #tpu.memory_space<hbm>>
      %dma_wait3A_35 = arith.constant 0 : i32
      %dma_wait3A_36 = tpu.memref_slice %dma_wait3A_34[%mul3A_24, %dma_wait3A_35] : memref<10240x16xf32, #tpu.memory_space<hbm>> -> memref<640x16xf32, #tpu.memory_space<hbm>>
      %dma_wait3A_37 = arith.constant 0 : i32
      %dma_wait3A_38 = tpu.memref_slice %arg12[%mul3A_22, %dma_wait3A_37] : memref<10240x16xf32, #tpu.memory_space<vmem_shared>> -> memref<640x16xf32, #tpu.memory_space<vmem_shared>>
      tpu.wait_dma2 semaphore(%run_scoped3A : memref<!tpu.dma_semaphore, #tpu.memory_space<semaphore_mem>>) src(%dma_wait3A_38 : memref<640x16xf32, #tpu.memory_space<vmem_shared>>) dst(%dma_wait3A_36 : memref<640x16xf32, #tpu.memory_space<hbm>>)
      tpu.yield
    }) : () -> ()
    return
  }
}

#map = affine_map<(d0, d1) -> (0, 0)>
#map1 = affine_map<(d0, d1) -> (0, 0, 0)>
module attributes {stable_mosaic.version = 14 : i64} {
  func.func @_scatter_body(%arg0: i32, %arg1: i32, %arg2: memref<163840x16xf32, #tpu.memory_space<hbm>>, %arg3: memref<32x40x128xi32, #tpu.memory_space<hbm>>, %arg4: memref<10240x16xf32, #tpu.memory_space<hbm>>, %arg5: memref<2x10240x16xf32, #tpu.memory_space<hbm>>, %arg6: memref<5120x16xf32, #tpu.memory_space<vmem>>, %arg7: memref<40x128xi32, #tpu.memory_space<vmem>>, %arg8: memref<10240x16xf32, #tpu.memory_space<vmem_shared>>, %arg9: memref<!tpu.dma_semaphore, #tpu.memory_space<semaphore_mem>>) attributes {dimension_semantics = [#tpu.dimension_semantics<core_parallel>, #tpu.dimension_semantics<subcore_parallel>], iteration_bounds = array<i64: 2, 16>, scalar_prefetch = 0 : i64, scratch_operands = 4 : i64, tpu.core_type = #tpu.core_type<sc_vector_subcore>, window_params = [{transform_indices = #map}, {transform_indices = #map1}, {transform_indices = #map}, {transform_indices = #map1}]} {
    %mul3A = arith.constant 2 : i32
    %mul3A_0 = arith.muli %arg1, %mul3A : i32
    %add3A = arith.addi %mul3A_0, %arg0 : i32
    %mul3A_1 = arith.constant 640 : i32
    %mul3A_2 = arith.muli %arg1, %mul3A_1 : i32
    %mul3A_3 = arith.constant 640 : i32
    %mul3A_4 = arith.muli %arg1, %mul3A_3 : i32
    "tpu.region"() ({
      %run_scoped3A = tpu.sem_alloc : memref<!tpu.dma_semaphore, #tpu.memory_space<semaphore_mem>>
      %dma_start3A = arith.constant 0 : i32
      %dma_start3A_17 = tpu.memref_slice %arg8[%mul3A_4, %dma_start3A] : memref<10240x16xf32, #tpu.memory_space<vmem_shared>> -> memref<640x16xf32, #tpu.memory_space<vmem_shared>>
      %dma_start3A_18 = arith.constant 0 : i32
      %dma_start3A_19 = tpu.memref_slice %arg4[%mul3A_2, %dma_start3A_18] : memref<10240x16xf32, #tpu.memory_space<hbm>> -> memref<640x16xf32, #tpu.memory_space<hbm>>
      tpu.enqueue_dma source(%dma_start3A_19 : memref<640x16xf32, #tpu.memory_space<hbm>>) target(%dma_start3A_17 : memref<640x16xf32, #tpu.memory_space<vmem_shared>>) target_semaphore(%run_scoped3A : memref<!tpu.dma_semaphore, #tpu.memory_space<semaphore_mem>>)
      %dma_wait3A = arith.constant 0 : i32
      %dma_wait3A_20 = tpu.memref_slice %arg8[%mul3A_4, %dma_wait3A] : memref<10240x16xf32, #tpu.memory_space<vmem_shared>> -> memref<640x16xf32, #tpu.memory_space<vmem_shared>>
      %dma_wait3A_21 = arith.constant 0 : i32
      %dma_wait3A_22 = tpu.memref_slice %arg4[%mul3A_2, %dma_wait3A_21] : memref<10240x16xf32, #tpu.memory_space<hbm>> -> memref<640x16xf32, #tpu.memory_space<hbm>>
      tpu.wait_dma2 semaphore(%run_scoped3A : memref<!tpu.dma_semaphore, #tpu.memory_space<semaphore_mem>>) src(%dma_wait3A_22 : memref<640x16xf32, #tpu.memory_space<hbm>>) dst(%dma_wait3A_20 : memref<640x16xf32, #tpu.memory_space<vmem_shared>>)
      tpu.yield
    }) : () -> ()
    %mul3A_5 = arith.constant 5120 : i32
    %mul3A_6 = arith.muli %add3A, %mul3A_5 : i32
    "tpu.region"() ({
      %run_scoped3A = tpu.sem_alloc : memref<!tpu.dma_semaphore, #tpu.memory_space<semaphore_mem>>
      %dma_start3A = arith.constant 0 : i32
      %dma_start3A_17 = tpu.memref_slice %arg2[%mul3A_6, %dma_start3A] : memref<163840x16xf32, #tpu.memory_space<hbm>> -> memref<5120x16xf32, #tpu.memory_space<hbm>>
      %dma_start3A_18 = arith.constant 0 : i32
      %dma_start3A_19 = tpu.memref_slice %arg2[%mul3A_6, %dma_start3A_18] : memref<163840x16xf32, #tpu.memory_space<hbm>> -> memref<5120x16xf32, #tpu.memory_space<hbm>>
      tpu.enqueue_dma source(%dma_start3A_19 : memref<5120x16xf32, #tpu.memory_space<hbm>>) target(%arg6 : memref<5120x16xf32, #tpu.memory_space<vmem>>) target_semaphore(%run_scoped3A : memref<!tpu.dma_semaphore, #tpu.memory_space<semaphore_mem>>)
      %dma_wait3A = arith.constant 0 : i32
      %dma_wait3A_20 = tpu.memref_slice %arg2[%mul3A_6, %dma_wait3A] : memref<163840x16xf32, #tpu.memory_space<hbm>> -> memref<5120x16xf32, #tpu.memory_space<hbm>>
      %dma_wait3A_21 = arith.constant 0 : i32
      %dma_wait3A_22 = tpu.memref_slice %arg2[%mul3A_6, %dma_wait3A_21] : memref<163840x16xf32, #tpu.memory_space<hbm>> -> memref<5120x16xf32, #tpu.memory_space<hbm>>
      tpu.wait_dma2 semaphore(%run_scoped3A : memref<!tpu.dma_semaphore, #tpu.memory_space<semaphore_mem>>) src(%dma_wait3A_22 : memref<5120x16xf32, #tpu.memory_space<hbm>>) dst(%arg6 : memref<5120x16xf32, #tpu.memory_space<vmem>>)
      tpu.yield
    }) : () -> ()
    "tpu.region"() ({
      %run_scoped3A = tpu.sem_alloc : memref<!tpu.dma_semaphore, #tpu.memory_space<semaphore_mem>>
      %dma_start3A = arith.constant 0 : i32
      %dma_start3A_17 = arith.constant 0 : i32
      %dma_start3A_18 = tpu.memref_slice %arg3[%add3A, %dma_start3A, %dma_start3A_17] : memref<32x40x128xi32, #tpu.memory_space<hbm>> -> memref<1x40x128xi32, #tpu.memory_space<hbm>>
      %dma_start3A_19 = tpu.memref_squeeze %dma_start3A_18 : memref<1x40x128xi32, #tpu.memory_space<hbm>> -> memref<40x128xi32, #tpu.memory_space<hbm>>
      %dma_start3A_20 = arith.constant 0 : i32
      %dma_start3A_21 = arith.constant 0 : i32
      %dma_start3A_22 = tpu.memref_slice %arg3[%add3A, %dma_start3A_20, %dma_start3A_21] : memref<32x40x128xi32, #tpu.memory_space<hbm>> -> memref<1x40x128xi32, #tpu.memory_space<hbm>>
      %dma_start3A_23 = tpu.memref_squeeze %dma_start3A_22 : memref<1x40x128xi32, #tpu.memory_space<hbm>> -> memref<40x128xi32, #tpu.memory_space<hbm>>
      tpu.enqueue_dma source(%dma_start3A_23 : memref<40x128xi32, #tpu.memory_space<hbm>>) target(%arg7 : memref<40x128xi32, #tpu.memory_space<vmem>>) target_semaphore(%run_scoped3A : memref<!tpu.dma_semaphore, #tpu.memory_space<semaphore_mem>>)
      %dma_wait3A = arith.constant 0 : i32
      %dma_wait3A_24 = arith.constant 0 : i32
      %dma_wait3A_25 = tpu.memref_slice %arg3[%add3A, %dma_wait3A, %dma_wait3A_24] : memref<32x40x128xi32, #tpu.memory_space<hbm>> -> memref<1x40x128xi32, #tpu.memory_space<hbm>>
      %dma_wait3A_26 = tpu.memref_squeeze %dma_wait3A_25 : memref<1x40x128xi32, #tpu.memory_space<hbm>> -> memref<40x128xi32, #tpu.memory_space<hbm>>
      %dma_wait3A_27 = arith.constant 0 : i32
      %dma_wait3A_28 = arith.constant 0 : i32
      %dma_wait3A_29 = tpu.memref_slice %arg3[%add3A, %dma_wait3A_27, %dma_wait3A_28] : memref<32x40x128xi32, #tpu.memory_space<hbm>> -> memref<1x40x128xi32, #tpu.memory_space<hbm>>
      %dma_wait3A_30 = tpu.memref_squeeze %dma_wait3A_29 : memref<1x40x128xi32, #tpu.memory_space<hbm>> -> memref<40x128xi32, #tpu.memory_space<hbm>>
      tpu.wait_dma2 semaphore(%run_scoped3A : memref<!tpu.dma_semaphore, #tpu.memory_space<semaphore_mem>>) src(%dma_wait3A_30 : memref<40x128xi32, #tpu.memory_space<hbm>>) dst(%arg7 : memref<40x128xi32, #tpu.memory_space<vmem>>)
      tpu.yield
    }) : () -> ()
    %barrier3A = arith.constant 0 : index
    tpu.barrier barrier_id(%barrier3A)
    %scan3A = arith.constant 0 : i32
    %scan3A_7 = arith.constant 0 : i32
    %scan3A_8 = arith.constant 5 : i32
    %scan3A_9 = arith.addi %scan3A_7, %scan3A_8 : i32
    %scan3A_10 = arith.constant 1 : i32
    scf.for %scan3A_17 = %scan3A_7 to %scan3A_9 step %scan3A_10  : i32 {
      %mul3A_18 = arith.constant 8 : i32
      %mul3A_19 = arith.muli %scan3A_17, %mul3A_18 : i32
      %add3A_20 = arith.constant 0 : i32
      %add3A_21 = arith.addi %mul3A_19, %add3A_20 : i32
      %mul3A_22 = arith.constant 128 : i32
      %mul3A_23 = arith.muli %add3A_21, %mul3A_22 : i32
      %mul3A_24 = arith.constant 8 : i32
      %mul3A_25 = arith.muli %scan3A_17, %mul3A_24 : i32
      %add3A_26 = arith.constant 0 : i32
      %add3A_27 = arith.addi %mul3A_25, %add3A_26 : i32
      %dma_start3A = arith.constant 0 : i32
      %dma_start3A_28 = tpu.memref_slice %arg6[%mul3A_23, %dma_start3A] : memref<5120x16xf32, #tpu.memory_space<vmem>> -> memref<128x16xf32, #tpu.memory_space<vmem>>
      %dma_start3A_29 = arith.constant 0 : i32
      %dma_start3A_30 = tpu.memref_slice %arg7[%add3A_27, %dma_start3A_29] : memref<40x128xi32, #tpu.memory_space<vmem>> -> memref<1x128xi32, #tpu.memory_space<vmem>>
      %dma_start3A_31 = tpu.memref_squeeze %dma_start3A_30 : memref<1x128xi32, #tpu.memory_space<vmem>> -> memref<128xi32, #tpu.memory_space<vmem>>
      %dma_start3A_32 = arith.constant 0 : i32
      %dma_start3A_33 = arith.constant 0 : i32
      %dma_start3A_34 = tpu.memref_slice %arg8[%dma_start3A_32, %dma_start3A_33] : memref<10240x16xf32, #tpu.memory_space<vmem_shared>> -> memref<10240x16xf32, #tpu.memory_space<vmem_shared>>
      tpu.enqueue_indirect_dma source(%dma_start3A_28 : memref<128x16xf32, #tpu.memory_space<vmem>>) target(%dma_start3A_34 : memref<10240x16xf32, #tpu.memory_space<vmem_shared>>) offsets(%dma_start3A_31 : memref<128xi32, #tpu.memory_space<vmem>>) semaphore(%arg9 : memref<!tpu.dma_semaphore, #tpu.memory_space<semaphore_mem>>) {add = true}
      %mul3A_35 = arith.constant 8 : i32
      %mul3A_36 = arith.muli %scan3A_17, %mul3A_35 : i32
      %add3A_37 = arith.constant 1 : i32
      %add3A_38 = arith.addi %mul3A_36, %add3A_37 : i32
      %mul3A_39 = arith.constant 128 : i32
      %mul3A_40 = arith.muli %add3A_38, %mul3A_39 : i32
      %mul3A_41 = arith.constant 8 : i32
      %mul3A_42 = arith.muli %scan3A_17, %mul3A_41 : i32
      %add3A_43 = arith.constant 1 : i32
      %add3A_44 = arith.addi %mul3A_42, %add3A_43 : i32
      %dma_start3A_45 = arith.constant 0 : i32
      %dma_start3A_46 = tpu.memref_slice %arg6[%mul3A_40, %dma_start3A_45] : memref<5120x16xf32, #tpu.memory_space<vmem>> -> memref<128x16xf32, #tpu.memory_space<vmem>>
      %dma_start3A_47 = arith.constant 0 : i32
      %dma_start3A_48 = tpu.memref_slice %arg7[%add3A_44, %dma_start3A_47] : memref<40x128xi32, #tpu.memory_space<vmem>> -> memref<1x128xi32, #tpu.memory_space<vmem>>
      %dma_start3A_49 = tpu.memref_squeeze %dma_start3A_48 : memref<1x128xi32, #tpu.memory_space<vmem>> -> memref<128xi32, #tpu.memory_space<vmem>>
      %dma_start3A_50 = arith.constant 0 : i32
      %dma_start3A_51 = arith.constant 0 : i32
      %dma_start3A_52 = tpu.memref_slice %arg8[%dma_start3A_50, %dma_start3A_51] : memref<10240x16xf32, #tpu.memory_space<vmem_shared>> -> memref<10240x16xf32, #tpu.memory_space<vmem_shared>>
      tpu.enqueue_indirect_dma source(%dma_start3A_46 : memref<128x16xf32, #tpu.memory_space<vmem>>) target(%dma_start3A_52 : memref<10240x16xf32, #tpu.memory_space<vmem_shared>>) offsets(%dma_start3A_49 : memref<128xi32, #tpu.memory_space<vmem>>) semaphore(%arg9 : memref<!tpu.dma_semaphore, #tpu.memory_space<semaphore_mem>>) {add = true}
      %mul3A_53 = arith.constant 8 : i32
      %mul3A_54 = arith.muli %scan3A_17, %mul3A_53 : i32
      %add3A_55 = arith.constant 2 : i32
      %add3A_56 = arith.addi %mul3A_54, %add3A_55 : i32
      %mul3A_57 = arith.constant 128 : i32
      %mul3A_58 = arith.muli %add3A_56, %mul3A_57 : i32
      %mul3A_59 = arith.constant 8 : i32
      %mul3A_60 = arith.muli %scan3A_17, %mul3A_59 : i32
      %add3A_61 = arith.constant 2 : i32
      %add3A_62 = arith.addi %mul3A_60, %add3A_61 : i32
      %dma_start3A_63 = arith.constant 0 : i32
      %dma_start3A_64 = tpu.memref_slice %arg6[%mul3A_58, %dma_start3A_63] : memref<5120x16xf32, #tpu.memory_space<vmem>> -> memref<128x16xf32, #tpu.memory_space<vmem>>
      %dma_start3A_65 = arith.constant 0 : i32
      %dma_start3A_66 = tpu.memref_slice %arg7[%add3A_62, %dma_start3A_65] : memref<40x128xi32, #tpu.memory_space<vmem>> -> memref<1x128xi32, #tpu.memory_space<vmem>>
      %dma_start3A_67 = tpu.memref_squeeze %dma_start3A_66 : memref<1x128xi32, #tpu.memory_space<vmem>> -> memref<128xi32, #tpu.memory_space<vmem>>
      %dma_start3A_68 = arith.constant 0 : i32
      %dma_start3A_69 = arith.constant 0 : i32
      %dma_start3A_70 = tpu.memref_slice %arg8[%dma_start3A_68, %dma_start3A_69] : memref<10240x16xf32, #tpu.memory_space<vmem_shared>> -> memref<10240x16xf32, #tpu.memory_space<vmem_shared>>
      tpu.enqueue_indirect_dma source(%dma_start3A_64 : memref<128x16xf32, #tpu.memory_space<vmem>>) target(%dma_start3A_70 : memref<10240x16xf32, #tpu.memory_space<vmem_shared>>) offsets(%dma_start3A_67 : memref<128xi32, #tpu.memory_space<vmem>>) semaphore(%arg9 : memref<!tpu.dma_semaphore, #tpu.memory_space<semaphore_mem>>) {add = true}
      %mul3A_71 = arith.constant 8 : i32
      %mul3A_72 = arith.muli %scan3A_17, %mul3A_71 : i32
      %add3A_73 = arith.constant 3 : i32
      %add3A_74 = arith.addi %mul3A_72, %add3A_73 : i32
      %mul3A_75 = arith.constant 128 : i32
      %mul3A_76 = arith.muli %add3A_74, %mul3A_75 : i32
      %mul3A_77 = arith.constant 8 : i32
      %mul3A_78 = arith.muli %scan3A_17, %mul3A_77 : i32
      %add3A_79 = arith.constant 3 : i32
      %add3A_80 = arith.addi %mul3A_78, %add3A_79 : i32
      %dma_start3A_81 = arith.constant 0 : i32
      %dma_start3A_82 = tpu.memref_slice %arg6[%mul3A_76, %dma_start3A_81] : memref<5120x16xf32, #tpu.memory_space<vmem>> -> memref<128x16xf32, #tpu.memory_space<vmem>>
      %dma_start3A_83 = arith.constant 0 : i32
      %dma_start3A_84 = tpu.memref_slice %arg7[%add3A_80, %dma_start3A_83] : memref<40x128xi32, #tpu.memory_space<vmem>> -> memref<1x128xi32, #tpu.memory_space<vmem>>
      %dma_start3A_85 = tpu.memref_squeeze %dma_start3A_84 : memref<1x128xi32, #tpu.memory_space<vmem>> -> memref<128xi32, #tpu.memory_space<vmem>>
      %dma_start3A_86 = arith.constant 0 : i32
      %dma_start3A_87 = arith.constant 0 : i32
      %dma_start3A_88 = tpu.memref_slice %arg8[%dma_start3A_86, %dma_start3A_87] : memref<10240x16xf32, #tpu.memory_space<vmem_shared>> -> memref<10240x16xf32, #tpu.memory_space<vmem_shared>>
      tpu.enqueue_indirect_dma source(%dma_start3A_82 : memref<128x16xf32, #tpu.memory_space<vmem>>) target(%dma_start3A_88 : memref<10240x16xf32, #tpu.memory_space<vmem_shared>>) offsets(%dma_start3A_85 : memref<128xi32, #tpu.memory_space<vmem>>) semaphore(%arg9 : memref<!tpu.dma_semaphore, #tpu.memory_space<semaphore_mem>>) {add = true}
      %mul3A_89 = arith.constant 8 : i32
      %mul3A_90 = arith.muli %scan3A_17, %mul3A_89 : i32
      %add3A_91 = arith.constant 4 : i32
      %add3A_92 = arith.addi %mul3A_90, %add3A_91 : i32
      %mul3A_93 = arith.constant 128 : i32
      %mul3A_94 = arith.muli %add3A_92, %mul3A_93 : i32
      %mul3A_95 = arith.constant 8 : i32
      %mul3A_96 = arith.muli %scan3A_17, %mul3A_95 : i32
      %add3A_97 = arith.constant 4 : i32
      %add3A_98 = arith.addi %mul3A_96, %add3A_97 : i32
      %dma_start3A_99 = arith.constant 0 : i32
      %dma_start3A_100 = tpu.memref_slice %arg6[%mul3A_94, %dma_start3A_99] : memref<5120x16xf32, #tpu.memory_space<vmem>> -> memref<128x16xf32, #tpu.memory_space<vmem>>
      %dma_start3A_101 = arith.constant 0 : i32
      %dma_start3A_102 = tpu.memref_slice %arg7[%add3A_98, %dma_start3A_101] : memref<40x128xi32, #tpu.memory_space<vmem>> -> memref<1x128xi32, #tpu.memory_space<vmem>>
      %dma_start3A_103 = tpu.memref_squeeze %dma_start3A_102 : memref<1x128xi32, #tpu.memory_space<vmem>> -> memref<128xi32, #tpu.memory_space<vmem>>
      %dma_start3A_104 = arith.constant 0 : i32
      %dma_start3A_105 = arith.constant 0 : i32
      %dma_start3A_106 = tpu.memref_slice %arg8[%dma_start3A_104, %dma_start3A_105] : memref<10240x16xf32, #tpu.memory_space<vmem_shared>> -> memref<10240x16xf32, #tpu.memory_space<vmem_shared>>
      tpu.enqueue_indirect_dma source(%dma_start3A_100 : memref<128x16xf32, #tpu.memory_space<vmem>>) target(%dma_start3A_106 : memref<10240x16xf32, #tpu.memory_space<vmem_shared>>) offsets(%dma_start3A_103 : memref<128xi32, #tpu.memory_space<vmem>>) semaphore(%arg9 : memref<!tpu.dma_semaphore, #tpu.memory_space<semaphore_mem>>) {add = true}
      %mul3A_107 = arith.constant 8 : i32
      %mul3A_108 = arith.muli %scan3A_17, %mul3A_107 : i32
      %add3A_109 = arith.constant 5 : i32
      %add3A_110 = arith.addi %mul3A_108, %add3A_109 : i32
      %mul3A_111 = arith.constant 128 : i32
      %mul3A_112 = arith.muli %add3A_110, %mul3A_111 : i32
      %mul3A_113 = arith.constant 8 : i32
      %mul3A_114 = arith.muli %scan3A_17, %mul3A_113 : i32
      %add3A_115 = arith.constant 5 : i32
      %add3A_116 = arith.addi %mul3A_114, %add3A_115 : i32
      %dma_start3A_117 = arith.constant 0 : i32
      %dma_start3A_118 = tpu.memref_slice %arg6[%mul3A_112, %dma_start3A_117] : memref<5120x16xf32, #tpu.memory_space<vmem>> -> memref<128x16xf32, #tpu.memory_space<vmem>>
      %dma_start3A_119 = arith.constant 0 : i32
      %dma_start3A_120 = tpu.memref_slice %arg7[%add3A_116, %dma_start3A_119] : memref<40x128xi32, #tpu.memory_space<vmem>> -> memref<1x128xi32, #tpu.memory_space<vmem>>
      %dma_start3A_121 = tpu.memref_squeeze %dma_start3A_120 : memref<1x128xi32, #tpu.memory_space<vmem>> -> memref<128xi32, #tpu.memory_space<vmem>>
      %dma_start3A_122 = arith.constant 0 : i32
      %dma_start3A_123 = arith.constant 0 : i32
      %dma_start3A_124 = tpu.memref_slice %arg8[%dma_start3A_122, %dma_start3A_123] : memref<10240x16xf32, #tpu.memory_space<vmem_shared>> -> memref<10240x16xf32, #tpu.memory_space<vmem_shared>>
      tpu.enqueue_indirect_dma source(%dma_start3A_118 : memref<128x16xf32, #tpu.memory_space<vmem>>) target(%dma_start3A_124 : memref<10240x16xf32, #tpu.memory_space<vmem_shared>>) offsets(%dma_start3A_121 : memref<128xi32, #tpu.memory_space<vmem>>) semaphore(%arg9 : memref<!tpu.dma_semaphore, #tpu.memory_space<semaphore_mem>>) {add = true}
      %mul3A_125 = arith.constant 8 : i32
      %mul3A_126 = arith.muli %scan3A_17, %mul3A_125 : i32
      %add3A_127 = arith.constant 6 : i32
      %add3A_128 = arith.addi %mul3A_126, %add3A_127 : i32
      %mul3A_129 = arith.constant 128 : i32
      %mul3A_130 = arith.muli %add3A_128, %mul3A_129 : i32
      %mul3A_131 = arith.constant 8 : i32
      %mul3A_132 = arith.muli %scan3A_17, %mul3A_131 : i32
      %add3A_133 = arith.constant 6 : i32
      %add3A_134 = arith.addi %mul3A_132, %add3A_133 : i32
      %dma_start3A_135 = arith.constant 0 : i32
      %dma_start3A_136 = tpu.memref_slice %arg6[%mul3A_130, %dma_start3A_135] : memref<5120x16xf32, #tpu.memory_space<vmem>> -> memref<128x16xf32, #tpu.memory_space<vmem>>
      %dma_start3A_137 = arith.constant 0 : i32
      %dma_start3A_138 = tpu.memref_slice %arg7[%add3A_134, %dma_start3A_137] : memref<40x128xi32, #tpu.memory_space<vmem>> -> memref<1x128xi32, #tpu.memory_space<vmem>>
      %dma_start3A_139 = tpu.memref_squeeze %dma_start3A_138 : memref<1x128xi32, #tpu.memory_space<vmem>> -> memref<128xi32, #tpu.memory_space<vmem>>
      %dma_start3A_140 = arith.constant 0 : i32
      %dma_start3A_141 = arith.constant 0 : i32
      %dma_start3A_142 = tpu.memref_slice %arg8[%dma_start3A_140, %dma_start3A_141] : memref<10240x16xf32, #tpu.memory_space<vmem_shared>> -> memref<10240x16xf32, #tpu.memory_space<vmem_shared>>
      tpu.enqueue_indirect_dma source(%dma_start3A_136 : memref<128x16xf32, #tpu.memory_space<vmem>>) target(%dma_start3A_142 : memref<10240x16xf32, #tpu.memory_space<vmem_shared>>) offsets(%dma_start3A_139 : memref<128xi32, #tpu.memory_space<vmem>>) semaphore(%arg9 : memref<!tpu.dma_semaphore, #tpu.memory_space<semaphore_mem>>) {add = true}
      %mul3A_143 = arith.constant 8 : i32
      %mul3A_144 = arith.muli %scan3A_17, %mul3A_143 : i32
      %add3A_145 = arith.constant 7 : i32
      %add3A_146 = arith.addi %mul3A_144, %add3A_145 : i32
      %mul3A_147 = arith.constant 128 : i32
      %mul3A_148 = arith.muli %add3A_146, %mul3A_147 : i32
      %mul3A_149 = arith.constant 8 : i32
      %mul3A_150 = arith.muli %scan3A_17, %mul3A_149 : i32
      %add3A_151 = arith.constant 7 : i32
      %add3A_152 = arith.addi %mul3A_150, %add3A_151 : i32
      %dma_start3A_153 = arith.constant 0 : i32
      %dma_start3A_154 = tpu.memref_slice %arg6[%mul3A_148, %dma_start3A_153] : memref<5120x16xf32, #tpu.memory_space<vmem>> -> memref<128x16xf32, #tpu.memory_space<vmem>>
      %dma_start3A_155 = arith.constant 0 : i32
      %dma_start3A_156 = tpu.memref_slice %arg7[%add3A_152, %dma_start3A_155] : memref<40x128xi32, #tpu.memory_space<vmem>> -> memref<1x128xi32, #tpu.memory_space<vmem>>
      %dma_start3A_157 = tpu.memref_squeeze %dma_start3A_156 : memref<1x128xi32, #tpu.memory_space<vmem>> -> memref<128xi32, #tpu.memory_space<vmem>>
      %dma_start3A_158 = arith.constant 0 : i32
      %dma_start3A_159 = arith.constant 0 : i32
      %dma_start3A_160 = tpu.memref_slice %arg8[%dma_start3A_158, %dma_start3A_159] : memref<10240x16xf32, #tpu.memory_space<vmem_shared>> -> memref<10240x16xf32, #tpu.memory_space<vmem_shared>>
      tpu.enqueue_indirect_dma source(%dma_start3A_154 : memref<128x16xf32, #tpu.memory_space<vmem>>) target(%dma_start3A_160 : memref<10240x16xf32, #tpu.memory_space<vmem_shared>>) offsets(%dma_start3A_157 : memref<128xi32, #tpu.memory_space<vmem>>) semaphore(%arg9 : memref<!tpu.dma_semaphore, #tpu.memory_space<semaphore_mem>>) {add = true}
      %dma_wait3A = arith.constant 0 : i32
      %dma_wait3A_161 = tpu.memref_slice %arg6[%mul3A_23, %dma_wait3A] : memref<5120x16xf32, #tpu.memory_space<vmem>> -> memref<128x16xf32, #tpu.memory_space<vmem>>
      %dma_wait3A_162 = arith.constant 0 : i32
      %dma_wait3A_163 = tpu.memref_slice %arg7[%add3A_27, %dma_wait3A_162] : memref<40x128xi32, #tpu.memory_space<vmem>> -> memref<1x128xi32, #tpu.memory_space<vmem>>
      %dma_wait3A_164 = tpu.memref_squeeze %dma_wait3A_163 : memref<1x128xi32, #tpu.memory_space<vmem>> -> memref<128xi32, #tpu.memory_space<vmem>>
      %dma_wait3A_165 = arith.constant 0 : i32
      %dma_wait3A_166 = arith.constant 0 : i32
      %dma_wait3A_167 = tpu.memref_slice %arg8[%dma_wait3A_165, %dma_wait3A_166] : memref<10240x16xf32, #tpu.memory_space<vmem_shared>> -> memref<10240x16xf32, #tpu.memory_space<vmem_shared>>
      tpu.wait_indirect_dma semaphore(%arg9 : memref<!tpu.dma_semaphore, #tpu.memory_space<semaphore_mem>>) src(%dma_wait3A_161 : memref<128x16xf32, #tpu.memory_space<vmem>>) dst(%dma_wait3A_167 : memref<10240x16xf32, #tpu.memory_space<vmem_shared>>)
      %dma_wait3A_168 = arith.constant 0 : i32
      %dma_wait3A_169 = tpu.memref_slice %arg6[%mul3A_40, %dma_wait3A_168] : memref<5120x16xf32, #tpu.memory_space<vmem>> -> memref<128x16xf32, #tpu.memory_space<vmem>>
      %dma_wait3A_170 = arith.constant 0 : i32
      %dma_wait3A_171 = tpu.memref_slice %arg7[%add3A_44, %dma_wait3A_170] : memref<40x128xi32, #tpu.memory_space<vmem>> -> memref<1x128xi32, #tpu.memory_space<vmem>>
      %dma_wait3A_172 = tpu.memref_squeeze %dma_wait3A_171 : memref<1x128xi32, #tpu.memory_space<vmem>> -> memref<128xi32, #tpu.memory_space<vmem>>
      %dma_wait3A_173 = arith.constant 0 : i32
      %dma_wait3A_174 = arith.constant 0 : i32
      %dma_wait3A_175 = tpu.memref_slice %arg8[%dma_wait3A_173, %dma_wait3A_174] : memref<10240x16xf32, #tpu.memory_space<vmem_shared>> -> memref<10240x16xf32, #tpu.memory_space<vmem_shared>>
      tpu.wait_indirect_dma semaphore(%arg9 : memref<!tpu.dma_semaphore, #tpu.memory_space<semaphore_mem>>) src(%dma_wait3A_169 : memref<128x16xf32, #tpu.memory_space<vmem>>) dst(%dma_wait3A_175 : memref<10240x16xf32, #tpu.memory_space<vmem_shared>>)
      %dma_wait3A_176 = arith.constant 0 : i32
      %dma_wait3A_177 = tpu.memref_slice %arg6[%mul3A_58, %dma_wait3A_176] : memref<5120x16xf32, #tpu.memory_space<vmem>> -> memref<128x16xf32, #tpu.memory_space<vmem>>
      %dma_wait3A_178 = arith.constant 0 : i32
      %dma_wait3A_179 = tpu.memref_slice %arg7[%add3A_62, %dma_wait3A_178] : memref<40x128xi32, #tpu.memory_space<vmem>> -> memref<1x128xi32, #tpu.memory_space<vmem>>
      %dma_wait3A_180 = tpu.memref_squeeze %dma_wait3A_179 : memref<1x128xi32, #tpu.memory_space<vmem>> -> memref<128xi32, #tpu.memory_space<vmem>>
      %dma_wait3A_181 = arith.constant 0 : i32
      %dma_wait3A_182 = arith.constant 0 : i32
      %dma_wait3A_183 = tpu.memref_slice %arg8[%dma_wait3A_181, %dma_wait3A_182] : memref<10240x16xf32, #tpu.memory_space<vmem_shared>> -> memref<10240x16xf32, #tpu.memory_space<vmem_shared>>
      tpu.wait_indirect_dma semaphore(%arg9 : memref<!tpu.dma_semaphore, #tpu.memory_space<semaphore_mem>>) src(%dma_wait3A_177 : memref<128x16xf32, #tpu.memory_space<vmem>>) dst(%dma_wait3A_183 : memref<10240x16xf32, #tpu.memory_space<vmem_shared>>)
      %dma_wait3A_184 = arith.constant 0 : i32
      %dma_wait3A_185 = tpu.memref_slice %arg6[%mul3A_76, %dma_wait3A_184] : memref<5120x16xf32, #tpu.memory_space<vmem>> -> memref<128x16xf32, #tpu.memory_space<vmem>>
      %dma_wait3A_186 = arith.constant 0 : i32
      %dma_wait3A_187 = tpu.memref_slice %arg7[%add3A_80, %dma_wait3A_186] : memref<40x128xi32, #tpu.memory_space<vmem>> -> memref<1x128xi32, #tpu.memory_space<vmem>>
      %dma_wait3A_188 = tpu.memref_squeeze %dma_wait3A_187 : memref<1x128xi32, #tpu.memory_space<vmem>> -> memref<128xi32, #tpu.memory_space<vmem>>
      %dma_wait3A_189 = arith.constant 0 : i32
      %dma_wait3A_190 = arith.constant 0 : i32
      %dma_wait3A_191 = tpu.memref_slice %arg8[%dma_wait3A_189, %dma_wait3A_190] : memref<10240x16xf32, #tpu.memory_space<vmem_shared>> -> memref<10240x16xf32, #tpu.memory_space<vmem_shared>>
      tpu.wait_indirect_dma semaphore(%arg9 : memref<!tpu.dma_semaphore, #tpu.memory_space<semaphore_mem>>) src(%dma_wait3A_185 : memref<128x16xf32, #tpu.memory_space<vmem>>) dst(%dma_wait3A_191 : memref<10240x16xf32, #tpu.memory_space<vmem_shared>>)
      %dma_wait3A_192 = arith.constant 0 : i32
      %dma_wait3A_193 = tpu.memref_slice %arg6[%mul3A_94, %dma_wait3A_192] : memref<5120x16xf32, #tpu.memory_space<vmem>> -> memref<128x16xf32, #tpu.memory_space<vmem>>
      %dma_wait3A_194 = arith.constant 0 : i32
      %dma_wait3A_195 = tpu.memref_slice %arg7[%add3A_98, %dma_wait3A_194] : memref<40x128xi32, #tpu.memory_space<vmem>> -> memref<1x128xi32, #tpu.memory_space<vmem>>
      %dma_wait3A_196 = tpu.memref_squeeze %dma_wait3A_195 : memref<1x128xi32, #tpu.memory_space<vmem>> -> memref<128xi32, #tpu.memory_space<vmem>>
      %dma_wait3A_197 = arith.constant 0 : i32
      %dma_wait3A_198 = arith.constant 0 : i32
      %dma_wait3A_199 = tpu.memref_slice %arg8[%dma_wait3A_197, %dma_wait3A_198] : memref<10240x16xf32, #tpu.memory_space<vmem_shared>> -> memref<10240x16xf32, #tpu.memory_space<vmem_shared>>
      tpu.wait_indirect_dma semaphore(%arg9 : memref<!tpu.dma_semaphore, #tpu.memory_space<semaphore_mem>>) src(%dma_wait3A_193 : memref<128x16xf32, #tpu.memory_space<vmem>>) dst(%dma_wait3A_199 : memref<10240x16xf32, #tpu.memory_space<vmem_shared>>)
      %dma_wait3A_200 = arith.constant 0 : i32
      %dma_wait3A_201 = tpu.memref_slice %arg6[%mul3A_112, %dma_wait3A_200] : memref<5120x16xf32, #tpu.memory_space<vmem>> -> memref<128x16xf32, #tpu.memory_space<vmem>>
      %dma_wait3A_202 = arith.constant 0 : i32
      %dma_wait3A_203 = tpu.memref_slice %arg7[%add3A_116, %dma_wait3A_202] : memref<40x128xi32, #tpu.memory_space<vmem>> -> memref<1x128xi32, #tpu.memory_space<vmem>>
      %dma_wait3A_204 = tpu.memref_squeeze %dma_wait3A_203 : memref<1x128xi32, #tpu.memory_space<vmem>> -> memref<128xi32, #tpu.memory_space<vmem>>
      %dma_wait3A_205 = arith.constant 0 : i32
      %dma_wait3A_206 = arith.constant 0 : i32
      %dma_wait3A_207 = tpu.memref_slice %arg8[%dma_wait3A_205, %dma_wait3A_206] : memref<10240x16xf32, #tpu.memory_space<vmem_shared>> -> memref<10240x16xf32, #tpu.memory_space<vmem_shared>>
      tpu.wait_indirect_dma semaphore(%arg9 : memref<!tpu.dma_semaphore, #tpu.memory_space<semaphore_mem>>) src(%dma_wait3A_201 : memref<128x16xf32, #tpu.memory_space<vmem>>) dst(%dma_wait3A_207 : memref<10240x16xf32, #tpu.memory_space<vmem_shared>>)
      %dma_wait3A_208 = arith.constant 0 : i32
      %dma_wait3A_209 = tpu.memref_slice %arg6[%mul3A_130, %dma_wait3A_208] : memref<5120x16xf32, #tpu.memory_space<vmem>> -> memref<128x16xf32, #tpu.memory_space<vmem>>
      %dma_wait3A_210 = arith.constant 0 : i32
      %dma_wait3A_211 = tpu.memref_slice %arg7[%add3A_134, %dma_wait3A_210] : memref<40x128xi32, #tpu.memory_space<vmem>> -> memref<1x128xi32, #tpu.memory_space<vmem>>
      %dma_wait3A_212 = tpu.memref_squeeze %dma_wait3A_211 : memref<1x128xi32, #tpu.memory_space<vmem>> -> memref<128xi32, #tpu.memory_space<vmem>>
      %dma_wait3A_213 = arith.constant 0 : i32
      %dma_wait3A_214 = arith.constant 0 : i32
      %dma_wait3A_215 = tpu.memref_slice %arg8[%dma_wait3A_213, %dma_wait3A_214] : memref<10240x16xf32, #tpu.memory_space<vmem_shared>> -> memref<10240x16xf32, #tpu.memory_space<vmem_shared>>
      tpu.wait_indirect_dma semaphore(%arg9 : memref<!tpu.dma_semaphore, #tpu.memory_space<semaphore_mem>>) src(%dma_wait3A_209 : memref<128x16xf32, #tpu.memory_space<vmem>>) dst(%dma_wait3A_215 : memref<10240x16xf32, #tpu.memory_space<vmem_shared>>)
      %dma_wait3A_216 = arith.constant 0 : i32
      %dma_wait3A_217 = tpu.memref_slice %arg6[%mul3A_148, %dma_wait3A_216] : memref<5120x16xf32, #tpu.memory_space<vmem>> -> memref<128x16xf32, #tpu.memory_space<vmem>>
      %dma_wait3A_218 = arith.constant 0 : i32
      %dma_wait3A_219 = tpu.memref_slice %arg7[%add3A_152, %dma_wait3A_218] : memref<40x128xi32, #tpu.memory_space<vmem>> -> memref<1x128xi32, #tpu.memory_space<vmem>>
      %dma_wait3A_220 = tpu.memref_squeeze %dma_wait3A_219 : memref<1x128xi32, #tpu.memory_space<vmem>> -> memref<128xi32, #tpu.memory_space<vmem>>
      %dma_wait3A_221 = arith.constant 0 : i32
      %dma_wait3A_222 = arith.constant 0 : i32
      %dma_wait3A_223 = tpu.memref_slice %arg8[%dma_wait3A_221, %dma_wait3A_222] : memref<10240x16xf32, #tpu.memory_space<vmem_shared>> -> memref<10240x16xf32, #tpu.memory_space<vmem_shared>>
      tpu.wait_indirect_dma semaphore(%arg9 : memref<!tpu.dma_semaphore, #tpu.memory_space<semaphore_mem>>) src(%dma_wait3A_217 : memref<128x16xf32, #tpu.memory_space<vmem>>) dst(%dma_wait3A_223 : memref<10240x16xf32, #tpu.memory_space<vmem_shared>>)
    }
    %scan3A_11 = arith.constant 5 : i32
    %barrier3A_12 = arith.constant 0 : index
    tpu.barrier barrier_id(%barrier3A_12)
    %mul3A_13 = arith.constant 640 : i32
    %mul3A_14 = arith.muli %arg1, %mul3A_13 : i32
    %mul3A_15 = arith.constant 640 : i32
    %mul3A_16 = arith.muli %arg1, %mul3A_15 : i32
    "tpu.region"() ({
      %run_scoped3A = tpu.sem_alloc : memref<!tpu.dma_semaphore, #tpu.memory_space<semaphore_mem>>
      %dma_start3A = arith.constant 0 : i32
      %dma_start3A_17 = arith.constant 0 : i32
      %dma_start3A_18 = tpu.memref_slice %arg5[%arg0, %dma_start3A, %dma_start3A_17] : memref<2x10240x16xf32, #tpu.memory_space<hbm>> -> memref<1x10240x16xf32, #tpu.memory_space<hbm>>
      %dma_start3A_19 = tpu.memref_squeeze %dma_start3A_18 : memref<1x10240x16xf32, #tpu.memory_space<hbm>> -> memref<10240x16xf32, #tpu.memory_space<hbm>>
      %dma_start3A_20 = arith.constant 0 : i32
      %dma_start3A_21 = tpu.memref_slice %dma_start3A_19[%mul3A_16, %dma_start3A_20] : memref<10240x16xf32, #tpu.memory_space<hbm>> -> memref<640x16xf32, #tpu.memory_space<hbm>>
      %dma_start3A_22 = arith.constant 0 : i32
      %dma_start3A_23 = tpu.memref_slice %arg8[%mul3A_14, %dma_start3A_22] : memref<10240x16xf32, #tpu.memory_space<vmem_shared>> -> memref<640x16xf32, #tpu.memory_space<vmem_shared>>
      tpu.enqueue_dma source(%dma_start3A_23 : memref<640x16xf32, #tpu.memory_space<vmem_shared>>) target(%dma_start3A_21 : memref<640x16xf32, #tpu.memory_space<hbm>>) target_semaphore(%run_scoped3A : memref<!tpu.dma_semaphore, #tpu.memory_space<semaphore_mem>>)
      %dma_wait3A = arith.constant 0 : i32
      %dma_wait3A_24 = arith.constant 0 : i32
      %dma_wait3A_25 = tpu.memref_slice %arg5[%arg0, %dma_wait3A, %dma_wait3A_24] : memref<2x10240x16xf32, #tpu.memory_space<hbm>> -> memref<1x10240x16xf32, #tpu.memory_space<hbm>>
      %dma_wait3A_26 = tpu.memref_squeeze %dma_wait3A_25 : memref<1x10240x16xf32, #tpu.memory_space<hbm>> -> memref<10240x16xf32, #tpu.memory_space<hbm>>
      %dma_wait3A_27 = arith.constant 0 : i32
      %dma_wait3A_28 = tpu.memref_slice %dma_wait3A_26[%mul3A_16, %dma_wait3A_27] : memref<10240x16xf32, #tpu.memory_space<hbm>> -> memref<640x16xf32, #tpu.memory_space<hbm>>
      %dma_wait3A_29 = arith.constant 0 : i32
      %dma_wait3A_30 = tpu.memref_slice %arg8[%mul3A_14, %dma_wait3A_29] : memref<10240x16xf32, #tpu.memory_space<vmem_shared>> -> memref<640x16xf32, #tpu.memory_space<vmem_shared>>
      tpu.wait_dma2 semaphore(%run_scoped3A : memref<!tpu.dma_semaphore, #tpu.memory_space<semaphore_mem>>) src(%dma_wait3A_30 : memref<640x16xf32, #tpu.memory_space<vmem_shared>>) dst(%dma_wait3A_28 : memref<640x16xf32, #tpu.memory_space<hbm>>)
      tpu.yield
    }) : () -> ()
    return
  }
}

#map = affine_map<(d0, d1) -> (0, 0)>
#map1 = affine_map<(d0, d1) -> (0, 0, 0)>
module attributes {stable_mosaic.version = 14 : i64} {
  func.func @_gather_body(%arg0: i32, %arg1: i32, %arg2: memref<10240x16xf32, #tpu.memory_space<hbm>>, %arg3: memref<32x40x128xi32, #tpu.memory_space<hbm>>, %arg4: memref<163840x16xf32, #tpu.memory_space<hbm>>, %arg5: memref<40x128xi32, #tpu.memory_space<vmem>>, %arg6: memref<5120x16xf32, #tpu.memory_space<vmem>>, %arg7: memref<!tpu.dma_semaphore, #tpu.memory_space<semaphore_mem>>) attributes {dimension_semantics = [#tpu.dimension_semantics<core_parallel>, #tpu.dimension_semantics<subcore_parallel>], iteration_bounds = array<i64: 2, 16>, scalar_prefetch = 0 : i64, scratch_operands = 3 : i64, tpu.core_type = #tpu.core_type<sc_vector_subcore>, window_params = [{transform_indices = #map}, {transform_indices = #map1}, {transform_indices = #map}]} {
    %mul3A = arith.constant 2 : i32
    %mul3A_0 = arith.muli %arg1, %mul3A : i32
    %add3A = arith.addi %mul3A_0, %arg0 : i32
    "tpu.region"() ({
      %run_scoped3A = tpu.sem_alloc : memref<!tpu.dma_semaphore, #tpu.memory_space<semaphore_mem>>
      %dma_start3A = arith.constant 0 : i32
      %dma_start3A_8 = arith.constant 0 : i32
      %dma_start3A_9 = tpu.memref_slice %arg3[%add3A, %dma_start3A, %dma_start3A_8] : memref<32x40x128xi32, #tpu.memory_space<hbm>> -> memref<1x40x128xi32, #tpu.memory_space<hbm>>
      %dma_start3A_10 = tpu.memref_squeeze %dma_start3A_9 : memref<1x40x128xi32, #tpu.memory_space<hbm>> -> memref<40x128xi32, #tpu.memory_space<hbm>>
      %dma_start3A_11 = arith.constant 0 : i32
      %dma_start3A_12 = arith.constant 0 : i32
      %dma_start3A_13 = tpu.memref_slice %arg3[%add3A, %dma_start3A_11, %dma_start3A_12] : memref<32x40x128xi32, #tpu.memory_space<hbm>> -> memref<1x40x128xi32, #tpu.memory_space<hbm>>
      %dma_start3A_14 = tpu.memref_squeeze %dma_start3A_13 : memref<1x40x128xi32, #tpu.memory_space<hbm>> -> memref<40x128xi32, #tpu.memory_space<hbm>>
      tpu.enqueue_dma source(%dma_start3A_14 : memref<40x128xi32, #tpu.memory_space<hbm>>) target(%arg5 : memref<40x128xi32, #tpu.memory_space<vmem>>) target_semaphore(%run_scoped3A : memref<!tpu.dma_semaphore, #tpu.memory_space<semaphore_mem>>)
      %dma_wait3A = arith.constant 0 : i32
      %dma_wait3A_15 = arith.constant 0 : i32
      %dma_wait3A_16 = tpu.memref_slice %arg3[%add3A, %dma_wait3A, %dma_wait3A_15] : memref<32x40x128xi32, #tpu.memory_space<hbm>> -> memref<1x40x128xi32, #tpu.memory_space<hbm>>
      %dma_wait3A_17 = tpu.memref_squeeze %dma_wait3A_16 : memref<1x40x128xi32, #tpu.memory_space<hbm>> -> memref<40x128xi32, #tpu.memory_space<hbm>>
      %dma_wait3A_18 = arith.constant 0 : i32
      %dma_wait3A_19 = arith.constant 0 : i32
      %dma_wait3A_20 = tpu.memref_slice %arg3[%add3A, %dma_wait3A_18, %dma_wait3A_19] : memref<32x40x128xi32, #tpu.memory_space<hbm>> -> memref<1x40x128xi32, #tpu.memory_space<hbm>>
      %dma_wait3A_21 = tpu.memref_squeeze %dma_wait3A_20 : memref<1x40x128xi32, #tpu.memory_space<hbm>> -> memref<40x128xi32, #tpu.memory_space<hbm>>
      tpu.wait_dma2 semaphore(%run_scoped3A : memref<!tpu.dma_semaphore, #tpu.memory_space<semaphore_mem>>) src(%dma_wait3A_21 : memref<40x128xi32, #tpu.memory_space<hbm>>) dst(%arg5 : memref<40x128xi32, #tpu.memory_space<vmem>>)
      tpu.yield
    }) : () -> ()
    %scan3A = arith.constant 0 : i32
    %scan3A_1 = arith.constant 0 : i32
    %scan3A_2 = arith.constant 5 : i32
    %scan3A_3 = arith.addi %scan3A_1, %scan3A_2 : i32
    %scan3A_4 = arith.constant 1 : i32
    scf.for %scan3A_8 = %scan3A_1 to %scan3A_3 step %scan3A_4  : i32 {
      %mul3A_9 = arith.constant 8 : i32
      %mul3A_10 = arith.muli %scan3A_8, %mul3A_9 : i32
      %add3A_11 = arith.constant 0 : i32
      %add3A_12 = arith.addi %mul3A_10, %add3A_11 : i32
      %mul3A_13 = arith.constant 8 : i32
      %mul3A_14 = arith.muli %scan3A_8, %mul3A_13 : i32
      %add3A_15 = arith.constant 0 : i32
      %add3A_16 = arith.addi %mul3A_14, %add3A_15 : i32
      %mul3A_17 = arith.constant 128 : i32
      %mul3A_18 = arith.muli %add3A_16, %mul3A_17 : i32
      %dma_start3A = arith.constant 0 : i32
      %dma_start3A_19 = tpu.memref_slice %arg6[%mul3A_18, %dma_start3A] : memref<5120x16xf32, #tpu.memory_space<vmem>> -> memref<128x16xf32, #tpu.memory_space<vmem>>
      %dma_start3A_20 = arith.constant 0 : i32
      %dma_start3A_21 = tpu.memref_slice %arg5[%add3A_12, %dma_start3A_20] : memref<40x128xi32, #tpu.memory_space<vmem>> -> memref<1x128xi32, #tpu.memory_space<vmem>>
      %dma_start3A_22 = tpu.memref_squeeze %dma_start3A_21 : memref<1x128xi32, #tpu.memory_space<vmem>> -> memref<128xi32, #tpu.memory_space<vmem>>
      %dma_start3A_23 = arith.constant 0 : i32
      %dma_start3A_24 = arith.constant 0 : i32
      %dma_start3A_25 = tpu.memref_slice %arg2[%dma_start3A_23, %dma_start3A_24] : memref<10240x16xf32, #tpu.memory_space<hbm>> -> memref<10240x16xf32, #tpu.memory_space<hbm>>
      tpu.enqueue_indirect_dma source(%dma_start3A_25 : memref<10240x16xf32, #tpu.memory_space<hbm>>) target(%dma_start3A_19 : memref<128x16xf32, #tpu.memory_space<vmem>>) offsets(%dma_start3A_22 : memref<128xi32, #tpu.memory_space<vmem>>) semaphore(%arg7 : memref<!tpu.dma_semaphore, #tpu.memory_space<semaphore_mem>>)
      %mul3A_26 = arith.constant 8 : i32
      %mul3A_27 = arith.muli %scan3A_8, %mul3A_26 : i32
      %add3A_28 = arith.constant 1 : i32
      %add3A_29 = arith.addi %mul3A_27, %add3A_28 : i32
      %mul3A_30 = arith.constant 8 : i32
      %mul3A_31 = arith.muli %scan3A_8, %mul3A_30 : i32
      %add3A_32 = arith.constant 1 : i32
      %add3A_33 = arith.addi %mul3A_31, %add3A_32 : i32
      %mul3A_34 = arith.constant 128 : i32
      %mul3A_35 = arith.muli %add3A_33, %mul3A_34 : i32
      %dma_start3A_36 = arith.constant 0 : i32
      %dma_start3A_37 = tpu.memref_slice %arg6[%mul3A_35, %dma_start3A_36] : memref<5120x16xf32, #tpu.memory_space<vmem>> -> memref<128x16xf32, #tpu.memory_space<vmem>>
      %dma_start3A_38 = arith.constant 0 : i32
      %dma_start3A_39 = tpu.memref_slice %arg5[%add3A_29, %dma_start3A_38] : memref<40x128xi32, #tpu.memory_space<vmem>> -> memref<1x128xi32, #tpu.memory_space<vmem>>
      %dma_start3A_40 = tpu.memref_squeeze %dma_start3A_39 : memref<1x128xi32, #tpu.memory_space<vmem>> -> memref<128xi32, #tpu.memory_space<vmem>>
      %dma_start3A_41 = arith.constant 0 : i32
      %dma_start3A_42 = arith.constant 0 : i32
      %dma_start3A_43 = tpu.memref_slice %arg2[%dma_start3A_41, %dma_start3A_42] : memref<10240x16xf32, #tpu.memory_space<hbm>> -> memref<10240x16xf32, #tpu.memory_space<hbm>>
      tpu.enqueue_indirect_dma source(%dma_start3A_43 : memref<10240x16xf32, #tpu.memory_space<hbm>>) target(%dma_start3A_37 : memref<128x16xf32, #tpu.memory_space<vmem>>) offsets(%dma_start3A_40 : memref<128xi32, #tpu.memory_space<vmem>>) semaphore(%arg7 : memref<!tpu.dma_semaphore, #tpu.memory_space<semaphore_mem>>)
      %mul3A_44 = arith.constant 8 : i32
      %mul3A_45 = arith.muli %scan3A_8, %mul3A_44 : i32
      %add3A_46 = arith.constant 2 : i32
      %add3A_47 = arith.addi %mul3A_45, %add3A_46 : i32
      %mul3A_48 = arith.constant 8 : i32
      %mul3A_49 = arith.muli %scan3A_8, %mul3A_48 : i32
      %add3A_50 = arith.constant 2 : i32
      %add3A_51 = arith.addi %mul3A_49, %add3A_50 : i32
      %mul3A_52 = arith.constant 128 : i32
      %mul3A_53 = arith.muli %add3A_51, %mul3A_52 : i32
      %dma_start3A_54 = arith.constant 0 : i32
      %dma_start3A_55 = tpu.memref_slice %arg6[%mul3A_53, %dma_start3A_54] : memref<5120x16xf32, #tpu.memory_space<vmem>> -> memref<128x16xf32, #tpu.memory_space<vmem>>
      %dma_start3A_56 = arith.constant 0 : i32
      %dma_start3A_57 = tpu.memref_slice %arg5[%add3A_47, %dma_start3A_56] : memref<40x128xi32, #tpu.memory_space<vmem>> -> memref<1x128xi32, #tpu.memory_space<vmem>>
      %dma_start3A_58 = tpu.memref_squeeze %dma_start3A_57 : memref<1x128xi32, #tpu.memory_space<vmem>> -> memref<128xi32, #tpu.memory_space<vmem>>
      %dma_start3A_59 = arith.constant 0 : i32
      %dma_start3A_60 = arith.constant 0 : i32
      %dma_start3A_61 = tpu.memref_slice %arg2[%dma_start3A_59, %dma_start3A_60] : memref<10240x16xf32, #tpu.memory_space<hbm>> -> memref<10240x16xf32, #tpu.memory_space<hbm>>
      tpu.enqueue_indirect_dma source(%dma_start3A_61 : memref<10240x16xf32, #tpu.memory_space<hbm>>) target(%dma_start3A_55 : memref<128x16xf32, #tpu.memory_space<vmem>>) offsets(%dma_start3A_58 : memref<128xi32, #tpu.memory_space<vmem>>) semaphore(%arg7 : memref<!tpu.dma_semaphore, #tpu.memory_space<semaphore_mem>>)
      %mul3A_62 = arith.constant 8 : i32
      %mul3A_63 = arith.muli %scan3A_8, %mul3A_62 : i32
      %add3A_64 = arith.constant 3 : i32
      %add3A_65 = arith.addi %mul3A_63, %add3A_64 : i32
      %mul3A_66 = arith.constant 8 : i32
      %mul3A_67 = arith.muli %scan3A_8, %mul3A_66 : i32
      %add3A_68 = arith.constant 3 : i32
      %add3A_69 = arith.addi %mul3A_67, %add3A_68 : i32
      %mul3A_70 = arith.constant 128 : i32
      %mul3A_71 = arith.muli %add3A_69, %mul3A_70 : i32
      %dma_start3A_72 = arith.constant 0 : i32
      %dma_start3A_73 = tpu.memref_slice %arg6[%mul3A_71, %dma_start3A_72] : memref<5120x16xf32, #tpu.memory_space<vmem>> -> memref<128x16xf32, #tpu.memory_space<vmem>>
      %dma_start3A_74 = arith.constant 0 : i32
      %dma_start3A_75 = tpu.memref_slice %arg5[%add3A_65, %dma_start3A_74] : memref<40x128xi32, #tpu.memory_space<vmem>> -> memref<1x128xi32, #tpu.memory_space<vmem>>
      %dma_start3A_76 = tpu.memref_squeeze %dma_start3A_75 : memref<1x128xi32, #tpu.memory_space<vmem>> -> memref<128xi32, #tpu.memory_space<vmem>>
      %dma_start3A_77 = arith.constant 0 : i32
      %dma_start3A_78 = arith.constant 0 : i32
      %dma_start3A_79 = tpu.memref_slice %arg2[%dma_start3A_77, %dma_start3A_78] : memref<10240x16xf32, #tpu.memory_space<hbm>> -> memref<10240x16xf32, #tpu.memory_space<hbm>>
      tpu.enqueue_indirect_dma source(%dma_start3A_79 : memref<10240x16xf32, #tpu.memory_space<hbm>>) target(%dma_start3A_73 : memref<128x16xf32, #tpu.memory_space<vmem>>) offsets(%dma_start3A_76 : memref<128xi32, #tpu.memory_space<vmem>>) semaphore(%arg7 : memref<!tpu.dma_semaphore, #tpu.memory_space<semaphore_mem>>)
      %mul3A_80 = arith.constant 8 : i32
      %mul3A_81 = arith.muli %scan3A_8, %mul3A_80 : i32
      %add3A_82 = arith.constant 4 : i32
      %add3A_83 = arith.addi %mul3A_81, %add3A_82 : i32
      %mul3A_84 = arith.constant 8 : i32
      %mul3A_85 = arith.muli %scan3A_8, %mul3A_84 : i32
      %add3A_86 = arith.constant 4 : i32
      %add3A_87 = arith.addi %mul3A_85, %add3A_86 : i32
      %mul3A_88 = arith.constant 128 : i32
      %mul3A_89 = arith.muli %add3A_87, %mul3A_88 : i32
      %dma_start3A_90 = arith.constant 0 : i32
      %dma_start3A_91 = tpu.memref_slice %arg6[%mul3A_89, %dma_start3A_90] : memref<5120x16xf32, #tpu.memory_space<vmem>> -> memref<128x16xf32, #tpu.memory_space<vmem>>
      %dma_start3A_92 = arith.constant 0 : i32
      %dma_start3A_93 = tpu.memref_slice %arg5[%add3A_83, %dma_start3A_92] : memref<40x128xi32, #tpu.memory_space<vmem>> -> memref<1x128xi32, #tpu.memory_space<vmem>>
      %dma_start3A_94 = tpu.memref_squeeze %dma_start3A_93 : memref<1x128xi32, #tpu.memory_space<vmem>> -> memref<128xi32, #tpu.memory_space<vmem>>
      %dma_start3A_95 = arith.constant 0 : i32
      %dma_start3A_96 = arith.constant 0 : i32
      %dma_start3A_97 = tpu.memref_slice %arg2[%dma_start3A_95, %dma_start3A_96] : memref<10240x16xf32, #tpu.memory_space<hbm>> -> memref<10240x16xf32, #tpu.memory_space<hbm>>
      tpu.enqueue_indirect_dma source(%dma_start3A_97 : memref<10240x16xf32, #tpu.memory_space<hbm>>) target(%dma_start3A_91 : memref<128x16xf32, #tpu.memory_space<vmem>>) offsets(%dma_start3A_94 : memref<128xi32, #tpu.memory_space<vmem>>) semaphore(%arg7 : memref<!tpu.dma_semaphore, #tpu.memory_space<semaphore_mem>>)
      %mul3A_98 = arith.constant 8 : i32
      %mul3A_99 = arith.muli %scan3A_8, %mul3A_98 : i32
      %add3A_100 = arith.constant 5 : i32
      %add3A_101 = arith.addi %mul3A_99, %add3A_100 : i32
      %mul3A_102 = arith.constant 8 : i32
      %mul3A_103 = arith.muli %scan3A_8, %mul3A_102 : i32
      %add3A_104 = arith.constant 5 : i32
      %add3A_105 = arith.addi %mul3A_103, %add3A_104 : i32
      %mul3A_106 = arith.constant 128 : i32
      %mul3A_107 = arith.muli %add3A_105, %mul3A_106 : i32
      %dma_start3A_108 = arith.constant 0 : i32
      %dma_start3A_109 = tpu.memref_slice %arg6[%mul3A_107, %dma_start3A_108] : memref<5120x16xf32, #tpu.memory_space<vmem>> -> memref<128x16xf32, #tpu.memory_space<vmem>>
      %dma_start3A_110 = arith.constant 0 : i32
      %dma_start3A_111 = tpu.memref_slice %arg5[%add3A_101, %dma_start3A_110] : memref<40x128xi32, #tpu.memory_space<vmem>> -> memref<1x128xi32, #tpu.memory_space<vmem>>
      %dma_start3A_112 = tpu.memref_squeeze %dma_start3A_111 : memref<1x128xi32, #tpu.memory_space<vmem>> -> memref<128xi32, #tpu.memory_space<vmem>>
      %dma_start3A_113 = arith.constant 0 : i32
      %dma_start3A_114 = arith.constant 0 : i32
      %dma_start3A_115 = tpu.memref_slice %arg2[%dma_start3A_113, %dma_start3A_114] : memref<10240x16xf32, #tpu.memory_space<hbm>> -> memref<10240x16xf32, #tpu.memory_space<hbm>>
      tpu.enqueue_indirect_dma source(%dma_start3A_115 : memref<10240x16xf32, #tpu.memory_space<hbm>>) target(%dma_start3A_109 : memref<128x16xf32, #tpu.memory_space<vmem>>) offsets(%dma_start3A_112 : memref<128xi32, #tpu.memory_space<vmem>>) semaphore(%arg7 : memref<!tpu.dma_semaphore, #tpu.memory_space<semaphore_mem>>)
      %mul3A_116 = arith.constant 8 : i32
      %mul3A_117 = arith.muli %scan3A_8, %mul3A_116 : i32
      %add3A_118 = arith.constant 6 : i32
      %add3A_119 = arith.addi %mul3A_117, %add3A_118 : i32
      %mul3A_120 = arith.constant 8 : i32
      %mul3A_121 = arith.muli %scan3A_8, %mul3A_120 : i32
      %add3A_122 = arith.constant 6 : i32
      %add3A_123 = arith.addi %mul3A_121, %add3A_122 : i32
      %mul3A_124 = arith.constant 128 : i32
      %mul3A_125 = arith.muli %add3A_123, %mul3A_124 : i32
      %dma_start3A_126 = arith.constant 0 : i32
      %dma_start3A_127 = tpu.memref_slice %arg6[%mul3A_125, %dma_start3A_126] : memref<5120x16xf32, #tpu.memory_space<vmem>> -> memref<128x16xf32, #tpu.memory_space<vmem>>
      %dma_start3A_128 = arith.constant 0 : i32
      %dma_start3A_129 = tpu.memref_slice %arg5[%add3A_119, %dma_start3A_128] : memref<40x128xi32, #tpu.memory_space<vmem>> -> memref<1x128xi32, #tpu.memory_space<vmem>>
      %dma_start3A_130 = tpu.memref_squeeze %dma_start3A_129 : memref<1x128xi32, #tpu.memory_space<vmem>> -> memref<128xi32, #tpu.memory_space<vmem>>
      %dma_start3A_131 = arith.constant 0 : i32
      %dma_start3A_132 = arith.constant 0 : i32
      %dma_start3A_133 = tpu.memref_slice %arg2[%dma_start3A_131, %dma_start3A_132] : memref<10240x16xf32, #tpu.memory_space<hbm>> -> memref<10240x16xf32, #tpu.memory_space<hbm>>
      tpu.enqueue_indirect_dma source(%dma_start3A_133 : memref<10240x16xf32, #tpu.memory_space<hbm>>) target(%dma_start3A_127 : memref<128x16xf32, #tpu.memory_space<vmem>>) offsets(%dma_start3A_130 : memref<128xi32, #tpu.memory_space<vmem>>) semaphore(%arg7 : memref<!tpu.dma_semaphore, #tpu.memory_space<semaphore_mem>>)
      %mul3A_134 = arith.constant 8 : i32
      %mul3A_135 = arith.muli %scan3A_8, %mul3A_134 : i32
      %add3A_136 = arith.constant 7 : i32
      %add3A_137 = arith.addi %mul3A_135, %add3A_136 : i32
      %mul3A_138 = arith.constant 8 : i32
      %mul3A_139 = arith.muli %scan3A_8, %mul3A_138 : i32
      %add3A_140 = arith.constant 7 : i32
      %add3A_141 = arith.addi %mul3A_139, %add3A_140 : i32
      %mul3A_142 = arith.constant 128 : i32
      %mul3A_143 = arith.muli %add3A_141, %mul3A_142 : i32
      %dma_start3A_144 = arith.constant 0 : i32
      %dma_start3A_145 = tpu.memref_slice %arg6[%mul3A_143, %dma_start3A_144] : memref<5120x16xf32, #tpu.memory_space<vmem>> -> memref<128x16xf32, #tpu.memory_space<vmem>>
      %dma_start3A_146 = arith.constant 0 : i32
      %dma_start3A_147 = tpu.memref_slice %arg5[%add3A_137, %dma_start3A_146] : memref<40x128xi32, #tpu.memory_space<vmem>> -> memref<1x128xi32, #tpu.memory_space<vmem>>
      %dma_start3A_148 = tpu.memref_squeeze %dma_start3A_147 : memref<1x128xi32, #tpu.memory_space<vmem>> -> memref<128xi32, #tpu.memory_space<vmem>>
      %dma_start3A_149 = arith.constant 0 : i32
      %dma_start3A_150 = arith.constant 0 : i32
      %dma_start3A_151 = tpu.memref_slice %arg2[%dma_start3A_149, %dma_start3A_150] : memref<10240x16xf32, #tpu.memory_space<hbm>> -> memref<10240x16xf32, #tpu.memory_space<hbm>>
      tpu.enqueue_indirect_dma source(%dma_start3A_151 : memref<10240x16xf32, #tpu.memory_space<hbm>>) target(%dma_start3A_145 : memref<128x16xf32, #tpu.memory_space<vmem>>) offsets(%dma_start3A_148 : memref<128xi32, #tpu.memory_space<vmem>>) semaphore(%arg7 : memref<!tpu.dma_semaphore, #tpu.memory_space<semaphore_mem>>)
      %dma_wait3A = arith.constant 0 : i32
      %dma_wait3A_152 = tpu.memref_slice %arg6[%mul3A_18, %dma_wait3A] : memref<5120x16xf32, #tpu.memory_space<vmem>> -> memref<128x16xf32, #tpu.memory_space<vmem>>
      %dma_wait3A_153 = arith.constant 0 : i32
      %dma_wait3A_154 = tpu.memref_slice %arg5[%add3A_12, %dma_wait3A_153] : memref<40x128xi32, #tpu.memory_space<vmem>> -> memref<1x128xi32, #tpu.memory_space<vmem>>
      %dma_wait3A_155 = tpu.memref_squeeze %dma_wait3A_154 : memref<1x128xi32, #tpu.memory_space<vmem>> -> memref<128xi32, #tpu.memory_space<vmem>>
      %dma_wait3A_156 = arith.constant 0 : i32
      %dma_wait3A_157 = arith.constant 0 : i32
      %dma_wait3A_158 = tpu.memref_slice %arg2[%dma_wait3A_156, %dma_wait3A_157] : memref<10240x16xf32, #tpu.memory_space<hbm>> -> memref<10240x16xf32, #tpu.memory_space<hbm>>
      tpu.wait_indirect_dma semaphore(%arg7 : memref<!tpu.dma_semaphore, #tpu.memory_space<semaphore_mem>>) src(%dma_wait3A_158 : memref<10240x16xf32, #tpu.memory_space<hbm>>) dst(%dma_wait3A_152 : memref<128x16xf32, #tpu.memory_space<vmem>>)
      %dma_wait3A_159 = arith.constant 0 : i32
      %dma_wait3A_160 = tpu.memref_slice %arg6[%mul3A_35, %dma_wait3A_159] : memref<5120x16xf32, #tpu.memory_space<vmem>> -> memref<128x16xf32, #tpu.memory_space<vmem>>
      %dma_wait3A_161 = arith.constant 0 : i32
      %dma_wait3A_162 = tpu.memref_slice %arg5[%add3A_29, %dma_wait3A_161] : memref<40x128xi32, #tpu.memory_space<vmem>> -> memref<1x128xi32, #tpu.memory_space<vmem>>
      %dma_wait3A_163 = tpu.memref_squeeze %dma_wait3A_162 : memref<1x128xi32, #tpu.memory_space<vmem>> -> memref<128xi32, #tpu.memory_space<vmem>>
      %dma_wait3A_164 = arith.constant 0 : i32
      %dma_wait3A_165 = arith.constant 0 : i32
      %dma_wait3A_166 = tpu.memref_slice %arg2[%dma_wait3A_164, %dma_wait3A_165] : memref<10240x16xf32, #tpu.memory_space<hbm>> -> memref<10240x16xf32, #tpu.memory_space<hbm>>
      tpu.wait_indirect_dma semaphore(%arg7 : memref<!tpu.dma_semaphore, #tpu.memory_space<semaphore_mem>>) src(%dma_wait3A_166 : memref<10240x16xf32, #tpu.memory_space<hbm>>) dst(%dma_wait3A_160 : memref<128x16xf32, #tpu.memory_space<vmem>>)
      %dma_wait3A_167 = arith.constant 0 : i32
      %dma_wait3A_168 = tpu.memref_slice %arg6[%mul3A_53, %dma_wait3A_167] : memref<5120x16xf32, #tpu.memory_space<vmem>> -> memref<128x16xf32, #tpu.memory_space<vmem>>
      %dma_wait3A_169 = arith.constant 0 : i32
      %dma_wait3A_170 = tpu.memref_slice %arg5[%add3A_47, %dma_wait3A_169] : memref<40x128xi32, #tpu.memory_space<vmem>> -> memref<1x128xi32, #tpu.memory_space<vmem>>
      %dma_wait3A_171 = tpu.memref_squeeze %dma_wait3A_170 : memref<1x128xi32, #tpu.memory_space<vmem>> -> memref<128xi32, #tpu.memory_space<vmem>>
      %dma_wait3A_172 = arith.constant 0 : i32
      %dma_wait3A_173 = arith.constant 0 : i32
      %dma_wait3A_174 = tpu.memref_slice %arg2[%dma_wait3A_172, %dma_wait3A_173] : memref<10240x16xf32, #tpu.memory_space<hbm>> -> memref<10240x16xf32, #tpu.memory_space<hbm>>
      tpu.wait_indirect_dma semaphore(%arg7 : memref<!tpu.dma_semaphore, #tpu.memory_space<semaphore_mem>>) src(%dma_wait3A_174 : memref<10240x16xf32, #tpu.memory_space<hbm>>) dst(%dma_wait3A_168 : memref<128x16xf32, #tpu.memory_space<vmem>>)
      %dma_wait3A_175 = arith.constant 0 : i32
      %dma_wait3A_176 = tpu.memref_slice %arg6[%mul3A_71, %dma_wait3A_175] : memref<5120x16xf32, #tpu.memory_space<vmem>> -> memref<128x16xf32, #tpu.memory_space<vmem>>
      %dma_wait3A_177 = arith.constant 0 : i32
      %dma_wait3A_178 = tpu.memref_slice %arg5[%add3A_65, %dma_wait3A_177] : memref<40x128xi32, #tpu.memory_space<vmem>> -> memref<1x128xi32, #tpu.memory_space<vmem>>
      %dma_wait3A_179 = tpu.memref_squeeze %dma_wait3A_178 : memref<1x128xi32, #tpu.memory_space<vmem>> -> memref<128xi32, #tpu.memory_space<vmem>>
      %dma_wait3A_180 = arith.constant 0 : i32
      %dma_wait3A_181 = arith.constant 0 : i32
      %dma_wait3A_182 = tpu.memref_slice %arg2[%dma_wait3A_180, %dma_wait3A_181] : memref<10240x16xf32, #tpu.memory_space<hbm>> -> memref<10240x16xf32, #tpu.memory_space<hbm>>
      tpu.wait_indirect_dma semaphore(%arg7 : memref<!tpu.dma_semaphore, #tpu.memory_space<semaphore_mem>>) src(%dma_wait3A_182 : memref<10240x16xf32, #tpu.memory_space<hbm>>) dst(%dma_wait3A_176 : memref<128x16xf32, #tpu.memory_space<vmem>>)
      %dma_wait3A_183 = arith.constant 0 : i32
      %dma_wait3A_184 = tpu.memref_slice %arg6[%mul3A_89, %dma_wait3A_183] : memref<5120x16xf32, #tpu.memory_space<vmem>> -> memref<128x16xf32, #tpu.memory_space<vmem>>
      %dma_wait3A_185 = arith.constant 0 : i32
      %dma_wait3A_186 = tpu.memref_slice %arg5[%add3A_83, %dma_wait3A_185] : memref<40x128xi32, #tpu.memory_space<vmem>> -> memref<1x128xi32, #tpu.memory_space<vmem>>
      %dma_wait3A_187 = tpu.memref_squeeze %dma_wait3A_186 : memref<1x128xi32, #tpu.memory_space<vmem>> -> memref<128xi32, #tpu.memory_space<vmem>>
      %dma_wait3A_188 = arith.constant 0 : i32
      %dma_wait3A_189 = arith.constant 0 : i32
      %dma_wait3A_190 = tpu.memref_slice %arg2[%dma_wait3A_188, %dma_wait3A_189] : memref<10240x16xf32, #tpu.memory_space<hbm>> -> memref<10240x16xf32, #tpu.memory_space<hbm>>
      tpu.wait_indirect_dma semaphore(%arg7 : memref<!tpu.dma_semaphore, #tpu.memory_space<semaphore_mem>>) src(%dma_wait3A_190 : memref<10240x16xf32, #tpu.memory_space<hbm>>) dst(%dma_wait3A_184 : memref<128x16xf32, #tpu.memory_space<vmem>>)
      %dma_wait3A_191 = arith.constant 0 : i32
      %dma_wait3A_192 = tpu.memref_slice %arg6[%mul3A_107, %dma_wait3A_191] : memref<5120x16xf32, #tpu.memory_space<vmem>> -> memref<128x16xf32, #tpu.memory_space<vmem>>
      %dma_wait3A_193 = arith.constant 0 : i32
      %dma_wait3A_194 = tpu.memref_slice %arg5[%add3A_101, %dma_wait3A_193] : memref<40x128xi32, #tpu.memory_space<vmem>> -> memref<1x128xi32, #tpu.memory_space<vmem>>
      %dma_wait3A_195 = tpu.memref_squeeze %dma_wait3A_194 : memref<1x128xi32, #tpu.memory_space<vmem>> -> memref<128xi32, #tpu.memory_space<vmem>>
      %dma_wait3A_196 = arith.constant 0 : i32
      %dma_wait3A_197 = arith.constant 0 : i32
      %dma_wait3A_198 = tpu.memref_slice %arg2[%dma_wait3A_196, %dma_wait3A_197] : memref<10240x16xf32, #tpu.memory_space<hbm>> -> memref<10240x16xf32, #tpu.memory_space<hbm>>
      tpu.wait_indirect_dma semaphore(%arg7 : memref<!tpu.dma_semaphore, #tpu.memory_space<semaphore_mem>>) src(%dma_wait3A_198 : memref<10240x16xf32, #tpu.memory_space<hbm>>) dst(%dma_wait3A_192 : memref<128x16xf32, #tpu.memory_space<vmem>>)
      %dma_wait3A_199 = arith.constant 0 : i32
      %dma_wait3A_200 = tpu.memref_slice %arg6[%mul3A_125, %dma_wait3A_199] : memref<5120x16xf32, #tpu.memory_space<vmem>> -> memref<128x16xf32, #tpu.memory_space<vmem>>
      %dma_wait3A_201 = arith.constant 0 : i32
      %dma_wait3A_202 = tpu.memref_slice %arg5[%add3A_119, %dma_wait3A_201] : memref<40x128xi32, #tpu.memory_space<vmem>> -> memref<1x128xi32, #tpu.memory_space<vmem>>
      %dma_wait3A_203 = tpu.memref_squeeze %dma_wait3A_202 : memref<1x128xi32, #tpu.memory_space<vmem>> -> memref<128xi32, #tpu.memory_space<vmem>>
      %dma_wait3A_204 = arith.constant 0 : i32
      %dma_wait3A_205 = arith.constant 0 : i32
      %dma_wait3A_206 = tpu.memref_slice %arg2[%dma_wait3A_204, %dma_wait3A_205] : memref<10240x16xf32, #tpu.memory_space<hbm>> -> memref<10240x16xf32, #tpu.memory_space<hbm>>
      tpu.wait_indirect_dma semaphore(%arg7 : memref<!tpu.dma_semaphore, #tpu.memory_space<semaphore_mem>>) src(%dma_wait3A_206 : memref<10240x16xf32, #tpu.memory_space<hbm>>) dst(%dma_wait3A_200 : memref<128x16xf32, #tpu.memory_space<vmem>>)
      %dma_wait3A_207 = arith.constant 0 : i32
      %dma_wait3A_208 = tpu.memref_slice %arg6[%mul3A_143, %dma_wait3A_207] : memref<5120x16xf32, #tpu.memory_space<vmem>> -> memref<128x16xf32, #tpu.memory_space<vmem>>
      %dma_wait3A_209 = arith.constant 0 : i32
      %dma_wait3A_210 = tpu.memref_slice %arg5[%add3A_137, %dma_wait3A_209] : memref<40x128xi32, #tpu.memory_space<vmem>> -> memref<1x128xi32, #tpu.memory_space<vmem>>
      %dma_wait3A_211 = tpu.memref_squeeze %dma_wait3A_210 : memref<1x128xi32, #tpu.memory_space<vmem>> -> memref<128xi32, #tpu.memory_space<vmem>>
      %dma_wait3A_212 = arith.constant 0 : i32
      %dma_wait3A_213 = arith.constant 0 : i32
      %dma_wait3A_214 = tpu.memref_slice %arg2[%dma_wait3A_212, %dma_wait3A_213] : memref<10240x16xf32, #tpu.memory_space<hbm>> -> memref<10240x16xf32, #tpu.memory_space<hbm>>
      tpu.wait_indirect_dma semaphore(%arg7 : memref<!tpu.dma_semaphore, #tpu.memory_space<semaphore_mem>>) src(%dma_wait3A_214 : memref<10240x16xf32, #tpu.memory_space<hbm>>) dst(%dma_wait3A_208 : memref<128x16xf32, #tpu.memory_space<vmem>>)
    }
    %scan3A_5 = arith.constant 5 : i32
    %mul3A_6 = arith.constant 5120 : i32
    %mul3A_7 = arith.muli %add3A, %mul3A_6 : i32
    "tpu.region"() ({
      %run_scoped3A = tpu.sem_alloc : memref<!tpu.dma_semaphore, #tpu.memory_space<semaphore_mem>>
      %dma_start3A = arith.constant 0 : i32
      %dma_start3A_8 = tpu.memref_slice %arg4[%mul3A_7, %dma_start3A] : memref<163840x16xf32, #tpu.memory_space<hbm>> -> memref<5120x16xf32, #tpu.memory_space<hbm>>
      %dma_start3A_9 = arith.constant 0 : i32
      %dma_start3A_10 = tpu.memref_slice %arg4[%mul3A_7, %dma_start3A_9] : memref<163840x16xf32, #tpu.memory_space<hbm>> -> memref<5120x16xf32, #tpu.memory_space<hbm>>
      tpu.enqueue_dma source(%arg6 : memref<5120x16xf32, #tpu.memory_space<vmem>>) target(%dma_start3A_10 : memref<5120x16xf32, #tpu.memory_space<hbm>>) target_semaphore(%run_scoped3A : memref<!tpu.dma_semaphore, #tpu.memory_space<semaphore_mem>>)
      %dma_wait3A = arith.constant 0 : i32
      %dma_wait3A_11 = tpu.memref_slice %arg4[%mul3A_7, %dma_wait3A] : memref<163840x16xf32, #tpu.memory_space<hbm>> -> memref<5120x16xf32, #tpu.memory_space<hbm>>
      %dma_wait3A_12 = arith.constant 0 : i32
      %dma_wait3A_13 = tpu.memref_slice %arg4[%mul3A_7, %dma_wait3A_12] : memref<163840x16xf32, #tpu.memory_space<hbm>> -> memref<5120x16xf32, #tpu.memory_space<hbm>>
      tpu.wait_dma2 semaphore(%run_scoped3A : memref<!tpu.dma_semaphore, #tpu.memory_space<semaphore_mem>>) src(%arg6 : memref<5120x16xf32, #tpu.memory_space<vmem>>) dst(%dma_wait3A_13 : memref<5120x16xf32, #tpu.memory_space<hbm>>)
      tpu.yield
    }) : () -> ()
    return
  }
}

module attributes {stable_mosaic.version = 14 : i64} {
  func.func @_msg_body(%arg0: i32, %arg1: memref<8x1024xf32, #tpu.memory_space<vmem>>, %arg2: memref<1024x128xf32, #tpu.memory_space<vmem>>, %arg3: memref<2x64xf32, #tpu.memory_space<vmem>>, %arg4: memref<65x256xf32, #tpu.memory_space<vmem>>, %arg5: memref<16x256xf32, #tpu.memory_space<vmem>>, %arg6: memref<256x16xf32, #tpu.memory_space<vmem>>, %arg7: memref<1024x128xf32, #tpu.memory_space<vmem>>) attributes {dimension_semantics = [#tpu.dimension_semantics<arbitrary>], iteration_bounds = array<i64: 20>, scalar_prefetch = 0 : i64, scratch_operands = 0 : i64, tpu.core_type = #tpu.core_type<tc>, window_params = [{transform_indices = @transform_0, window_bounds = array<i64: 8, 1024>}, {transform_indices = @transform_1, window_bounds = array<i64: 1024, 128>}, {pipeline_mode = #tpu.pipeline_mode<synchronous>, transform_indices = @transform_2, window_bounds = array<i64: 2, 64>}, {pipeline_mode = #tpu.pipeline_mode<synchronous>, transform_indices = @transform_3, window_bounds = array<i64: 65, 256>}, {pipeline_mode = #tpu.pipeline_mode<synchronous>, transform_indices = @transform_4, window_bounds = array<i64: 16, 256>}, {pipeline_mode = #tpu.pipeline_mode<synchronous>, transform_indices = @transform_5, window_bounds = array<i64: 256, 16>}, {transform_indices = @transform_6, window_bounds = array<i64: 1024, 128>}]} {
    %get3A = arith.constant 0 : index
    %get3A_0 = arith.constant 0 : index
    %get3A_1 = vector.load %arg1[%get3A, %get3A_0] : memref<8x1024xf32, #tpu.memory_space<vmem>>, vector<8x1024xf32>
    %transpose3A = tpu.transpose %get3A_1, [1, 0] : vector<8x1024xf32> -> vector<1024x8xf32>
    %get3A_2 = arith.constant 0 : index
    %get3A_3 = arith.constant 0 : index
    %get3A_4 = vector.load %arg2[%get3A_2, %get3A_3] : memref<1024x128xf32, #tpu.memory_space<vmem>>, vector<1024x128xf32>
    %slice3A = vector.extract_strided_slice %transpose3A {offsets = [0, 0], sizes = [1024, 1], strides = [1, 1]} : vector<1024x8xf32> to vector<1024x1xf32>
    %slice3A_5 = vector.extract_strided_slice %transpose3A {offsets = [0, 1], sizes = [1024, 1], strides = [1, 1]} : vector<1024x8xf32> to vector<1024x1xf32>
    %slice3A_6 = vector.extract_strided_slice %transpose3A {offsets = [0, 2], sizes = [1024, 1], strides = [1, 1]} : vector<1024x8xf32> to vector<1024x1xf32>
    %slice3A_7 = vector.extract_strided_slice %transpose3A {offsets = [0, 3], sizes = [1024, 1], strides = [1, 1]} : vector<1024x8xf32> to vector<1024x1xf32>
    %slice3A_8 = vector.extract_strided_slice %transpose3A {offsets = [0, 4], sizes = [1024, 1], strides = [1, 1]} : vector<1024x8xf32> to vector<1024x1xf32>
    %slice3A_9 = vector.extract_strided_slice %transpose3A {offsets = [0, 5], sizes = [1024, 1], strides = [1, 1]} : vector<1024x8xf32> to vector<1024x1xf32>
    %slice3A_10 = vector.extract_strided_slice %transpose3A {offsets = [0, 6], sizes = [1024, 1], strides = [1, 1]} : vector<1024x8xf32> to vector<1024x1xf32>
    %slice3A_11 = vector.extract_strided_slice %transpose3A {offsets = [0, 7], sizes = [1024, 1], strides = [1, 1]} : vector<1024x8xf32> to vector<1024x1xf32>
    %concatenate3A = tpu.concatenate %slice3A, %slice3A_5, %slice3A_6, %slice3A_7, %slice3A_8, %slice3A_9, %slice3A_10, %slice3A_11 in 0 : vector<1024x1xf32>, vector<1024x1xf32>, vector<1024x1xf32>, vector<1024x1xf32>, vector<1024x1xf32>, vector<1024x1xf32>, vector<1024x1xf32>, vector<1024x1xf32> -> vector<8192x1xf32>
    %slice3A_12 = vector.extract_strided_slice %get3A_4 {offsets = [0, 0], sizes = [1024, 16], strides = [1, 1]} : vector<1024x128xf32> to vector<1024x16xf32>
    %slice3A_13 = vector.extract_strided_slice %get3A_4 {offsets = [0, 16], sizes = [1024, 16], strides = [1, 1]} : vector<1024x128xf32> to vector<1024x16xf32>
    %slice3A_14 = vector.extract_strided_slice %get3A_4 {offsets = [0, 32], sizes = [1024, 16], strides = [1, 1]} : vector<1024x128xf32> to vector<1024x16xf32>
    %slice3A_15 = vector.extract_strided_slice %get3A_4 {offsets = [0, 48], sizes = [1024, 16], strides = [1, 1]} : vector<1024x128xf32> to vector<1024x16xf32>
    %slice3A_16 = vector.extract_strided_slice %get3A_4 {offsets = [0, 64], sizes = [1024, 16], strides = [1, 1]} : vector<1024x128xf32> to vector<1024x16xf32>
    %slice3A_17 = vector.extract_strided_slice %get3A_4 {offsets = [0, 80], sizes = [1024, 16], strides = [1, 1]} : vector<1024x128xf32> to vector<1024x16xf32>
    %slice3A_18 = vector.extract_strided_slice %get3A_4 {offsets = [0, 96], sizes = [1024, 16], strides = [1, 1]} : vector<1024x128xf32> to vector<1024x16xf32>
    %slice3A_19 = vector.extract_strided_slice %get3A_4 {offsets = [0, 112], sizes = [1024, 16], strides = [1, 1]} : vector<1024x128xf32> to vector<1024x16xf32>
    %concatenate3A_20 = tpu.concatenate %slice3A_12, %slice3A_13, %slice3A_14, %slice3A_15, %slice3A_16, %slice3A_17, %slice3A_18, %slice3A_19 in 0 : vector<1024x16xf32>, vector<1024x16xf32>, vector<1024x16xf32>, vector<1024x16xf32>, vector<1024x16xf32>, vector<1024x16xf32>, vector<1024x16xf32>, vector<1024x16xf32> -> vector<8192x16xf32>
    %broadcast_in_dim3A = arith.constant 1.000000e+00 : f32
    %broadcast_in_dim3A_21 = vector.broadcast %broadcast_in_dim3A : f32 to vector<8192x1xf32>
    %get3A_22 = arith.constant 0 : index
    %get3A_23 = arith.constant 0 : index
    %get3A_24 = vector.load %arg3[%get3A_22, %get3A_23] : memref<2x64xf32, #tpu.memory_space<vmem>>, vector<2x64xf32>
    %slice3A_25 = vector.extract_strided_slice %get3A_24 {offsets = [0, 0], sizes = [1, 64], strides = [1, 1]} : vector<2x64xf32> to vector<1x64xf32>
    %mul3A = vector.broadcast %concatenate3A : vector<8192x1xf32> to vector<8192x64xf32>
    %mul3A_26 = vector.broadcast %slice3A_25 : vector<1x64xf32> to vector<8192x64xf32>
    %mul3A_27 = arith.mulf %mul3A, %mul3A_26 : vector<8192x64xf32>
    %slice3A_28 = vector.extract_strided_slice %get3A_24 {offsets = [1, 0], sizes = [1, 64], strides = [1, 1]} : vector<2x64xf32> to vector<1x64xf32>
    %add3A = vector.broadcast %slice3A_28 : vector<1x64xf32> to vector<8192x64xf32>
    %add3A_29 = arith.addf %mul3A_27, %add3A : vector<8192x64xf32>
    %max3A = arith.constant 0.000000e+00 : f32
    %max3A_30 = vector.broadcast %max3A : f32 to vector<8192x64xf32>
    %max3A_31 = arith.maximumf %add3A_29, %max3A_30 : vector<8192x64xf32>
    %concatenate3A_32 = tpu.concatenate %max3A_31, %broadcast_in_dim3A_21 in 1 : vector<8192x64xf32>, vector<8192x1xf32> -> vector<8192x65xf32>
    %get3A_33 = arith.constant 0 : index
    %get3A_34 = arith.constant 0 : index
    %get3A_35 = vector.load %arg4[%get3A_33, %get3A_34] : memref<65x256xf32, #tpu.memory_space<vmem>>, vector<65x256xf32>
    %dot_general3A = arith.constant dense<0.000000e+00> : vector<8192x256xf32>
    %dot_general3A_36 = tpu.matmul %concatenate3A_32, %get3A_35, %dot_general3A {dimension_numbers = #tpu.dot_dimension_numbers<[1], [0], [0], [1], [0, 0, 1, 1], [], []>, transpose_lhs_hint = false} : vector<8192x65xf32>, vector<65x256xf32>, vector<8192x256xf32> -> vector<8192x256xf32>
    %get3A_37 = arith.constant 0 : index
    %get3A_38 = arith.constant 0 : index
    %get3A_39 = vector.load %arg5[%get3A_37, %get3A_38] : memref<16x256xf32, #tpu.memory_space<vmem>>, vector<16x256xf32>
    %dot_general3A_40 = arith.constant dense<0.000000e+00> : vector<8192x256xf32>
    %dot_general3A_41 = tpu.matmul %concatenate3A_20, %get3A_39, %dot_general3A_40 {dimension_numbers = #tpu.dot_dimension_numbers<[1], [0], [0], [1], [0, 0, 1, 1], [], []>, transpose_lhs_hint = false} : vector<8192x16xf32>, vector<16x256xf32>, vector<8192x256xf32> -> vector<8192x256xf32>
    %mul3A_42 = arith.mulf %dot_general3A_36, %dot_general3A_41 : vector<8192x256xf32>
    %get3A_43 = arith.constant 0 : index
    %get3A_44 = arith.constant 0 : index
    %get3A_45 = vector.load %arg6[%get3A_43, %get3A_44] : memref<256x16xf32, #tpu.memory_space<vmem>>, vector<256x16xf32>
    %dot_general3A_46 = arith.constant dense<0.000000e+00> : vector<8192x16xf32>
    %dot_general3A_47 = tpu.matmul %mul3A_42, %get3A_45, %dot_general3A_46 {dimension_numbers = #tpu.dot_dimension_numbers<[1], [0], [0], [1], [0, 0, 1, 1], [], []>, transpose_lhs_hint = false} : vector<8192x256xf32>, vector<256x16xf32>, vector<8192x16xf32> -> vector<8192x16xf32>
    %slice3A_48 = vector.extract_strided_slice %dot_general3A_47 {offsets = [0, 0], sizes = [1024, 16], strides = [1, 1]} : vector<8192x16xf32> to vector<1024x16xf32>
    %slice3A_49 = vector.extract_strided_slice %dot_general3A_47 {offsets = [1024, 0], sizes = [1024, 16], strides = [1, 1]} : vector<8192x16xf32> to vector<1024x16xf32>
    %slice3A_50 = vector.extract_strided_slice %dot_general3A_47 {offsets = [2048, 0], sizes = [1024, 16], strides = [1, 1]} : vector<8192x16xf32> to vector<1024x16xf32>
    %slice3A_51 = vector.extract_strided_slice %dot_general3A_47 {offsets = [3072, 0], sizes = [1024, 16], strides = [1, 1]} : vector<8192x16xf32> to vector<1024x16xf32>
    %slice3A_52 = vector.extract_strided_slice %dot_general3A_47 {offsets = [4096, 0], sizes = [1024, 16], strides = [1, 1]} : vector<8192x16xf32> to vector<1024x16xf32>
    %slice3A_53 = vector.extract_strided_slice %dot_general3A_47 {offsets = [5120, 0], sizes = [1024, 16], strides = [1, 1]} : vector<8192x16xf32> to vector<1024x16xf32>
    %slice3A_54 = vector.extract_strided_slice %dot_general3A_47 {offsets = [6144, 0], sizes = [1024, 16], strides = [1, 1]} : vector<8192x16xf32> to vector<1024x16xf32>
    %slice3A_55 = vector.extract_strided_slice %dot_general3A_47 {offsets = [7168, 0], sizes = [1024, 16], strides = [1, 1]} : vector<8192x16xf32> to vector<1024x16xf32>
    %concatenate3A_56 = tpu.concatenate %slice3A_48, %slice3A_49, %slice3A_50, %slice3A_51, %slice3A_52, %slice3A_53, %slice3A_54, %slice3A_55 in 1 : vector<1024x16xf32>, vector<1024x16xf32>, vector<1024x16xf32>, vector<1024x16xf32>, vector<1024x16xf32>, vector<1024x16xf32>, vector<1024x16xf32>, vector<1024x16xf32> -> vector<1024x128xf32>
    %swap3A = arith.constant 0 : index
    %swap3A_57 = arith.constant 0 : index
    %swap3A_58 = vector.load %arg7[%swap3A, %swap3A_57] : memref<1024x128xf32, #tpu.memory_space<vmem>>, vector<1024x128xf32>
    tpu.vector_store %arg7[%swap3A, %swap3A_57], %concatenate3A_56 {strides = array<i32>} : memref<1024x128xf32, #tpu.memory_space<vmem>>, vector<1024x128xf32>,
    return
  }
  func.func @transform_0(%arg0: i32) -> (i32, i32) {
    %c0_i32 = arith.constant 0 : i32
    %c0_i32_0 = arith.constant 0 : i32
    return %arg0, %c0_i32 : i32, i32
  }
  func.func @transform_1(%arg0: i32) -> (i32, i32) {
    %c0_i32 = arith.constant 0 : i32
    %c0_i32_0 = arith.constant 0 : i32
    return %arg0, %c0_i32 : i32, i32
  }
  func.func @transform_2(%arg0: i32) -> (i32, i32) {
    %c0_i32 = arith.constant 0 : i32
    %c0_i32_0 = arith.constant 0 : i32
    %c0_i32_1 = arith.constant 0 : i32
    return %c0_i32, %c0_i32_0 : i32, i32
  }
  func.func @transform_3(%arg0: i32) -> (i32, i32) {
    %c0_i32 = arith.constant 0 : i32
    %c0_i32_0 = arith.constant 0 : i32
    %c0_i32_1 = arith.constant 0 : i32
    return %c0_i32, %c0_i32_0 : i32, i32
  }
  func.func @transform_4(%arg0: i32) -> (i32, i32) {
    %c0_i32 = arith.constant 0 : i32
    %c0_i32_0 = arith.constant 0 : i32
    %c0_i32_1 = arith.constant 0 : i32
    return %c0_i32, %c0_i32_0 : i32, i32
  }
  func.func @transform_5(%arg0: i32) -> (i32, i32) {
    %c0_i32 = arith.constant 0 : i32
    %c0_i32_0 = arith.constant 0 : i32
    %c0_i32_1 = arith.constant 0 : i32
    return %c0_i32, %c0_i32_0 : i32, i32
  }
  func.func @transform_6(%arg0: i32) -> (i32, i32) {
    %c0_i32 = arith.constant 0 : i32
    %c0_i32_0 = arith.constant 0 : i32
    return %arg0, %c0_i32 : i32, i32
  }
}

module attributes {stable_mosaic.version = 14 : i64} {
  func.func @_update_body(%arg0: i32, %arg1: memref<128x128xf32, #tpu.memory_space<vmem>>, %arg2: memref<128x128xf32, #tpu.memory_space<vmem>>, %arg3: memref<128x128xf32, #tpu.memory_space<vmem>>, %arg4: memref<128x128xf32, #tpu.memory_space<vmem>>, %arg5: memref<128x128xf32, #tpu.memory_space<vmem>>, %arg6: memref<16x16xf32, #tpu.memory_space<vmem>>, %arg7: memref<1x16xf32, #tpu.memory_space<vmem>>, %arg8: memref<128x128xf32, #tpu.memory_space<vmem>>) attributes {dimension_semantics = [#tpu.dimension_semantics<arbitrary>], iteration_bounds = array<i64: 10>, scalar_prefetch = 0 : i64, scratch_operands = 0 : i64, tpu.core_type = #tpu.core_type<tc>, window_params = [{transform_indices = @transform_0, window_bounds = array<i64: 128, 128>}, {transform_indices = @transform_1, window_bounds = array<i64: 128, 128>}, {transform_indices = @transform_2, window_bounds = array<i64: 128, 128>}, {transform_indices = @transform_3, window_bounds = array<i64: 128, 128>}, {transform_indices = @transform_4, window_bounds = array<i64: 128, 128>}, {pipeline_mode = #tpu.pipeline_mode<synchronous>, transform_indices = @transform_5, window_bounds = array<i64: 16, 16>}, {pipeline_mode = #tpu.pipeline_mode<synchronous>, transform_indices = @transform_6, window_bounds = array<i64: 1, 16>}, {transform_indices = @transform_7, window_bounds = array<i64: 128, 128>}]} {
    %get3A = arith.constant 0 : index
    %get3A_0 = arith.constant 0 : index
    %get3A_1 = vector.load %arg3[%get3A, %get3A_0] : memref<128x128xf32, #tpu.memory_space<vmem>>, vector<128x128xf32>
    %slice3A = vector.extract_strided_slice %get3A_1 {offsets = [0, 0], sizes = [128, 16], strides = [1, 1]} : vector<128x128xf32> to vector<128x16xf32>
    %slice3A_2 = vector.extract_strided_slice %get3A_1 {offsets = [0, 16], sizes = [128, 16], strides = [1, 1]} : vector<128x128xf32> to vector<128x16xf32>
    %slice3A_3 = vector.extract_strided_slice %get3A_1 {offsets = [0, 32], sizes = [128, 16], strides = [1, 1]} : vector<128x128xf32> to vector<128x16xf32>
    %slice3A_4 = vector.extract_strided_slice %get3A_1 {offsets = [0, 48], sizes = [128, 16], strides = [1, 1]} : vector<128x128xf32> to vector<128x16xf32>
    %slice3A_5 = vector.extract_strided_slice %get3A_1 {offsets = [0, 64], sizes = [128, 16], strides = [1, 1]} : vector<128x128xf32> to vector<128x16xf32>
    %slice3A_6 = vector.extract_strided_slice %get3A_1 {offsets = [0, 80], sizes = [128, 16], strides = [1, 1]} : vector<128x128xf32> to vector<128x16xf32>
    %slice3A_7 = vector.extract_strided_slice %get3A_1 {offsets = [0, 96], sizes = [128, 16], strides = [1, 1]} : vector<128x128xf32> to vector<128x16xf32>
    %slice3A_8 = vector.extract_strided_slice %get3A_1 {offsets = [0, 112], sizes = [128, 16], strides = [1, 1]} : vector<128x128xf32> to vector<128x16xf32>
    %concatenate3A = tpu.concatenate %slice3A, %slice3A_2, %slice3A_3, %slice3A_4, %slice3A_5, %slice3A_6, %slice3A_7, %slice3A_8 in 0 : vector<128x16xf32>, vector<128x16xf32>, vector<128x16xf32>, vector<128x16xf32>, vector<128x16xf32>, vector<128x16xf32>, vector<128x16xf32>, vector<128x16xf32> -> vector<1024x16xf32>
    %get3A_9 = arith.constant 0 : index
    %get3A_10 = arith.constant 0 : index
    %get3A_11 = vector.load %arg4[%get3A_9, %get3A_10] : memref<128x128xf32, #tpu.memory_space<vmem>>, vector<128x128xf32>
    %slice3A_12 = vector.extract_strided_slice %get3A_11 {offsets = [0, 0], sizes = [128, 16], strides = [1, 1]} : vector<128x128xf32> to vector<128x16xf32>
    %slice3A_13 = vector.extract_strided_slice %get3A_11 {offsets = [0, 16], sizes = [128, 16], strides = [1, 1]} : vector<128x128xf32> to vector<128x16xf32>
    %slice3A_14 = vector.extract_strided_slice %get3A_11 {offsets = [0, 32], sizes = [128, 16], strides = [1, 1]} : vector<128x128xf32> to vector<128x16xf32>
    %slice3A_15 = vector.extract_strided_slice %get3A_11 {offsets = [0, 48], sizes = [128, 16], strides = [1, 1]} : vector<128x128xf32> to vector<128x16xf32>
    %slice3A_16 = vector.extract_strided_slice %get3A_11 {offsets = [0, 64], sizes = [128, 16], strides = [1, 1]} : vector<128x128xf32> to vector<128x16xf32>
    %slice3A_17 = vector.extract_strided_slice %get3A_11 {offsets = [0, 80], sizes = [128, 16], strides = [1, 1]} : vector<128x128xf32> to vector<128x16xf32>
    %slice3A_18 = vector.extract_strided_slice %get3A_11 {offsets = [0, 96], sizes = [128, 16], strides = [1, 1]} : vector<128x128xf32> to vector<128x16xf32>
    %slice3A_19 = vector.extract_strided_slice %get3A_11 {offsets = [0, 112], sizes = [128, 16], strides = [1, 1]} : vector<128x128xf32> to vector<128x16xf32>
    %concatenate3A_20 = tpu.concatenate %slice3A_12, %slice3A_13, %slice3A_14, %slice3A_15, %slice3A_16, %slice3A_17, %slice3A_18, %slice3A_19 in 0 : vector<128x16xf32>, vector<128x16xf32>, vector<128x16xf32>, vector<128x16xf32>, vector<128x16xf32>, vector<128x16xf32>, vector<128x16xf32>, vector<128x16xf32> -> vector<1024x16xf32>
    %add3A = arith.addf %concatenate3A, %concatenate3A_20 : vector<1024x16xf32>
    %max3A = arith.constant 1.000000e+00 : f32
    %max3A_21 = vector.broadcast %max3A : f32 to vector<1024x16xf32>
    %max3A_22 = arith.maximumf %add3A, %max3A_21 : vector<1024x16xf32>
    %get3A_23 = arith.constant 0 : index
    %get3A_24 = arith.constant 0 : index
    %get3A_25 = vector.load %arg1[%get3A_23, %get3A_24] : memref<128x128xf32, #tpu.memory_space<vmem>>, vector<128x128xf32>
    %slice3A_26 = vector.extract_strided_slice %get3A_25 {offsets = [0, 0], sizes = [128, 16], strides = [1, 1]} : vector<128x128xf32> to vector<128x16xf32>
    %slice3A_27 = vector.extract_strided_slice %get3A_25 {offsets = [0, 16], sizes = [128, 16], strides = [1, 1]} : vector<128x128xf32> to vector<128x16xf32>
    %slice3A_28 = vector.extract_strided_slice %get3A_25 {offsets = [0, 32], sizes = [128, 16], strides = [1, 1]} : vector<128x128xf32> to vector<128x16xf32>
    %slice3A_29 = vector.extract_strided_slice %get3A_25 {offsets = [0, 48], sizes = [128, 16], strides = [1, 1]} : vector<128x128xf32> to vector<128x16xf32>
    %slice3A_30 = vector.extract_strided_slice %get3A_25 {offsets = [0, 64], sizes = [128, 16], strides = [1, 1]} : vector<128x128xf32> to vector<128x16xf32>
    %slice3A_31 = vector.extract_strided_slice %get3A_25 {offsets = [0, 80], sizes = [128, 16], strides = [1, 1]} : vector<128x128xf32> to vector<128x16xf32>
    %slice3A_32 = vector.extract_strided_slice %get3A_25 {offsets = [0, 96], sizes = [128, 16], strides = [1, 1]} : vector<128x128xf32> to vector<128x16xf32>
    %slice3A_33 = vector.extract_strided_slice %get3A_25 {offsets = [0, 112], sizes = [128, 16], strides = [1, 1]} : vector<128x128xf32> to vector<128x16xf32>
    %concatenate3A_34 = tpu.concatenate %slice3A_26, %slice3A_27, %slice3A_28, %slice3A_29, %slice3A_30, %slice3A_31, %slice3A_32, %slice3A_33 in 0 : vector<128x16xf32>, vector<128x16xf32>, vector<128x16xf32>, vector<128x16xf32>, vector<128x16xf32>, vector<128x16xf32>, vector<128x16xf32>, vector<128x16xf32> -> vector<1024x16xf32>
    %get3A_35 = arith.constant 0 : index
    %get3A_36 = arith.constant 0 : index
    %get3A_37 = vector.load %arg2[%get3A_35, %get3A_36] : memref<128x128xf32, #tpu.memory_space<vmem>>, vector<128x128xf32>
    %slice3A_38 = vector.extract_strided_slice %get3A_37 {offsets = [0, 0], sizes = [128, 16], strides = [1, 1]} : vector<128x128xf32> to vector<128x16xf32>
    %slice3A_39 = vector.extract_strided_slice %get3A_37 {offsets = [0, 16], sizes = [128, 16], strides = [1, 1]} : vector<128x128xf32> to vector<128x16xf32>
    %slice3A_40 = vector.extract_strided_slice %get3A_37 {offsets = [0, 32], sizes = [128, 16], strides = [1, 1]} : vector<128x128xf32> to vector<128x16xf32>
    %slice3A_41 = vector.extract_strided_slice %get3A_37 {offsets = [0, 48], sizes = [128, 16], strides = [1, 1]} : vector<128x128xf32> to vector<128x16xf32>
    %slice3A_42 = vector.extract_strided_slice %get3A_37 {offsets = [0, 64], sizes = [128, 16], strides = [1, 1]} : vector<128x128xf32> to vector<128x16xf32>
    %slice3A_43 = vector.extract_strided_slice %get3A_37 {offsets = [0, 80], sizes = [128, 16], strides = [1, 1]} : vector<128x128xf32> to vector<128x16xf32>
    %slice3A_44 = vector.extract_strided_slice %get3A_37 {offsets = [0, 96], sizes = [128, 16], strides = [1, 1]} : vector<128x128xf32> to vector<128x16xf32>
    %slice3A_45 = vector.extract_strided_slice %get3A_37 {offsets = [0, 112], sizes = [128, 16], strides = [1, 1]} : vector<128x128xf32> to vector<128x16xf32>
    %concatenate3A_46 = tpu.concatenate %slice3A_38, %slice3A_39, %slice3A_40, %slice3A_41, %slice3A_42, %slice3A_43, %slice3A_44, %slice3A_45 in 0 : vector<128x16xf32>, vector<128x16xf32>, vector<128x16xf32>, vector<128x16xf32>, vector<128x16xf32>, vector<128x16xf32>, vector<128x16xf32>, vector<128x16xf32> -> vector<1024x16xf32>
    %add3A_47 = arith.addf %concatenate3A_34, %concatenate3A_46 : vector<1024x16xf32>
    %div3A = arith.divf %add3A_47, %max3A_22 : vector<1024x16xf32>
    %get3A_48 = arith.constant 0 : index
    %get3A_49 = arith.constant 0 : index
    %get3A_50 = vector.load %arg5[%get3A_48, %get3A_49] : memref<128x128xf32, #tpu.memory_space<vmem>>, vector<128x128xf32>
    %slice3A_51 = vector.extract_strided_slice %get3A_50 {offsets = [0, 0], sizes = [128, 16], strides = [1, 1]} : vector<128x128xf32> to vector<128x16xf32>
    %slice3A_52 = vector.extract_strided_slice %get3A_50 {offsets = [0, 16], sizes = [128, 16], strides = [1, 1]} : vector<128x128xf32> to vector<128x16xf32>
    %slice3A_53 = vector.extract_strided_slice %get3A_50 {offsets = [0, 32], sizes = [128, 16], strides = [1, 1]} : vector<128x128xf32> to vector<128x16xf32>
    %slice3A_54 = vector.extract_strided_slice %get3A_50 {offsets = [0, 48], sizes = [128, 16], strides = [1, 1]} : vector<128x128xf32> to vector<128x16xf32>
    %slice3A_55 = vector.extract_strided_slice %get3A_50 {offsets = [0, 64], sizes = [128, 16], strides = [1, 1]} : vector<128x128xf32> to vector<128x16xf32>
    %slice3A_56 = vector.extract_strided_slice %get3A_50 {offsets = [0, 80], sizes = [128, 16], strides = [1, 1]} : vector<128x128xf32> to vector<128x16xf32>
    %slice3A_57 = vector.extract_strided_slice %get3A_50 {offsets = [0, 96], sizes = [128, 16], strides = [1, 1]} : vector<128x128xf32> to vector<128x16xf32>
    %slice3A_58 = vector.extract_strided_slice %get3A_50 {offsets = [0, 112], sizes = [128, 16], strides = [1, 1]} : vector<128x128xf32> to vector<128x16xf32>
    %concatenate3A_59 = tpu.concatenate %slice3A_51, %slice3A_52, %slice3A_53, %slice3A_54, %slice3A_55, %slice3A_56, %slice3A_57, %slice3A_58 in 0 : vector<128x16xf32>, vector<128x16xf32>, vector<128x16xf32>, vector<128x16xf32>, vector<128x16xf32>, vector<128x16xf32>, vector<128x16xf32>, vector<128x16xf32> -> vector<1024x16xf32>
    %get3A_60 = arith.constant 0 : index
    %get3A_61 = arith.constant 0 : index
    %get3A_62 = vector.load %arg6[%get3A_60, %get3A_61] : memref<16x16xf32, #tpu.memory_space<vmem>>, vector<16x16xf32>
    %dot_general3A = arith.constant dense<0.000000e+00> : vector<1024x16xf32>
    %dot_general3A_63 = tpu.matmul %concatenate3A_59, %get3A_62, %dot_general3A {dimension_numbers = #tpu.dot_dimension_numbers<[1], [0], [0], [1], [0, 0, 1, 1], [], []>, transpose_lhs_hint = false} : vector<1024x16xf32>, vector<16x16xf32>, vector<1024x16xf32> -> vector<1024x16xf32>
    %add3A_64 = arith.addf %div3A, %dot_general3A_63 : vector<1024x16xf32>
    %get3A_65 = arith.constant 0 : index
    %get3A_66 = arith.constant 0 : index
    %get3A_67 = vector.load %arg7[%get3A_65, %get3A_66] : memref<1x16xf32, #tpu.memory_space<vmem>>, vector<1x16xf32>
    %add3A_68 = vector.broadcast %get3A_67 : vector<1x16xf32> to vector<1024x16xf32>
    %add3A_69 = arith.addf %add3A_64, %add3A_68 : vector<1024x16xf32>
    %max3A_70 = arith.constant 0.000000e+00 : f32
    %max3A_71 = vector.broadcast %max3A_70 : f32 to vector<1024x16xf32>
    %max3A_72 = arith.maximumf %add3A_69, %max3A_71 : vector<1024x16xf32>
    %slice3A_73 = vector.extract_strided_slice %max3A_72 {offsets = [0, 0], sizes = [128, 16], strides = [1, 1]} : vector<1024x16xf32> to vector<128x16xf32>
    %slice3A_74 = vector.extract_strided_slice %max3A_72 {offsets = [128, 0], sizes = [128, 16], strides = [1, 1]} : vector<1024x16xf32> to vector<128x16xf32>
    %slice3A_75 = vector.extract_strided_slice %max3A_72 {offsets = [256, 0], sizes = [128, 16], strides = [1, 1]} : vector<1024x16xf32> to vector<128x16xf32>
    %slice3A_76 = vector.extract_strided_slice %max3A_72 {offsets = [384, 0], sizes = [128, 16], strides = [1, 1]} : vector<1024x16xf32> to vector<128x16xf32>
    %slice3A_77 = vector.extract_strided_slice %max3A_72 {offsets = [512, 0], sizes = [128, 16], strides = [1, 1]} : vector<1024x16xf32> to vector<128x16xf32>
    %slice3A_78 = vector.extract_strided_slice %max3A_72 {offsets = [640, 0], sizes = [128, 16], strides = [1, 1]} : vector<1024x16xf32> to vector<128x16xf32>
    %slice3A_79 = vector.extract_strided_slice %max3A_72 {offsets = [768, 0], sizes = [128, 16], strides = [1, 1]} : vector<1024x16xf32> to vector<128x16xf32>
    %slice3A_80 = vector.extract_strided_slice %max3A_72 {offsets = [896, 0], sizes = [128, 16], strides = [1, 1]} : vector<1024x16xf32> to vector<128x16xf32>
    %concatenate3A_81 = tpu.concatenate %slice3A_73, %slice3A_74, %slice3A_75, %slice3A_76, %slice3A_77, %slice3A_78, %slice3A_79, %slice3A_80 in 1 : vector<128x16xf32>, vector<128x16xf32>, vector<128x16xf32>, vector<128x16xf32>, vector<128x16xf32>, vector<128x16xf32>, vector<128x16xf32>, vector<128x16xf32> -> vector<128x128xf32>
    %swap3A = arith.constant 0 : index
    %swap3A_82 = arith.constant 0 : index
    %swap3A_83 = vector.load %arg8[%swap3A, %swap3A_82] : memref<128x128xf32, #tpu.memory_space<vmem>>, vector<128x128xf32>
    tpu.vector_store %arg8[%swap3A, %swap3A_82], %concatenate3A_81 {strides = array<i32>} : memref<128x128xf32, #tpu.memory_space<vmem>>, vector<128x128xf32>,
    return
  }
  func.func @transform_0(%arg0: i32) -> (i32, i32) {
    %c0_i32 = arith.constant 0 : i32
    %c0_i32_0 = arith.constant 0 : i32
    return %arg0, %c0_i32 : i32, i32
  }
  func.func @transform_1(%arg0: i32) -> (i32, i32) {
    %c0_i32 = arith.constant 0 : i32
    %c0_i32_0 = arith.constant 0 : i32
    return %arg0, %c0_i32 : i32, i32
  }
  func.func @transform_2(%arg0: i32) -> (i32, i32) {
    %c0_i32 = arith.constant 0 : i32
    %c0_i32_0 = arith.constant 0 : i32
    return %arg0, %c0_i32 : i32, i32
  }
  func.func @transform_3(%arg0: i32) -> (i32, i32) {
    %c0_i32 = arith.constant 0 : i32
    %c0_i32_0 = arith.constant 0 : i32
    return %arg0, %c0_i32 : i32, i32
  }
  func.func @transform_4(%arg0: i32) -> (i32, i32) {
    %c0_i32 = arith.constant 0 : i32
    %c0_i32_0 = arith.constant 0 : i32
    return %arg0, %c0_i32 : i32, i32
  }
  func.func @transform_5(%arg0: i32) -> (i32, i32) {
    %c0_i32 = arith.constant 0 : i32
    %c0_i32_0 = arith.constant 0 : i32
    %c0_i32_1 = arith.constant 0 : i32
    return %c0_i32, %c0_i32_0 : i32, i32
  }
  func.func @transform_6(%arg0: i32) -> (i32, i32) {
    %c0_i32 = arith.constant 0 : i32
    %c0_i32_0 = arith.constant 0 : i32
    %c0_i32_1 = arith.constant 0 : i32
    return %c0_i32, %c0_i32_0 : i32, i32
  }
  func.func @transform_7(%arg0: i32) -> (i32, i32) {
    %c0_i32 = arith.constant 0 : i32
    %c0_i32_0 = arith.constant 0 : i32
    return %arg0, %c0_i32 : i32, i32
  }
}

module attributes {stable_mosaic.version = 14 : i64} {
  func.func @_pool_body(%arg0: i32, %arg1: memref<128x128xf32, #tpu.memory_space<vmem>>, %arg2: memref<128x128xf32, #tpu.memory_space<vmem>>, %arg3: memref<128x128xf32, #tpu.memory_space<vmem>>, %arg4: memref<128x128xf32, #tpu.memory_space<vmem>>, %arg5: memref<128x128xf32, #tpu.memory_space<vmem>>, %arg6: memref<16x16xf32, #tpu.memory_space<vmem>>, %arg7: memref<1x16xf32, #tpu.memory_space<vmem>>, %arg8: memref<8x128xi32, #tpu.memory_space<vmem>>, %arg9: memref<16x16xf32, #tpu.memory_space<vmem>>, %arg10: memref<1x16xf32, #tpu.memory_space<vmem>>, %arg11: memref<16x10xf32, #tpu.memory_space<vmem>>, %arg12: memref<1x10xf32, #tpu.memory_space<vmem>>, %arg13: memref<64x10xf32, #tpu.memory_space<vmem>>, %arg14: memref<64x16xf32, #tpu.memory_space<vmem>>, %arg15: memref<64x16xf32, #tpu.memory_space<vmem>>) attributes {dimension_semantics = [#tpu.dimension_semantics<arbitrary>], iteration_bounds = array<i64: 10>, scalar_prefetch = 0 : i64, scratch_operands = 2 : i64, tpu.core_type = #tpu.core_type<tc>, window_params = [{transform_indices = @transform_0, window_bounds = array<i64: 128, 128>}, {transform_indices = @transform_1, window_bounds = array<i64: 128, 128>}, {transform_indices = @transform_2, window_bounds = array<i64: 128, 128>}, {transform_indices = @transform_3, window_bounds = array<i64: 128, 128>}, {transform_indices = @transform_4, window_bounds = array<i64: 128, 128>}, {pipeline_mode = #tpu.pipeline_mode<synchronous>, transform_indices = @transform_5, window_bounds = array<i64: 16, 16>}, {pipeline_mode = #tpu.pipeline_mode<synchronous>, transform_indices = @transform_6, window_bounds = array<i64: 1, 16>}, {transform_indices = @transform_7, window_bounds = array<i64: 8, 128>}, {pipeline_mode = #tpu.pipeline_mode<synchronous>, transform_indices = @transform_8, window_bounds = array<i64: 16, 16>}, {pipeline_mode = #tpu.pipeline_mode<synchronous>, transform_indices = @transform_9, window_bounds = array<i64: 1, 16>}, {pipeline_mode = #tpu.pipeline_mode<synchronous>, transform_indices = @transform_10, window_bounds = array<i64: 16, 10>}, {pipeline_mode = #tpu.pipeline_mode<synchronous>, transform_indices = @transform_11, window_bounds = array<i64: 1, 10>}, {pipeline_mode = #tpu.pipeline_mode<synchronous>, transform_indices = @transform_12, window_bounds = array<i64: 64, 10>}]} {
    %eq3A = arith.constant 0 : i32
    %eq3A_0 = arith.cmpi eq, %arg0, %eq3A : i32
    %convert_element_type3A = arith.extui %eq3A_0 : i1 to i32
    %cond3A = arith.constant 0 : i32
    %cond3A_1 = arith.cmpi ne, %convert_element_type3A, %cond3A : i32
    scf.if %cond3A_1 {
      %broadcast_in_dim3A_128 = arith.constant 0.000000e+00 : f32
      %broadcast_in_dim3A_129 = vector.broadcast %broadcast_in_dim3A_128 : f32 to vector<64x16xf32>
      %swap3A_130 = arith.constant 0 : index
      %swap3A_131 = arith.constant 0 : index
      %swap3A_132 = vector.load %arg14[%swap3A_130, %swap3A_131] : memref<64x16xf32, #tpu.memory_space<vmem>>, vector<64x16xf32>
      tpu.vector_store %arg14[%swap3A_130, %swap3A_131], %broadcast_in_dim3A_129 {strides = array<i32>} : memref<64x16xf32, #tpu.memory_space<vmem>>, vector<64x16xf32>,
      %broadcast_in_dim3A_133 = arith.constant 0.000000e+00 : f32
      %broadcast_in_dim3A_134 = vector.broadcast %broadcast_in_dim3A_133 : f32 to vector<64x16xf32>
      %swap3A_135 = arith.constant 0 : index
      %swap3A_136 = arith.constant 0 : index
      %swap3A_137 = vector.load %arg15[%swap3A_135, %swap3A_136] : memref<64x16xf32, #tpu.memory_space<vmem>>, vector<64x16xf32>
      tpu.vector_store %arg15[%swap3A_135, %swap3A_136], %broadcast_in_dim3A_134 {strides = array<i32>} : memref<64x16xf32, #tpu.memory_space<vmem>>, vector<64x16xf32>,
    } else {
    }
    %get3A = arith.constant 0 : index
    %get3A_2 = arith.constant 0 : index
    %get3A_3 = vector.load %arg3[%get3A, %get3A_2] : memref<128x128xf32, #tpu.memory_space<vmem>>, vector<128x128xf32>
    %slice3A = vector.extract_strided_slice %get3A_3 {offsets = [0, 0], sizes = [128, 16], strides = [1, 1]} : vector<128x128xf32> to vector<128x16xf32>
    %slice3A_4 = vector.extract_strided_slice %get3A_3 {offsets = [0, 16], sizes = [128, 16], strides = [1, 1]} : vector<128x128xf32> to vector<128x16xf32>
    %slice3A_5 = vector.extract_strided_slice %get3A_3 {offsets = [0, 32], sizes = [128, 16], strides = [1, 1]} : vector<128x128xf32> to vector<128x16xf32>
    %slice3A_6 = vector.extract_strided_slice %get3A_3 {offsets = [0, 48], sizes = [128, 16], strides = [1, 1]} : vector<128x128xf32> to vector<128x16xf32>
    %slice3A_7 = vector.extract_strided_slice %get3A_3 {offsets = [0, 64], sizes = [128, 16], strides = [1, 1]} : vector<128x128xf32> to vector<128x16xf32>
    %slice3A_8 = vector.extract_strided_slice %get3A_3 {offsets = [0, 80], sizes = [128, 16], strides = [1, 1]} : vector<128x128xf32> to vector<128x16xf32>
    %slice3A_9 = vector.extract_strided_slice %get3A_3 {offsets = [0, 96], sizes = [128, 16], strides = [1, 1]} : vector<128x128xf32> to vector<128x16xf32>
    %slice3A_10 = vector.extract_strided_slice %get3A_3 {offsets = [0, 112], sizes = [128, 16], strides = [1, 1]} : vector<128x128xf32> to vector<128x16xf32>
    %concatenate3A = tpu.concatenate %slice3A, %slice3A_4, %slice3A_5, %slice3A_6, %slice3A_7, %slice3A_8, %slice3A_9, %slice3A_10 in 0 : vector<128x16xf32>, vector<128x16xf32>, vector<128x16xf32>, vector<128x16xf32>, vector<128x16xf32>, vector<128x16xf32>, vector<128x16xf32>, vector<128x16xf32> -> vector<1024x16xf32>
    %get3A_11 = arith.constant 0 : index
    %get3A_12 = arith.constant 0 : index
    %get3A_13 = vector.load %arg4[%get3A_11, %get3A_12] : memref<128x128xf32, #tpu.memory_space<vmem>>, vector<128x128xf32>
    %slice3A_14 = vector.extract_strided_slice %get3A_13 {offsets = [0, 0], sizes = [128, 16], strides = [1, 1]} : vector<128x128xf32> to vector<128x16xf32>
    %slice3A_15 = vector.extract_strided_slice %get3A_13 {offsets = [0, 16], sizes = [128, 16], strides = [1, 1]} : vector<128x128xf32> to vector<128x16xf32>
    %slice3A_16 = vector.extract_strided_slice %get3A_13 {offsets = [0, 32], sizes = [128, 16], strides = [1, 1]} : vector<128x128xf32> to vector<128x16xf32>
    %slice3A_17 = vector.extract_strided_slice %get3A_13 {offsets = [0, 48], sizes = [128, 16], strides = [1, 1]} : vector<128x128xf32> to vector<128x16xf32>
    %slice3A_18 = vector.extract_strided_slice %get3A_13 {offsets = [0, 64], sizes = [128, 16], strides = [1, 1]} : vector<128x128xf32> to vector<128x16xf32>
    %slice3A_19 = vector.extract_strided_slice %get3A_13 {offsets = [0, 80], sizes = [128, 16], strides = [1, 1]} : vector<128x128xf32> to vector<128x16xf32>
    %slice3A_20 = vector.extract_strided_slice %get3A_13 {offsets = [0, 96], sizes = [128, 16], strides = [1, 1]} : vector<128x128xf32> to vector<128x16xf32>
    %slice3A_21 = vector.extract_strided_slice %get3A_13 {offsets = [0, 112], sizes = [128, 16], strides = [1, 1]} : vector<128x128xf32> to vector<128x16xf32>
    %concatenate3A_22 = tpu.concatenate %slice3A_14, %slice3A_15, %slice3A_16, %slice3A_17, %slice3A_18, %slice3A_19, %slice3A_20, %slice3A_21 in 0 : vector<128x16xf32>, vector<128x16xf32>, vector<128x16xf32>, vector<128x16xf32>, vector<128x16xf32>, vector<128x16xf32>, vector<128x16xf32>, vector<128x16xf32> -> vector<1024x16xf32>
    %add3A = arith.addf %concatenate3A, %concatenate3A_22 : vector<1024x16xf32>
    %max3A = arith.constant 1.000000e+00 : f32
    %max3A_23 = vector.broadcast %max3A : f32 to vector<1024x16xf32>
    %max3A_24 = arith.maximumf %add3A, %max3A_23 : vector<1024x16xf32>
    %get3A_25 = arith.constant 0 : index
    %get3A_26 = arith.constant 0 : index
    %get3A_27 = vector.load %arg1[%get3A_25, %get3A_26] : memref<128x128xf32, #tpu.memory_space<vmem>>, vector<128x128xf32>
    %slice3A_28 = vector.extract_strided_slice %get3A_27 {offsets = [0, 0], sizes = [128, 16], strides = [1, 1]} : vector<128x128xf32> to vector<128x16xf32>
    %slice3A_29 = vector.extract_strided_slice %get3A_27 {offsets = [0, 16], sizes = [128, 16], strides = [1, 1]} : vector<128x128xf32> to vector<128x16xf32>
    %slice3A_30 = vector.extract_strided_slice %get3A_27 {offsets = [0, 32], sizes = [128, 16], strides = [1, 1]} : vector<128x128xf32> to vector<128x16xf32>
    %slice3A_31 = vector.extract_strided_slice %get3A_27 {offsets = [0, 48], sizes = [128, 16], strides = [1, 1]} : vector<128x128xf32> to vector<128x16xf32>
    %slice3A_32 = vector.extract_strided_slice %get3A_27 {offsets = [0, 64], sizes = [128, 16], strides = [1, 1]} : vector<128x128xf32> to vector<128x16xf32>
    %slice3A_33 = vector.extract_strided_slice %get3A_27 {offsets = [0, 80], sizes = [128, 16], strides = [1, 1]} : vector<128x128xf32> to vector<128x16xf32>
    %slice3A_34 = vector.extract_strided_slice %get3A_27 {offsets = [0, 96], sizes = [128, 16], strides = [1, 1]} : vector<128x128xf32> to vector<128x16xf32>
    %slice3A_35 = vector.extract_strided_slice %get3A_27 {offsets = [0, 112], sizes = [128, 16], strides = [1, 1]} : vector<128x128xf32> to vector<128x16xf32>
    %concatenate3A_36 = tpu.concatenate %slice3A_28, %slice3A_29, %slice3A_30, %slice3A_31, %slice3A_32, %slice3A_33, %slice3A_34, %slice3A_35 in 0 : vector<128x16xf32>, vector<128x16xf32>, vector<128x16xf32>, vector<128x16xf32>, vector<128x16xf32>, vector<128x16xf32>, vector<128x16xf32>, vector<128x16xf32> -> vector<1024x16xf32>
    %get3A_37 = arith.constant 0 : index
    %get3A_38 = arith.constant 0 : index
    %get3A_39 = vector.load %arg2[%get3A_37, %get3A_38] : memref<128x128xf32, #tpu.memory_space<vmem>>, vector<128x128xf32>
    %slice3A_40 = vector.extract_strided_slice %get3A_39 {offsets = [0, 0], sizes = [128, 16], strides = [1, 1]} : vector<128x128xf32> to vector<128x16xf32>
    %slice3A_41 = vector.extract_strided_slice %get3A_39 {offsets = [0, 16], sizes = [128, 16], strides = [1, 1]} : vector<128x128xf32> to vector<128x16xf32>
    %slice3A_42 = vector.extract_strided_slice %get3A_39 {offsets = [0, 32], sizes = [128, 16], strides = [1, 1]} : vector<128x128xf32> to vector<128x16xf32>
    %slice3A_43 = vector.extract_strided_slice %get3A_39 {offsets = [0, 48], sizes = [128, 16], strides = [1, 1]} : vector<128x128xf32> to vector<128x16xf32>
    %slice3A_44 = vector.extract_strided_slice %get3A_39 {offsets = [0, 64], sizes = [128, 16], strides = [1, 1]} : vector<128x128xf32> to vector<128x16xf32>
    %slice3A_45 = vector.extract_strided_slice %get3A_39 {offsets = [0, 80], sizes = [128, 16], strides = [1, 1]} : vector<128x128xf32> to vector<128x16xf32>
    %slice3A_46 = vector.extract_strided_slice %get3A_39 {offsets = [0, 96], sizes = [128, 16], strides = [1, 1]} : vector<128x128xf32> to vector<128x16xf32>
    %slice3A_47 = vector.extract_strided_slice %get3A_39 {offsets = [0, 112], sizes = [128, 16], strides = [1, 1]} : vector<128x128xf32> to vector<128x16xf32>
    %concatenate3A_48 = tpu.concatenate %slice3A_40, %slice3A_41, %slice3A_42, %slice3A_43, %slice3A_44, %slice3A_45, %slice3A_46, %slice3A_47 in 0 : vector<128x16xf32>, vector<128x16xf32>, vector<128x16xf32>, vector<128x16xf32>, vector<128x16xf32>, vector<128x16xf32>, vector<128x16xf32>, vector<128x16xf32> -> vector<1024x16xf32>
    %add3A_49 = arith.addf %concatenate3A_36, %concatenate3A_48 : vector<1024x16xf32>
    %div3A = arith.divf %add3A_49, %max3A_24 : vector<1024x16xf32>
    %get3A_50 = arith.constant 0 : index
    %get3A_51 = arith.constant 0 : index
    %get3A_52 = vector.load %arg5[%get3A_50, %get3A_51] : memref<128x128xf32, #tpu.memory_space<vmem>>, vector<128x128xf32>
    %slice3A_53 = vector.extract_strided_slice %get3A_52 {offsets = [0, 0], sizes = [128, 16], strides = [1, 1]} : vector<128x128xf32> to vector<128x16xf32>
    %slice3A_54 = vector.extract_strided_slice %get3A_52 {offsets = [0, 16], sizes = [128, 16], strides = [1, 1]} : vector<128x128xf32> to vector<128x16xf32>
    %slice3A_55 = vector.extract_strided_slice %get3A_52 {offsets = [0, 32], sizes = [128, 16], strides = [1, 1]} : vector<128x128xf32> to vector<128x16xf32>
    %slice3A_56 = vector.extract_strided_slice %get3A_52 {offsets = [0, 48], sizes = [128, 16], strides = [1, 1]} : vector<128x128xf32> to vector<128x16xf32>
    %slice3A_57 = vector.extract_strided_slice %get3A_52 {offsets = [0, 64], sizes = [128, 16], strides = [1, 1]} : vector<128x128xf32> to vector<128x16xf32>
    %slice3A_58 = vector.extract_strided_slice %get3A_52 {offsets = [0, 80], sizes = [128, 16], strides = [1, 1]} : vector<128x128xf32> to vector<128x16xf32>
    %slice3A_59 = vector.extract_strided_slice %get3A_52 {offsets = [0, 96], sizes = [128, 16], strides = [1, 1]} : vector<128x128xf32> to vector<128x16xf32>
    %slice3A_60 = vector.extract_strided_slice %get3A_52 {offsets = [0, 112], sizes = [128, 16], strides = [1, 1]} : vector<128x128xf32> to vector<128x16xf32>
    %concatenate3A_61 = tpu.concatenate %slice3A_53, %slice3A_54, %slice3A_55, %slice3A_56, %slice3A_57, %slice3A_58, %slice3A_59, %slice3A_60 in 0 : vector<128x16xf32>, vector<128x16xf32>, vector<128x16xf32>, vector<128x16xf32>, vector<128x16xf32>, vector<128x16xf32>, vector<128x16xf32>, vector<128x16xf32> -> vector<1024x16xf32>
    %get3A_62 = arith.constant 0 : index
    %get3A_63 = arith.constant 0 : index
    %get3A_64 = vector.load %arg6[%get3A_62, %get3A_63] : memref<16x16xf32, #tpu.memory_space<vmem>>, vector<16x16xf32>
    %dot_general3A = arith.constant dense<0.000000e+00> : vector<1024x16xf32>
    %dot_general3A_65 = tpu.matmul %concatenate3A_61, %get3A_64, %dot_general3A {dimension_numbers = #tpu.dot_dimension_numbers<[1], [0], [0], [1], [0, 0, 1, 1], [], []>, transpose_lhs_hint = false} : vector<1024x16xf32>, vector<16x16xf32>, vector<1024x16xf32> -> vector<1024x16xf32>
    %add3A_66 = arith.addf %div3A, %dot_general3A_65 : vector<1024x16xf32>
    %get3A_67 = arith.constant 0 : index
    %get3A_68 = arith.constant 0 : index
    %get3A_69 = vector.load %arg7[%get3A_67, %get3A_68] : memref<1x16xf32, #tpu.memory_space<vmem>>, vector<1x16xf32>
    %add3A_70 = vector.broadcast %get3A_69 : vector<1x16xf32> to vector<1024x16xf32>
    %add3A_71 = arith.addf %add3A_66, %add3A_70 : vector<1024x16xf32>
    %max3A_72 = arith.constant 0.000000e+00 : f32
    %max3A_73 = vector.broadcast %max3A_72 : f32 to vector<1024x16xf32>
    %max3A_74 = arith.maximumf %add3A_71, %max3A_73 : vector<1024x16xf32>
    %get3A_75 = arith.constant 0 : index
    %get3A_76 = arith.constant 0 : index
    %get3A_77 = vector.load %arg8[%get3A_75, %get3A_76] : memref<8x128xi32, #tpu.memory_space<vmem>>, vector<8x128xi32>
    %iota3A = tpu.iota {dimensions = array<i32: 0>} : vector<64x128xi32>
    %slice3A_78 = vector.extract_strided_slice %get3A_77 {offsets = [0, 0], sizes = [1, 128], strides = [1, 1]} : vector<8x128xi32> to vector<1x128xi32>
    %eq3A_79 = vector.broadcast %slice3A_78 : vector<1x128xi32> to vector<64x128xi32>
    %eq3A_80 = arith.cmpi eq, %iota3A, %eq3A_79 : vector<64x128xi32>
    %slice3A_81 = vector.extract_strided_slice %get3A_77 {offsets = [1, 0], sizes = [1, 128], strides = [1, 1]} : vector<8x128xi32> to vector<1x128xi32>
    %eq3A_82 = vector.broadcast %slice3A_81 : vector<1x128xi32> to vector<64x128xi32>
    %eq3A_83 = arith.cmpi eq, %iota3A, %eq3A_82 : vector<64x128xi32>
    %slice3A_84 = vector.extract_strided_slice %get3A_77 {offsets = [2, 0], sizes = [1, 128], strides = [1, 1]} : vector<8x128xi32> to vector<1x128xi32>
    %eq3A_85 = vector.broadcast %slice3A_84 : vector<1x128xi32> to vector<64x128xi32>
    %eq3A_86 = arith.cmpi eq, %iota3A, %eq3A_85 : vector<64x128xi32>
    %slice3A_87 = vector.extract_strided_slice %get3A_77 {offsets = [3, 0], sizes = [1, 128], strides = [1, 1]} : vector<8x128xi32> to vector<1x128xi32>
    %eq3A_88 = vector.broadcast %slice3A_87 : vector<1x128xi32> to vector<64x128xi32>
    %eq3A_89 = arith.cmpi eq, %iota3A, %eq3A_88 : vector<64x128xi32>
    %slice3A_90 = vector.extract_strided_slice %get3A_77 {offsets = [4, 0], sizes = [1, 128], strides = [1, 1]} : vector<8x128xi32> to vector<1x128xi32>
    %eq3A_91 = vector.broadcast %slice3A_90 : vector<1x128xi32> to vector<64x128xi32>
    %eq3A_92 = arith.cmpi eq, %iota3A, %eq3A_91 : vector<64x128xi32>
    %slice3A_93 = vector.extract_strided_slice %get3A_77 {offsets = [5, 0], sizes = [1, 128], strides = [1, 1]} : vector<8x128xi32> to vector<1x128xi32>
    %eq3A_94 = vector.broadcast %slice3A_93 : vector<1x128xi32> to vector<64x128xi32>
    %eq3A_95 = arith.cmpi eq, %iota3A, %eq3A_94 : vector<64x128xi32>
    %slice3A_96 = vector.extract_strided_slice %get3A_77 {offsets = [6, 0], sizes = [1, 128], strides = [1, 1]} : vector<8x128xi32> to vector<1x128xi32>
    %eq3A_97 = vector.broadcast %slice3A_96 : vector<1x128xi32> to vector<64x128xi32>
    %eq3A_98 = arith.cmpi eq, %iota3A, %eq3A_97 : vector<64x128xi32>
    %slice3A_99 = vector.extract_strided_slice %get3A_77 {offsets = [7, 0], sizes = [1, 128], strides = [1, 1]} : vector<8x128xi32> to vector<1x128xi32>
    %eq3A_100 = vector.broadcast %slice3A_99 : vector<1x128xi32> to vector<64x128xi32>
    %eq3A_101 = arith.cmpi eq, %iota3A, %eq3A_100 : vector<64x128xi32>
    %concatenate3A_102 = tpu.concatenate %eq3A_80, %eq3A_83, %eq3A_86, %eq3A_89, %eq3A_92, %eq3A_95, %eq3A_98, %eq3A_101 in 1 : vector<64x128xi1>, vector<64x128xi1>, vector<64x128xi1>, vector<64x128xi1>, vector<64x128xi1>, vector<64x128xi1>, vector<64x128xi1>, vector<64x128xi1> -> vector<64x1024xi1>
    %convert_element_type3A_103 = arith.extui %concatenate3A_102 : vector<64x1024xi1> to vector<64x1024xi32>
    %convert_element_type3A_104 = arith.sitofp %convert_element_type3A_103 : vector<64x1024xi32> to vector<64x1024xf32>
    %get3A_105 = arith.constant 0 : index
    %get3A_106 = arith.constant 0 : index
    %get3A_107 = vector.load %arg14[%get3A_105, %get3A_106] : memref<64x16xf32, #tpu.memory_space<vmem>>, vector<64x16xf32>
    %dot_general3A_108 = arith.constant dense<0.000000e+00> : vector<64x16xf32>
    %dot_general3A_109 = tpu.matmul %convert_element_type3A_104, %max3A_74, %dot_general3A_108 {dimension_numbers = #tpu.dot_dimension_numbers<[1], [0], [0], [1], [0, 0, 1, 1], [], []>, transpose_lhs_hint = false} : vector<64x1024xf32>, vector<1024x16xf32>, vector<64x16xf32> -> vector<64x16xf32>
    %add3A_110 = arith.addf %get3A_107, %dot_general3A_109 : vector<64x16xf32>
    %swap3A = arith.constant 0 : index
    %swap3A_111 = arith.constant 0 : index
    %swap3A_112 = vector.load %arg14[%swap3A, %swap3A_111] : memref<64x16xf32, #tpu.memory_space<vmem>>, vector<64x16xf32>
    tpu.vector_store %arg14[%swap3A, %swap3A_111], %add3A_110 {strides = array<i32>} : memref<64x16xf32, #tpu.memory_space<vmem>>, vector<64x16xf32>,
    %get3A_113 = arith.constant 0 : index
    %get3A_114 = arith.constant 0 : index
    %get3A_115 = vector.load %arg15[%get3A_113, %get3A_114] : memref<64x16xf32, #tpu.memory_space<vmem>>, vector<64x16xf32>
    %broadcast_in_dim3A = arith.constant 1.000000e+00 : f32
    %broadcast_in_dim3A_116 = vector.broadcast %broadcast_in_dim3A : f32 to vector<1024x16xf32>
    %dot_general3A_117 = arith.constant dense<0.000000e+00> : vector<64x16xf32>
    %dot_general3A_118 = tpu.matmul %convert_element_type3A_104, %broadcast_in_dim3A_116, %dot_general3A_117 {dimension_numbers = #tpu.dot_dimension_numbers<[1], [0], [0], [1], [0, 0, 1, 1], [], []>, transpose_lhs_hint = false} : vector<64x1024xf32>, vector<1024x16xf32>, vector<64x16xf32> -> vector<64x16xf32>
    %add3A_119 = arith.addf %get3A_115, %dot_general3A_118 : vector<64x16xf32>
    %swap3A_120 = arith.constant 0 : index
    %swap3A_121 = arith.constant 0 : index
    %swap3A_122 = vector.load %arg15[%swap3A_120, %swap3A_121] : memref<64x16xf32, #tpu.memory_space<vmem>>, vector<64x16xf32>
    tpu.vector_store %arg15[%swap3A_120, %swap3A_121], %add3A_119 {strides = array<i32>} : memref<64x16xf32, #tpu.memory_space<vmem>>, vector<64x16xf32>,
    %eq3A_123 = arith.constant 9 : i32
    %eq3A_124 = arith.cmpi eq, %arg0, %eq3A_123 : i32
    %convert_element_type3A_125 = arith.extui %eq3A_124 : i1 to i32
    %cond3A_126 = arith.constant 0 : i32
    %cond3A_127 = arith.cmpi ne, %convert_element_type3A_125, %cond3A_126 : i32
    scf.if %cond3A_127 {
      %get3A_128 = arith.constant 0 : index
      %get3A_129 = arith.constant 0 : index
      %get3A_130 = vector.load %arg14[%get3A_128, %get3A_129] : memref<64x16xf32, #tpu.memory_space<vmem>>, vector<64x16xf32>
      %get3A_131 = arith.constant 0 : index
      %get3A_132 = arith.constant 0 : index
      %get3A_133 = vector.load %arg15[%get3A_131, %get3A_132] : memref<64x16xf32, #tpu.memory_space<vmem>>, vector<64x16xf32>
      %max3A_134 = arith.constant 1.000000e+00 : f32
      %max3A_135 = vector.broadcast %max3A_134 : f32 to vector<64x16xf32>
      %max3A_136 = arith.maximumf %get3A_133, %max3A_135 : vector<64x16xf32>
      %div3A_137 = arith.divf %get3A_130, %max3A_136 : vector<64x16xf32>
      %get3A_138 = arith.constant 0 : index
      %get3A_139 = arith.constant 0 : index
      %get3A_140 = vector.load %arg9[%get3A_138, %get3A_139] : memref<16x16xf32, #tpu.memory_space<vmem>>, vector<16x16xf32>
      %dot_general3A_141 = arith.constant dense<0.000000e+00> : vector<64x16xf32>
      %dot_general3A_142 = tpu.matmul %div3A_137, %get3A_140, %dot_general3A_141 {dimension_numbers = #tpu.dot_dimension_numbers<[1], [0], [0], [1], [0, 0, 1, 1], [], []>, transpose_lhs_hint = false} : vector<64x16xf32>, vector<16x16xf32>, vector<64x16xf32> -> vector<64x16xf32>
      %get3A_143 = arith.constant 0 : index
      %get3A_144 = arith.constant 0 : index
      %get3A_145 = vector.load %arg10[%get3A_143, %get3A_144] : memref<1x16xf32, #tpu.memory_space<vmem>>, vector<1x16xf32>
      %add3A_146 = vector.broadcast %get3A_145 : vector<1x16xf32> to vector<64x16xf32>
      %add3A_147 = arith.addf %dot_general3A_142, %add3A_146 : vector<64x16xf32>
      %max3A_148 = arith.constant 0.000000e+00 : f32
      %max3A_149 = vector.broadcast %max3A_148 : f32 to vector<64x16xf32>
      %max3A_150 = arith.maximumf %add3A_147, %max3A_149 : vector<64x16xf32>
      %get3A_151 = arith.constant 0 : index
      %get3A_152 = arith.constant 0 : index
      %get3A_153 = vector.load %arg11[%get3A_151, %get3A_152] : memref<16x10xf32, #tpu.memory_space<vmem>>, vector<16x10xf32>
      %dot_general3A_154 = arith.constant dense<0.000000e+00> : vector<64x10xf32>
      %dot_general3A_155 = tpu.matmul %max3A_150, %get3A_153, %dot_general3A_154 {dimension_numbers = #tpu.dot_dimension_numbers<[1], [0], [0], [1], [0, 0, 1, 1], [], []>, transpose_lhs_hint = false} : vector<64x16xf32>, vector<16x10xf32>, vector<64x10xf32> -> vector<64x10xf32>
      %get3A_156 = arith.constant 0 : index
      %get3A_157 = arith.constant 0 : index
      %get3A_158 = vector.load %arg12[%get3A_156, %get3A_157] : memref<1x10xf32, #tpu.memory_space<vmem>>, vector<1x10xf32>
      %add3A_159 = vector.broadcast %get3A_158 : vector<1x10xf32> to vector<64x10xf32>
      %add3A_160 = arith.addf %dot_general3A_155, %add3A_159 : vector<64x10xf32>
      %swap3A_161 = arith.constant 0 : index
      %swap3A_162 = arith.constant 0 : index
      %swap3A_163 = vector.load %arg13[%swap3A_161, %swap3A_162] : memref<64x10xf32, #tpu.memory_space<vmem>>, vector<64x10xf32>
      tpu.vector_store %arg13[%swap3A_161, %swap3A_162], %add3A_160 {strides = array<i32>} : memref<64x10xf32, #tpu.memory_space<vmem>>, vector<64x10xf32>,
    } else {
    }
    return
  }
  func.func @transform_0(%arg0: i32) -> (i32, i32) {
    %c0_i32 = arith.constant 0 : i32
    %c0_i32_0 = arith.constant 0 : i32
    return %arg0, %c0_i32 : i32, i32
  }
  func.func @transform_1(%arg0: i32) -> (i32, i32) {
    %c0_i32 = arith.constant 0 : i32
    %c0_i32_0 = arith.constant 0 : i32
    return %arg0, %c0_i32 : i32, i32
  }
  func.func @transform_2(%arg0: i32) -> (i32, i32) {
    %c0_i32 = arith.constant 0 : i32
    %c0_i32_0 = arith.constant 0 : i32
    return %arg0, %c0_i32 : i32, i32
  }
  func.func @transform_3(%arg0: i32) -> (i32, i32) {
    %c0_i32 = arith.constant 0 : i32
    %c0_i32_0 = arith.constant 0 : i32
    return %arg0, %c0_i32 : i32, i32
  }
  func.func @transform_4(%arg0: i32) -> (i32, i32) {
    %c0_i32 = arith.constant 0 : i32
    %c0_i32_0 = arith.constant 0 : i32
    return %arg0, %c0_i32 : i32, i32
  }
  func.func @transform_5(%arg0: i32) -> (i32, i32) {
    %c0_i32 = arith.constant 0 : i32
    %c0_i32_0 = arith.constant 0 : i32
    %c0_i32_1 = arith.constant 0 : i32
    return %c0_i32, %c0_i32_0 : i32, i32
  }
  func.func @transform_6(%arg0: i32) -> (i32, i32) {
    %c0_i32 = arith.constant 0 : i32
    %c0_i32_0 = arith.constant 0 : i32
    %c0_i32_1 = arith.constant 0 : i32
    return %c0_i32, %c0_i32_0 : i32, i32
  }
  func.func @transform_7(%arg0: i32) -> (i32, i32) {
    %c0_i32 = arith.constant 0 : i32
    %c0_i32_0 = arith.constant 0 : i32
    return %arg0, %c0_i32 : i32, i32
  }
  func.func @transform_8(%arg0: i32) -> (i32, i32) {
    %c0_i32 = arith.constant 0 : i32
    %c0_i32_0 = arith.constant 0 : i32
    %c0_i32_1 = arith.constant 0 : i32
    return %c0_i32, %c0_i32_0 : i32, i32
  }
  func.func @transform_9(%arg0: i32) -> (i32, i32) {
    %c0_i32 = arith.constant 0 : i32
    %c0_i32_0 = arith.constant 0 : i32
    %c0_i32_1 = arith.constant 0 : i32
    return %c0_i32, %c0_i32_0 : i32, i32
  }
  func.func @transform_10(%arg0: i32) -> (i32, i32) {
    %c0_i32 = arith.constant 0 : i32
    %c0_i32_0 = arith.constant 0 : i32
    %c0_i32_1 = arith.constant 0 : i32
    return %c0_i32, %c0_i32_0 : i32, i32
  }
  func.func @transform_11(%arg0: i32) -> (i32, i32) {
    %c0_i32 = arith.constant 0 : i32
    %c0_i32_0 = arith.constant 0 : i32
    %c0_i32_1 = arith.constant 0 : i32
    return %c0_i32, %c0_i32_0 : i32, i32
  }
  func.func @transform_12(%arg0: i32) -> (i32, i32) {
    %c0_i32 = arith.constant 0 : i32
    %c0_i32_0 = arith.constant 0 : i32
    %c0_i32_1 = arith.constant 0 : i32
    return %c0_i32, %c0_i32_0 : i32, i32
  }
}

</mosaic_0001>

<sc_bundles>
// kernel: kernel.10.cloned.1.call-start
scs
__scs_entry_jumppad:
0x0: {  	(pc) =	sbr.rel $0x88, $3  }
0x1: {  	(tag) =	ssettag $0x0;
	lr =	simm.s32 $0x1  }
0x2: {  	[smem:$0x3F8D] =	sst lr;
	_ =	strace $0xD0000000  }
0x3: {  	_ = 	snop  }
0x4: {  	_ = 	snop  }
0x5: {  	_ = 	snop  }
0x6: {  	_ = 	snop  }
0x7: {  	_ = 	snop  }
__scs_overlays_trampoline_lowered:
0x8: {  	[smem:$0x3F9C] =	sst s0  }
0x9: {  	[smem:$0x3F9D] =	sst s1  }
0xa: {  	[smem:$0x3F9E] =	sst s2  }
0xb: {  	[smem:$0x3F9F] =	sst s3  }
0xc: {  	[smem:$0x3FA0] =	sst s4  }
0xd: {  	[smem:$0x3FA1] =	sst s5  }
0xe: {  	[smem:$0x3FA2] =	sst s6  }
0xf: {  	[smem:$0x3FA3] =	sst s7  }
0x10: {  	[smem:$0x3FA4] =	sst s8  }
0x11: {  	[smem:$0x3FA5] =	sst s9;
	s0 =	simm.s32 @!p0 $0x0  }
0x12: {  	s1 =	sld [smem:$0x3F8B];
	s0 =	simm.s32 @p0 $0x1  }
0x13: {  	[smem:$0x3FA6] =	sst s0;
	s0 =	simm.s32 @!p1 $0x0  }
0x14: {  	s2 =	sld [smem:$0x3F8A];
	s0 =	simm.s32 @p1 $0x1  }
0x15: {  	[smem:$0x3FA7] =	sst s0;
	s0 =	simm.s32 @!p2 $0x0  }
0x16: {  	s3 =	sld [smem:$0x3FDB];
	s0 =	simm.s32 @p2 $0x1  }
0x17: {  	s4 =	simm.s32 $0x1BF5;
	[smem:$0x3FA9] =	sst s0  }
0x18: {  	s0 =	sld [smem:$0x3F8C];
	_ =	swait.ge [sflag:s4], $0x0  }
0x19: {  	s7 =	sld [smem:$0x3F8D]  }
0x1a: {  	s8 =	sadd.s32 $0xFFFFE003, lr  }
0x1b: {  	s9 =	sadd.s32 $0xFFFFFEF7, lr;
	s5 =	simm.s32 $0xFFFFFFFF;
	p2 =	slt.u32 s8, $0xFFFFF086  }
0x1c: {  	p1 =	slt.u32 s9, $0xF7A;
	s5 =	simm.s32 @!p2 $0x0  }
0x1d: {  	s5 =	simm.s32 @p1 $0x1;
	p0 =	seq.s32 s7, s2  }
0x1e: {  	s7 =	smul.u32 @!p0 $0xF7A, s2;
	p2 =	seq.s32 @!p0 s5, $0x0  }
0x1f: {  	s9 =	smul.u32 $0xF7A, s1;
	s8 =	simm.s32 @!p0 $0x1BF5;
	p2 =	por !p2, p0  }
0x20: {  	[sflag:s8] =	ssyncset.s32 @!p0 $0xFFFFF086;
	s6 =	sadd.s32 @!p0 s3, s7;
	s7 =	simm.s32 @!p0 $0x108  }
0x21: {  	s3 =	sadd.s32 s3, s9;
	s6 =	sadd.s32 @!p0 $0x88, s6;
	s7 =	simm.s32 @p2 $0x1082  }
0x22: {  	[simem:s7], [sflag:s8] =	dma.local @!p0 [hbm:s6], $0xF7A  }
0x23: {  	s9 =	sor.u32 $0xD0000000, s2;
	s6 =	simm.s32 $0x108;
	_ =	swait.ge @!p0 [sflag:s8], $0x0  }
0x24: {  	s3 =	sadd.s32 $0x88, s3;
	s6 =	simm.s32 @!p1 $0x1082;
	[sflag:s4] =	ssyncset.s32 $0xFFFFF086  }
0x25: {  	[simem:s6], [sflag:s4] =	dma.local [hbm:s3], $0xF7A  }
0x26: {  	[smem:$0x3F8D] =	sst s1;
	(tag) =	ssettag s2;
	_ =	strace s9  }
0x27: {  	s1 =	sld [smem:$0x3F9D]  }
0x28: {  	s2 =	sld [smem:$0x3F9E]  }
0x29: {  	s4 =	sld [smem:$0x3FA0]  }
0x2a: {  	p0 =	seq.s32 s5, $0x0;
	s5 =	sld [smem:$0x3FA1]  }
0x2b: {  	s6 =	sld [smem:$0x3FA2]  }
0x2c: {  	s7 =	sld [smem:$0x3FA3]  }
0x2d: {  	s3 =	simm.s32 $0x108;
	s8 =	sld [smem:$0x3FA4]  }
0x2e: {  	s3 =	simm.s32 @!p0 $0x1082;
	s9 =	sld [smem:$0x3FA5]  }
0x2f: {  	lr =	sadd.s32 s0, s3;
	s0 =	sld [smem:$0x3F9C]  }
0x30: {  	s3 =	sld [smem:$0x3F9F]  }
0x31: {  	[smem:$0x3FA8] =	sst s10  }
0x32: {  	s10 =	sld [smem:$0x3FA6];
	_ =	sdelay $0x3  }
0x33: {  	p0 =	seq.s32 s10, $0x1;
	s10 =	sld [smem:$0x3FA8];
	_ =	sdelay $0x3  }
0x34: {  	[smem:$0x3FA8] =	sst s10  }
0x35: {  	s10 =	sld [smem:$0x3FA7];
	_ =	sdelay $0x3  }
0x36: {  	p1 =	seq.s32 s10, $0x1;
	s10 =	sld [smem:$0x3FA8];
	_ =	sdelay $0x3  }
0x37: {  	[smem:$0x3FA8] =	sst s10  }
0x38: {  	s10 =	sld [smem:$0x3FA9]  }
0x39: {  	_ = 	snop;
	(pc) =	sbr.ind lr, $3  }
0x3a: {  	_ = 	snop  }
0x3b: {  	_ = 	snop  }
0x3c: {  	p2 =	seq.s32 s10, $0x1;
	s10 =	sld [smem:$0x3FA8]  }
0x3d: {  	_ =	shalt  }
0x3e: {  	_ =	shalt  }
0x3f: {  	_ =	shalt  }
0x40: {  	_ =	shalt  }
0x41: {  	_ =	shalt  }
0x42: {  	_ =	shalt  }
0x43: {  	_ =	shalt  }
0x44: {  	_ =	shalt  }
0x45: {  	_ =	shalt  }
0x46: {  	_ =	shalt  }
0x47: {  	_ =	shalt  }
0x48: {  	_ =	shalt  }
0x49: {  	_ =	shalt  }
0x4a: {  	_ =	shalt  }
0x4b: {  	_ =	shalt  }
0x4c: {  	_ =	shalt  }
0x4d: {  	_ =	shalt  }
0x4e: {  	_ =	shalt  }
0x4f: {  	_ =	shalt  }
0x50: {  	_ =	shalt  }
0x51: {  	_ =	shalt  }
0x52: {  	_ =	shalt  }
0x53: {  	_ =	shalt  }
0x54: {  	_ =	shalt  }
0x55: {  	_ =	shalt  }
0x56: {  	_ =	shalt  }
0x57: {  	_ =	shalt  }
0x58: {  	_ =	shalt  }
0x59: {  	_ =	shalt  }
0x5a: {  	_ =	shalt  }
0x5b: {  	_ =	shalt  }
0x5c: {  	_ =	shalt  }
0x5d: {  	_ =	shalt  }
0x5e: {  	_ =	shalt  }
0x5f: {  	_ =	shalt  }
0x60: {  	_ =	shalt  }
0x61: {  	_ =	shalt  }
0x62: {  	_ =	shalt  }
0x63: {  	_ =	shalt  }
0x64: {  	_ =	shalt  }
0x65: {  	_ =	shalt  }
0x66: {  	_ =	shalt  }
0x67: {  	_ =	shalt  }
0x68: {  	_ =	shalt  }
0x69: {  	_ =	shalt  }
0x6a: {  	_ =	shalt  }
0x6b: {  	_ =	shalt  }
0x6c: {  	_ =	shalt  }
0x6d: {  	_ =	shalt  }
0x6e: {  	_ =	shalt  }
0x6f: {  	_ =	shalt  }
0x70: {  	_ =	shalt  }
0x71: {  	_ =	shalt  }
0x72: {  	_ =	shalt  }
0x73: {  	_ =	shalt  }
0x74: {  	_ =	shalt  }
0x75: {  	_ =	shalt  }
0x76: {  	_ =	shalt  }
0x77: {  	_ =	shalt  }
0x78: {  	_ =	shalt  }
0x79: {  	_ =	shalt  }
0x7a: {  	_ =	shalt  }
0x7b: {  	_ =	shalt  }
0x7c: {  	_ =	shalt  }
0x7d: {  	_ =	shalt  }
0x7e: {  	_ =	shalt  }
0x7f: {  	_ =	shalt  }
0x80: {  	_ =	shalt  }
0x81: {  	_ =	shalt  }
0x82: {  	_ =	shalt  }
0x83: {  	_ =	shalt  }
0x84: {  	_ =	shalt  }
0x85: {  	_ =	shalt  }
0x86: {  	_ =	shalt  }
0x87: {  	_ =	shalt  }
.Lfunc_end0:
.L_simem_size_0:
called_computation_lowered:
.L_overlay_start_0:
0x88: {  	s2 =	sld [smem:$0x3FD9]  }
0x89: {  	s3 =	sld [smem:$0x3FFE];
	_ =	sdelay $0x1  }
0x8a: {  	s1 =	srdreg.scid  }
0x8b: {  	s0 =	sand.u32 $0x1, s1  }
0x8c: {  	s16 =	sshll.u32 s0, $0xA;
	s2 =	sadd.s32 s3, s2  }
0x8d: {  	s2 =	sadd.s32 s2, s16  }
0x8e: {  	[smem:$0x3FB4] =	sst s2  }
0x8f: {  	_ = 	snop  }
0x90: {  	(tm) =	ssettm $0x1  }
0x91: {  	s17 =	sld [smem:$0x3FFB];
	_ =	sdelay $0x3  }
0x92: {  	_ =	strace s17  }
0x93: {  	s2 =	sld [smem:$0x3FFC];
	_ =	sdelay $0x3  }
0x94: {  	_ =	strace s2  }
0x95: {  	s2 =	sld [smem:$0x3FFD];
	_ =	sdelay $0x3  }
0x96: {  	_ =	strace s2  }
0x97: {  	_ =	strace $0x8FFFFFFF  }
0x98: {  	s18 =	sld [smem:$0x3FDB];
	_ =	sdelay $0x1  }
0x99: {  	s19 =	simm.s32 $_scs_section_size  }
0x9a: {  	s4 =	simm.s32 $_size__tile_overlayer_lowered;
	s5 =	simm.s32 $_tile_overlayer_lowered  }
0x9b: {  	s22 =	simm.s32 $0x1BFF;
	s21 =	sshll.u32 s5, $0x1;
	s2 =	sadd.s32 s19, s18  }
0x9c: {  	s6 =	simm.s32 $0x0;
	s20 =	sshll.u32 s4, $0x1;
	s4 =	sadd.s32 s21, s2  }
0x9d: {  	[timem:s6], [sflag:s22] =	dma.local [hbm:s4], s20  }
0x9e: {  	_ =	swait.ge [sflag:s22], s20  }
0x9f: {  	s3 =	ssub.s32 $0x0, s20;
	[sflag:s22] =	ssyncset.done $0x0  }
0xa0: {  	[sflag:s22] =	ssyncadd.s32 s3;
	_ =	sdelay $0x1  }
0xa1: {  	s23 =	simm.s32 $0x1B8B  }
0xa2: {  	_ =	swait.ge [sflag:s23], $0x1  }
0xa3: {  	[sflag:s23] =	ssyncset.done $0x0  }
0xa4: {  	s25 =	simm.s32 $0x1B8E;
	s24 =	sld [smem:$0x3FFE];
	[sflag:s23] =	ssyncadd.s32 $0xFFFFFFFF  }
0xa5: {  	s26 =	simm.s32 $execute0_lowered;
	[smem:$0x3FD2] =	sst s25  }
0xa6: {  	s4 =	sshll.u32 s26, $0x1;
	_ =	strace $0x80000046;
	[dreg:$0x1] =	wrdreg $0xFFFFFFFF  }
0xa7: {  	s28 =	simm.s32 $_size_execute0_lowered;
	s2 =	sadd.s32 s2, s4;
	[dreg:$0x0] =	wrdreg $0x0  }
0xa8: {  	s4 =	sshll.u32 s28, $0x1;
	[dreg:$0x2] =	wrdreg s2  }
0xa9: {  	[dreg:$0x3] =	wrdreg s4  }
0xaa: {  	[dreg:$0x4] =	wrdreg $0xC0  }
0xab: {  	_ =	task [dreg:s6], $0x5FFFF  }
0xac: {  	[dreg:$0x1] =	wrdreg $0xFFFFFFFF  }
0xad: {  	[dreg:$0x0] =	wrdreg $0x60  }
0xae: {  	[dreg:$0x2] =	wrdreg s24  }
0xaf: {  	[dreg:$0x3] =	wrdreg $0x9  }
0xb0: {  	_ =	task.clear_ibuf [dreg:s6], $0x4FFFF;
	_ =	strace $0x90000046  }
0xb1: {  	s29 =	simm.s32 $0x9;
	_ =	strace $0x80000048  }
0xb2: {  	_ =	swait.ge [sflag:s29], $0x1  }
0xb3: {  	[sflag:s29] =	ssyncadd.s32 $0xFFFFFFFF  }
0xb4: {  	_ =	strace $0x90000048  }
0xb5: {  	_ =	sfence  }
0xb6: {  	s30 =	sld [smem:$0x0];
	_ =	sdelay $0x2  }
0xb7: {  	s31 =	sshll.u32 s1, $0xD;
	s1 =	sshrl.u32 s1, $0x2  }
0xb8: {  	s3 =	sand.u32 $0x4000, s31;
	s1 =	sadd.s32 s1, s30  }
0xb9: {  	s0 =	sor.u32 s3, s0;
	s1 =	sshll.u32 s1, $0x11  }
0xba: {  	s0 =	sor.u32 s1, s0  }
0xbb: {  	s0 =	sadd.s32 $0x8F2B, s0  }
0xbc: {  	[sflag:s0] =	ssyncadd.remote.s32 $0x1  }
0xbd: {  	_ =	sfence.sel $0xFFFF  }
0xbe: {  	[dreg:$0x0] =	wrdreg $0xFFFFFFFF;
	(pc) =	sbr.abs _section_cstart, $3  }
0xbf: {  	[dreg:$0x1] =	wrdreg $0xFFFFFFFF  }
0xc0: {  	_ =	task.clear_ibuf [dreg:s6], $0x2FFFF;
	_ =	strace $0x9FFFFFFF  }
0xc1: {  	(tm) =	ssettm $0x7FFFFFFF  }
tec
execute0_lowered:
.L_overlay_start_1:
0x0: {  	(tag) =	ssettag $0x1  }
0x1: {  	s1 =	srdreg.scid;
	s0 =	stileid.u32  }
0x2: {  	s1 =	sand.u32 $0x1, s1;
	s2 =	sshll.u32 s0, $0x1  }
0x3: {  	s4 =	rddreg [dreg:$0x0];
	s3 =	sor.u32 s1, s2;
	s2 =	simm.s32 $0x0  }
0x4: {  	s19 =	simm.s32 $0x1C00;
	[smem:$0x7FF] =	sst s2  }
0x5: {  	s20 =	simm.s32 $0x100;
	_ =	strace $0x80000047;
	[dreg:$0x4] =	wrdreg s19  }
0x6: {  	s21 =	simm.s32 $0x2400;
	[dreg:$0x5] =	wrdreg s20  }
0x7: {  	s22 =	simm.s32 $0x180;
	[dreg:$0x6] =	wrdreg s21  }
0x8: {  	s23 =	simm.s32 $0x2C00;
	[dreg:$0x7] =	wrdreg s22  }
0x9: {  	s24 =	simm.s32 $0x200;
	[dreg:$0x8] =	wrdreg s23  }
0xa: {  	s25 =	simm.s32 $0x3400;
	[dreg:$0x9] =	wrdreg s24  }
0xb: {  	s26 =	simm.s32 $0x280;
	[dreg:$0xa] =	wrdreg s25  }
0xc: {  	s0 =	simm.s32 $0x3C00;
	[dreg:$0xb] =	wrdreg s26  }
0xd: {  	s6 =	simm.s32 $0x4400;
	[dreg:$0xc] =	wrdreg s0  }
0xe: {  	s7 =	simm.s32 $0x380;
	[dreg:$0xe] =	wrdreg s6  }
0xf: {  	s8 =	simm.s32 $0x4C00;
	[dreg:$0xf] =	wrdreg s7  }
0x10: {  	s9 =	simm.s32 $0x400;
	[dreg:$0x10] =	wrdreg s8  }
0x11: {  	s10 =	simm.s32 $0x5400;
	[dreg:$0x11] =	wrdreg s9  }
0x12: {  	s11 =	simm.s32 $0x480;
	[dreg:$0x12] =	wrdreg s10  }
0x13: {  	s12 =	simm.s32 $0x5C00;
	[dreg:$0x13] =	wrdreg s11  }
0x14: {  	s13 =	simm.s32 $0x500;
	[dreg:$0x14] =	wrdreg s12  }
0x15: {  	s14 =	simm.s32 $0x6400;
	[dreg:$0x15] =	wrdreg s13  }
0x16: {  	s15 =	simm.s32 $0x580;
	[dreg:$0x16] =	wrdreg s14  }
0x17: {  	s16 =	simm.s32 $0x6C00;
	[dreg:$0x17] =	wrdreg s15  }
0x18: {  	s17 =	simm.s32 $0x600;
	[dreg:$0x18] =	wrdreg s16  }
0x19: {  	s18 =	simm.s32 $0x7400;
	[dreg:$0x19] =	wrdreg s17  }
0x1a: {  	[dreg:$0x1a] =	wrdreg s18;
	s19 =	simm.s32 $0x680  }
0x1b: {  	s20 =	simm.s32 $0x7C00;
	[dreg:$0x1b] =	wrdreg s19  }
0x1c: {  	s21 =	simm.s32 $0x700;
	[dreg:$0x1c] =	wrdreg s20  }
0x1d: {  	s22 =	simm.s32 $0x8400;
	[dreg:$0x1d] =	wrdreg s21  }
0x1e: {  	s23 =	simm.s32 $0x780;
	[dreg:$0x1e] =	wrdreg s22  }
0x1f: {  	s24 =	simm.s32 $0x8C00;
	[dreg:$0x1f] =	wrdreg s23  }
0x20: {  	s25 =	simm.s32 $0x800;
	[smem:$0x7E4] =	sst s24  }
0x21: {  	s26 =	simm.s32 $0x9400;
	[smem:$0x7EB] =	sst s25  }
0x22: {  	s0 =	simm.s32 $0x880;
	[smem:$0x7E9] =	sst s26  }
0x23: {  	s6 =	simm.s32 $0x900;
	[smem:$0x7ED] =	sst s0  }
0x24: {  	s7 =	simm.s32 $0xA400;
	[smem:$0x7E5] =	sst s6  }
0x25: {  	s8 =	simm.s32 $0x980;
	[smem:$0x7EA] =	sst s7  }
0x26: {  	s9 =	simm.s32 $0xAC00;
	[smem:$0x7EE] =	sst s8  }
0x27: {  	s10 =	simm.s32 $0xA00;
	[smem:$0x7EC] =	sst s9  }
0x28: {  	s11 =	simm.s32 $0xB400;
	[smem:$0x7EF] =	sst s10  }
0x29: {  	s12 =	simm.s32 $0xA80;
	[smem:$0x7E8] =	sst s11  }
0x2a: {  	s13 =	simm.s32 $0xBC00;
	[smem:$0x7F1] =	sst s12  }
0x2b: {  	s14 =	simm.s32 $0xB00;
	[smem:$0x7F0] =	sst s13  }
0x2c: {  	s15 =	simm.s32 $0xC400;
	[smem:$0x7F2] =	sst s14  }
0x2d: {  	s16 =	simm.s32 $0xB80;
	[smem:$0x7E6] =	sst s15  }
0x2e: {  	s17 =	simm.s32 $0xCC00;
	[smem:$0x7F4] =	sst s16  }
0x2f: {  	s18 =	simm.s32 $0xC00;
	[smem:$0x7F3] =	sst s17  }
0x30: {  	[smem:$0x7F6] =	sst s18;
	s19 =	simm.s32 $0xD400  }
0x31: {  	s20 =	simm.s32 $0xC80;
	[smem:$0x7F8] =	sst s19  }
0x32: {  	s21 =	simm.s32 $0xDC00;
	[smem:$0x7F7] =	sst s20  }
0x33: {  	s22 =	simm.s32 $0xD00;
	[smem:$0x7F5] =	sst s21  }
0x34: {  	s23 =	simm.s32 $0xE400;
	[smem:$0x7FB] =	sst s22  }
0x35: {  	s5 =	smul.u32 $0x280, s3;
	s24 =	simm.s32 $0xD80;
	[smem:$0x7F9] =	sst s23  }
0x36: {  	s3 =	smul.u32 $0x2800, s3;
	s25 =	simm.s32 $0xEC00;
	[smem:$0x7FC] =	sst s24  }
0x37: {  	s5 =	sadd.s32 s5, s4;
	s6 =	simm.s32 $0xE00;
	[smem:$0x7FA] =	sst s25  }
0x38: {  	s3 =	sadd.s32 s3, s4;
	s5 =	sadd.s32 $0x9000, s5;
	[smem:$0x7FD] =	sst s6  }
0x39: {  	s3 =	sadd.s32 $0xE000, s3;
	[dreg:$0x2] =	wrdreg s5  }
0x3a: {  	[dreg:$0x3] =	wrdreg s3;
	s5 =	simm.s32 $0x300  }
0x3b: {  	[dreg:$0xd] =	wrdreg s5;
	s5 =	simm.s32 $0x9C00  }
0x3c: {  	[smem:$0x7E7] =	sst s5  }
0x3d: {  	s3 =	simm.s32 $0x2;
	s5 =	rddreg [dreg:$0x2]  }
0x3e: {  	[tilespmem:s2], [sflag:$0x2] =	stream.linear.gather [hbm4b:s5+s2], $0x1400, $0x38;
	[tilespmem:$0x15400] =	vst v63  }
0x3f: {  	_ =	swait.ge [sflag:s3], $0x1400  }
0x40: {  	s26 =	rddreg [dreg:$0x7]  }
0x41: {  	s8 =	rddreg [dreg:$0xa]  }
0x42: {  	s9 =	rddreg [dreg:$0xc]  }
0x43: {  	s7 =	simm.s32 $0x80;
	s10 =	rddreg [dreg:$0x5]  }
0x44: {  	s5 =	sadd.s32 $0x4000, s4;
	[sflag:s3] =	ssyncset.done $0x0;
	s11 =	rddreg [dreg:$0x4]  }
0x45: {  	s4 =	simm.s32 $0x1400;
	s12 =	rddreg [dreg:$0x6];
	[sflag:s3] =	ssyncadd.s32 $0xFFFFEC00  }
0x46: {  	[tilespmem:s4], [sflag:$0x1] =	stream.indirect.gather [hbm4b:s5+s7], $0x10, s2, s7, $0xb8;
	[tilespmem:$0x15400] =	vst v63  }
0x47: {  	s13 =	rddreg [dreg:$0x8]  }
0x48: {  	[tilespmem:s11], [sflag:$0x1] =	stream.indirect.gather [hbm4b:s5+s7], $0x10, s7, s7, $0xb8;
	[tilespmem:$0x15400] =	vst v63  }
0x49: {  	s14 =	rddreg [dreg:$0x9]  }
0x4a: {  	[tilespmem:s12], [sflag:$0x1] =	stream.indirect.gather [hbm4b:s5+s7], $0x10, s10, s7, $0xb8;
	[tilespmem:$0x15400] =	vst v63  }
0x4b: {  	s0 =	rddreg [dreg:$0xb]  }
0x4c: {  	[tilespmem:s13], [sflag:$0x1] =	stream.indirect.gather [hbm4b:s5+s7], $0x10, s26, s7, $0xb8;
	[tilespmem:$0x15400] =	vst v63  }
0x4d: {  	s15 =	rddreg [dreg:$0xe]  }
0x4e: {  	[tilespmem:s8], [sflag:$0x1] =	stream.indirect.gather [hbm4b:s5+s7], $0x10, s14, s7, $0xb8;
	[tilespmem:$0x15400] =	vst v63  }
0x4f: {  	s16 =	rddreg [dreg:$0xd]  }
0x50: {  	[tilespmem:s9], [sflag:$0x1] =	stream.indirect.gather [hbm4b:s5+s7], $0x10, s0, s7, $0xb8;
	[tilespmem:$0x15400] =	vst v63  }
0x51: {  	s17 =	rddreg [dreg:$0xf]  }
0x52: {  	[tilespmem:s15], [sflag:$0x1] =	stream.indirect.gather [hbm4b:s5+s7], $0x10, s16, s7, $0xb8;
	[tilespmem:$0x15400] =	vst v63  }
0x53: {  	s6 =	simm.s32 $0x1;
	s18 =	rddreg [dreg:$0x10]  }
0x54: {  	[tilespmem:s18], [sflag:$0x1] =	stream.indirect.gather [hbm4b:s5+s7], $0x10, s17, s7, $0xb8;
	[tilespmem:$0x15400] =	vst v63  }
0x55: {  	_ =	swait.ge [sflag:s6], $0x800  }
0x56: {  	[sflag:s6] =	ssyncset.done $0x0  }
0x57: {  	[sflag:s6] =	ssyncadd.s32 $0xFFFFF800  }
0x58: {  	_ =	swait.ge [sflag:s6], $0x800  }
0x59: {  	[sflag:s6] =	ssyncset.done $0x0  }
0x5a: {  	[sflag:s6] =	ssyncadd.s32 $0xFFFFF800  }
0x5b: {  	_ =	swait.ge [sflag:s6], $0x800  }
0x5c: {  	[sflag:s6] =	ssyncset.done $0x0  }
0x5d: {  	[sflag:s6] =	ssyncadd.s32 $0xFFFFF800  }
0x5e: {  	_ =	swait.ge [sflag:s6], $0x800  }
0x5f: {  	[sflag:s6] =	ssyncset.done $0x0  }
0x60: {  	[sflag:s6] =	ssyncadd.s32 $0xFFFFF800  }
0x61: {  	_ =	swait.ge [sflag:s6], $0x800  }
0x62: {  	[sflag:s6] =	ssyncset.done $0x0  }
0x63: {  	[sflag:s6] =	ssyncadd.s32 $0xFFFFF800  }
0x64: {  	_ =	swait.ge [sflag:s6], $0x800  }
0x65: {  	[sflag:s6] =	ssyncset.done $0x0  }
0x66: {  	[sflag:s6] =	ssyncadd.s32 $0xFFFFF800  }
0x67: {  	_ =	swait.ge [sflag:s6], $0x800  }
0x68: {  	[sflag:s6] =	ssyncset.done $0x0  }
0x69: {  	[sflag:s6] =	ssyncadd.s32 $0xFFFFF800  }
0x6a: {  	_ =	swait.ge [sflag:s6], $0x800  }
0x6b: {  	s19 =	rddreg [dreg:$0x17]  }
0x6c: {  	s20 =	rddreg [dreg:$0x1e]  }
0x6d: {  	s21 =	rddreg [dreg:$0x15]  }
0x6e: {  	s22 =	rddreg [dreg:$0x14]  }
0x6f: {  	s23 =	rddreg [dreg:$0x11]  }
0x70: {  	s24 =	rddreg [dreg:$0x13]  }
0x71: {  	s25 =	rddreg [dreg:$0x12]  }
0x72: {  	s15 =	rddreg [dreg:$0x18];
	[sflag:s6] =	ssyncset.done $0x0  }
0x73: {  	s16 =	rddreg [dreg:$0x1a];
	[sflag:s6] =	ssyncadd.s32 $0xFFFFF800  }
0x74: {  	[tilespmem:s25], [sflag:$0x1] =	stream.indirect.gather [hbm4b:s5+s7], $0x10, s23, s7, $0xb8;
	[tilespmem:$0x15400] =	vst v63  }
0x75: {  	s17 =	rddreg [dreg:$0x16]  }
0x76: {  	[tilespmem:s22], [sflag:$0x1] =	stream.indirect.gather [hbm4b:s5+s7], $0x10, s24, s7, $0xb8;
	[tilespmem:$0x15400] =	vst v63  }
0x77: {  	s26 =	rddreg [dreg:$0x1b]  }
0x78: {  	[tilespmem:s17], [sflag:$0x1] =	stream.indirect.gather [hbm4b:s5+s7], $0x10, s21, s7, $0xb8;
	[tilespmem:$0x15400] =	vst v63  }
0x79: {  	s0 =	rddreg [dreg:$0x19]  }
0x7a: {  	[tilespmem:s15], [sflag:$0x1] =	stream.indirect.gather [hbm4b:s5+s7], $0x10, s19, s7, $0xb8;
	[tilespmem:$0x15400] =	vst v63  }
0x7b: {  	s13 =	rddreg [dreg:$0x1c]  }
0x7c: {  	[tilespmem:s16], [sflag:$0x1] =	stream.indirect.gather [hbm4b:s5+s7], $0x10, s0, s7, $0xb8;
	[tilespmem:$0x15400] =	vst v63  }
0x7d: {  	s14 =	rddreg [dreg:$0x1d]  }
0x7e: {  	[tilespmem:s13], [sflag:$0x1] =	stream.indirect.gather [hbm4b:s5+s7], $0x10, s26, s7, $0xb8;
	[tilespmem:$0x15400] =	vst v63  }
0x7f: {  	s15 =	sld [smem:$0x7E4]  }
0x80: {  	[tilespmem:s20], [sflag:$0x1] =	stream.indirect.gather [hbm4b:s5+s7], $0x10, s14, s7, $0xb8;
	[tilespmem:$0x15400] =	vst v63  }
0x81: {  	s16 =	rddreg [dreg:$0x1f]  }
0x82: {  	[tilespmem:s15], [sflag:$0x1] =	stream.indirect.gather [hbm4b:s5+s7], $0x10, s16, s7, $0xb8;
	[tilespmem:$0x15400] =	vst v63  }
0x83: {  	_ =	swait.ge [sflag:s6], $0x800  }
0x84: {  	[sflag:s6] =	ssyncset.done $0x0  }
0x85: {  	[sflag:s6] =	ssyncadd.s32 $0xFFFFF800  }
0x86: {  	_ =	swait.ge [sflag:s6], $0x800  }
0x87: {  	[sflag:s6] =	ssyncset.done $0x0  }
0x88: {  	[sflag:s6] =	ssyncadd.s32 $0xFFFFF800  }
0x89: {  	_ =	swait.ge [sflag:s6], $0x800  }
0x8a: {  	[sflag:s6] =	ssyncset.done $0x0  }
0x8b: {  	[sflag:s6] =	ssyncadd.s32 $0xFFFFF800  }
0x8c: {  	_ =	swait.ge [sflag:s6], $0x800  }
0x8d: {  	[sflag:s6] =	ssyncset.done $0x0  }
0x8e: {  	[sflag:s6] =	ssyncadd.s32 $0xFFFFF800  }
0x8f: {  	_ =	swait.ge [sflag:s6], $0x800  }
0x90: {  	[sflag:s6] =	ssyncset.done $0x0  }
0x91: {  	[sflag:s6] =	ssyncadd.s32 $0xFFFFF800  }
0x92: {  	_ =	swait.ge [sflag:s6], $0x800  }
0x93: {  	[sflag:s6] =	ssyncset.done $0x0  }
0x94: {  	[sflag:s6] =	ssyncadd.s32 $0xFFFFF800  }
0x95: {  	_ =	swait.ge [sflag:s6], $0x800  }
0x96: {  	[sflag:s6] =	ssyncset.done $0x0  }
0x97: {  	[sflag:s6] =	ssyncadd.s32 $0xFFFFF800  }
0x98: {  	_ =	swait.ge [sflag:s6], $0x800  }
0x99: {  	s17 =	sld [smem:$0x7E5]  }
0x9a: {  	s9 =	sld [smem:$0x7E6]  }
0x9b: {  	s18 =	sld [smem:$0x7E7]  }
0x9c: {  	s19 =	sld [smem:$0x7E8]  }
0x9d: {  	s20 =	sld [smem:$0x7E9]  }
0x9e: {  	s21 =	sld [smem:$0x7EA]  }
0x9f: {  	s22 =	sld [smem:$0x7EB]  }
0xa0: {  	s23 =	sld [smem:$0x7EC]  }
0xa1: {  	[sflag:s6] =	ssyncset.done $0x0;
	s24 =	sld [smem:$0x7ED]  }
0xa2: {  	s25 =	sld [smem:$0x7EE];
	[sflag:s6] =	ssyncadd.s32 $0xFFFFF800  }
0xa3: {  	[tilespmem:s20], [sflag:$0x1] =	stream.indirect.gather [hbm4b:s5+s7], $0x10, s22, s7, $0xb8;
	[tilespmem:$0x15400] =	vst v63  }
0xa4: {  	s26 =	sld [smem:$0x7EF]  }
0xa5: {  	[tilespmem:s18], [sflag:$0x1] =	stream.indirect.gather [hbm4b:s5+s7], $0x10, s24, s7, $0xb8;
	[tilespmem:$0x15400] =	vst v63  }
0xa6: {  	s0 =	sld [smem:$0x7F0]  }
0xa7: {  	[tilespmem:s21], [sflag:$0x1] =	stream.indirect.gather [hbm4b:s5+s7], $0x10, s17, s7, $0xb8;
	[tilespmem:$0x15400] =	vst v63  }
0xa8: {  	s13 =	sld [smem:$0x7F1]  }
0xa9: {  	[tilespmem:s23], [sflag:$0x1] =	stream.indirect.gather [hbm4b:s5+s7], $0x10, s25, s7, $0xb8;
	[tilespmem:$0x15400] =	vst v63  }
0xaa: {  	s14 =	sld [smem:$0x7F2]  }
0xab: {  	[tilespmem:s19], [sflag:$0x1] =	stream.indirect.gather [hbm4b:s5+s7], $0x10, s26, s7, $0xb8;
	[tilespmem:$0x15400] =	vst v63  }
0xac: {  	s15 =	sld [smem:$0x7F3]  }
0xad: {  	[tilespmem:s0], [sflag:$0x1] =	stream.indirect.gather [hbm4b:s5+s7], $0x10, s13, s7, $0xb8;
	[tilespmem:$0x15400] =	vst v63  }
0xae: {  	s16 =	sld [smem:$0x7F4]  }
0xaf: {  	[tilespmem:s9], [sflag:$0x1] =	stream.indirect.gather [hbm4b:s5+s7], $0x10, s14, s7, $0xb8;
	[tilespmem:$0x15400] =	vst v63  }
0xb0: {  	_ = 	snop  }
0xb1: {  	[tilespmem:s15], [sflag:$0x1] =	stream.indirect.gather [hbm4b:s5+s7], $0x10, s16, s7, $0xb8;
	[tilespmem:$0x15400] =	vst v63  }
0xb2: {  	_ =	swait.ge [sflag:s6], $0x800  }
0xb3: {  	[sflag:s6] =	ssyncset.done $0x0  }
0xb4: {  	[sflag:s6] =	ssyncadd.s32 $0xFFFFF800  }
0xb5: {  	_ =	swait.ge [sflag:s6], $0x800  }
0xb6: {  	[sflag:s6] =	ssyncset.done $0x0  }
0xb7: {  	[sflag:s6] =	ssyncadd.s32 $0xFFFFF800  }
0xb8: {  	_ =	swait.ge [sflag:s6], $0x800  }
0xb9: {  	[sflag:s6] =	ssyncset.done $0x0  }
0xba: {  	[sflag:s6] =	ssyncadd.s32 $0xFFFFF800  }
0xbb: {  	_ =	swait.ge [sflag:s6], $0x800  }
0xbc: {  	[sflag:s6] =	ssyncset.done $0x0  }
0xbd: {  	[sflag:s6] =	ssyncadd.s32 $0xFFFFF800  }
0xbe: {  	_ =	swait.ge [sflag:s6], $0x800  }
0xbf: {  	[sflag:s6] =	ssyncset.done $0x0  }
0xc0: {  	[sflag:s6] =	ssyncadd.s32 $0xFFFFF800  }
0xc1: {  	_ =	swait.ge [sflag:s6], $0x800  }
0xc2: {  	[sflag:s6] =	ssyncset.done $0x0  }
0xc3: {  	[sflag:s6] =	ssyncadd.s32 $0xFFFFF800  }
0xc4: {  	_ =	swait.ge [sflag:s6], $0x800  }
0xc5: {  	[sflag:s6] =	ssyncset.done $0x0  }
0xc6: {  	[sflag:s6] =	ssyncadd.s32 $0xFFFFF800  }
0xc7: {  	_ =	swait.ge [sflag:s6], $0x800  }
0xc8: {  	s17 =	sld [smem:$0x7F5]  }
0xc9: {  	s18 =	sld [smem:$0x7F6]  }
0xca: {  	s19 =	sld [smem:$0x7F7]  }
0xcb: {  	s20 =	sld [smem:$0x7F8]  }
0xcc: {  	[sflag:s6] =	ssyncset.done $0x0;
	s21 =	sld [smem:$0x7F9]  }
0xcd: {  	s22 =	sld [smem:$0x7FA];
	[sflag:s6] =	ssyncadd.s32 $0xFFFFF800  }
0xce: {  	[tilespmem:s20], [sflag:$0x1] =	stream.indirect.gather [hbm4b:s5+s7], $0x10, s18, s7, $0xb8;
	[tilespmem:$0x15400] =	vst v63  }
0xcf: {  	s23 =	sld [smem:$0x7FB]  }
0xd0: {  	[tilespmem:s17], [sflag:$0x1] =	stream.indirect.gather [hbm4b:s5+s7], $0x10, s19, s7, $0xb8;
	[tilespmem:$0x15400] =	vst v63  }
0xd1: {  	s24 =	sld [smem:$0x7FC]  }
0xd2: {  	[tilespmem:s21], [sflag:$0x1] =	stream.indirect.gather [hbm4b:s5+s7], $0x10, s23, s7, $0xb8;
	[tilespmem:$0x15400] =	vst v63  }
0xd3: {  	s25 =	sld [smem:$0x7FD]  }
0xd4: {  	[tilespmem:s22], [sflag:$0x1] =	stream.indirect.gather [hbm4b:s5+s7], $0x10, s24, s7, $0xb8;
	[tilespmem:$0x15400] =	vst v63  }
0xd5: {  	s26 =	simm.s32 $0xF400  }
0xd6: {  	[tilespmem:s26], [sflag:$0x1] =	stream.indirect.gather [hbm4b:s5+s7], $0x10, s25, s7, $0xb8;
	[tilespmem:$0x15400] =	vst v63  }
0xd7: {  	s8 =	simm.s32 $0xE80;
	s9 =	simm.s32 $0xFC00  }
0xd8: {  	[tilespmem:s9], [sflag:$0x1] =	stream.indirect.gather [hbm4b:s5+s7], $0x10, s8, s7, $0xb8;
	[tilespmem:$0x15400] =	vst v63  }
0xd9: {  	s11 =	simm.s32 $0x10400;
	s10 =	simm.s32 $0xF00  }
0xda: {  	[tilespmem:s11], [sflag:$0x1] =	stream.indirect.gather [hbm4b:s5+s7], $0x10, s10, s7, $0xb8;
	[tilespmem:$0x15400] =	vst v63  }
0xdb: {  	s12 =	simm.s32 $0xF80;
	s13 =	simm.s32 $0x10C00  }
0xdc: {  	[tilespmem:s13], [sflag:$0x1] =	stream.indirect.gather [hbm4b:s5+s7], $0x10, s12, s7, $0xb8;
	[tilespmem:$0x15400] =	vst v63  }
0xdd: {  	_ =	swait.ge [sflag:s6], $0x800  }
0xde: {  	[sflag:s6] =	ssyncset.done $0x0  }
0xdf: {  	[sflag:s6] =	ssyncadd.s32 $0xFFFFF800  }
0xe0: {  	_ =	swait.ge [sflag:s6], $0x800  }
0xe1: {  	[sflag:s6] =	ssyncset.done $0x0  }
0xe2: {  	[sflag:s6] =	ssyncadd.s32 $0xFFFFF800  }
0xe3: {  	_ =	swait.ge [sflag:s6], $0x800  }
0xe4: {  	[sflag:s6] =	ssyncset.done $0x0  }
0xe5: {  	[sflag:s6] =	ssyncadd.s32 $0xFFFFF800  }
0xe6: {  	_ =	swait.ge [sflag:s6], $0x800  }
0xe7: {  	[sflag:s6] =	ssyncset.done $0x0  }
0xe8: {  	[sflag:s6] =	ssyncadd.s32 $0xFFFFF800  }
0xe9: {  	_ =	swait.ge [sflag:s6], $0x800  }
0xea: {  	[sflag:s6] =	ssyncset.done $0x0  }
0xeb: {  	[sflag:s6] =	ssyncadd.s32 $0xFFFFF800  }
0xec: {  	_ =	swait.ge [sflag:s6], $0x800  }
0xed: {  	[sflag:s6] =	ssyncset.done $0x0  }
0xee: {  	[sflag:s6] =	ssyncadd.s32 $0xFFFFF800  }
0xef: {  	_ =	swait.ge [sflag:s6], $0x800  }
0xf0: {  	[sflag:s6] =	ssyncset.done $0x0  }
0xf1: {  	[sflag:s6] =	ssyncadd.s32 $0xFFFFF800  }
0xf2: {  	_ =	swait.ge [sflag:s6], $0x800  }
0xf3: {  	[sflag:s6] =	ssyncset.done $0x0  }
0xf4: {  	s14 =	simm.s32 $0x1000;
	s15 =	simm.s32 $0x11400;
	[sflag:s6] =	ssyncadd.s32 $0xFFFFF800  }
0xf5: {  	[tilespmem:s15], [sflag:$0x1] =	stream.indirect.gather [hbm4b:s5+s7], $0x10, s14, s7, $0xb8;
	[tilespmem:$0x15400] =	vst v63  }
0xf6: {  	s18 =	simm.s32 $0x11C00;
	s17 =	simm.s32 $0x1080  }
0xf7: {  	[tilespmem:s18], [sflag:$0x1] =	stream.indirect.gather [hbm4b:s5+s7], $0x10, s17, s7, $0xb8;
	[tilespmem:$0x15400] =	vst v63  }
0xf8: {  	s20 =	simm.s32 $0x12400;
	s19 =	simm.s32 $0x1100  }
0xf9: {  	[tilespmem:s20], [sflag:$0x1] =	stream.indirect.gather [hbm4b:s5+s7], $0x10, s19, s7, $0xb8;
	[tilespmem:$0x15400] =	vst v63  }
0xfa: {  	s1 =	ssub.s32 $0x2, s1;
	s21 =	simm.s32 $0x1180;
	s22 =	simm.s32 $0x12C00  }
0xfb: {  	[tilespmem:s22], [sflag:$0x1] =	stream.indirect.gather [hbm4b:s5+s7], $0x10, s21, s7, $0xb8;
	[tilespmem:$0x15400] =	vst v63  }
0xfc: {  	s16 =	sshrl.u32 s1, $0x1;
	s23 =	simm.s32 $0x1200;
	s24 =	simm.s32 $0x13400  }
0xfd: {  	[tilespmem:s24], [sflag:$0x1] =	stream.indirect.gather [hbm4b:s5+s7], $0x10, s23, s7, $0xb8;
	[tilespmem:$0x15400] =	vst v63  }
0xfe: {  	s0 =	ssub.s32 s1, s16;
	s25 =	simm.s32 $0x1280;
	s26 =	simm.s32 $0x13C00  }
0xff: {  	[tilespmem:s26], [sflag:$0x1] =	stream.indirect.gather [hbm4b:s5+s7], $0x10, s25, s7, $0xb8;
	[tilespmem:$0x15400] =	vst v63  }
0x100: {  	s28 =	simm.s32 $0x1300;
	s29 =	simm.s32 $0x14400;
	s0 =	smax.u32 s0, $0x1  }
0x101: {  	[tilespmem:s29], [sflag:$0x1] =	stream.indirect.gather [hbm4b:s5+s7], $0x10, s28, s7, $0xb8;
	[tilespmem:$0x15400] =	vst v63  }
0x102: {  	s30 =	simm.s32 $0x1380;
	s31 =	simm.s32 $0x14C00;
	p0 =	sne.s32 s0, $0x1  }
0x103: {  	[tilespmem:s31], [sflag:$0x1] =	stream.indirect.gather [hbm4b:s5+s7], $0x10, s30, s7, $0xb8;
	[tilespmem:$0x15400] =	vst v63  }
.Ltmp0:
0x104: {  	_ = 	snop;
	(pc) =	sbr.rel @!p0 .LBB2_2-.Ltmp0, $4  }
0x105: {  	_ =	swait.ge [sflag:s6], $0x800  }
0x106: {  	[sflag:s6] =	ssyncset.done $0x0  }
0x107: {  	[sflag:s6] =	ssyncadd.s32 $0xFFFFF800  }
0x108: {  	s1 =	sadd.s32 $0xFFFFFFFF, s0;
	_ =	swait.ge [sflag:s6], $0x800  }
.LBB2_1:
0x109: {  	[sflag:s6] =	ssyncset.done $0x0  }
0x10a: {  	[sflag:s6] =	ssyncadd.s32 $0xFFFFF800  }
0x10b: {  	_ =	swait.ge [sflag:s6], $0x800  }
0x10c: {  	[sflag:s6] =	ssyncset.done $0x0  }
0x10d: {  	[sflag:s6] =	ssyncadd.s32 $0xFFFFF800  }
0x10e: {  	_ =	swait.ge [sflag:s6], $0x800  }
0x10f: {  	[sflag:s6] =	ssyncset.done $0x0  }
0x110: {  	[sflag:s6] =	ssyncadd.s32 $0xFFFFF800  }
0x111: {  	_ =	swait.ge [sflag:s6], $0x800  }
0x112: {  	[sflag:s6] =	ssyncset.done $0x0  }
0x113: {  	[sflag:s6] =	ssyncadd.s32 $0xFFFFF800  }
0x114: {  	_ =	swait.ge [sflag:s6], $0x800  }
0x115: {  	[sflag:s6] =	ssyncset.done $0x0  }
0x116: {  	[sflag:s6] =	ssyncadd.s32 $0xFFFFF800  }
0x117: {  	_ =	swait.ge [sflag:s6], $0x800  }
0x118: {  	[sflag:s6] =	ssyncset.done $0x0  }
0x119: {  	[sflag:s6] =	ssyncadd.s32 $0xFFFFF800  }
0x11a: {  	_ =	swait.ge [sflag:s6], $0x800  }
0x11b: {  	[sflag:s6] =	ssyncset.done $0x0  }
0x11c: {  	s0 =	rddreg [dreg:$0x3];
	[sflag:s6] =	ssyncadd.s32 $0xFFFFF800  }
0x11d: {  	[hbm4b:s0+s2] =	stream.linear.scatter [tilespmem:s4], [sflag:$0x2], $0x14000, $0x38;
	[tilespmem:$0x15400] =	vst v63  }
0x11e: {  	_ =	swait.ge [sflag:s3], $0x14000  }
0x11f: {  	[sflag:s3] =	ssyncset.done $0x0  }
0x120: {  	s15 =	rddreg [dreg:$0x2];
	[sflag:s3] =	ssyncadd.s32 $0xFFFEC000  }
0x121: {  	[tilespmem:s2], [sflag:$0x2] =	stream.linear.gather [hbm4b:s15+s2], $0x1400, $0x38;
	[tilespmem:$0x15400] =	vst v63  }
0x122: {  	_ =	swait.ge [sflag:s3], $0x1400  }
0x123: {  	s16 =	rddreg [dreg:$0x7]  }
0x124: {  	s8 =	rddreg [dreg:$0xa]  }
0x125: {  	s9 =	rddreg [dreg:$0xc]  }
0x126: {  	s10 =	rddreg [dreg:$0x5]  }
0x127: {  	[sflag:s3] =	ssyncset.done $0x0;
	s11 =	rddreg [dreg:$0x4]  }
0x128: {  	s12 =	rddreg [dreg:$0x6];
	[sflag:s3] =	ssyncadd.s32 $0xFFFFEC00  }
0x129: {  	[tilespmem:s4], [sflag:$0x1] =	stream.indirect.gather [hbm4b:s5+s7], $0x10, s2, s7, $0xb8;
	[tilespmem:$0x15400] =	vst v63  }
0x12a: {  	s13 =	rddreg [dreg:$0x8]  }
0x12b: {  	[tilespmem:s11], [sflag:$0x1] =	stream.indirect.gather [hbm4b:s5+s7], $0x10, s7, s7, $0xb8;
	[tilespmem:$0x15400] =	vst v63  }
0x12c: {  	s14 =	rddreg [dreg:$0x9]  }
0x12d: {  	[tilespmem:s12], [sflag:$0x1] =	stream.indirect.gather [hbm4b:s5+s7], $0x10, s10, s7, $0xb8;
	[tilespmem:$0x15400] =	vst v63  }
0x12e: {  	s15 =	rddreg [dreg:$0xd]  }
0x12f: {  	[tilespmem:s13], [sflag:$0x1] =	stream.indirect.gather [hbm4b:s5+s7], $0x10, s16, s7, $0xb8;
	[tilespmem:$0x15400] =	vst v63  }
0x130: {  	s11 =	rddreg [dreg:$0xb]  }
0x131: {  	[tilespmem:s8], [sflag:$0x1] =	stream.indirect.gather [hbm4b:s5+s7], $0x10, s14, s7, $0xb8;
	[tilespmem:$0x15400] =	vst v63  }
0x132: {  	s12 =	rddreg [dreg:$0xe]  }
0x133: {  	[tilespmem:s9], [sflag:$0x1] =	stream.indirect.gather [hbm4b:s5+s7], $0x10, s11, s7, $0xb8;
	[tilespmem:$0x15400] =	vst v63  }
0x134: {  	s16 =	rddreg [dreg:$0xf]  }
0x135: {  	[tilespmem:s12], [sflag:$0x1] =	stream.indirect.gather [hbm4b:s5+s7], $0x10, s15, s7, $0xb8;
	[tilespmem:$0x15400] =	vst v63  }
0x136: {  	s11 =	rddreg [dreg:$0x10]  }
0x137: {  	[tilespmem:s11], [sflag:$0x1] =	stream.indirect.gather [hbm4b:s5+s7], $0x10, s16, s7, $0xb8;
	[tilespmem:$0x15400] =	vst v63  }
0x138: {  	_ =	swait.ge [sflag:s6], $0x800  }
0x139: {  	[sflag:s6] =	ssyncset.done $0x0  }
0x13a: {  	[sflag:s6] =	ssyncadd.s32 $0xFFFFF800  }
0x13b: {  	_ =	swait.ge [sflag:s6], $0x800  }
0x13c: {  	[sflag:s6] =	ssyncset.done $0x0  }
0x13d: {  	[sflag:s6] =	ssyncadd.s32 $0xFFFFF800  }
0x13e: {  	_ =	swait.ge [sflag:s6], $0x800  }
0x13f: {  	[sflag:s6] =	ssyncset.done $0x0  }
0x140: {  	[sflag:s6] =	ssyncadd.s32 $0xFFFFF800  }
0x141: {  	_ =	swait.ge [sflag:s6], $0x800  }
0x142: {  	[sflag:s6] =	ssyncset.done $0x0  }
0x143: {  	[sflag:s6] =	ssyncadd.s32 $0xFFFFF800  }
0x144: {  	_ =	swait.ge [sflag:s6], $0x800  }
0x145: {  	[sflag:s6] =	ssyncset.done $0x0  }
0x146: {  	[sflag:s6] =	ssyncadd.s32 $0xFFFFF800  }
0x147: {  	_ =	swait.ge [sflag:s6], $0x800  }
0x148: {  	[sflag:s6] =	ssyncset.done $0x0  }
0x149: {  	[sflag:s6] =	ssyncadd.s32 $0xFFFFF800  }
0x14a: {  	_ =	swait.ge [sflag:s6], $0x800  }
0x14b: {  	[sflag:s6] =	ssyncset.done $0x0  }
0x14c: {  	[sflag:s6] =	ssyncadd.s32 $0xFFFFF800  }
0x14d: {  	_ =	swait.ge [sflag:s6], $0x800  }
0x14e: {  	s0 =	rddreg [dreg:$0x17]  }
0x14f: {  	s8 =	rddreg [dreg:$0x1e]  }
0x150: {  	s9 =	rddreg [dreg:$0x15]  }
0x151: {  	s10 =	rddreg [dreg:$0x14]  }
0x152: {  	s11 =	rddreg [dreg:$0x11]  }
0x153: {  	s12 =	rddreg [dreg:$0x13]  }
0x154: {  	s13 =	rddreg [dreg:$0x12]  }
0x155: {  	[sflag:s6] =	ssyncset.done $0x0;
	s14 =	rddreg [dreg:$0x18]  }
0x156: {  	s15 =	rddreg [dreg:$0x1a];
	[sflag:s6] =	ssyncadd.s32 $0xFFFFF800  }
0x157: {  	[tilespmem:s13], [sflag:$0x1] =	stream.indirect.gather [hbm4b:s5+s7], $0x10, s11, s7, $0xb8;
	[tilespmem:$0x15400] =	vst v63  }
0x158: {  	s16 =	rddreg [dreg:$0x16]  }
0x159: {  	[tilespmem:s10], [sflag:$0x1] =	stream.indirect.gather [hbm4b:s5+s7], $0x10, s12, s7, $0xb8;
	[tilespmem:$0x15400] =	vst v63  }
0x15a: {  	s11 =	rddreg [dreg:$0x1b]  }
0x15b: {  	[tilespmem:s16], [sflag:$0x1] =	stream.indirect.gather [hbm4b:s5+s7], $0x10, s9, s7, $0xb8;
	[tilespmem:$0x15400] =	vst v63  }
0x15c: {  	s13 =	rddreg [dreg:$0x1c]  }
0x15d: {  	[tilespmem:s14], [sflag:$0x1] =	stream.indirect.gather [hbm4b:s5+s7], $0x10, s0, s7, $0xb8;
	[tilespmem:$0x15400] =	vst v63  }
0x15e: {  	s12 =	rddreg [dreg:$0x19]  }
0x15f: {  	[tilespmem:s15], [sflag:$0x1] =	stream.indirect.gather [hbm4b:s5+s7], $0x10, s12, s7, $0xb8;
	[tilespmem:$0x15400] =	vst v63  }
0x160: {  	s16 =	sld [smem:$0x7E4]  }
0x161: {  	[tilespmem:s13], [sflag:$0x1] =	stream.indirect.gather [hbm4b:s5+s7], $0x10, s11, s7, $0xb8;
	[tilespmem:$0x15400] =	vst v63  }
0x162: {  	s14 =	rddreg [dreg:$0x1d]  }
0x163: {  	[tilespmem:s8], [sflag:$0x1] =	stream.indirect.gather [hbm4b:s5+s7], $0x10, s14, s7, $0xb8;
	[tilespmem:$0x15400] =	vst v63  }
0x164: {  	s12 =	rddreg [dreg:$0x1f]  }
0x165: {  	[tilespmem:s16], [sflag:$0x1] =	stream.indirect.gather [hbm4b:s5+s7], $0x10, s12, s7, $0xb8;
	[tilespmem:$0x15400] =	vst v63  }
0x166: {  	_ =	swait.ge [sflag:s6], $0x800  }
0x167: {  	[sflag:s6] =	ssyncset.done $0x0  }
0x168: {  	[sflag:s6] =	ssyncadd.s32 $0xFFFFF800  }
0x169: {  	_ =	swait.ge [sflag:s6], $0x800  }
0x16a: {  	[sflag:s6] =	ssyncset.done $0x0  }
0x16b: {  	[sflag:s6] =	ssyncadd.s32 $0xFFFFF800  }
0x16c: {  	_ =	swait.ge [sflag:s6], $0x800  }
0x16d: {  	[sflag:s6] =	ssyncset.done $0x0  }
0x16e: {  	[sflag:s6] =	ssyncadd.s32 $0xFFFFF800  }
0x16f: {  	_ =	swait.ge [sflag:s6], $0x800  }
0x170: {  	[sflag:s6] =	ssyncset.done $0x0  }
0x171: {  	[sflag:s6] =	ssyncadd.s32 $0xFFFFF800  }
0x172: {  	_ =	swait.ge [sflag:s6], $0x800  }
0x173: {  	[sflag:s6] =	ssyncset.done $0x0  }
0x174: {  	[sflag:s6] =	ssyncadd.s32 $0xFFFFF800  }
0x175: {  	_ =	swait.ge [sflag:s6], $0x800  }
0x176: {  	[sflag:s6] =	ssyncset.done $0x0  }
0x177: {  	[sflag:s6] =	ssyncadd.s32 $0xFFFFF800  }
0x178: {  	_ =	swait.ge [sflag:s6], $0x800  }
0x179: {  	[sflag:s6] =	ssyncset.done $0x0  }
0x17a: {  	[sflag:s6] =	ssyncadd.s32 $0xFFFFF800  }
0x17b: {  	_ =	swait.ge [sflag:s6], $0x800  }
0x17c: {  	s0 =	sld [smem:$0x7E5]  }
0x17d: {  	s8 =	sld [smem:$0x7E6]  }
0x17e: {  	s9 =	sld [smem:$0x7E7]  }
0x17f: {  	s10 =	sld [smem:$0x7E8]  }
0x180: {  	s11 =	sld [smem:$0x7E9]  }
0x181: {  	s12 =	sld [smem:$0x7EA]  }
0x182: {  	s13 =	sld [smem:$0x7EB]  }
0x183: {  	s14 =	sld [smem:$0x7EC]  }
0x184: {  	[sflag:s6] =	ssyncset.done $0x0;
	s15 =	sld [smem:$0x7ED]  }
0x185: {  	s16 =	sld [smem:$0x7EE];
	[sflag:s6] =	ssyncadd.s32 $0xFFFFF800  }
0x186: {  	[tilespmem:s11], [sflag:$0x1] =	stream.indirect.gather [hbm4b:s5+s7], $0x10, s13, s7, $0xb8;
	[tilespmem:$0x15400] =	vst v63  }
0x187: {  	s11 =	sld [smem:$0x7EF]  }
0x188: {  	[tilespmem:s9], [sflag:$0x1] =	stream.indirect.gather [hbm4b:s5+s7], $0x10, s15, s7, $0xb8;
	[tilespmem:$0x15400] =	vst v63  }
0x189: {  	s13 =	sld [smem:$0x7F1]  }
0x18a: {  	[tilespmem:s12], [sflag:$0x1] =	stream.indirect.gather [hbm4b:s5+s7], $0x10, s0, s7, $0xb8;
	[tilespmem:$0x15400] =	vst v63  }
0x18b: {  	s9 =	sld [smem:$0x7F0]  }
0x18c: {  	[tilespmem:s14], [sflag:$0x1] =	stream.indirect.gather [hbm4b:s5+s7], $0x10, s16, s7, $0xb8;
	[tilespmem:$0x15400] =	vst v63  }
0x18d: {  	s15 =	sld [smem:$0x7F2]  }
0x18e: {  	[tilespmem:s10], [sflag:$0x1] =	stream.indirect.gather [hbm4b:s5+s7], $0x10, s11, s7, $0xb8;
	[tilespmem:$0x15400] =	vst v63  }
0x18f: {  	s16 =	sld [smem:$0x7F3]  }
0x190: {  	[tilespmem:s9], [sflag:$0x1] =	stream.indirect.gather [hbm4b:s5+s7], $0x10, s13, s7, $0xb8;
	[tilespmem:$0x15400] =	vst v63  }
0x191: {  	s9 =	sld [smem:$0x7F4]  }
0x192: {  	[tilespmem:s8], [sflag:$0x1] =	stream.indirect.gather [hbm4b:s5+s7], $0x10, s15, s7, $0xb8;
	[tilespmem:$0x15400] =	vst v63  }
0x193: {  	_ = 	snop  }
0x194: {  	[tilespmem:s16], [sflag:$0x1] =	stream.indirect.gather [hbm4b:s5+s7], $0x10, s9, s7, $0xb8;
	[tilespmem:$0x15400] =	vst v63  }
0x195: {  	_ =	swait.ge [sflag:s6], $0x800  }
0x196: {  	[sflag:s6] =	ssyncset.done $0x0  }
0x197: {  	[sflag:s6] =	ssyncadd.s32 $0xFFFFF800  }
0x198: {  	_ =	swait.ge [sflag:s6], $0x800  }
0x199: {  	[sflag:s6] =	ssyncset.done $0x0  }
0x19a: {  	[sflag:s6] =	ssyncadd.s32 $0xFFFFF800  }
0x19b: {  	_ =	swait.ge [sflag:s6], $0x800  }
0x19c: {  	[sflag:s6] =	ssyncset.done $0x0  }
0x19d: {  	[sflag:s6] =	ssyncadd.s32 $0xFFFFF800  }
0x19e: {  	_ =	swait.ge [sflag:s6], $0x800  }
0x19f: {  	[sflag:s6] =	ssyncset.done $0x0  }
0x1a0: {  	[sflag:s6] =	ssyncadd.s32 $0xFFFFF800  }
0x1a1: {  	_ =	swait.ge [sflag:s6], $0x800  }
0x1a2: {  	[sflag:s6] =	ssyncset.done $0x0  }
0x1a3: {  	[sflag:s6] =	ssyncadd.s32 $0xFFFFF800  }
0x1a4: {  	_ =	swait.ge [sflag:s6], $0x800  }
0x1a5: {  	[sflag:s6] =	ssyncset.done $0x0  }
0x1a6: {  	[sflag:s6] =	ssyncadd.s32 $0xFFFFF800  }
0x1a7: {  	_ =	swait.ge [sflag:s6], $0x800  }
0x1a8: {  	[sflag:s6] =	ssyncset.done $0x0  }
0x1a9: {  	[sflag:s6] =	ssyncadd.s32 $0xFFFFF800  }
0x1aa: {  	_ =	swait.ge [sflag:s6], $0x800  }
0x1ab: {  	s10 =	sld [smem:$0x7F5]  }
0x1ac: {  	s14 =	sld [smem:$0x7F6]  }
0x1ad: {  	s15 =	sld [smem:$0x7F7]  }
0x1ae: {  	s12 =	sld [smem:$0x7F8]  }
0x1af: {  	[sflag:s6] =	ssyncset.done $0x0;
	s13 =	sld [smem:$0x7F9]  }
0x1b0: {  	s16 =	sld [smem:$0x7FA];
	[sflag:s6] =	ssyncadd.s32 $0xFFFFF800  }
0x1b1: {  	[tilespmem:s12], [sflag:$0x1] =	stream.indirect.gather [hbm4b:s5+s7], $0x10, s14, s7, $0xb8;
	[tilespmem:$0x15400] =	vst v63  }
0x1b2: {  	s14 =	sld [smem:$0x7FB]  }
0x1b3: {  	[tilespmem:s10], [sflag:$0x1] =	stream.indirect.gather [hbm4b:s5+s7], $0x10, s15, s7, $0xb8;
	[tilespmem:$0x15400] =	vst v63  }
0x1b4: {  	s15 =	sld [smem:$0x7FC]  }
0x1b5: {  	[tilespmem:s13], [sflag:$0x1] =	stream.indirect.gather [hbm4b:s5+s7], $0x10, s14, s7, $0xb8;
	[tilespmem:$0x15400] =	vst v63  }
0x1b6: {  	s0 =	sld [smem:$0x7FD]  }
0x1b7: {  	[tilespmem:s16], [sflag:$0x1] =	stream.indirect.gather [hbm4b:s5+s7], $0x10, s15, s7, $0xb8;
	[tilespmem:$0x15400] =	vst v63  }
0x1b8: {  	s16 =	simm.s32 $0xF400  }
0x1b9: {  	[tilespmem:s16], [sflag:$0x1] =	stream.indirect.gather [hbm4b:s5+s7], $0x10, s0, s7, $0xb8;
	[tilespmem:$0x15400] =	vst v63  }
0x1ba: {  	s9 =	simm.s32 $0xE80;
	s10 =	simm.s32 $0xFC00  }
0x1bb: {  	[tilespmem:s10], [sflag:$0x1] =	stream.indirect.gather [hbm4b:s5+s7], $0x10, s9, s7, $0xb8;
	[tilespmem:$0x15400] =	vst v63  }
0x1bc: {  	s11 =	simm.s32 $0xF00;
	s12 =	simm.s32 $0x10400  }
0x1bd: {  	[tilespmem:s12], [sflag:$0x1] =	stream.indirect.gather [hbm4b:s5+s7], $0x10, s11, s7, $0xb8;
	[tilespmem:$0x15400] =	vst v63  }
0x1be: {  	s13 =	simm.s32 $0xF80;
	s14 =	simm.s32 $0x10C00  }
0x1bf: {  	[tilespmem:s14], [sflag:$0x1] =	stream.indirect.gather [hbm4b:s5+s7], $0x10, s13, s7, $0xb8;
	[tilespmem:$0x15400] =	vst v63  }
0x1c0: {  	_ =	swait.ge [sflag:s6], $0x800  }
0x1c1: {  	[sflag:s6] =	ssyncset.done $0x0  }
0x1c2: {  	[sflag:s6] =	ssyncadd.s32 $0xFFFFF800  }
0x1c3: {  	_ =	swait.ge [sflag:s6], $0x800  }
0x1c4: {  	[sflag:s6] =	ssyncset.done $0x0  }
0x1c5: {  	[sflag:s6] =	ssyncadd.s32 $0xFFFFF800  }
0x1c6: {  	_ =	swait.ge [sflag:s6], $0x800  }
0x1c7: {  	[sflag:s6] =	ssyncset.done $0x0  }
0x1c8: {  	[sflag:s6] =	ssyncadd.s32 $0xFFFFF800  }
0x1c9: {  	_ =	swait.ge [sflag:s6], $0x800  }
0x1ca: {  	[sflag:s6] =	ssyncset.done $0x0  }
0x1cb: {  	[sflag:s6] =	ssyncadd.s32 $0xFFFFF800  }
0x1cc: {  	_ =	swait.ge [sflag:s6], $0x800  }
0x1cd: {  	[sflag:s6] =	ssyncset.done $0x0  }
0x1ce: {  	[sflag:s6] =	ssyncadd.s32 $0xFFFFF800  }
0x1cf: {  	_ =	swait.ge [sflag:s6], $0x800  }
0x1d0: {  	[sflag:s6] =	ssyncset.done $0x0  }
0x1d1: {  	[sflag:s6] =	ssyncadd.s32 $0xFFFFF800  }
0x1d2: {  	_ =	swait.ge [sflag:s6], $0x800  }
0x1d3: {  	[sflag:s6] =	ssyncset.done $0x0  }
0x1d4: {  	[sflag:s6] =	ssyncadd.s32 $0xFFFFF800  }
0x1d5: {  	_ =	swait.ge [sflag:s6], $0x800  }
0x1d6: {  	[sflag:s6] =	ssyncset.done $0x0  }
0x1d7: {  	s15 =	simm.s32 $0x1000;
	s16 =	simm.s32 $0x11400;
	[sflag:s6] =	ssyncadd.s32 $0xFFFFF800  }
0x1d8: {  	[tilespmem:s16], [sflag:$0x1] =	stream.indirect.gather [hbm4b:s5+s7], $0x10, s15, s7, $0xb8;
	[tilespmem:$0x15400] =	vst v63  }
0x1d9: {  	_ = 	snop  }
0x1da: {  	[tilespmem:s18], [sflag:$0x1] =	stream.indirect.gather [hbm4b:s5+s7], $0x10, s17, s7, $0xb8;
	[tilespmem:$0x15400] =	vst v63  }
0x1db: {  	_ = 	snop  }
0x1dc: {  	[tilespmem:s20], [sflag:$0x1] =	stream.indirect.gather [hbm4b:s5+s7], $0x10, s19, s7, $0xb8;
	[tilespmem:$0x15400] =	vst v63  }
0x1dd: {  	_ = 	snop  }
0x1de: {  	[tilespmem:s22], [sflag:$0x1] =	stream.indirect.gather [hbm4b:s5+s7], $0x10, s21, s7, $0xb8;
	[tilespmem:$0x15400] =	vst v63  }
0x1df: {  	_ = 	snop  }
0x1e0: {  	[tilespmem:s24], [sflag:$0x1] =	stream.indirect.gather [hbm4b:s5+s7], $0x10, s23, s7, $0xb8;
	[tilespmem:$0x15400] =	vst v63  }
0x1e1: {  	_ = 	snop  }
0x1e2: {  	[tilespmem:s26], [sflag:$0x1] =	stream.indirect.gather [hbm4b:s5+s7], $0x10, s25, s7, $0xb8;
	[tilespmem:$0x15400] =	vst v63  }
0x1e3: {  	_ = 	snop  }
0x1e4: {  	[tilespmem:s29], [sflag:$0x1] =	stream.indirect.gather [hbm4b:s5+s7], $0x10, s28, s7, $0xb8;
	[tilespmem:$0x15400] =	vst v63  }
0x1e5: {  	p0 =	sne.s32 s1, $0x1  }
0x1e6: {  	[tilespmem:s31], [sflag:$0x1] =	stream.indirect.gather [hbm4b:s5+s7], $0x10, s30, s7, $0xb8;
	[tilespmem:$0x15400] =	vst v63  }
.Ltmp1:
0x1e7: {  	_ = 	snop;
	(pc) =	sbr.rel @p0 .LBB2_1-.Ltmp1, $4  }
0x1e8: {  	_ =	swait.ge [sflag:s6], $0x800  }
0x1e9: {  	[sflag:s6] =	ssyncset.done $0x0  }
0x1ea: {  	[sflag:s6] =	ssyncadd.s32 $0xFFFFF800  }
0x1eb: {  	s1 =	sadd.s32 $0xFFFFFFFF, s1;
	_ =	swait.ge [sflag:s6], $0x800  }
.LBB2_2:
0x1ec: {  	[sflag:s6] =	ssyncset.done $0x0  }
0x1ed: {  	[sflag:s6] =	ssyncadd.s32 $0xFFFFF800  }
0x1ee: {  	_ =	swait.ge [sflag:s6], $0x800  }
0x1ef: {  	[sflag:s6] =	ssyncset.done $0x0  }
0x1f0: {  	[sflag:s6] =	ssyncadd.s32 $0xFFFFF800  }
0x1f1: {  	_ =	swait.ge [sflag:s6], $0x800  }
0x1f2: {  	[sflag:s6] =	ssyncset.done $0x0  }
0x1f3: {  	[sflag:s6] =	ssyncadd.s32 $0xFFFFF800  }
0x1f4: {  	_ =	swait.ge [sflag:s6], $0x800  }
0x1f5: {  	[sflag:s6] =	ssyncset.done $0x0  }
0x1f6: {  	[sflag:s6] =	ssyncadd.s32 $0xFFFFF800  }
0x1f7: {  	_ =	swait.ge [sflag:s6], $0x800  }
0x1f8: {  	[sflag:s6] =	ssyncset.done $0x0  }
0x1f9: {  	[sflag:s6] =	ssyncadd.s32 $0xFFFFF800  }
0x1fa: {  	_ =	swait.ge [sflag:s6], $0x800  }
0x1fb: {  	[sflag:s6] =	ssyncset.done $0x0  }
0x1fc: {  	[sflag:s6] =	ssyncadd.s32 $0xFFFFF800  }
0x1fd: {  	_ =	swait.ge [sflag:s6], $0x800  }
0x1fe: {  	[sflag:s6] =	ssyncset.done $0x0  }
0x1ff: {  	s0 =	rddreg [dreg:$0x3];
	[sflag:s6] =	ssyncadd.s32 $0xFFFFF800  }
0x200: {  	[hbm4b:s0+s2] =	stream.linear.scatter [tilespmem:s4], [sflag:$0x2], $0x14000, $0x38;
	[tilespmem:$0x15400] =	vst v63  }
0x201: {  	_ =	swait.ge [sflag:s3], $0x14000  }
0x202: {  	[sflag:s3] =	ssyncset.done $0x0  }
0x203: {  	[sflag:s3] =	ssyncadd.s32 $0xFFFEC000  }
0x204: {  	_ =	sfence.sel $0x180000  }
0x205: {  	[bflag:$0x0] =	sbarrier.arrive $0xFFFF  }
0x206: {  	_ =	strace $0x90000047  }
0x207: {  	s31 =	stileid.u32;
	[bflag:$0x2] =	sbarrier.arrive $0xFFFF  }
0x208: {  	p0 =	sne.s32 s31, $0x0;
	s0 =	rddreg [dreg:$0x1]  }
0x209: {  	s0 =	sadd.s32 @!p0 $0x100000, s0  }
0x20a: {  	[sflag:s0] =	ssyncadd.tile.s32 @!p0 $0x1;
	_ =	shalt  }
.Lfunc_end2:
_tile_overlayer_lowered:
.L_overlay_start_2:
0x20b: {  	(tag) =	ssettag $0x2  }
0x20c: {  	s0 =	rddreg [dreg:$0x0];
	s2 =	stileid.u32  }
0x20d: {  	s1 =	rddreg [dreg:$0x1];
	p0 =	sne.s32 s2, $0x0  }
0x20e: {  	s3 =	rddreg [dreg:$0x2];
	[bflag:$0x3] =	sbarrier.arrive $0xFFFF;
	s2 =	simm.s32 @!p0 $0x1C02  }
0x20f: {  	[timem:s3], [sflag:s2] =	dma.local @!p0 [hbm:s0], s1  }
0x210: {  	s0 =	simm.s32 @!p0 $0x2  }
0x211: {  	_ =	swait.ge @!p0 [sflag:s0], s1  }
0x212: {  	s1 =	ssub.s32 @!p0 $0x0, s1;
	[sflag:s0] =	ssyncset.done @!p0 $0x0  }
0x213: {  	[sflag:s0] =	ssyncadd.s32 @!p0 s1  }
0x214: {  	[bflag:$0x3] =	sbarrier.arrive $0xFFFF  }
0x215: {  	_ =	shalt  }

// kernel: kernel.13.cloned.1.call-start
scs
__scs_entry_jumppad:
0x0: {  	(pc) =	sbr.rel $0x88, $3  }
0x1: {  	(tag) =	ssettag $0x0;
	lr =	simm.s32 $0x1  }
0x2: {  	[smem:$0x3F8D] =	sst lr;
	_ =	strace $0xD0000000  }
0x3: {  	_ = 	snop  }
0x4: {  	_ = 	snop  }
0x5: {  	_ = 	snop  }
0x6: {  	_ = 	snop  }
0x7: {  	_ = 	snop  }
__scs_overlays_trampoline_lowered:
0x8: {  	[smem:$0x3F9C] =	sst s0  }
0x9: {  	[smem:$0x3F9D] =	sst s1  }
0xa: {  	[smem:$0x3F9E] =	sst s2  }
0xb: {  	[smem:$0x3F9F] =	sst s3  }
0xc: {  	[smem:$0x3FA0] =	sst s4  }
0xd: {  	[smem:$0x3FA1] =	sst s5  }
0xe: {  	[smem:$0x3FA2] =	sst s6  }
0xf: {  	[smem:$0x3FA3] =	sst s7  }
0x10: {  	[smem:$0x3FA4] =	sst s8  }
0x11: {  	[smem:$0x3FA5] =	sst s9;
	s0 =	simm.s32 @!p0 $0x0  }
0x12: {  	s1 =	sld [smem:$0x3F8B];
	s0 =	simm.s32 @p0 $0x1  }
0x13: {  	[smem:$0x3FA6] =	sst s0;
	s0 =	simm.s32 @!p1 $0x0  }
0x14: {  	s2 =	sld [smem:$0x3F8A];
	s0 =	simm.s32 @p1 $0x1  }
0x15: {  	[smem:$0x3FA7] =	sst s0;
	s0 =	simm.s32 @!p2 $0x0  }
0x16: {  	s3 =	sld [smem:$0x3FDB];
	s0 =	simm.s32 @p2 $0x1  }
0x17: {  	s4 =	simm.s32 $0x1BF5;
	[smem:$0x3FA9] =	sst s0  }
0x18: {  	s0 =	sld [smem:$0x3F8C];
	_ =	swait.ge [sflag:s4], $0x0  }
0x19: {  	s7 =	sld [smem:$0x3F8D]  }
0x1a: {  	s8 =	sadd.s32 $0xFFFFE003, lr  }
0x1b: {  	s9 =	sadd.s32 $0xFFFFFEF7, lr;
	s5 =	simm.s32 $0xFFFFFFFF;
	p2 =	slt.u32 s8, $0xFFFFF086  }
0x1c: {  	p1 =	slt.u32 s9, $0xF7A;
	s5 =	simm.s32 @!p2 $0x0  }
0x1d: {  	s5 =	simm.s32 @p1 $0x1;
	p0 =	seq.s32 s7, s2  }
0x1e: {  	s7 =	smul.u32 @!p0 $0xF7A, s2;
	p2 =	seq.s32 @!p0 s5, $0x0  }
0x1f: {  	s9 =	smul.u32 $0xF7A, s1;
	s8 =	simm.s32 @!p0 $0x1BF5;
	p2 =	por !p2, p0  }
0x20: {  	[sflag:s8] =	ssyncset.s32 @!p0 $0xFFFFF086;
	s6 =	sadd.s32 @!p0 s3, s7;
	s7 =	simm.s32 @!p0 $0x108  }
0x21: {  	s3 =	sadd.s32 s3, s9;
	s6 =	sadd.s32 @!p0 $0x88, s6;
	s7 =	simm.s32 @p2 $0x1082  }
0x22: {  	[simem:s7], [sflag:s8] =	dma.local @!p0 [hbm:s6], $0xF7A  }
0x23: {  	s9 =	sor.u32 $0xD0000000, s2;
	s6 =	simm.s32 $0x108;
	_ =	swait.ge @!p0 [sflag:s8], $0x0  }
0x24: {  	s3 =	sadd.s32 $0x88, s3;
	s6 =	simm.s32 @!p1 $0x1082;
	[sflag:s4] =	ssyncset.s32 $0xFFFFF086  }
0x25: {  	[simem:s6], [sflag:s4] =	dma.local [hbm:s3], $0xF7A  }
0x26: {  	[smem:$0x3F8D] =	sst s1;
	(tag) =	ssettag s2;
	_ =	strace s9  }
0x27: {  	s1 =	sld [smem:$0x3F9D]  }
0x28: {  	s2 =	sld [smem:$0x3F9E]  }
0x29: {  	s4 =	sld [smem:$0x3FA0]  }
0x2a: {  	p0 =	seq.s32 s5, $0x0;
	s5 =	sld [smem:$0x3FA1]  }
0x2b: {  	s6 =	sld [smem:$0x3FA2]  }
0x2c: {  	s7 =	sld [smem:$0x3FA3]  }
0x2d: {  	s3 =	simm.s32 $0x108;
	s8 =	sld [smem:$0x3FA4]  }
0x2e: {  	s3 =	simm.s32 @!p0 $0x1082;
	s9 =	sld [smem:$0x3FA5]  }
0x2f: {  	lr =	sadd.s32 s0, s3;
	s0 =	sld [smem:$0x3F9C]  }
0x30: {  	s3 =	sld [smem:$0x3F9F]  }
0x31: {  	[smem:$0x3FA8] =	sst s10  }
0x32: {  	s10 =	sld [smem:$0x3FA6];
	_ =	sdelay $0x3  }
0x33: {  	p0 =	seq.s32 s10, $0x1;
	s10 =	sld [smem:$0x3FA8];
	_ =	sdelay $0x3  }
0x34: {  	[smem:$0x3FA8] =	sst s10  }
0x35: {  	s10 =	sld [smem:$0x3FA7];
	_ =	sdelay $0x3  }
0x36: {  	p1 =	seq.s32 s10, $0x1;
	s10 =	sld [smem:$0x3FA8];
	_ =	sdelay $0x3  }
0x37: {  	[smem:$0x3FA8] =	sst s10  }
0x38: {  	s10 =	sld [smem:$0x3FA9]  }
0x39: {  	_ = 	snop;
	(pc) =	sbr.ind lr, $3  }
0x3a: {  	_ = 	snop  }
0x3b: {  	_ = 	snop  }
0x3c: {  	p2 =	seq.s32 s10, $0x1;
	s10 =	sld [smem:$0x3FA8]  }
0x3d: {  	_ =	shalt  }
0x3e: {  	_ =	shalt  }
0x3f: {  	_ =	shalt  }
0x40: {  	_ =	shalt  }
0x41: {  	_ =	shalt  }
0x42: {  	_ =	shalt  }
0x43: {  	_ =	shalt  }
0x44: {  	_ =	shalt  }
0x45: {  	_ =	shalt  }
0x46: {  	_ =	shalt  }
0x47: {  	_ =	shalt  }
0x48: {  	_ =	shalt  }
0x49: {  	_ =	shalt  }
0x4a: {  	_ =	shalt  }
0x4b: {  	_ =	shalt  }
0x4c: {  	_ =	shalt  }
0x4d: {  	_ =	shalt  }
0x4e: {  	_ =	shalt  }
0x4f: {  	_ =	shalt  }
0x50: {  	_ =	shalt  }
0x51: {  	_ =	shalt  }
0x52: {  	_ =	shalt  }
0x53: {  	_ =	shalt  }
0x54: {  	_ =	shalt  }
0x55: {  	_ =	shalt  }
0x56: {  	_ =	shalt  }
0x57: {  	_ =	shalt  }
0x58: {  	_ =	shalt  }
0x59: {  	_ =	shalt  }
0x5a: {  	_ =	shalt  }
0x5b: {  	_ =	shalt  }
0x5c: {  	_ =	shalt  }
0x5d: {  	_ =	shalt  }
0x5e: {  	_ =	shalt  }
0x5f: {  	_ =	shalt  }
0x60: {  	_ =	shalt  }
0x61: {  	_ =	shalt  }
0x62: {  	_ =	shalt  }
0x63: {  	_ =	shalt  }
0x64: {  	_ =	shalt  }
0x65: {  	_ =	shalt  }
0x66: {  	_ =	shalt  }
0x67: {  	_ =	shalt  }
0x68: {  	_ =	shalt  }
0x69: {  	_ =	shalt  }
0x6a: {  	_ =	shalt  }
0x6b: {  	_ =	shalt  }
0x6c: {  	_ =	shalt  }
0x6d: {  	_ =	shalt  }
0x6e: {  	_ =	shalt  }
0x6f: {  	_ =	shalt  }
0x70: {  	_ =	shalt  }
0x71: {  	_ =	shalt  }
0x72: {  	_ =	shalt  }
0x73: {  	_ =	shalt  }
0x74: {  	_ =	shalt  }
0x75: {  	_ =	shalt  }
0x76: {  	_ =	shalt  }
0x77: {  	_ =	shalt  }
0x78: {  	_ =	shalt  }
0x79: {  	_ =	shalt  }
0x7a: {  	_ =	shalt  }
0x7b: {  	_ =	shalt  }
0x7c: {  	_ =	shalt  }
0x7d: {  	_ =	shalt  }
0x7e: {  	_ =	shalt  }
0x7f: {  	_ =	shalt  }
0x80: {  	_ =	shalt  }
0x81: {  	_ =	shalt  }
0x82: {  	_ =	shalt  }
0x83: {  	_ =	shalt  }
0x84: {  	_ =	shalt  }
0x85: {  	_ =	shalt  }
0x86: {  	_ =	shalt  }
0x87: {  	_ =	shalt  }
.Lfunc_end0:
.L_simem_size_0:
called_computation.1_lowered:
.L_overlay_start_0:
0x88: {  	s2 =	sld [smem:$0x3FD9]  }
0x89: {  	s3 =	sld [smem:$0x3FFE];
	_ =	sdelay $0x1  }
0x8a: {  	s1 =	srdreg.scid  }
0x8b: {  	s0 =	sand.u32 $0x1, s1  }
0x8c: {  	s17 =	sshll.u32 s0, $0xA;
	s2 =	sadd.s32 s3, s2  }
0x8d: {  	s2 =	sadd.s32 s2, s17  }
0x8e: {  	[smem:$0x3FB4] =	sst s2  }
0x8f: {  	_ = 	snop  }
0x90: {  	s2 =	sld [smem:$0x3FD0];
	(tm) =	ssettm $0x1  }
0x91: {  	s18 =	sld [smem:$0x3FFB];
	_ =	sdelay $0x3  }
0x92: {  	_ =	strace s18  }
0x93: {  	s3 =	sld [smem:$0x3FFC];
	_ =	sdelay $0x3  }
0x94: {  	_ =	strace s3  }
0x95: {  	s3 =	sld [smem:$0x3FFD];
	_ =	sdelay $0x3  }
0x96: {  	_ =	strace s3  }
0x97: {  	_ =	strace $0x8FFFFFFF  }
0x98: {  	s19 =	sld [smem:$0x3FDB];
	_ =	sdelay $0x1  }
0x99: {  	s4 =	simm.s32 $_scs_section_size  }
0x9a: {  	s5 =	simm.s32 $_size__tile_overlayer_lowered;
	s6 =	simm.s32 $_tile_overlayer_lowered  }
0x9b: {  	s22 =	simm.s32 $0x1BFF;
	s21 =	sshll.u32 s6, $0x1;
	s3 =	sadd.s32 s4, s19  }
0x9c: {  	s7 =	simm.s32 $0x0;
	s20 =	sshll.u32 s5, $0x1;
	s5 =	sadd.s32 s21, s3  }
0x9d: {  	[timem:s7], [sflag:s22] =	dma.local [hbm:s5], s20  }
0x9e: {  	_ =	swait.ge [sflag:s22], s20  }
0x9f: {  	s4 =	ssub.s32 $0x0, s20;
	[sflag:s22] =	ssyncset.done $0x0  }
0xa0: {  	[sflag:s22] =	ssyncadd.s32 s4;
	_ =	sdelay $0x1  }
0xa1: {  	s23 =	simm.s32 $0x1B8B  }
0xa2: {  	_ =	swait.ge [sflag:s23], $0x1  }
0xa3: {  	[sflag:s23] =	ssyncset.done $0x0  }
0xa4: {  	s25 =	simm.s32 $0x1B8E;
	s24 =	sld [smem:$0x3FFE];
	[sflag:s23] =	ssyncadd.s32 $0xFFFFFFFF  }
0xa5: {  	s26 =	simm.s32 $execute0_lowered;
	[smem:$0x3FD2] =	sst s25  }
0xa6: {  	s5 =	sshll.u32 s26, $0x1;
	_ =	strace $0x80000049;
	[dreg:$0x1] =	wrdreg $0xFFFFFFFF  }
0xa7: {  	s28 =	simm.s32 $_size_execute0_lowered;
	s3 =	sadd.s32 s3, s5;
	[dreg:$0x0] =	wrdreg $0x0  }
0xa8: {  	s5 =	sshll.u32 s28, $0x1;
	[dreg:$0x2] =	wrdreg s3  }
0xa9: {  	[dreg:$0x3] =	wrdreg s5  }
0xaa: {  	[dreg:$0x4] =	wrdreg $0xC0  }
0xab: {  	_ =	task [dreg:s7], $0x5FFFF  }
0xac: {  	[dreg:$0x1] =	wrdreg $0xFFFFFFFF  }
0xad: {  	[dreg:$0x0] =	wrdreg $0x60  }
0xae: {  	[dreg:$0x2] =	wrdreg s24  }
0xaf: {  	[dreg:$0x3] =	wrdreg s2  }
0xb0: {  	[dreg:$0x4] =	wrdreg $0x15C000  }
0xb1: {  	[dreg:$0x5] =	wrdreg $0x184000  }
0xb2: {  	[dreg:$0x6] =	wrdreg $0x9  }
0xb3: {  	_ =	task.clear_ibuf [dreg:s7], $0x7FFFF;
	_ =	strace $0x90000049  }
0xb4: {  	s29 =	simm.s32 $0x9;
	_ =	strace $0x8000004B  }
0xb5: {  	_ =	swait.ge [sflag:s29], $0x1  }
0xb6: {  	[sflag:s29] =	ssyncadd.s32 $0xFFFFFFFF  }
0xb7: {  	_ =	strace $0x9000004B  }
0xb8: {  	_ =	sfence  }
0xb9: {  	s30 =	sld [smem:$0x0];
	_ =	sdelay $0x2  }
0xba: {  	s31 =	sshll.u32 s1, $0xD;
	s1 =	sshrl.u32 s1, $0x2  }
0xbb: {  	s3 =	sand.u32 $0x4000, s31;
	s1 =	sadd.s32 s1, s30  }
0xbc: {  	s0 =	sor.u32 s3, s0;
	s1 =	sshll.u32 s1, $0x11  }
0xbd: {  	s0 =	sor.u32 s1, s0  }
0xbe: {  	s0 =	sadd.s32 $0x8F2B, s0  }
0xbf: {  	[sflag:s0] =	ssyncadd.remote.s32 $0x1  }
0xc0: {  	_ =	sfence.sel $0xFFFF  }
0xc1: {  	[dreg:$0x0] =	wrdreg $0xFFFFFFFF;
	(pc) =	sbr.abs _section_cstart, $3  }
0xc2: {  	[dreg:$0x1] =	wrdreg $0xFFFFFFFF  }
0xc3: {  	_ =	task.clear_ibuf [dreg:s7], $0x2FFFF;
	_ =	strace $0x9FFFFFFF  }
0xc4: {  	(tm) =	ssettm $0x7FFFFFFF  }
0xc5: {  	_ =	shalt  }
tec
execute0_lowered:
.L_overlay_start_1:
0x0: {  	(tag) =	ssettag $0x1  }
0x1: {  	s6 =	rddreg [dreg:$0x0]  }
0x2: {  	s1 =	rddreg [dreg:$0x1]  }
0x3: {  	s2 =	srdreg.scid;
	s3 =	rddreg [dreg:$0x2]  }
0x4: {  	s0 =	stileid.u32;
	s4 =	rddreg [dreg:$0x3]  }
0x5: {  	s5 =	simm.s32 $0x0;
	s16 =	simm.s32 $0x80;
	s17 =	simm.s32 $0x1  }
0x6: {  	s7 =	sand.u32 $0x1, s2;
	s28 =	sshll.u32 s0, $0x1;
	s10 =	smul.u32 $0x2800, s0  }
0x7: {  	s2 =	rddreg [dreg:$0x4];
	s8 =	sor.u32 s7, s28;
	s11 =	smul.u32 $0x5000, s7  }
0x8: {  	[smem:$0x7FF] =	sst s5;
	s31 =	sshll.u32 s0, $0x6;
	s9 =	smul.u32 $0x2800, s8  }
0x9: {  	_ =	strace $0x8000004A;
	s7 =	ssub.s32 $0x2, s7;
	s8 =	smul.u32 $0x280, s8  }
0xa: {  	s19 =	sshrl.u32 s10, $0x3;
	s30 =	sshrl.u32 s7, $0x1;
	s14 =	sadd.s32 s10, s3  }
0xb: {  	s15 =	sadd.s32 s10, s4;
	s29 =	sadd.s32 s19, s6;
	s11 =	sadd.s32 s11, s6  }
0xc: {  	s13 =	ssub.s32 s7, s30;
	s7 =	sor.u32 $0x1C02, s31;
	s9 =	sadd.s32 s9, s6  }
0xd: {  	s12 =	sadd.s32 s8, s6;
	s6 =	sadd.s32 $0x4000, s29;
	s18 =	sadd.s32 $0x63000, s11  }
0xe: {  	s20 =	sadd.s32 $0x6D000, s11;
	s10 =	smax.u32 s13, $0x1;
	s11 =	sshrl.u32 s14, $0x3  }
0xf: {  	s13 =	sshrl.u32 s15, $0x3;
	s14 =	simm.s32 $0x14000;
	s15 =	simm.s32 $0x15400  }
0x10: {  	s8 =	sadd.s32 $0xE000, s9;
	s9 =	sadd.s32 $0x5E000, s12;
	s12 =	simm.s32 $0x2  }
0x11: {  	s18 =	sadd.s32 s19, s18;
	s19 =	sadd.s32 s19, s20;
	s20 =	simm.s32 $0x0  }
.LBB2_1:
0x12: {  	[spmem:s11], [sflag:s7] =	dma.local [hbm:s6], $0x500  }
0x13: {  	_ =	swait.ge [sflag:s12], $0x500  }
0x14: {  	[sflag:s12] =	ssyncset.done $0x0  }
0x15: {  	[sflag:s12] =	ssyncadd.s32 $0xFFFFFB00  }
0x16: {  	[spmem:s13], [sflag:s7] =	dma.local [hbm:s6], $0x500  }
0x17: {  	_ =	swait.ge [sflag:s12], $0x500  }
0x18: {  	[sflag:s12] =	ssyncset.done $0x0  }
0x19: {  	[sflag:s12] =	ssyncadd.s32 $0xFFFFFB00  }
0x1a: {  	[tilespmem:s5], [sflag:$0x2] =	stream.linear.gather [hbm4b:s8+s5], $0x14000, $0x38;
	[tilespmem:$0x1AC00] =	vst v63  }
0x1b: {  	_ =	swait.ge [sflag:s12], $0x14000  }
0x1c: {  	[sflag:s12] =	ssyncset.done $0x0  }
0x1d: {  	[sflag:s12] =	ssyncadd.s32 $0xFFFEC000  }
0x1e: {  	[tilespmem:s14], [sflag:$0x2] =	stream.linear.gather [hbm4b:s9+s5], $0x1400, $0x38;
	[tilespmem:$0x1AC00] =	vst v63  }
0x1f: {  	_ =	swait.ge [sflag:s12], $0x1400  }
0x20: {  	[sflag:s12] =	ssyncset.done $0x0  }
0x21: {  	[sflag:s12] =	ssyncadd.s32 $0xFFFFEC00  }
0x22: {  	[tilespmem:s15], [sflag:$0x2] =	stream.linear.gather [hbm4b:s1+s5], $0x800, $0x38;
	[tilespmem:$0x1AC00] =	vst v63  }
0x23: {  	_ =	swait.ge [sflag:s12], $0x800  }
0x24: {  	[sflag:s12] =	ssyncset.done $0x0  }
0x25: {  	[sflag:s12] =	ssyncadd.s32 $0xFFFFF800  }
0x26: {  	s21 =	simm.s32 $0x14000;
	[bflag:$0x0] =	sbarrier.arrive $0xFFFF  }
0x27: {  	[spmem:s3] =	stream.indirect.scatter.add.f32 [tilespmem:s5], [sflag:$0x1], $0x10, s21, s16, $0xb8;
	[tilespmem:$0x1AC00] =	vst v63  }
0x28: {  	_ = 	snop  }
0x29: {  	[spmem:s4] =	stream.indirect.scatter.add.f32 [tilespmem:s15], [sflag:$0x1], $0x10, s21, s16, $0xb8;
	[tilespmem:$0x1AC00] =	vst v63  }
0x2a: {  	s26 =	simm.s32 $0x800;
	s22 =	simm.s32 $0x14080  }
0x2b: {  	[spmem:s3] =	stream.indirect.scatter.add.f32 [tilespmem:s26], [sflag:$0x1], $0x10, s22, s16, $0xb8;
	[tilespmem:$0x1AC00] =	vst v63  }
0x2c: {  	_ = 	snop  }
0x2d: {  	[spmem:s4] =	stream.indirect.scatter.add.f32 [tilespmem:s15], [sflag:$0x1], $0x10, s22, s16, $0xb8;
	[tilespmem:$0x1AC00] =	vst v63  }
0x2e: {  	s28 =	simm.s32 $0x1000;
	s29 =	simm.s32 $0x14100  }
0x2f: {  	[spmem:s3] =	stream.indirect.scatter.add.f32 [tilespmem:s28], [sflag:$0x1], $0x10, s29, s16, $0xb8;
	[tilespmem:$0x1AC00] =	vst v63  }
0x30: {  	_ = 	snop  }
0x31: {  	[spmem:s4] =	stream.indirect.scatter.add.f32 [tilespmem:s15], [sflag:$0x1], $0x10, s29, s16, $0xb8;
	[tilespmem:$0x1AC00] =	vst v63  }
0x32: {  	s30 =	simm.s32 $0x1800;
	s31 =	simm.s32 $0x14180  }
0x33: {  	[spmem:s3] =	stream.indirect.scatter.add.f32 [tilespmem:s30], [sflag:$0x1], $0x10, s31, s16, $0xb8;
	[tilespmem:$0x1AC00] =	vst v63  }
0x34: {  	_ = 	snop  }
0x35: {  	[spmem:s4] =	stream.indirect.scatter.add.f32 [tilespmem:s15], [sflag:$0x1], $0x10, s31, s16, $0xb8;
	[tilespmem:$0x1AC00] =	vst v63  }
0x36: {  	_ =	swait.ge [sflag:s17], $0x800  }
0x37: {  	[sflag:s17] =	ssyncset.done $0x0  }
0x38: {  	[sflag:s17] =	ssyncadd.s32 $0xFFFFF800  }
0x39: {  	_ =	swait.ge [sflag:s17], $0x800  }
0x3a: {  	[sflag:s17] =	ssyncset.done $0x0  }
0x3b: {  	[sflag:s17] =	ssyncadd.s32 $0xFFFFF800  }
0x3c: {  	_ =	swait.ge [sflag:s17], $0x800  }
0x3d: {  	[sflag:s17] =	ssyncset.done $0x0  }
0x3e: {  	[sflag:s17] =	ssyncadd.s32 $0xFFFFF800  }
0x3f: {  	_ =	swait.ge [sflag:s17], $0x800  }
0x40: {  	[sflag:s17] =	ssyncset.done $0x0  }
0x41: {  	[sflag:s17] =	ssyncadd.s32 $0xFFFFF800  }
0x42: {  	_ =	swait.ge [sflag:s17], $0x800  }
0x43: {  	[sflag:s17] =	ssyncset.done $0x0  }
0x44: {  	[sflag:s17] =	ssyncadd.s32 $0xFFFFF800  }
0x45: {  	_ =	swait.ge [sflag:s17], $0x800  }
0x46: {  	[sflag:s17] =	ssyncset.done $0x0  }
0x47: {  	[sflag:s17] =	ssyncadd.s32 $0xFFFFF800  }
0x48: {  	_ =	swait.ge [sflag:s17], $0x800  }
0x49: {  	[sflag:s17] =	ssyncset.done $0x0  }
0x4a: {  	[sflag:s17] =	ssyncadd.s32 $0xFFFFF800  }
0x4b: {  	s25 =	simm.s32 $0x1000;
	_ =	swait.ge [sflag:s17], $0x800  }
0x4c: {  	s24 =	simm.s32 $0x200;
	s21 =	simm.s32 $0x2000;
	[sflag:s17] =	ssyncset.done $0x0  }
.LBB2_2:
0x4d: {  	s26 =	sadd.s32 $0x14000, s24  }
0x4e: {  	[sflag:s17] =	ssyncadd.s32 $0xFFFFF800;
	s23 =	smov.u32 s25;
	s22 =	sadd.s32 $0x800, s25  }
0x4f: {  	[spmem:s3] =	stream.indirect.scatter.add.f32 [tilespmem:s21], [sflag:$0x1], $0x10, s26, s16, $0xb8;
	[tilespmem:$0x1AC00] =	vst v63  }
0x50: {  	p0 =	sne.s32 s25, $0x4800  }
0x51: {  	[spmem:s4] =	stream.indirect.scatter.add.f32 [tilespmem:s15], [sflag:$0x1], $0x10, s26, s16, $0xb8;
	[tilespmem:$0x1AC00] =	vst v63  }
0x52: {  	s25 =	sadd.s32 $0x800, s21;
	s26 =	sadd.s32 $0x14080, s24  }
0x53: {  	[spmem:s3] =	stream.indirect.scatter.add.f32 [tilespmem:s25], [sflag:$0x1], $0x10, s26, s16, $0xb8;
	[tilespmem:$0x1AC00] =	vst v63  }
0x54: {  	_ = 	snop  }
0x55: {  	[spmem:s4] =	stream.indirect.scatter.add.f32 [tilespmem:s15], [sflag:$0x1], $0x10, s26, s16, $0xb8;
	[tilespmem:$0x1AC00] =	vst v63  }
0x56: {  	s25 =	sadd.s32 $0x1000, s21;
	s26 =	sadd.s32 $0x14100, s24  }
0x57: {  	[spmem:s3] =	stream.indirect.scatter.add.f32 [tilespmem:s25], [sflag:$0x1], $0x10, s26, s16, $0xb8;
	[tilespmem:$0x1AC00] =	vst v63  }
0x58: {  	_ = 	snop  }
0x59: {  	[spmem:s4] =	stream.indirect.scatter.add.f32 [tilespmem:s15], [sflag:$0x1], $0x10, s26, s16, $0xb8;
	[tilespmem:$0x1AC00] =	vst v63  }
0x5a: {  	s24 =	sadd.s32 $0x14180, s24;
	s25 =	sadd.s32 $0x1800, s21  }
0x5b: {  	[spmem:s3] =	stream.indirect.scatter.add.f32 [tilespmem:s25], [sflag:$0x1], $0x10, s24, s16, $0xb8;
	[tilespmem:$0x1AC00] =	vst v63  }
0x5c: {  	_ = 	snop  }
0x5d: {  	[spmem:s4] =	stream.indirect.scatter.add.f32 [tilespmem:s15], [sflag:$0x1], $0x10, s24, s16, $0xb8;
	[tilespmem:$0x1AC00] =	vst v63  }
0x5e: {  	_ =	swait.ge [sflag:s17], $0x800  }
0x5f: {  	[sflag:s17] =	ssyncset.done $0x0  }
0x60: {  	[sflag:s17] =	ssyncadd.s32 $0xFFFFF800  }
0x61: {  	_ =	swait.ge [sflag:s17], $0x800  }
0x62: {  	[sflag:s17] =	ssyncset.done $0x0  }
0x63: {  	[sflag:s17] =	ssyncadd.s32 $0xFFFFF800  }
0x64: {  	_ =	swait.ge [sflag:s17], $0x800  }
0x65: {  	[sflag:s17] =	ssyncset.done $0x0  }
0x66: {  	[sflag:s17] =	ssyncadd.s32 $0xFFFFF800  }
0x67: {  	_ =	swait.ge [sflag:s17], $0x800  }
0x68: {  	[sflag:s17] =	ssyncset.done $0x0  }
0x69: {  	[sflag:s17] =	ssyncadd.s32 $0xFFFFF800  }
0x6a: {  	_ =	swait.ge [sflag:s17], $0x800  }
0x6b: {  	[sflag:s17] =	ssyncset.done $0x0  }
0x6c: {  	[sflag:s17] =	ssyncadd.s32 $0xFFFFF800  }
0x6d: {  	_ =	swait.ge [sflag:s17], $0x800  }
0x6e: {  	[sflag:s17] =	ssyncset.done $0x0  }
0x6f: {  	[sflag:s17] =	ssyncadd.s32 $0xFFFFF800  }
.Ltmp0:
0x70: {  	_ =	swait.ge [sflag:s17], $0x800;
	(pc) =	sbr.rel @p0 .LBB2_2-.Ltmp0, $4  }
0x71: {  	[sflag:s17] =	ssyncset.done $0x0  }
0x72: {  	[sflag:s17] =	ssyncadd.s32 $0xFFFFF800  }
0x73: {  	s21 =	sadd.s32 $0x2000, s21;
	_ =	swait.ge [sflag:s17], $0x800  }
0x74: {  	s25 =	smov.u32 s22;
	s24 =	sshra.s32 s23, $0x2;
	[sflag:s17] =	ssyncset.done $0x0  }
0x75: {  	s22 =	sadd.s32 $0x14000, s24;
	[sflag:s17] =	ssyncadd.s32 $0xFFFFF800  }
0x76: {  	[spmem:s3] =	stream.indirect.scatter.add.f32 [tilespmem:s21], [sflag:$0x1], $0x10, s22, s16, $0xb8;
	[tilespmem:$0x1AC00] =	vst v63  }
0x77: {  	_ = 	snop  }
0x78: {  	[spmem:s4] =	stream.indirect.scatter.add.f32 [tilespmem:s15], [sflag:$0x1], $0x10, s22, s16, $0xb8;
	[tilespmem:$0x1AC00] =	vst v63  }
0x79: {  	s26 =	sadd.s32 $0x800, s21;
	s23 =	sadd.s32 $0x14080, s24  }
0x7a: {  	[spmem:s3] =	stream.indirect.scatter.add.f32 [tilespmem:s26], [sflag:$0x1], $0x10, s23, s16, $0xb8;
	[tilespmem:$0x1AC00] =	vst v63  }
0x7b: {  	_ = 	snop  }
0x7c: {  	[spmem:s4] =	stream.indirect.scatter.add.f32 [tilespmem:s15], [sflag:$0x1], $0x10, s23, s16, $0xb8;
	[tilespmem:$0x1AC00] =	vst v63  }
0x7d: {  	s28 =	sadd.s32 $0x1000, s21;
	s29 =	sadd.s32 $0x14100, s24  }
0x7e: {  	[spmem:s3] =	stream.indirect.scatter.add.f32 [tilespmem:s28], [sflag:$0x1], $0x10, s29, s16, $0xb8;
	[tilespmem:$0x1AC00] =	vst v63  }
0x7f: {  	_ = 	snop  }
0x80: {  	[spmem:s4] =	stream.indirect.scatter.add.f32 [tilespmem:s15], [sflag:$0x1], $0x10, s29, s16, $0xb8;
	[tilespmem:$0x1AC00] =	vst v63  }
0x81: {  	s30 =	sadd.s32 $0x1800, s21;
	s31 =	sadd.s32 $0x14180, s24  }
0x82: {  	[spmem:s3] =	stream.indirect.scatter.add.f32 [tilespmem:s30], [sflag:$0x1], $0x10, s31, s16, $0xb8;
	[tilespmem:$0x1AC00] =	vst v63  }
0x83: {  	_ = 	snop  }
0x84: {  	[spmem:s4] =	stream.indirect.scatter.add.f32 [tilespmem:s15], [sflag:$0x1], $0x10, s31, s16, $0xb8;
	[tilespmem:$0x1AC00] =	vst v63  }
0x85: {  	_ =	swait.ge [sflag:s17], $0x800  }
0x86: {  	[sflag:s17] =	ssyncset.done $0x0  }
0x87: {  	[sflag:s17] =	ssyncadd.s32 $0xFFFFF800  }
0x88: {  	_ =	swait.ge [sflag:s17], $0x800  }
0x89: {  	[sflag:s17] =	ssyncset.done $0x0  }
0x8a: {  	[sflag:s17] =	ssyncadd.s32 $0xFFFFF800  }
0x8b: {  	_ =	swait.ge [sflag:s17], $0x800  }
0x8c: {  	[sflag:s17] =	ssyncset.done $0x0  }
0x8d: {  	[sflag:s17] =	ssyncadd.s32 $0xFFFFF800  }
0x8e: {  	_ =	swait.ge [sflag:s17], $0x800  }
0x8f: {  	[sflag:s17] =	ssyncset.done $0x0  }
0x90: {  	[sflag:s17] =	ssyncadd.s32 $0xFFFFF800  }
0x91: {  	_ =	swait.ge [sflag:s17], $0x800  }
0x92: {  	[sflag:s17] =	ssyncset.done $0x0  }
0x93: {  	[sflag:s17] =	ssyncadd.s32 $0xFFFFF800  }
0x94: {  	_ =	swait.ge [sflag:s17], $0x800  }
0x95: {  	[sflag:s17] =	ssyncset.done $0x0  }
0x96: {  	[sflag:s17] =	ssyncadd.s32 $0xFFFFF800  }
0x97: {  	_ =	swait.ge [sflag:s17], $0x800  }
0x98: {  	[sflag:s17] =	ssyncset.done $0x0  }
0x99: {  	[sflag:s17] =	ssyncadd.s32 $0xFFFFF800  }
0x9a: {  	_ =	swait.ge [sflag:s17], $0x800  }
0x9b: {  	[sflag:s17] =	ssyncset.done $0x0  }
0x9c: {  	[sflag:s17] =	ssyncadd.s32 $0xFFFFF800  }
0x9d: {  	[bflag:$0x0] =	sbarrier.arrive $0xFFFF  }
0x9e: {  	[hbm:s18], [sflag:s7] =	dma.local [spmem:s11], $0x500  }
0x9f: {  	s20 =	sadd.s32 $0x1, s20;
	_ =	swait.ge [sflag:s12], $0x500  }
0xa0: {  	p0 =	sne.s32 s20, s10;
	[sflag:s12] =	ssyncset.done $0x0  }
.Ltmp1:
0xa1: {  	[sflag:s12] =	ssyncadd.s32 $0xFFFFFB00;
	(pc) =	sbr.rel @p0 .LBB2_1-.Ltmp1, $4  }
0xa2: {  	[hbm:s19], [sflag:s7] =	dma.local [spmem:s13], $0x500  }
0xa3: {  	_ =	swait.ge [sflag:s12], $0x500  }
0xa4: {  	[sflag:s12] =	ssyncset.done $0x0  }
0xa5: {  	[sflag:s12] =	ssyncadd.s32 $0xFFFFFB00  }
0xa6: {  	_ =	sfence.sel $0x180000  }
0xa7: {  	[bflag:$0x0] =	sbarrier.arrive $0xFFFF  }
0xa8: {  	p0 =	sne.s32 s0, $0x0;
	_ =	strace $0x9000004A  }
0xa9: {  	s0 =	sadd.s32 @!p0 $0x100000, s2;
	[bflag:$0x2] =	sbarrier.arrive $0xFFFF  }
0xaa: {  	[sflag:s0] =	ssyncadd.tile.s32 @!p0 $0x1;
	_ =	shalt  }
.Lfunc_end2:
_tile_overlayer_lowered:
.L_overlay_start_2:
0xab: {  	(tag) =	ssettag $0x2  }
0xac: {  	s0 =	rddreg [dreg:$0x0];
	s2 =	stileid.u32  }
0xad: {  	s1 =	rddreg [dreg:$0x1];
	p0 =	sne.s32 s2, $0x0  }
0xae: {  	s3 =	rddreg [dreg:$0x2];
	[bflag:$0x3] =	sbarrier.arrive $0xFFFF;
	s2 =	simm.s32 @!p0 $0x1C02  }
0xaf: {  	[timem:s3], [sflag:s2] =	dma.local @!p0 [hbm:s0], s1  }
0xb0: {  	s0 =	simm.s32 @!p0 $0x2  }
0xb1: {  	_ =	swait.ge @!p0 [sflag:s0], s1  }
0xb2: {  	s1 =	ssub.s32 @!p0 $0x0, s1;
	[sflag:s0] =	ssyncset.done @!p0 $0x0  }
0xb3: {  	[sflag:s0] =	ssyncadd.s32 @!p0 s1  }
0xb4: {  	[bflag:$0x3] =	sbarrier.arrive $0xFFFF  }
0xb5: {  	_ =	shalt  }

// kernel: kernel.16.cloned.1.call-start
scs
__scs_entry_jumppad:
0x0: {  	(pc) =	sbr.rel $0x88, $3  }
0x1: {  	(tag) =	ssettag $0x0;
	lr =	simm.s32 $0x1  }
0x2: {  	[smem:$0x3F8D] =	sst lr;
	_ =	strace $0xD0000000  }
0x3: {  	_ = 	snop  }
0x4: {  	_ = 	snop  }
0x5: {  	_ = 	snop  }
0x6: {  	_ = 	snop  }
0x7: {  	_ = 	snop  }
__scs_overlays_trampoline_lowered:
0x8: {  	[smem:$0x3F9C] =	sst s0  }
0x9: {  	[smem:$0x3F9D] =	sst s1  }
0xa: {  	[smem:$0x3F9E] =	sst s2  }
0xb: {  	[smem:$0x3F9F] =	sst s3  }
0xc: {  	[smem:$0x3FA0] =	sst s4  }
0xd: {  	[smem:$0x3FA1] =	sst s5  }
0xe: {  	[smem:$0x3FA2] =	sst s6  }
0xf: {  	[smem:$0x3FA3] =	sst s7  }
0x10: {  	[smem:$0x3FA4] =	sst s8  }
0x11: {  	[smem:$0x3FA5] =	sst s9;
	s0 =	simm.s32 @!p0 $0x0  }
0x12: {  	s1 =	sld [smem:$0x3F8B];
	s0 =	simm.s32 @p0 $0x1  }
0x13: {  	[smem:$0x3FA6] =	sst s0;
	s0 =	simm.s32 @!p1 $0x0  }
0x14: {  	s2 =	sld [smem:$0x3F8A];
	s0 =	simm.s32 @p1 $0x1  }
0x15: {  	[smem:$0x3FA7] =	sst s0;
	s0 =	simm.s32 @!p2 $0x0  }
0x16: {  	s3 =	sld [smem:$0x3FDB];
	s0 =	simm.s32 @p2 $0x1  }
0x17: {  	s4 =	simm.s32 $0x1BF5;
	[smem:$0x3FA9] =	sst s0  }
0x18: {  	s0 =	sld [smem:$0x3F8C];
	_ =	swait.ge [sflag:s4], $0x0  }
0x19: {  	s7 =	sld [smem:$0x3F8D]  }
0x1a: {  	s8 =	sadd.s32 $0xFFFFE003, lr  }
0x1b: {  	s9 =	sadd.s32 $0xFFFFFEF7, lr;
	s5 =	simm.s32 $0xFFFFFFFF;
	p2 =	slt.u32 s8, $0xFFFFF086  }
0x1c: {  	p1 =	slt.u32 s9, $0xF7A;
	s5 =	simm.s32 @!p2 $0x0  }
0x1d: {  	s5 =	simm.s32 @p1 $0x1;
	p0 =	seq.s32 s7, s2  }
0x1e: {  	s7 =	smul.u32 @!p0 $0xF7A, s2;
	p2 =	seq.s32 @!p0 s5, $0x0  }
0x1f: {  	s9 =	smul.u32 $0xF7A, s1;
	s8 =	simm.s32 @!p0 $0x1BF5;
	p2 =	por !p2, p0  }
0x20: {  	[sflag:s8] =	ssyncset.s32 @!p0 $0xFFFFF086;
	s6 =	sadd.s32 @!p0 s3, s7;
	s7 =	simm.s32 @!p0 $0x108  }
0x21: {  	s3 =	sadd.s32 s3, s9;
	s6 =	sadd.s32 @!p0 $0x88, s6;
	s7 =	simm.s32 @p2 $0x1082  }
0x22: {  	[simem:s7], [sflag:s8] =	dma.local @!p0 [hbm:s6], $0xF7A  }
0x23: {  	s9 =	sor.u32 $0xD0000000, s2;
	s6 =	simm.s32 $0x108;
	_ =	swait.ge @!p0 [sflag:s8], $0x0  }
0x24: {  	s3 =	sadd.s32 $0x88, s3;
	s6 =	simm.s32 @!p1 $0x1082;
	[sflag:s4] =	ssyncset.s32 $0xFFFFF086  }
0x25: {  	[simem:s6], [sflag:s4] =	dma.local [hbm:s3], $0xF7A  }
0x26: {  	[smem:$0x3F8D] =	sst s1;
	(tag) =	ssettag s2;
	_ =	strace s9  }
0x27: {  	s1 =	sld [smem:$0x3F9D]  }
0x28: {  	s2 =	sld [smem:$0x3F9E]  }
0x29: {  	s4 =	sld [smem:$0x3FA0]  }
0x2a: {  	p0 =	seq.s32 s5, $0x0;
	s5 =	sld [smem:$0x3FA1]  }
0x2b: {  	s6 =	sld [smem:$0x3FA2]  }
0x2c: {  	s7 =	sld [smem:$0x3FA3]  }
0x2d: {  	s3 =	simm.s32 $0x108;
	s8 =	sld [smem:$0x3FA4]  }
0x2e: {  	s3 =	simm.s32 @!p0 $0x1082;
	s9 =	sld [smem:$0x3FA5]  }
0x2f: {  	lr =	sadd.s32 s0, s3;
	s0 =	sld [smem:$0x3F9C]  }
0x30: {  	s3 =	sld [smem:$0x3F9F]  }
0x31: {  	[smem:$0x3FA8] =	sst s10  }
0x32: {  	s10 =	sld [smem:$0x3FA6];
	_ =	sdelay $0x3  }
0x33: {  	p0 =	seq.s32 s10, $0x1;
	s10 =	sld [smem:$0x3FA8];
	_ =	sdelay $0x3  }
0x34: {  	[smem:$0x3FA8] =	sst s10  }
0x35: {  	s10 =	sld [smem:$0x3FA7];
	_ =	sdelay $0x3  }
0x36: {  	p1 =	seq.s32 s10, $0x1;
	s10 =	sld [smem:$0x3FA8];
	_ =	sdelay $0x3  }
0x37: {  	[smem:$0x3FA8] =	sst s10  }
0x38: {  	s10 =	sld [smem:$0x3FA9]  }
0x39: {  	_ = 	snop;
	(pc) =	sbr.ind lr, $3  }
0x3a: {  	_ = 	snop  }
0x3b: {  	_ = 	snop  }
0x3c: {  	p2 =	seq.s32 s10, $0x1;
	s10 =	sld [smem:$0x3FA8]  }
0x3d: {  	_ =	shalt  }
0x3e: {  	_ =	shalt  }
0x3f: {  	_ =	shalt  }
0x40: {  	_ =	shalt  }
0x41: {  	_ =	shalt  }
0x42: {  	_ =	shalt  }
0x43: {  	_ =	shalt  }
0x44: {  	_ =	shalt  }
0x45: {  	_ =	shalt  }
0x46: {  	_ =	shalt  }
0x47: {  	_ =	shalt  }
0x48: {  	_ =	shalt  }
0x49: {  	_ =	shalt  }
0x4a: {  	_ =	shalt  }
0x4b: {  	_ =	shalt  }
0x4c: {  	_ =	shalt  }
0x4d: {  	_ =	shalt  }
0x4e: {  	_ =	shalt  }
0x4f: {  	_ =	shalt  }
0x50: {  	_ =	shalt  }
0x51: {  	_ =	shalt  }
0x52: {  	_ =	shalt  }
0x53: {  	_ =	shalt  }
0x54: {  	_ =	shalt  }
0x55: {  	_ =	shalt  }
0x56: {  	_ =	shalt  }
0x57: {  	_ =	shalt  }
0x58: {  	_ =	shalt  }
0x59: {  	_ =	shalt  }
0x5a: {  	_ =	shalt  }
0x5b: {  	_ =	shalt  }
0x5c: {  	_ =	shalt  }
0x5d: {  	_ =	shalt  }
0x5e: {  	_ =	shalt  }
0x5f: {  	_ =	shalt  }
0x60: {  	_ =	shalt  }
0x61: {  	_ =	shalt  }
0x62: {  	_ =	shalt  }
0x63: {  	_ =	shalt  }
0x64: {  	_ =	shalt  }
0x65: {  	_ =	shalt  }
0x66: {  	_ =	shalt  }
0x67: {  	_ =	shalt  }
0x68: {  	_ =	shalt  }
0x69: {  	_ =	shalt  }
0x6a: {  	_ =	shalt  }
0x6b: {  	_ =	shalt  }
0x6c: {  	_ =	shalt  }
0x6d: {  	_ =	shalt  }
0x6e: {  	_ =	shalt  }
0x6f: {  	_ =	shalt  }
0x70: {  	_ =	shalt  }
0x71: {  	_ =	shalt  }
0x72: {  	_ =	shalt  }
0x73: {  	_ =	shalt  }
0x74: {  	_ =	shalt  }
0x75: {  	_ =	shalt  }
0x76: {  	_ =	shalt  }
0x77: {  	_ =	shalt  }
0x78: {  	_ =	shalt  }
0x79: {  	_ =	shalt  }
0x7a: {  	_ =	shalt  }
0x7b: {  	_ =	shalt  }
0x7c: {  	_ =	shalt  }
0x7d: {  	_ =	shalt  }
0x7e: {  	_ =	shalt  }
0x7f: {  	_ =	shalt  }
0x80: {  	_ =	shalt  }
0x81: {  	_ =	shalt  }
0x82: {  	_ =	shalt  }
0x83: {  	_ =	shalt  }
0x84: {  	_ =	shalt  }
0x85: {  	_ =	shalt  }
0x86: {  	_ =	shalt  }
0x87: {  	_ =	shalt  }
.Lfunc_end0:
.L_simem_size_0:
called_computation.2_lowered:
.L_overlay_start_0:
0x88: {  	s2 =	sld [smem:$0x3FD9]  }
0x89: {  	s3 =	sld [smem:$0x3FFE];
	_ =	sdelay $0x1  }
0x8a: {  	s1 =	srdreg.scid  }
0x8b: {  	s0 =	sand.u32 $0x1, s1  }
0x8c: {  	s16 =	sshll.u32 s0, $0xA;
	s2 =	sadd.s32 s3, s2  }
0x8d: {  	s2 =	sadd.s32 s2, s16  }
0x8e: {  	[smem:$0x3FB4] =	sst s2  }
0x8f: {  	_ = 	snop  }
0x90: {  	(tm) =	ssettm $0x1  }
0x91: {  	s17 =	sld [smem:$0x3FFB];
	_ =	sdelay $0x3  }
0x92: {  	_ =	strace s17  }
0x93: {  	s2 =	sld [smem:$0x3FFC];
	_ =	sdelay $0x3  }
0x94: {  	_ =	strace s2  }
0x95: {  	s2 =	sld [smem:$0x3FFD];
	_ =	sdelay $0x3  }
0x96: {  	_ =	strace s2  }
0x97: {  	_ =	strace $0x8FFFFFFF  }
0x98: {  	s18 =	sld [smem:$0x3FDB];
	_ =	sdelay $0x1  }
0x99: {  	s19 =	simm.s32 $_scs_section_size  }
0x9a: {  	s4 =	simm.s32 $_size__tile_overlayer_lowered;
	s5 =	simm.s32 $_tile_overlayer_lowered  }
0x9b: {  	s22 =	simm.s32 $0x1BFF;
	s21 =	sshll.u32 s5, $0x1;
	s2 =	sadd.s32 s19, s18  }
0x9c: {  	s6 =	simm.s32 $0x0;
	s20 =	sshll.u32 s4, $0x1;
	s4 =	sadd.s32 s21, s2  }
0x9d: {  	[timem:s6], [sflag:s22] =	dma.local [hbm:s4], s20  }
0x9e: {  	_ =	swait.ge [sflag:s22], s20  }
0x9f: {  	s3 =	ssub.s32 $0x0, s20;
	[sflag:s22] =	ssyncset.done $0x0  }
0xa0: {  	[sflag:s22] =	ssyncadd.s32 s3;
	_ =	sdelay $0x1  }
0xa1: {  	s23 =	simm.s32 $0x1B8B  }
0xa2: {  	_ =	swait.ge [sflag:s23], $0x1  }
0xa3: {  	[sflag:s23] =	ssyncset.done $0x0  }
0xa4: {  	s25 =	simm.s32 $0x1B8E;
	s24 =	sld [smem:$0x3FFE];
	[sflag:s23] =	ssyncadd.s32 $0xFFFFFFFF  }
0xa5: {  	s26 =	simm.s32 $execute0_lowered;
	[smem:$0x3FD2] =	sst s25  }
0xa6: {  	s4 =	sshll.u32 s26, $0x1;
	_ =	strace $0x8000004C;
	[dreg:$0x1] =	wrdreg $0xFFFFFFFF  }
0xa7: {  	s28 =	simm.s32 $_size_execute0_lowered;
	s2 =	sadd.s32 s2, s4;
	[dreg:$0x0] =	wrdreg $0x0  }
0xa8: {  	s4 =	sshll.u32 s28, $0x1;
	[dreg:$0x2] =	wrdreg s2  }
0xa9: {  	[dreg:$0x3] =	wrdreg s4  }
0xaa: {  	[dreg:$0x4] =	wrdreg $0xC0  }
0xab: {  	_ =	task [dreg:s6], $0x5FFFF  }
0xac: {  	[dreg:$0x1] =	wrdreg $0xFFFFFFFF  }
0xad: {  	[dreg:$0x0] =	wrdreg $0x60  }
0xae: {  	[dreg:$0x2] =	wrdreg s24  }
0xaf: {  	[dreg:$0x3] =	wrdreg $0x9  }
0xb0: {  	_ =	task.clear_ibuf [dreg:s6], $0x4FFFF;
	_ =	strace $0x9000004C  }
0xb1: {  	s29 =	simm.s32 $0x9;
	_ =	strace $0x8000004E  }
0xb2: {  	_ =	swait.ge [sflag:s29], $0x1  }
0xb3: {  	[sflag:s29] =	ssyncadd.s32 $0xFFFFFFFF  }
0xb4: {  	_ =	strace $0x9000004E  }
0xb5: {  	_ =	sfence  }
0xb6: {  	s30 =	sld [smem:$0x0];
	_ =	sdelay $0x2  }
0xb7: {  	s31 =	sshll.u32 s1, $0xD;
	s1 =	sshrl.u32 s1, $0x2  }
0xb8: {  	s3 =	sand.u32 $0x4000, s31;
	s1 =	sadd.s32 s1, s30  }
0xb9: {  	s0 =	sor.u32 s3, s0;
	s1 =	sshll.u32 s1, $0x11  }
0xba: {  	s0 =	sor.u32 s1, s0  }
0xbb: {  	s0 =	sadd.s32 $0x8F2B, s0  }
0xbc: {  	[sflag:s0] =	ssyncadd.remote.s32 $0x1  }
0xbd: {  	_ =	sfence.sel $0xFFFF  }
0xbe: {  	[dreg:$0x0] =	wrdreg $0xFFFFFFFF;
	(pc) =	sbr.abs _section_cstart, $3  }
0xbf: {  	[dreg:$0x1] =	wrdreg $0xFFFFFFFF  }
0xc0: {  	_ =	task.clear_ibuf [dreg:s6], $0x2FFFF;
	_ =	strace $0x9FFFFFFF  }
0xc1: {  	(tm) =	ssettm $0x7FFFFFFF  }
tec
execute0_lowered:
.L_overlay_start_1:
0x0: {  	(tag) =	ssettag $0x1  }
0x1: {  	s1 =	srdreg.scid;
	s0 =	stileid.u32  }
0x2: {  	s1 =	sand.u32 $0x1, s1;
	s2 =	sshll.u32 s0, $0x1  }
0x3: {  	s4 =	rddreg [dreg:$0x0];
	s3 =	sor.u32 s1, s2;
	s2 =	simm.s32 $0x0  }
0x4: {  	s19 =	simm.s32 $0x1C00;
	[smem:$0x7FF] =	sst s2  }
0x5: {  	s20 =	simm.s32 $0x100;
	_ =	strace $0x8000004D;
	[dreg:$0x4] =	wrdreg s19  }
0x6: {  	s21 =	simm.s32 $0x2400;
	[dreg:$0x5] =	wrdreg s20  }
0x7: {  	s22 =	simm.s32 $0x180;
	[dreg:$0x6] =	wrdreg s21  }
0x8: {  	s23 =	simm.s32 $0x2C00;
	[dreg:$0x7] =	wrdreg s22  }
0x9: {  	s24 =	simm.s32 $0x200;
	[dreg:$0x8] =	wrdreg s23  }
0xa: {  	s25 =	simm.s32 $0x3400;
	[dreg:$0x9] =	wrdreg s24  }
0xb: {  	s26 =	simm.s32 $0x280;
	[dreg:$0xa] =	wrdreg s25  }
0xc: {  	s0 =	simm.s32 $0x3C00;
	[dreg:$0xb] =	wrdreg s26  }
0xd: {  	s6 =	simm.s32 $0x4400;
	[dreg:$0xc] =	wrdreg s0  }
0xe: {  	s7 =	simm.s32 $0x380;
	[dreg:$0xe] =	wrdreg s6  }
0xf: {  	s8 =	simm.s32 $0x4C00;
	[dreg:$0xf] =	wrdreg s7  }
0x10: {  	s9 =	simm.s32 $0x400;
	[dreg:$0x10] =	wrdreg s8  }
0x11: {  	s10 =	simm.s32 $0x5400;
	[dreg:$0x11] =	wrdreg s9  }
0x12: {  	s11 =	simm.s32 $0x480;
	[dreg:$0x12] =	wrdreg s10  }
0x13: {  	s12 =	simm.s32 $0x5C00;
	[dreg:$0x13] =	wrdreg s11  }
0x14: {  	s13 =	simm.s32 $0x500;
	[dreg:$0x14] =	wrdreg s12  }
0x15: {  	s14 =	simm.s32 $0x6400;
	[dreg:$0x15] =	wrdreg s13  }
0x16: {  	s15 =	simm.s32 $0x580;
	[dreg:$0x16] =	wrdreg s14  }
0x17: {  	s16 =	simm.s32 $0x6C00;
	[dreg:$0x17] =	wrdreg s15  }
0x18: {  	s17 =	simm.s32 $0x600;
	[dreg:$0x18] =	wrdreg s16  }
0x19: {  	s18 =	simm.s32 $0x7400;
	[dreg:$0x19] =	wrdreg s17  }
0x1a: {  	[dreg:$0x1a] =	wrdreg s18;
	s19 =	simm.s32 $0x680  }
0x1b: {  	s20 =	simm.s32 $0x7C00;
	[dreg:$0x1b] =	wrdreg s19  }
0x1c: {  	s21 =	simm.s32 $0x700;
	[dreg:$0x1c] =	wrdreg s20  }
0x1d: {  	s22 =	simm.s32 $0x8400;
	[dreg:$0x1d] =	wrdreg s21  }
0x1e: {  	s23 =	simm.s32 $0x780;
	[dreg:$0x1e] =	wrdreg s22  }
0x1f: {  	s24 =	simm.s32 $0x8C00;
	[dreg:$0x1f] =	wrdreg s23  }
0x20: {  	s25 =	simm.s32 $0x800;
	[smem:$0x7E4] =	sst s24  }
0x21: {  	s26 =	simm.s32 $0x9400;
	[smem:$0x7EB] =	sst s25  }
0x22: {  	s0 =	simm.s32 $0x880;
	[smem:$0x7E9] =	sst s26  }
0x23: {  	s6 =	simm.s32 $0x900;
	[smem:$0x7ED] =	sst s0  }
0x24: {  	s7 =	simm.s32 $0xA400;
	[smem:$0x7E5] =	sst s6  }
0x25: {  	s8 =	simm.s32 $0x980;
	[smem:$0x7EA] =	sst s7  }
0x26: {  	s9 =	simm.s32 $0xAC00;
	[smem:$0x7EE] =	sst s8  }
0x27: {  	s10 =	simm.s32 $0xA00;
	[smem:$0x7EC] =	sst s9  }
0x28: {  	s11 =	simm.s32 $0xB400;
	[smem:$0x7EF] =	sst s10  }
0x29: {  	s12 =	simm.s32 $0xA80;
	[smem:$0x7E8] =	sst s11  }
0x2a: {  	s13 =	simm.s32 $0xBC00;
	[smem:$0x7F1] =	sst s12  }
0x2b: {  	s14 =	simm.s32 $0xB00;
	[smem:$0x7F0] =	sst s13  }
0x2c: {  	s15 =	simm.s32 $0xC400;
	[smem:$0x7F2] =	sst s14  }
0x2d: {  	s16 =	simm.s32 $0xB80;
	[smem:$0x7E6] =	sst s15  }
0x2e: {  	s17 =	simm.s32 $0xCC00;
	[smem:$0x7F4] =	sst s16  }
0x2f: {  	s18 =	simm.s32 $0xC00;
	[smem:$0x7F3] =	sst s17  }
0x30: {  	[smem:$0x7F6] =	sst s18;
	s19 =	simm.s32 $0xD400  }
0x31: {  	s20 =	simm.s32 $0xC80;
	[smem:$0x7F8] =	sst s19  }
0x32: {  	s21 =	simm.s32 $0xDC00;
	[smem:$0x7F7] =	sst s20  }
0x33: {  	s22 =	simm.s32 $0xD00;
	[smem:$0x7F5] =	sst s21  }
0x34: {  	s23 =	simm.s32 $0xE400;
	[smem:$0x7FB] =	sst s22  }
0x35: {  	s5 =	smul.u32 $0x280, s3;
	s24 =	simm.s32 $0xD80;
	[smem:$0x7F9] =	sst s23  }
0x36: {  	s3 =	smul.u32 $0x2800, s3;
	s25 =	simm.s32 $0xEC00;
	[smem:$0x7FC] =	sst s24  }
0x37: {  	s5 =	sadd.s32 s5, s4;
	s6 =	simm.s32 $0xE00;
	[smem:$0x7FA] =	sst s25  }
0x38: {  	s3 =	sadd.s32 s3, s4;
	s5 =	sadd.s32 $0x9000, s5;
	[smem:$0x7FD] =	sst s6  }
0x39: {  	s3 =	sadd.s32 $0x63000, s3;
	[dreg:$0x2] =	wrdreg s5  }
0x3a: {  	[dreg:$0x3] =	wrdreg s3;
	s5 =	simm.s32 $0x300  }
0x3b: {  	[dreg:$0xd] =	wrdreg s5;
	s5 =	simm.s32 $0x9C00  }
0x3c: {  	[smem:$0x7E7] =	sst s5  }
0x3d: {  	s3 =	simm.s32 $0x2;
	s5 =	rddreg [dreg:$0x2]  }
0x3e: {  	[tilespmem:s2], [sflag:$0x2] =	stream.linear.gather [hbm4b:s5+s2], $0x1400, $0x38;
	[tilespmem:$0x15400] =	vst v63  }
0x3f: {  	_ =	swait.ge [sflag:s3], $0x1400  }
0x40: {  	s26 =	rddreg [dreg:$0x7]  }
0x41: {  	s8 =	rddreg [dreg:$0xa]  }
0x42: {  	s9 =	rddreg [dreg:$0xc]  }
0x43: {  	s7 =	simm.s32 $0x80;
	s10 =	rddreg [dreg:$0x5]  }
0x44: {  	s5 =	sadd.s32 $0xE000, s4;
	[sflag:s3] =	ssyncset.done $0x0;
	s11 =	rddreg [dreg:$0x4]  }
0x45: {  	s4 =	simm.s32 $0x1400;
	s12 =	rddreg [dreg:$0x6];
	[sflag:s3] =	ssyncadd.s32 $0xFFFFEC00  }
0x46: {  	[tilespmem:s4], [sflag:$0x1] =	stream.indirect.gather [hbm4b:s5+s7], $0x10, s2, s7, $0xb8;
	[tilespmem:$0x15400] =	vst v63  }
0x47: {  	s13 =	rddreg [dreg:$0x8]  }
0x48: {  	[tilespmem:s11], [sflag:$0x1] =	stream.indirect.gather [hbm4b:s5+s7], $0x10, s7, s7, $0xb8;
	[tilespmem:$0x15400] =	vst v63  }
0x49: {  	s14 =	rddreg [dreg:$0x9]  }
0x4a: {  	[tilespmem:s12], [sflag:$0x1] =	stream.indirect.gather [hbm4b:s5+s7], $0x10, s10, s7, $0xb8;
	[tilespmem:$0x15400] =	vst v63  }
0x4b: {  	s0 =	rddreg [dreg:$0xb]  }
0x4c: {  	[tilespmem:s13], [sflag:$0x1] =	stream.indirect.gather [hbm4b:s5+s7], $0x10, s26, s7, $0xb8;
	[tilespmem:$0x15400] =	vst v63  }
0x4d: {  	s15 =	rddreg [dreg:$0xe]  }
0x4e: {  	[tilespmem:s8], [sflag:$0x1] =	stream.indirect.gather [hbm4b:s5+s7], $0x10, s14, s7, $0xb8;
	[tilespmem:$0x15400] =	vst v63  }
0x4f: {  	s16 =	rddreg [dreg:$0xd]  }
0x50: {  	[tilespmem:s9], [sflag:$0x1] =	stream.indirect.gather [hbm4b:s5+s7], $0x10, s0, s7, $0xb8;
	[tilespmem:$0x15400] =	vst v63  }
0x51: {  	s17 =	rddreg [dreg:$0xf]  }
0x52: {  	[tilespmem:s15], [sflag:$0x1] =	stream.indirect.gather [hbm4b:s5+s7], $0x10, s16, s7, $0xb8;
	[tilespmem:$0x15400] =	vst v63  }
0x53: {  	s6 =	simm.s32 $0x1;
	s18 =	rddreg [dreg:$0x10]  }
0x54: {  	[tilespmem:s18], [sflag:$0x1] =	stream.indirect.gather [hbm4b:s5+s7], $0x10, s17, s7, $0xb8;
	[tilespmem:$0x15400] =	vst v63  }
0x55: {  	_ =	swait.ge [sflag:s6], $0x800  }
0x56: {  	[sflag:s6] =	ssyncset.done $0x0  }
0x57: {  	[sflag:s6] =	ssyncadd.s32 $0xFFFFF800  }
0x58: {  	_ =	swait.ge [sflag:s6], $0x800  }
0x59: {  	[sflag:s6] =	ssyncset.done $0x0  }
0x5a: {  	[sflag:s6] =	ssyncadd.s32 $0xFFFFF800  }
0x5b: {  	_ =	swait.ge [sflag:s6], $0x800  }
0x5c: {  	[sflag:s6] =	ssyncset.done $0x0  }
0x5d: {  	[sflag:s6] =	ssyncadd.s32 $0xFFFFF800  }
0x5e: {  	_ =	swait.ge [sflag:s6], $0x800  }
0x5f: {  	[sflag:s6] =	ssyncset.done $0x0  }
0x60: {  	[sflag:s6] =	ssyncadd.s32 $0xFFFFF800  }
0x61: {  	_ =	swait.ge [sflag:s6], $0x800  }
0x62: {  	[sflag:s6] =	ssyncset.done $0x0  }
0x63: {  	[sflag:s6] =	ssyncadd.s32 $0xFFFFF800  }
0x64: {  	_ =	swait.ge [sflag:s6], $0x800  }
0x65: {  	[sflag:s6] =	ssyncset.done $0x0  }
0x66: {  	[sflag:s6] =	ssyncadd.s32 $0xFFFFF800  }
0x67: {  	_ =	swait.ge [sflag:s6], $0x800  }
0x68: {  	[sflag:s6] =	ssyncset.done $0x0  }
0x69: {  	[sflag:s6] =	ssyncadd.s32 $0xFFFFF800  }
0x6a: {  	_ =	swait.ge [sflag:s6], $0x800  }
0x6b: {  	s19 =	rddreg [dreg:$0x17]  }
0x6c: {  	s20 =	rddreg [dreg:$0x1e]  }
0x6d: {  	s21 =	rddreg [dreg:$0x15]  }
0x6e: {  	s22 =	rddreg [dreg:$0x14]  }
0x6f: {  	s23 =	rddreg [dreg:$0x11]  }
0x70: {  	s24 =	rddreg [dreg:$0x13]  }
0x71: {  	s25 =	rddreg [dreg:$0x12]  }
0x72: {  	s15 =	rddreg [dreg:$0x18];
	[sflag:s6] =	ssyncset.done $0x0  }
0x73: {  	s16 =	rddreg [dreg:$0x1a];
	[sflag:s6] =	ssyncadd.s32 $0xFFFFF800  }
0x74: {  	[tilespmem:s25], [sflag:$0x1] =	stream.indirect.gather [hbm4b:s5+s7], $0x10, s23, s7, $0xb8;
	[tilespmem:$0x15400] =	vst v63  }
0x75: {  	s17 =	rddreg [dreg:$0x16]  }
0x76: {  	[tilespmem:s22], [sflag:$0x1] =	stream.indirect.gather [hbm4b:s5+s7], $0x10, s24, s7, $0xb8;
	[tilespmem:$0x15400] =	vst v63  }
0x77: {  	s26 =	rddreg [dreg:$0x1b]  }
0x78: {  	[tilespmem:s17], [sflag:$0x1] =	stream.indirect.gather [hbm4b:s5+s7], $0x10, s21, s7, $0xb8;
	[tilespmem:$0x15400] =	vst v63  }
0x79: {  	s0 =	rddreg [dreg:$0x19]  }
0x7a: {  	[tilespmem:s15], [sflag:$0x1] =	stream.indirect.gather [hbm4b:s5+s7], $0x10, s19, s7, $0xb8;
	[tilespmem:$0x15400] =	vst v63  }
0x7b: {  	s13 =	rddreg [dreg:$0x1c]  }
0x7c: {  	[tilespmem:s16], [sflag:$0x1] =	stream.indirect.gather [hbm4b:s5+s7], $0x10, s0, s7, $0xb8;
	[tilespmem:$0x15400] =	vst v63  }
0x7d: {  	s14 =	rddreg [dreg:$0x1d]  }
0x7e: {  	[tilespmem:s13], [sflag:$0x1] =	stream.indirect.gather [hbm4b:s5+s7], $0x10, s26, s7, $0xb8;
	[tilespmem:$0x15400] =	vst v63  }
0x7f: {  	s15 =	sld [smem:$0x7E4]  }
0x80: {  	[tilespmem:s20], [sflag:$0x1] =	stream.indirect.gather [hbm4b:s5+s7], $0x10, s14, s7, $0xb8;
	[tilespmem:$0x15400] =	vst v63  }
0x81: {  	s16 =	rddreg [dreg:$0x1f]  }
0x82: {  	[tilespmem:s15], [sflag:$0x1] =	stream.indirect.gather [hbm4b:s5+s7], $0x10, s16, s7, $0xb8;
	[tilespmem:$0x15400] =	vst v63  }
0x83: {  	_ =	swait.ge [sflag:s6], $0x800  }
0x84: {  	[sflag:s6] =	ssyncset.done $0x0  }
0x85: {  	[sflag:s6] =	ssyncadd.s32 $0xFFFFF800  }
0x86: {  	_ =	swait.ge [sflag:s6], $0x800  }
0x87: {  	[sflag:s6] =	ssyncset.done $0x0  }
0x88: {  	[sflag:s6] =	ssyncadd.s32 $0xFFFFF800  }
0x89: {  	_ =	swait.ge [sflag:s6], $0x800  }
0x8a: {  	[sflag:s6] =	ssyncset.done $0x0  }
0x8b: {  	[sflag:s6] =	ssyncadd.s32 $0xFFFFF800  }
0x8c: {  	_ =	swait.ge [sflag:s6], $0x800  }
0x8d: {  	[sflag:s6] =	ssyncset.done $0x0  }
0x8e: {  	[sflag:s6] =	ssyncadd.s32 $0xFFFFF800  }
0x8f: {  	_ =	swait.ge [sflag:s6], $0x800  }
0x90: {  	[sflag:s6] =	ssyncset.done $0x0  }
0x91: {  	[sflag:s6] =	ssyncadd.s32 $0xFFFFF800  }
0x92: {  	_ =	swait.ge [sflag:s6], $0x800  }
0x93: {  	[sflag:s6] =	ssyncset.done $0x0  }
0x94: {  	[sflag:s6] =	ssyncadd.s32 $0xFFFFF800  }
0x95: {  	_ =	swait.ge [sflag:s6], $0x800  }
0x96: {  	[sflag:s6] =	ssyncset.done $0x0  }
0x97: {  	[sflag:s6] =	ssyncadd.s32 $0xFFFFF800  }
0x98: {  	_ =	swait.ge [sflag:s6], $0x800  }
0x99: {  	s17 =	sld [smem:$0x7E5]  }
0x9a: {  	s9 =	sld [smem:$0x7E6]  }
0x9b: {  	s18 =	sld [smem:$0x7E7]  }
0x9c: {  	s19 =	sld [smem:$0x7E8]  }
0x9d: {  	s20 =	sld [smem:$0x7E9]  }
0x9e: {  	s21 =	sld [smem:$0x7EA]  }
0x9f: {  	s22 =	sld [smem:$0x7EB]  }
0xa0: {  	s23 =	sld [smem:$0x7EC]  }
0xa1: {  	[sflag:s6] =	ssyncset.done $0x0;
	s24 =	sld [smem:$0x7ED]  }
0xa2: {  	s25 =	sld [smem:$0x7EE];
	[sflag:s6] =	ssyncadd.s32 $0xFFFFF800  }
0xa3: {  	[tilespmem:s20], [sflag:$0x1] =	stream.indirect.gather [hbm4b:s5+s7], $0x10, s22, s7, $0xb8;
	[tilespmem:$0x15400] =	vst v63  }
0xa4: {  	s26 =	sld [smem:$0x7EF]  }
0xa5: {  	[tilespmem:s18], [sflag:$0x1] =	stream.indirect.gather [hbm4b:s5+s7], $0x10, s24, s7, $0xb8;
	[tilespmem:$0x15400] =	vst v63  }
0xa6: {  	s0 =	sld [smem:$0x7F0]  }
0xa7: {  	[tilespmem:s21], [sflag:$0x1] =	stream.indirect.gather [hbm4b:s5+s7], $0x10, s17, s7, $0xb8;
	[tilespmem:$0x15400] =	vst v63  }
0xa8: {  	s13 =	sld [smem:$0x7F1]  }
0xa9: {  	[tilespmem:s23], [sflag:$0x1] =	stream.indirect.gather [hbm4b:s5+s7], $0x10, s25, s7, $0xb8;
	[tilespmem:$0x15400] =	vst v63  }
0xaa: {  	s14 =	sld [smem:$0x7F2]  }
0xab: {  	[tilespmem:s19], [sflag:$0x1] =	stream.indirect.gather [hbm4b:s5+s7], $0x10, s26, s7, $0xb8;
	[tilespmem:$0x15400] =	vst v63  }
0xac: {  	s15 =	sld [smem:$0x7F3]  }
0xad: {  	[tilespmem:s0], [sflag:$0x1] =	stream.indirect.gather [hbm4b:s5+s7], $0x10, s13, s7, $0xb8;
	[tilespmem:$0x15400] =	vst v63  }
0xae: {  	s16 =	sld [smem:$0x7F4]  }
0xaf: {  	[tilespmem:s9], [sflag:$0x1] =	stream.indirect.gather [hbm4b:s5+s7], $0x10, s14, s7, $0xb8;
	[tilespmem:$0x15400] =	vst v63  }
0xb0: {  	_ = 	snop  }
0xb1: {  	[tilespmem:s15], [sflag:$0x1] =	stream.indirect.gather [hbm4b:s5+s7], $0x10, s16, s7, $0xb8;
	[tilespmem:$0x15400] =	vst v63  }
0xb2: {  	_ =	swait.ge [sflag:s6], $0x800  }
0xb3: {  	[sflag:s6] =	ssyncset.done $0x0  }
0xb4: {  	[sflag:s6] =	ssyncadd.s32 $0xFFFFF800  }
0xb5: {  	_ =	swait.ge [sflag:s6], $0x800  }
0xb6: {  	[sflag:s6] =	ssyncset.done $0x0  }
0xb7: {  	[sflag:s6] =	ssyncadd.s32 $0xFFFFF800  }
0xb8: {  	_ =	swait.ge [sflag:s6], $0x800  }
0xb9: {  	[sflag:s6] =	ssyncset.done $0x0  }
0xba: {  	[sflag:s6] =	ssyncadd.s32 $0xFFFFF800  }
0xbb: {  	_ =	swait.ge [sflag:s6], $0x800  }
0xbc: {  	[sflag:s6] =	ssyncset.done $0x0  }
0xbd: {  	[sflag:s6] =	ssyncadd.s32 $0xFFFFF800  }
0xbe: {  	_ =	swait.ge [sflag:s6], $0x800  }
0xbf: {  	[sflag:s6] =	ssyncset.done $0x0  }
0xc0: {  	[sflag:s6] =	ssyncadd.s32 $0xFFFFF800  }
0xc1: {  	_ =	swait.ge [sflag:s6], $0x800  }
0xc2: {  	[sflag:s6] =	ssyncset.done $0x0  }
0xc3: {  	[sflag:s6] =	ssyncadd.s32 $0xFFFFF800  }
0xc4: {  	_ =	swait.ge [sflag:s6], $0x800  }
0xc5: {  	[sflag:s6] =	ssyncset.done $0x0  }
0xc6: {  	[sflag:s6] =	ssyncadd.s32 $0xFFFFF800  }
0xc7: {  	_ =	swait.ge [sflag:s6], $0x800  }
0xc8: {  	s17 =	sld [smem:$0x7F5]  }
0xc9: {  	s18 =	sld [smem:$0x7F6]  }
0xca: {  	s19 =	sld [smem:$0x7F7]  }
0xcb: {  	s20 =	sld [smem:$0x7F8]  }
0xcc: {  	[sflag:s6] =	ssyncset.done $0x0;
	s21 =	sld [smem:$0x7F9]  }
0xcd: {  	s22 =	sld [smem:$0x7FA];
	[sflag:s6] =	ssyncadd.s32 $0xFFFFF800  }
0xce: {  	[tilespmem:s20], [sflag:$0x1] =	stream.indirect.gather [hbm4b:s5+s7], $0x10, s18, s7, $0xb8;
	[tilespmem:$0x15400] =	vst v63  }
0xcf: {  	s23 =	sld [smem:$0x7FB]  }
0xd0: {  	[tilespmem:s17], [sflag:$0x1] =	stream.indirect.gather [hbm4b:s5+s7], $0x10, s19, s7, $0xb8;
	[tilespmem:$0x15400] =	vst v63  }
0xd1: {  	s24 =	sld [smem:$0x7FC]  }
0xd2: {  	[tilespmem:s21], [sflag:$0x1] =	stream.indirect.gather [hbm4b:s5+s7], $0x10, s23, s7, $0xb8;
	[tilespmem:$0x15400] =	vst v63  }
0xd3: {  	s25 =	sld [smem:$0x7FD]  }
0xd4: {  	[tilespmem:s22], [sflag:$0x1] =	stream.indirect.gather [hbm4b:s5+s7], $0x10, s24, s7, $0xb8;
	[tilespmem:$0x15400] =	vst v63  }
0xd5: {  	s26 =	simm.s32 $0xF400  }
0xd6: {  	[tilespmem:s26], [sflag:$0x1] =	stream.indirect.gather [hbm4b:s5+s7], $0x10, s25, s7, $0xb8;
	[tilespmem:$0x15400] =	vst v63  }
0xd7: {  	s8 =	simm.s32 $0xE80;
	s9 =	simm.s32 $0xFC00  }
0xd8: {  	[tilespmem:s9], [sflag:$0x1] =	stream.indirect.gather [hbm4b:s5+s7], $0x10, s8, s7, $0xb8;
	[tilespmem:$0x15400] =	vst v63  }
0xd9: {  	s11 =	simm.s32 $0x10400;
	s10 =	simm.s32 $0xF00  }
0xda: {  	[tilespmem:s11], [sflag:$0x1] =	stream.indirect.gather [hbm4b:s5+s7], $0x10, s10, s7, $0xb8;
	[tilespmem:$0x15400] =	vst v63  }
0xdb: {  	s12 =	simm.s32 $0xF80;
	s13 =	simm.s32 $0x10C00  }
0xdc: {  	[tilespmem:s13], [sflag:$0x1] =	stream.indirect.gather [hbm4b:s5+s7], $0x10, s12, s7, $0xb8;
	[tilespmem:$0x15400] =	vst v63  }
0xdd: {  	_ =	swait.ge [sflag:s6], $0x800  }
0xde: {  	[sflag:s6] =	ssyncset.done $0x0  }
0xdf: {  	[sflag:s6] =	ssyncadd.s32 $0xFFFFF800  }
0xe0: {  	_ =	swait.ge [sflag:s6], $0x800  }
0xe1: {  	[sflag:s6] =	ssyncset.done $0x0  }
0xe2: {  	[sflag:s6] =	ssyncadd.s32 $0xFFFFF800  }
0xe3: {  	_ =	swait.ge [sflag:s6], $0x800  }
0xe4: {  	[sflag:s6] =	ssyncset.done $0x0  }
0xe5: {  	[sflag:s6] =	ssyncadd.s32 $0xFFFFF800  }
0xe6: {  	_ =	swait.ge [sflag:s6], $0x800  }
0xe7: {  	[sflag:s6] =	ssyncset.done $0x0  }
0xe8: {  	[sflag:s6] =	ssyncadd.s32 $0xFFFFF800  }
0xe9: {  	_ =	swait.ge [sflag:s6], $0x800  }
0xea: {  	[sflag:s6] =	ssyncset.done $0x0  }
0xeb: {  	[sflag:s6] =	ssyncadd.s32 $0xFFFFF800  }
0xec: {  	_ =	swait.ge [sflag:s6], $0x800  }
0xed: {  	[sflag:s6] =	ssyncset.done $0x0  }
0xee: {  	[sflag:s6] =	ssyncadd.s32 $0xFFFFF800  }
0xef: {  	_ =	swait.ge [sflag:s6], $0x800  }
0xf0: {  	[sflag:s6] =	ssyncset.done $0x0  }
0xf1: {  	[sflag:s6] =	ssyncadd.s32 $0xFFFFF800  }
0xf2: {  	_ =	swait.ge [sflag:s6], $0x800  }
0xf3: {  	[sflag:s6] =	ssyncset.done $0x0  }
0xf4: {  	s14 =	simm.s32 $0x1000;
	s15 =	simm.s32 $0x11400;
	[sflag:s6] =	ssyncadd.s32 $0xFFFFF800  }
0xf5: {  	[tilespmem:s15], [sflag:$0x1] =	stream.indirect.gather [hbm4b:s5+s7], $0x10, s14, s7, $0xb8;
	[tilespmem:$0x15400] =	vst v63  }
0xf6: {  	s18 =	simm.s32 $0x11C00;
	s17 =	simm.s32 $0x1080  }
0xf7: {  	[tilespmem:s18], [sflag:$0x1] =	stream.indirect.gather [hbm4b:s5+s7], $0x10, s17, s7, $0xb8;
	[tilespmem:$0x15400] =	vst v63  }
0xf8: {  	s20 =	simm.s32 $0x12400;
	s19 =	simm.s32 $0x1100  }
0xf9: {  	[tilespmem:s20], [sflag:$0x1] =	stream.indirect.gather [hbm4b:s5+s7], $0x10, s19, s7, $0xb8;
	[tilespmem:$0x15400] =	vst v63  }
0xfa: {  	s1 =	ssub.s32 $0x2, s1;
	s21 =	simm.s32 $0x1180;
	s22 =	simm.s32 $0x12C00  }
0xfb: {  	[tilespmem:s22], [sflag:$0x1] =	stream.indirect.gather [hbm4b:s5+s7], $0x10, s21, s7, $0xb8;
	[tilespmem:$0x15400] =	vst v63  }
0xfc: {  	s16 =	sshrl.u32 s1, $0x1;
	s23 =	simm.s32 $0x1200;
	s24 =	simm.s32 $0x13400  }
0xfd: {  	[tilespmem:s24], [sflag:$0x1] =	stream.indirect.gather [hbm4b:s5+s7], $0x10, s23, s7, $0xb8;
	[tilespmem:$0x15400] =	vst v63  }
0xfe: {  	s0 =	ssub.s32 s1, s16;
	s25 =	simm.s32 $0x1280;
	s26 =	simm.s32 $0x13C00  }
0xff: {  	[tilespmem:s26], [sflag:$0x1] =	stream.indirect.gather [hbm4b:s5+s7], $0x10, s25, s7, $0xb8;
	[tilespmem:$0x15400] =	vst v63  }
0x100: {  	s28 =	simm.s32 $0x1300;
	s29 =	simm.s32 $0x14400;
	s0 =	smax.u32 s0, $0x1  }
0x101: {  	[tilespmem:s29], [sflag:$0x1] =	stream.indirect.gather [hbm4b:s5+s7], $0x10, s28, s7, $0xb8;
	[tilespmem:$0x15400] =	vst v63  }
0x102: {  	s30 =	simm.s32 $0x1380;
	s31 =	simm.s32 $0x14C00;
	p0 =	sne.s32 s0, $0x1  }
0x103: {  	[tilespmem:s31], [sflag:$0x1] =	stream.indirect.gather [hbm4b:s5+s7], $0x10, s30, s7, $0xb8;
	[tilespmem:$0x15400] =	vst v63  }
.Ltmp0:
0x104: {  	_ = 	snop;
	(pc) =	sbr.rel @!p0 .LBB2_2-.Ltmp0, $4  }
0x105: {  	_ =	swait.ge [sflag:s6], $0x800  }
0x106: {  	[sflag:s6] =	ssyncset.done $0x0  }
0x107: {  	[sflag:s6] =	ssyncadd.s32 $0xFFFFF800  }
0x108: {  	s1 =	sadd.s32 $0xFFFFFFFF, s0;
	_ =	swait.ge [sflag:s6], $0x800  }
.LBB2_1:
0x109: {  	[sflag:s6] =	ssyncset.done $0x0  }
0x10a: {  	[sflag:s6] =	ssyncadd.s32 $0xFFFFF800  }
0x10b: {  	_ =	swait.ge [sflag:s6], $0x800  }
0x10c: {  	[sflag:s6] =	ssyncset.done $0x0  }
0x10d: {  	[sflag:s6] =	ssyncadd.s32 $0xFFFFF800  }
0x10e: {  	_ =	swait.ge [sflag:s6], $0x800  }
0x10f: {  	[sflag:s6] =	ssyncset.done $0x0  }
0x110: {  	[sflag:s6] =	ssyncadd.s32 $0xFFFFF800  }
0x111: {  	_ =	swait.ge [sflag:s6], $0x800  }
0x112: {  	[sflag:s6] =	ssyncset.done $0x0  }
0x113: {  	[sflag:s6] =	ssyncadd.s32 $0xFFFFF800  }
0x114: {  	_ =	swait.ge [sflag:s6], $0x800  }
0x115: {  	[sflag:s6] =	ssyncset.done $0x0  }
0x116: {  	[sflag:s6] =	ssyncadd.s32 $0xFFFFF800  }
0x117: {  	_ =	swait.ge [sflag:s6], $0x800  }
0x118: {  	[sflag:s6] =	ssyncset.done $0x0  }
0x119: {  	[sflag:s6] =	ssyncadd.s32 $0xFFFFF800  }
0x11a: {  	_ =	swait.ge [sflag:s6], $0x800  }
0x11b: {  	[sflag:s6] =	ssyncset.done $0x0  }
0x11c: {  	s0 =	rddreg [dreg:$0x3];
	[sflag:s6] =	ssyncadd.s32 $0xFFFFF800  }
0x11d: {  	[hbm4b:s0+s2] =	stream.linear.scatter [tilespmem:s4], [sflag:$0x2], $0x14000, $0x38;
	[tilespmem:$0x15400] =	vst v63  }
0x11e: {  	_ =	swait.ge [sflag:s3], $0x14000  }
0x11f: {  	[sflag:s3] =	ssyncset.done $0x0  }
0x120: {  	s15 =	rddreg [dreg:$0x2];
	[sflag:s3] =	ssyncadd.s32 $0xFFFEC000  }
0x121: {  	[tilespmem:s2], [sflag:$0x2] =	stream.linear.gather [hbm4b:s15+s2], $0x1400, $0x38;
	[tilespmem:$0x15400] =	vst v63  }
0x122: {  	_ =	swait.ge [sflag:s3], $0x1400  }
0x123: {  	s16 =	rddreg [dreg:$0x7]  }
0x124: {  	s8 =	rddreg [dreg:$0xa]  }
0x125: {  	s9 =	rddreg [dreg:$0xc]  }
0x126: {  	s10 =	rddreg [dreg:$0x5]  }
0x127: {  	[sflag:s3] =	ssyncset.done $0x0;
	s11 =	rddreg [dreg:$0x4]  }
0x128: {  	s12 =	rddreg [dreg:$0x6];
	[sflag:s3] =	ssyncadd.s32 $0xFFFFEC00  }
0x129: {  	[tilespmem:s4], [sflag:$0x1] =	stream.indirect.gather [hbm4b:s5+s7], $0x10, s2, s7, $0xb8;
	[tilespmem:$0x15400] =	vst v63  }
0x12a: {  	s13 =	rddreg [dreg:$0x8]  }
0x12b: {  	[tilespmem:s11], [sflag:$0x1] =	stream.indirect.gather [hbm4b:s5+s7], $0x10, s7, s7, $0xb8;
	[tilespmem:$0x15400] =	vst v63  }
0x12c: {  	s14 =	rddreg [dreg:$0x9]  }
0x12d: {  	[tilespmem:s12], [sflag:$0x1] =	stream.indirect.gather [hbm4b:s5+s7], $0x10, s10, s7, $0xb8;
	[tilespmem:$0x15400] =	vst v63  }
0x12e: {  	s15 =	rddreg [dreg:$0xd]  }
0x12f: {  	[tilespmem:s13], [sflag:$0x1] =	stream.indirect.gather [hbm4b:s5+s7], $0x10, s16, s7, $0xb8;
	[tilespmem:$0x15400] =	vst v63  }
0x130: {  	s11 =	rddreg [dreg:$0xb]  }
0x131: {  	[tilespmem:s8], [sflag:$0x1] =	stream.indirect.gather [hbm4b:s5+s7], $0x10, s14, s7, $0xb8;
	[tilespmem:$0x15400] =	vst v63  }
0x132: {  	s12 =	rddreg [dreg:$0xe]  }
0x133: {  	[tilespmem:s9], [sflag:$0x1] =	stream.indirect.gather [hbm4b:s5+s7], $0x10, s11, s7, $0xb8;
	[tilespmem:$0x15400] =	vst v63  }
0x134: {  	s16 =	rddreg [dreg:$0xf]  }
0x135: {  	[tilespmem:s12], [sflag:$0x1] =	stream.indirect.gather [hbm4b:s5+s7], $0x10, s15, s7, $0xb8;
	[tilespmem:$0x15400] =	vst v63  }
0x136: {  	s11 =	rddreg [dreg:$0x10]  }
0x137: {  	[tilespmem:s11], [sflag:$0x1] =	stream.indirect.gather [hbm4b:s5+s7], $0x10, s16, s7, $0xb8;
	[tilespmem:$0x15400] =	vst v63  }
0x138: {  	_ =	swait.ge [sflag:s6], $0x800  }
0x139: {  	[sflag:s6] =	ssyncset.done $0x0  }
0x13a: {  	[sflag:s6] =	ssyncadd.s32 $0xFFFFF800  }
0x13b: {  	_ =	swait.ge [sflag:s6], $0x800  }
0x13c: {  	[sflag:s6] =	ssyncset.done $0x0  }
0x13d: {  	[sflag:s6] =	ssyncadd.s32 $0xFFFFF800  }
0x13e: {  	_ =	swait.ge [sflag:s6], $0x800  }
0x13f: {  	[sflag:s6] =	ssyncset.done $0x0  }
0x140: {  	[sflag:s6] =	ssyncadd.s32 $0xFFFFF800  }
0x141: {  	_ =	swait.ge [sflag:s6], $0x800  }
0x142: {  	[sflag:s6] =	ssyncset.done $0x0  }
0x143: {  	[sflag:s6] =	ssyncadd.s32 $0xFFFFF800  }
0x144: {  	_ =	swait.ge [sflag:s6], $0x800  }
0x145: {  	[sflag:s6] =	ssyncset.done $0x0  }
0x146: {  	[sflag:s6] =	ssyncadd.s32 $0xFFFFF800  }
0x147: {  	_ =	swait.ge [sflag:s6], $0x800  }
0x148: {  	[sflag:s6] =	ssyncset.done $0x0  }
0x149: {  	[sflag:s6] =	ssyncadd.s32 $0xFFFFF800  }
0x14a: {  	_ =	swait.ge [sflag:s6], $0x800  }
0x14b: {  	[sflag:s6] =	ssyncset.done $0x0  }
0x14c: {  	[sflag:s6] =	ssyncadd.s32 $0xFFFFF800  }
0x14d: {  	_ =	swait.ge [sflag:s6], $0x800  }
0x14e: {  	s0 =	rddreg [dreg:$0x17]  }
0x14f: {  	s8 =	rddreg [dreg:$0x1e]  }
0x150: {  	s9 =	rddreg [dreg:$0x15]  }
0x151: {  	s10 =	rddreg [dreg:$0x14]  }
0x152: {  	s11 =	rddreg [dreg:$0x11]  }
0x153: {  	s12 =	rddreg [dreg:$0x13]  }
0x154: {  	s13 =	rddreg [dreg:$0x12]  }
0x155: {  	[sflag:s6] =	ssyncset.done $0x0;
	s14 =	rddreg [dreg:$0x18]  }
0x156: {  	s15 =	rddreg [dreg:$0x1a];
	[sflag:s6] =	ssyncadd.s32 $0xFFFFF800  }
0x157: {  	[tilespmem:s13], [sflag:$0x1] =	stream.indirect.gather [hbm4b:s5+s7], $0x10, s11, s7, $0xb8;
	[tilespmem:$0x15400] =	vst v63  }
0x158: {  	s16 =	rddreg [dreg:$0x16]  }
0x159: {  	[tilespmem:s10], [sflag:$0x1] =	stream.indirect.gather [hbm4b:s5+s7], $0x10, s12, s7, $0xb8;
	[tilespmem:$0x15400] =	vst v63  }
0x15a: {  	s11 =	rddreg [dreg:$0x1b]  }
0x15b: {  	[tilespmem:s16], [sflag:$0x1] =	stream.indirect.gather [hbm4b:s5+s7], $0x10, s9, s7, $0xb8;
	[tilespmem:$0x15400] =	vst v63  }
0x15c: {  	s13 =	rddreg [dreg:$0x1c]  }
0x15d: {  	[tilespmem:s14], [sflag:$0x1] =	stream.indirect.gather [hbm4b:s5+s7], $0x10, s0, s7, $0xb8;
	[tilespmem:$0x15400] =	vst v63  }
0x15e: {  	s12 =	rddreg [dreg:$0x19]  }
0x15f: {  	[tilespmem:s15], [sflag:$0x1] =	stream.indirect.gather [hbm4b:s5+s7], $0x10, s12, s7, $0xb8;
	[tilespmem:$0x15400] =	vst v63  }
0x160: {  	s16 =	sld [smem:$0x7E4]  }
0x161: {  	[tilespmem:s13], [sflag:$0x1] =	stream.indirect.gather [hbm4b:s5+s7], $0x10, s11, s7, $0xb8;
	[tilespmem:$0x15400] =	vst v63  }
0x162: {  	s14 =	rddreg [dreg:$0x1d]  }
0x163: {  	[tilespmem:s8], [sflag:$0x1] =	stream.indirect.gather [hbm4b:s5+s7], $0x10, s14, s7, $0xb8;
	[tilespmem:$0x15400] =	vst v63  }
0x164: {  	s12 =	rddreg [dreg:$0x1f]  }
0x165: {  	[tilespmem:s16], [sflag:$0x1] =	stream.indirect.gather [hbm4b:s5+s7], $0x10, s12, s7, $0xb8;
	[tilespmem:$0x15400] =	vst v63  }
0x166: {  	_ =	swait.ge [sflag:s6], $0x800  }
0x167: {  	[sflag:s6] =	ssyncset.done $0x0  }
0x168: {  	[sflag:s6] =	ssyncadd.s32 $0xFFFFF800  }
0x169: {  	_ =	swait.ge [sflag:s6], $0x800  }
0x16a: {  	[sflag:s6] =	ssyncset.done $0x0  }
0x16b: {  	[sflag:s6] =	ssyncadd.s32 $0xFFFFF800  }
0x16c: {  	_ =	swait.ge [sflag:s6], $0x800  }
0x16d: {  	[sflag:s6] =	ssyncset.done $0x0  }
0x16e: {  	[sflag:s6] =	ssyncadd.s32 $0xFFFFF800  }
0x16f: {  	_ =	swait.ge [sflag:s6], $0x800  }
0x170: {  	[sflag:s6] =	ssyncset.done $0x0  }
0x171: {  	[sflag:s6] =	ssyncadd.s32 $0xFFFFF800  }
0x172: {  	_ =	swait.ge [sflag:s6], $0x800  }
0x173: {  	[sflag:s6] =	ssyncset.done $0x0  }
0x174: {  	[sflag:s6] =	ssyncadd.s32 $0xFFFFF800  }
0x175: {  	_ =	swait.ge [sflag:s6], $0x800  }
0x176: {  	[sflag:s6] =	ssyncset.done $0x0  }
0x177: {  	[sflag:s6] =	ssyncadd.s32 $0xFFFFF800  }
0x178: {  	_ =	swait.ge [sflag:s6], $0x800  }
0x179: {  	[sflag:s6] =	ssyncset.done $0x0  }
0x17a: {  	[sflag:s6] =	ssyncadd.s32 $0xFFFFF800  }
0x17b: {  	_ =	swait.ge [sflag:s6], $0x800  }
0x17c: {  	s0 =	sld [smem:$0x7E5]  }
0x17d: {  	s8 =	sld [smem:$0x7E6]  }
0x17e: {  	s9 =	sld [smem:$0x7E7]  }
0x17f: {  	s10 =	sld [smem:$0x7E8]  }
0x180: {  	s11 =	sld [smem:$0x7E9]  }
0x181: {  	s12 =	sld [smem:$0x7EA]  }
0x182: {  	s13 =	sld [smem:$0x7EB]  }
0x183: {  	s14 =	sld [smem:$0x7EC]  }
0x184: {  	[sflag:s6] =	ssyncset.done $0x0;
	s15 =	sld [smem:$0x7ED]  }
0x185: {  	s16 =	sld [smem:$0x7EE];
	[sflag:s6] =	ssyncadd.s32 $0xFFFFF800  }
0x186: {  	[tilespmem:s11], [sflag:$0x1] =	stream.indirect.gather [hbm4b:s5+s7], $0x10, s13, s7, $0xb8;
	[tilespmem:$0x15400] =	vst v63  }
0x187: {  	s11 =	sld [smem:$0x7EF]  }
0x188: {  	[tilespmem:s9], [sflag:$0x1] =	stream.indirect.gather [hbm4b:s5+s7], $0x10, s15, s7, $0xb8;
	[tilespmem:$0x15400] =	vst v63  }
0x189: {  	s13 =	sld [smem:$0x7F1]  }
0x18a: {  	[tilespmem:s12], [sflag:$0x1] =	stream.indirect.gather [hbm4b:s5+s7], $0x10, s0, s7, $0xb8;
	[tilespmem:$0x15400] =	vst v63  }
0x18b: {  	s9 =	sld [smem:$0x7F0]  }
0x18c: {  	[tilespmem:s14], [sflag:$0x1] =	stream.indirect.gather [hbm4b:s5+s7], $0x10, s16, s7, $0xb8;
	[tilespmem:$0x15400] =	vst v63  }
0x18d: {  	s15 =	sld [smem:$0x7F2]  }
0x18e: {  	[tilespmem:s10], [sflag:$0x1] =	stream.indirect.gather [hbm4b:s5+s7], $0x10, s11, s7, $0xb8;
	[tilespmem:$0x15400] =	vst v63  }
0x18f: {  	s16 =	sld [smem:$0x7F3]  }
0x190: {  	[tilespmem:s9], [sflag:$0x1] =	stream.indirect.gather [hbm4b:s5+s7], $0x10, s13, s7, $0xb8;
	[tilespmem:$0x15400] =	vst v63  }
0x191: {  	s9 =	sld [smem:$0x7F4]  }
0x192: {  	[tilespmem:s8], [sflag:$0x1] =	stream.indirect.gather [hbm4b:s5+s7], $0x10, s15, s7, $0xb8;
	[tilespmem:$0x15400] =	vst v63  }
0x193: {  	_ = 	snop  }
0x194: {  	[tilespmem:s16], [sflag:$0x1] =	stream.indirect.gather [hbm4b:s5+s7], $0x10, s9, s7, $0xb8;
	[tilespmem:$0x15400] =	vst v63  }
0x195: {  	_ =	swait.ge [sflag:s6], $0x800  }
0x196: {  	[sflag:s6] =	ssyncset.done $0x0  }
0x197: {  	[sflag:s6] =	ssyncadd.s32 $0xFFFFF800  }
0x198: {  	_ =	swait.ge [sflag:s6], $0x800  }
0x199: {  	[sflag:s6] =	ssyncset.done $0x0  }
0x19a: {  	[sflag:s6] =	ssyncadd.s32 $0xFFFFF800  }
0x19b: {  	_ =	swait.ge [sflag:s6], $0x800  }
0x19c: {  	[sflag:s6] =	ssyncset.done $0x0  }
0x19d: {  	[sflag:s6] =	ssyncadd.s32 $0xFFFFF800  }
0x19e: {  	_ =	swait.ge [sflag:s6], $0x800  }
0x19f: {  	[sflag:s6] =	ssyncset.done $0x0  }
0x1a0: {  	[sflag:s6] =	ssyncadd.s32 $0xFFFFF800  }
0x1a1: {  	_ =	swait.ge [sflag:s6], $0x800  }
0x1a2: {  	[sflag:s6] =	ssyncset.done $0x0  }
0x1a3: {  	[sflag:s6] =	ssyncadd.s32 $0xFFFFF800  }
0x1a4: {  	_ =	swait.ge [sflag:s6], $0x800  }
0x1a5: {  	[sflag:s6] =	ssyncset.done $0x0  }
0x1a6: {  	[sflag:s6] =	ssyncadd.s32 $0xFFFFF800  }
0x1a7: {  	_ =	swait.ge [sflag:s6], $0x800  }
0x1a8: {  	[sflag:s6] =	ssyncset.done $0x0  }
0x1a9: {  	[sflag:s6] =	ssyncadd.s32 $0xFFFFF800  }
0x1aa: {  	_ =	swait.ge [sflag:s6], $0x800  }
0x1ab: {  	s10 =	sld [smem:$0x7F5]  }
0x1ac: {  	s14 =	sld [smem:$0x7F6]  }
0x1ad: {  	s15 =	sld [smem:$0x7F7]  }
0x1ae: {  	s12 =	sld [smem:$0x7F8]  }
0x1af: {  	[sflag:s6] =	ssyncset.done $0x0;
	s13 =	sld [smem:$0x7F9]  }
0x1b0: {  	s16 =	sld [smem:$0x7FA];
	[sflag:s6] =	ssyncadd.s32 $0xFFFFF800  }
0x1b1: {  	[tilespmem:s12], [sflag:$0x1] =	stream.indirect.gather [hbm4b:s5+s7], $0x10, s14, s7, $0xb8;
	[tilespmem:$0x15400] =	vst v63  }
0x1b2: {  	s14 =	sld [smem:$0x7FB]  }
0x1b3: {  	[tilespmem:s10], [sflag:$0x1] =	stream.indirect.gather [hbm4b:s5+s7], $0x10, s15, s7, $0xb8;
	[tilespmem:$0x15400] =	vst v63  }
0x1b4: {  	s15 =	sld [smem:$0x7FC]  }
0x1b5: {  	[tilespmem:s13], [sflag:$0x1] =	stream.indirect.gather [hbm4b:s5+s7], $0x10, s14, s7, $0xb8;
	[tilespmem:$0x15400] =	vst v63  }
0x1b6: {  	s0 =	sld [smem:$0x7FD]  }
0x1b7: {  	[tilespmem:s16], [sflag:$0x1] =	stream.indirect.gather [hbm4b:s5+s7], $0x10, s15, s7, $0xb8;
	[tilespmem:$0x15400] =	vst v63  }
0x1b8: {  	s16 =	simm.s32 $0xF400  }
0x1b9: {  	[tilespmem:s16], [sflag:$0x1] =	stream.indirect.gather [hbm4b:s5+s7], $0x10, s0, s7, $0xb8;
	[tilespmem:$0x15400] =	vst v63  }
0x1ba: {  	s9 =	simm.s32 $0xE80;
	s10 =	simm.s32 $0xFC00  }
0x1bb: {  	[tilespmem:s10], [sflag:$0x1] =	stream.indirect.gather [hbm4b:s5+s7], $0x10, s9, s7, $0xb8;
	[tilespmem:$0x15400] =	vst v63  }
0x1bc: {  	s11 =	simm.s32 $0xF00;
	s12 =	simm.s32 $0x10400  }
0x1bd: {  	[tilespmem:s12], [sflag:$0x1] =	stream.indirect.gather [hbm4b:s5+s7], $0x10, s11, s7, $0xb8;
	[tilespmem:$0x15400] =	vst v63  }
0x1be: {  	s13 =	simm.s32 $0xF80;
	s14 =	simm.s32 $0x10C00  }
0x1bf: {  	[tilespmem:s14], [sflag:$0x1] =	stream.indirect.gather [hbm4b:s5+s7], $0x10, s13, s7, $0xb8;
	[tilespmem:$0x15400] =	vst v63  }
0x1c0: {  	_ =	swait.ge [sflag:s6], $0x800  }
0x1c1: {  	[sflag:s6] =	ssyncset.done $0x0  }
0x1c2: {  	[sflag:s6] =	ssyncadd.s32 $0xFFFFF800  }
0x1c3: {  	_ =	swait.ge [sflag:s6], $0x800  }
0x1c4: {  	[sflag:s6] =	ssyncset.done $0x0  }
0x1c5: {  	[sflag:s6] =	ssyncadd.s32 $0xFFFFF800  }
0x1c6: {  	_ =	swait.ge [sflag:s6], $0x800  }
0x1c7: {  	[sflag:s6] =	ssyncset.done $0x0  }
0x1c8: {  	[sflag:s6] =	ssyncadd.s32 $0xFFFFF800  }
0x1c9: {  	_ =	swait.ge [sflag:s6], $0x800  }
0x1ca: {  	[sflag:s6] =	ssyncset.done $0x0  }
0x1cb: {  	[sflag:s6] =	ssyncadd.s32 $0xFFFFF800  }
0x1cc: {  	_ =	swait.ge [sflag:s6], $0x800  }
0x1cd: {  	[sflag:s6] =	ssyncset.done $0x0  }
0x1ce: {  	[sflag:s6] =	ssyncadd.s32 $0xFFFFF800  }
0x1cf: {  	_ =	swait.ge [sflag:s6], $0x800  }
0x1d0: {  	[sflag:s6] =	ssyncset.done $0x0  }
0x1d1: {  	[sflag:s6] =	ssyncadd.s32 $0xFFFFF800  }
0x1d2: {  	_ =	swait.ge [sflag:s6], $0x800  }
0x1d3: {  	[sflag:s6] =	ssyncset.done $0x0  }
0x1d4: {  	[sflag:s6] =	ssyncadd.s32 $0xFFFFF800  }
0x1d5: {  	_ =	swait.ge [sflag:s6], $0x800  }
0x1d6: {  	[sflag:s6] =	ssyncset.done $0x0  }
0x1d7: {  	s15 =	simm.s32 $0x1000;
	s16 =	simm.s32 $0x11400;
	[sflag:s6] =	ssyncadd.s32 $0xFFFFF800  }
0x1d8: {  	[tilespmem:s16], [sflag:$0x1] =	stream.indirect.gather [hbm4b:s5+s7], $0x10, s15, s7, $0xb8;
	[tilespmem:$0x15400] =	vst v63  }
0x1d9: {  	_ = 	snop  }
0x1da: {  	[tilespmem:s18], [sflag:$0x1] =	stream.indirect.gather [hbm4b:s5+s7], $0x10, s17, s7, $0xb8;
	[tilespmem:$0x15400] =	vst v63  }
0x1db: {  	_ = 	snop  }
0x1dc: {  	[tilespmem:s20], [sflag:$0x1] =	stream.indirect.gather [hbm4b:s5+s7], $0x10, s19, s7, $0xb8;
	[tilespmem:$0x15400] =	vst v63  }
0x1dd: {  	_ = 	snop  }
0x1de: {  	[tilespmem:s22], [sflag:$0x1] =	stream.indirect.gather [hbm4b:s5+s7], $0x10, s21, s7, $0xb8;
	[tilespmem:$0x15400] =	vst v63  }
0x1df: {  	_ = 	snop  }
0x1e0: {  	[tilespmem:s24], [sflag:$0x1] =	stream.indirect.gather [hbm4b:s5+s7], $0x10, s23, s7, $0xb8;
	[tilespmem:$0x15400] =	vst v63  }
0x1e1: {  	_ = 	snop  }
0x1e2: {  	[tilespmem:s26], [sflag:$0x1] =	stream.indirect.gather [hbm4b:s5+s7], $0x10, s25, s7, $0xb8;
	[tilespmem:$0x15400] =	vst v63  }
0x1e3: {  	_ = 	snop  }
0x1e4: {  	[tilespmem:s29], [sflag:$0x1] =	stream.indirect.gather [hbm4b:s5+s7], $0x10, s28, s7, $0xb8;
	[tilespmem:$0x15400] =	vst v63  }
0x1e5: {  	p0 =	sne.s32 s1, $0x1  }
0x1e6: {  	[tilespmem:s31], [sflag:$0x1] =	stream.indirect.gather [hbm4b:s5+s7], $0x10, s30, s7, $0xb8;
	[tilespmem:$0x15400] =	vst v63  }
.Ltmp1:
0x1e7: {  	_ = 	snop;
	(pc) =	sbr.rel @p0 .LBB2_1-.Ltmp1, $4  }
0x1e8: {  	_ =	swait.ge [sflag:s6], $0x800  }
0x1e9: {  	[sflag:s6] =	ssyncset.done $0x0  }
0x1ea: {  	[sflag:s6] =	ssyncadd.s32 $0xFFFFF800  }
0x1eb: {  	s1 =	sadd.s32 $0xFFFFFFFF, s1;
	_ =	swait.ge [sflag:s6], $0x800  }
.LBB2_2:
0x1ec: {  	[sflag:s6] =	ssyncset.done $0x0  }
0x1ed: {  	[sflag:s6] =	ssyncadd.s32 $0xFFFFF800  }
0x1ee: {  	_ =	swait.ge [sflag:s6], $0x800  }
0x1ef: {  	[sflag:s6] =	ssyncset.done $0x0  }
0x1f0: {  	[sflag:s6] =	ssyncadd.s32 $0xFFFFF800  }
0x1f1: {  	_ =	swait.ge [sflag:s6], $0x800  }
0x1f2: {  	[sflag:s6] =	ssyncset.done $0x0  }
0x1f3: {  	[sflag:s6] =	ssyncadd.s32 $0xFFFFF800  }
0x1f4: {  	_ =	swait.ge [sflag:s6], $0x800  }
0x1f5: {  	[sflag:s6] =	ssyncset.done $0x0  }
0x1f6: {  	[sflag:s6] =	ssyncadd.s32 $0xFFFFF800  }
0x1f7: {  	_ =	swait.ge [sflag:s6], $0x800  }
0x1f8: {  	[sflag:s6] =	ssyncset.done $0x0  }
0x1f9: {  	[sflag:s6] =	ssyncadd.s32 $0xFFFFF800  }
0x1fa: {  	_ =	swait.ge [sflag:s6], $0x800  }
0x1fb: {  	[sflag:s6] =	ssyncset.done $0x0  }
0x1fc: {  	[sflag:s6] =	ssyncadd.s32 $0xFFFFF800  }
0x1fd: {  	_ =	swait.ge [sflag:s6], $0x800  }
0x1fe: {  	[sflag:s6] =	ssyncset.done $0x0  }
0x1ff: {  	s0 =	rddreg [dreg:$0x3];
	[sflag:s6] =	ssyncadd.s32 $0xFFFFF800  }
0x200: {  	[hbm4b:s0+s2] =	stream.linear.scatter [tilespmem:s4], [sflag:$0x2], $0x14000, $0x38;
	[tilespmem:$0x15400] =	vst v63  }
0x201: {  	_ =	swait.ge [sflag:s3], $0x14000  }
0x202: {  	[sflag:s3] =	ssyncset.done $0x0  }
0x203: {  	[sflag:s3] =	ssyncadd.s32 $0xFFFEC000  }
0x204: {  	_ =	sfence.sel $0x180000  }
0x205: {  	[bflag:$0x0] =	sbarrier.arrive $0xFFFF  }
0x206: {  	_ =	strace $0x9000004D  }
0x207: {  	s31 =	stileid.u32;
	[bflag:$0x2] =	sbarrier.arrive $0xFFFF  }
0x208: {  	p0 =	sne.s32 s31, $0x0;
	s0 =	rddreg [dreg:$0x1]  }
0x209: {  	s0 =	sadd.s32 @!p0 $0x100000, s0  }
0x20a: {  	[sflag:s0] =	ssyncadd.tile.s32 @!p0 $0x1;
	_ =	shalt  }
.Lfunc_end2:
_tile_overlayer_lowered:
.L_overlay_start_2:
0x20b: {  	(tag) =	ssettag $0x2  }
0x20c: {  	s0 =	rddreg [dreg:$0x0];
	s2 =	stileid.u32  }
0x20d: {  	s1 =	rddreg [dreg:$0x1];
	p0 =	sne.s32 s2, $0x0  }
0x20e: {  	s3 =	rddreg [dreg:$0x2];
	[bflag:$0x3] =	sbarrier.arrive $0xFFFF;
	s2 =	simm.s32 @!p0 $0x1C02  }
0x20f: {  	[timem:s3], [sflag:s2] =	dma.local @!p0 [hbm:s0], s1  }
0x210: {  	s0 =	simm.s32 @!p0 $0x2  }
0x211: {  	_ =	swait.ge @!p0 [sflag:s0], s1  }
0x212: {  	s1 =	ssub.s32 @!p0 $0x0, s1;
	[sflag:s0] =	ssyncset.done @!p0 $0x0  }
0x213: {  	[sflag:s0] =	ssyncadd.s32 @!p0 s1  }
0x214: {  	[bflag:$0x3] =	sbarrier.arrive $0xFFFF  }
0x215: {  	_ =	shalt  }

// kernel: kernel.19.cloned.1.call-start
scs
__scs_entry_jumppad:
0x0: {  	(pc) =	sbr.rel $0x88, $3  }
0x1: {  	(tag) =	ssettag $0x0;
	lr =	simm.s32 $0x1  }
0x2: {  	[smem:$0x3F8D] =	sst lr;
	_ =	strace $0xD0000000  }
0x3: {  	_ = 	snop  }
0x4: {  	_ = 	snop  }
0x5: {  	_ = 	snop  }
0x6: {  	_ = 	snop  }
0x7: {  	_ = 	snop  }
__scs_overlays_trampoline_lowered:
0x8: {  	[smem:$0x3F9C] =	sst s0  }
0x9: {  	[smem:$0x3F9D] =	sst s1  }
0xa: {  	[smem:$0x3F9E] =	sst s2  }
0xb: {  	[smem:$0x3F9F] =	sst s3  }
0xc: {  	[smem:$0x3FA0] =	sst s4  }
0xd: {  	[smem:$0x3FA1] =	sst s5  }
0xe: {  	[smem:$0x3FA2] =	sst s6  }
0xf: {  	[smem:$0x3FA3] =	sst s7  }
0x10: {  	[smem:$0x3FA4] =	sst s8  }
0x11: {  	[smem:$0x3FA5] =	sst s9;
	s0 =	simm.s32 @!p0 $0x0  }
0x12: {  	s1 =	sld [smem:$0x3F8B];
	s0 =	simm.s32 @p0 $0x1  }
0x13: {  	[smem:$0x3FA6] =	sst s0;
	s0 =	simm.s32 @!p1 $0x0  }
0x14: {  	s2 =	sld [smem:$0x3F8A];
	s0 =	simm.s32 @p1 $0x1  }
0x15: {  	[smem:$0x3FA7] =	sst s0;
	s0 =	simm.s32 @!p2 $0x0  }
0x16: {  	s3 =	sld [smem:$0x3FDB];
	s0 =	simm.s32 @p2 $0x1  }
0x17: {  	s4 =	simm.s32 $0x1BF5;
	[smem:$0x3FA9] =	sst s0  }
0x18: {  	s0 =	sld [smem:$0x3F8C];
	_ =	swait.ge [sflag:s4], $0x0  }
0x19: {  	s7 =	sld [smem:$0x3F8D]  }
0x1a: {  	s8 =	sadd.s32 $0xFFFFE003, lr  }
0x1b: {  	s9 =	sadd.s32 $0xFFFFFEF7, lr;
	s5 =	simm.s32 $0xFFFFFFFF;
	p2 =	slt.u32 s8, $0xFFFFF086  }
0x1c: {  	p1 =	slt.u32 s9, $0xF7A;
	s5 =	simm.s32 @!p2 $0x0  }
0x1d: {  	s5 =	simm.s32 @p1 $0x1;
	p0 =	seq.s32 s7, s2  }
0x1e: {  	s7 =	smul.u32 @!p0 $0xF7A, s2;
	p2 =	seq.s32 @!p0 s5, $0x0  }
0x1f: {  	s9 =	smul.u32 $0xF7A, s1;
	s8 =	simm.s32 @!p0 $0x1BF5;
	p2 =	por !p2, p0  }
0x20: {  	[sflag:s8] =	ssyncset.s32 @!p0 $0xFFFFF086;
	s6 =	sadd.s32 @!p0 s3, s7;
	s7 =	simm.s32 @!p0 $0x108  }
0x21: {  	s3 =	sadd.s32 s3, s9;
	s6 =	sadd.s32 @!p0 $0x88, s6;
	s7 =	simm.s32 @p2 $0x1082  }
0x22: {  	[simem:s7], [sflag:s8] =	dma.local @!p0 [hbm:s6], $0xF7A  }
0x23: {  	s9 =	sor.u32 $0xD0000000, s2;
	s6 =	simm.s32 $0x108;
	_ =	swait.ge @!p0 [sflag:s8], $0x0  }
0x24: {  	s3 =	sadd.s32 $0x88, s3;
	s6 =	simm.s32 @!p1 $0x1082;
	[sflag:s4] =	ssyncset.s32 $0xFFFFF086  }
0x25: {  	[simem:s6], [sflag:s4] =	dma.local [hbm:s3], $0xF7A  }
0x26: {  	[smem:$0x3F8D] =	sst s1;
	(tag) =	ssettag s2;
	_ =	strace s9  }
0x27: {  	s1 =	sld [smem:$0x3F9D]  }
0x28: {  	s2 =	sld [smem:$0x3F9E]  }
0x29: {  	s4 =	sld [smem:$0x3FA0]  }
0x2a: {  	p0 =	seq.s32 s5, $0x0;
	s5 =	sld [smem:$0x3FA1]  }
0x2b: {  	s6 =	sld [smem:$0x3FA2]  }
0x2c: {  	s7 =	sld [smem:$0x3FA3]  }
0x2d: {  	s3 =	simm.s32 $0x108;
	s8 =	sld [smem:$0x3FA4]  }
0x2e: {  	s3 =	simm.s32 @!p0 $0x1082;
	s9 =	sld [smem:$0x3FA5]  }
0x2f: {  	lr =	sadd.s32 s0, s3;
	s0 =	sld [smem:$0x3F9C]  }
0x30: {  	s3 =	sld [smem:$0x3F9F]  }
0x31: {  	[smem:$0x3FA8] =	sst s10  }
0x32: {  	s10 =	sld [smem:$0x3FA6];
	_ =	sdelay $0x3  }
0x33: {  	p0 =	seq.s32 s10, $0x1;
	s10 =	sld [smem:$0x3FA8];
	_ =	sdelay $0x3  }
0x34: {  	[smem:$0x3FA8] =	sst s10  }
0x35: {  	s10 =	sld [smem:$0x3FA7];
	_ =	sdelay $0x3  }
0x36: {  	p1 =	seq.s32 s10, $0x1;
	s10 =	sld [smem:$0x3FA8];
	_ =	sdelay $0x3  }
0x37: {  	[smem:$0x3FA8] =	sst s10  }
0x38: {  	s10 =	sld [smem:$0x3FA9]  }
0x39: {  	_ = 	snop;
	(pc) =	sbr.ind lr, $3  }
0x3a: {  	_ = 	snop  }
0x3b: {  	_ = 	snop  }
0x3c: {  	p2 =	seq.s32 s10, $0x1;
	s10 =	sld [smem:$0x3FA8]  }
0x3d: {  	_ =	shalt  }
0x3e: {  	_ =	shalt  }
0x3f: {  	_ =	shalt  }
0x40: {  	_ =	shalt  }
0x41: {  	_ =	shalt  }
0x42: {  	_ =	shalt  }
0x43: {  	_ =	shalt  }
0x44: {  	_ =	shalt  }
0x45: {  	_ =	shalt  }
0x46: {  	_ =	shalt  }
0x47: {  	_ =	shalt  }
0x48: {  	_ =	shalt  }
0x49: {  	_ =	shalt  }
0x4a: {  	_ =	shalt  }
0x4b: {  	_ =	shalt  }
0x4c: {  	_ =	shalt  }
0x4d: {  	_ =	shalt  }
0x4e: {  	_ =	shalt  }
0x4f: {  	_ =	shalt  }
0x50: {  	_ =	shalt  }
0x51: {  	_ =	shalt  }
0x52: {  	_ =	shalt  }
0x53: {  	_ =	shalt  }
0x54: {  	_ =	shalt  }
0x55: {  	_ =	shalt  }
0x56: {  	_ =	shalt  }
0x57: {  	_ =	shalt  }
0x58: {  	_ =	shalt  }
0x59: {  	_ =	shalt  }
0x5a: {  	_ =	shalt  }
0x5b: {  	_ =	shalt  }
0x5c: {  	_ =	shalt  }
0x5d: {  	_ =	shalt  }
0x5e: {  	_ =	shalt  }
0x5f: {  	_ =	shalt  }
0x60: {  	_ =	shalt  }
0x61: {  	_ =	shalt  }
0x62: {  	_ =	shalt  }
0x63: {  	_ =	shalt  }
0x64: {  	_ =	shalt  }
0x65: {  	_ =	shalt  }
0x66: {  	_ =	shalt  }
0x67: {  	_ =	shalt  }
0x68: {  	_ =	shalt  }
0x69: {  	_ =	shalt  }
0x6a: {  	_ =	shalt  }
0x6b: {  	_ =	shalt  }
0x6c: {  	_ =	shalt  }
0x6d: {  	_ =	shalt  }
0x6e: {  	_ =	shalt  }
0x6f: {  	_ =	shalt  }
0x70: {  	_ =	shalt  }
0x71: {  	_ =	shalt  }
0x72: {  	_ =	shalt  }
0x73: {  	_ =	shalt  }
0x74: {  	_ =	shalt  }
0x75: {  	_ =	shalt  }
0x76: {  	_ =	shalt  }
0x77: {  	_ =	shalt  }
0x78: {  	_ =	shalt  }
0x79: {  	_ =	shalt  }
0x7a: {  	_ =	shalt  }
0x7b: {  	_ =	shalt  }
0x7c: {  	_ =	shalt  }
0x7d: {  	_ =	shalt  }
0x7e: {  	_ =	shalt  }
0x7f: {  	_ =	shalt  }
0x80: {  	_ =	shalt  }
0x81: {  	_ =	shalt  }
0x82: {  	_ =	shalt  }
0x83: {  	_ =	shalt  }
0x84: {  	_ =	shalt  }
0x85: {  	_ =	shalt  }
0x86: {  	_ =	shalt  }
0x87: {  	_ =	shalt  }
.Lfunc_end0:
.L_simem_size_0:
called_computation.3_lowered:
.L_overlay_start_0:
0x88: {  	s2 =	sld [smem:$0x3FD9]  }
0x89: {  	s3 =	sld [smem:$0x3FFE];
	_ =	sdelay $0x1  }
0x8a: {  	s1 =	srdreg.scid  }
0x8b: {  	s0 =	sand.u32 $0x1, s1  }
0x8c: {  	s16 =	sshll.u32 s0, $0xA;
	s2 =	sadd.s32 s3, s2  }
0x8d: {  	s2 =	sadd.s32 s2, s16  }
0x8e: {  	[smem:$0x3FB4] =	sst s2  }
0x8f: {  	_ = 	snop  }
0x90: {  	(tm) =	ssettm $0x1  }
0x91: {  	s17 =	sld [smem:$0x3FFB];
	_ =	sdelay $0x3  }
0x92: {  	_ =	strace s17  }
0x93: {  	s2 =	sld [smem:$0x3FFC];
	_ =	sdelay $0x3  }
0x94: {  	_ =	strace s2  }
0x95: {  	s2 =	sld [smem:$0x3FFD];
	_ =	sdelay $0x3  }
0x96: {  	_ =	strace s2  }
0x97: {  	_ =	strace $0x8FFFFFFF  }
0x98: {  	s18 =	sld [smem:$0x3FDB];
	_ =	sdelay $0x1  }
0x99: {  	s19 =	simm.s32 $_scs_section_size  }
0x9a: {  	s4 =	simm.s32 $_size__tile_overlayer_lowered;
	s5 =	simm.s32 $_tile_overlayer_lowered  }
0x9b: {  	s22 =	simm.s32 $0x1BFF;
	s21 =	sshll.u32 s5, $0x1;
	s2 =	sadd.s32 s19, s18  }
0x9c: {  	s6 =	simm.s32 $0x0;
	s20 =	sshll.u32 s4, $0x1;
	s4 =	sadd.s32 s21, s2  }
0x9d: {  	[timem:s6], [sflag:s22] =	dma.local [hbm:s4], s20  }
0x9e: {  	_ =	swait.ge [sflag:s22], s20  }
0x9f: {  	s3 =	ssub.s32 $0x0, s20;
	[sflag:s22] =	ssyncset.done $0x0  }
0xa0: {  	[sflag:s22] =	ssyncadd.s32 s3;
	_ =	sdelay $0x1  }
0xa1: {  	s23 =	simm.s32 $0x1B8B  }
0xa2: {  	_ =	swait.ge [sflag:s23], $0x1  }
0xa3: {  	[sflag:s23] =	ssyncset.done $0x0  }
0xa4: {  	s25 =	simm.s32 $0x1B8E;
	s24 =	sld [smem:$0x3FFE];
	[sflag:s23] =	ssyncadd.s32 $0xFFFFFFFF  }
0xa5: {  	s26 =	simm.s32 $execute0_lowered;
	[smem:$0x3FD2] =	sst s25  }
0xa6: {  	s4 =	sshll.u32 s26, $0x1;
	_ =	strace $0x8000004F;
	[dreg:$0x1] =	wrdreg $0xFFFFFFFF  }
0xa7: {  	s28 =	simm.s32 $_size_execute0_lowered;
	s2 =	sadd.s32 s2, s4;
	[dreg:$0x0] =	wrdreg $0x0  }
0xa8: {  	s4 =	sshll.u32 s28, $0x1;
	[dreg:$0x2] =	wrdreg s2  }
0xa9: {  	[dreg:$0x3] =	wrdreg s4  }
0xaa: {  	[dreg:$0x4] =	wrdreg $0xC0  }
0xab: {  	_ =	task [dreg:s6], $0x5FFFF  }
0xac: {  	[dreg:$0x1] =	wrdreg $0xFFFFFFFF  }
0xad: {  	[dreg:$0x0] =	wrdreg $0x60  }
0xae: {  	[dreg:$0x2] =	wrdreg s24  }
0xaf: {  	[dreg:$0x3] =	wrdreg $0x154000  }
0xb0: {  	[dreg:$0x4] =	wrdreg $0x9  }
0xb1: {  	_ =	task.clear_ibuf [dreg:s6], $0x5FFFF;
	_ =	strace $0x9000004F  }
0xb2: {  	s29 =	simm.s32 $0x9;
	_ =	strace $0x80000051  }
0xb3: {  	_ =	swait.ge [sflag:s29], $0x1  }
0xb4: {  	[sflag:s29] =	ssyncadd.s32 $0xFFFFFFFF  }
0xb5: {  	_ =	strace $0x90000051  }
0xb6: {  	_ =	sfence  }
0xb7: {  	s30 =	sld [smem:$0x0];
	_ =	sdelay $0x2  }
0xb8: {  	s31 =	sshll.u32 s1, $0xD;
	s1 =	sshrl.u32 s1, $0x2  }
0xb9: {  	s3 =	sand.u32 $0x4000, s31;
	s1 =	sadd.s32 s1, s30  }
0xba: {  	s0 =	sor.u32 s3, s0;
	s1 =	sshll.u32 s1, $0x11  }
0xbb: {  	s0 =	sor.u32 s1, s0  }
0xbc: {  	s0 =	sadd.s32 $0x8F2B, s0  }
0xbd: {  	[sflag:s0] =	ssyncadd.remote.s32 $0x1  }
0xbe: {  	_ =	sfence.sel $0xFFFF  }
0xbf: {  	[dreg:$0x0] =	wrdreg $0xFFFFFFFF;
	(pc) =	sbr.abs _section_cstart, $3  }
0xc0: {  	[dreg:$0x1] =	wrdreg $0xFFFFFFFF  }
0xc1: {  	_ =	task.clear_ibuf [dreg:s6], $0x2FFFF;
	_ =	strace $0x9FFFFFFF  }
0xc2: {  	(tm) =	ssettm $0x7FFFFFFF  }
0xc3: {  	_ =	shalt  }
tec
execute0_lowered:
.L_overlay_start_1:
0x0: {  	(tag) =	ssettag $0x1  }
0x1: {  	s15 =	rddreg [dreg:$0x0]  }
0x2: {  	s2 =	rddreg [dreg:$0x1];
	s3 =	simm.s32 $0x0  }
0x3: {  	s18 =	simm.s32 $0x14080;
	[smem:$0x7FF] =	sst s3  }
0x4: {  	s20 =	simm.s32 $0x800;
	_ =	strace $0x80000050;
	[dreg:$0x6] =	wrdreg s18  }
0x5: {  	s21 =	simm.s32 $0x14100;
	[dreg:$0x7] =	wrdreg s20  }
0x6: {  	s22 =	simm.s32 $0x1000;
	[dreg:$0x8] =	wrdreg s21  }
0x7: {  	s23 =	simm.s32 $0x14180;
	[dreg:$0x9] =	wrdreg s22  }
0x8: {  	s24 =	simm.s32 $0x1800;
	[dreg:$0xa] =	wrdreg s23  }
0x9: {  	s25 =	simm.s32 $0x14200;
	[dreg:$0xb] =	wrdreg s24  }
0xa: {  	s26 =	simm.s32 $0x2000;
	[dreg:$0xc] =	wrdreg s25  }
0xb: {  	s8 =	simm.s32 $0x14300;
	[dreg:$0xd] =	wrdreg s26  }
0xc: {  	s9 =	simm.s32 $0x3000;
	[dreg:$0x10] =	wrdreg s8  }
0xd: {  	s10 =	simm.s32 $0x14380;
	[dreg:$0x11] =	wrdreg s9  }
0xe: {  	s11 =	simm.s32 $0x3800;
	[dreg:$0x12] =	wrdreg s10  }
0xf: {  	s1 =	srdreg.scid;
	s12 =	simm.s32 $0x14400;
	[dreg:$0x13] =	wrdreg s11  }
0x10: {  	s0 =	stileid.u32;
	s13 =	simm.s32 $0x4000;
	[dreg:$0x14] =	wrdreg s12  }
0x11: {  	s14 =	simm.s32 $0x14480;
	s16 =	simm.s32 $0x4800;
	[dreg:$0x15] =	wrdreg s13  }
0x12: {  	s19 =	sand.u32 $0x1, s1;
	s17 =	sshll.u32 s0, $0x1;
	[dreg:$0x16] =	wrdreg s14  }
0x13: {  	s5 =	sor.u32 s19, s17;
	[dreg:$0x17] =	wrdreg s16;
	s17 =	simm.s32 $0x14500  }
0x14: {  	s18 =	simm.s32 $0x5000;
	[dreg:$0x18] =	wrdreg s17  }
0x15: {  	s20 =	simm.s32 $0x14580;
	[dreg:$0x19] =	wrdreg s18  }
0x16: {  	s21 =	simm.s32 $0x5800;
	[dreg:$0x1a] =	wrdreg s20  }
0x17: {  	s22 =	simm.s32 $0x14600;
	[dreg:$0x1b] =	wrdreg s21  }
0x18: {  	s23 =	simm.s32 $0x6000;
	[dreg:$0x1c] =	wrdreg s22  }
0x19: {  	s24 =	simm.s32 $0x14680;
	[dreg:$0x1d] =	wrdreg s23  }
0x1a: {  	s25 =	simm.s32 $0x6800;
	[dreg:$0x1e] =	wrdreg s24  }
0x1b: {  	s26 =	simm.s32 $0x14700;
	[dreg:$0x1f] =	wrdreg s25  }
0x1c: {  	s8 =	simm.s32 $0x7800;
	[smem:$0x7DF] =	sst s26  }
0x1d: {  	s9 =	simm.s32 $0x14800;
	[smem:$0x7DE] =	sst s8  }
0x1e: {  	s10 =	simm.s32 $0x8000;
	[smem:$0x7E8] =	sst s9  }
0x1f: {  	s11 =	simm.s32 $0x14880;
	[smem:$0x7E6] =	sst s10  }
0x20: {  	s12 =	simm.s32 $0x8800;
	[smem:$0x7E4] =	sst s11  }
0x21: {  	s13 =	simm.s32 $0x14900;
	[smem:$0x7E3] =	sst s12  }
0x22: {  	s14 =	simm.s32 $0x9000;
	[smem:$0x7EB] =	sst s13  }
0x23: {  	s16 =	simm.s32 $0x14980;
	[smem:$0x7E7] =	sst s14  }
0x24: {  	[smem:$0x7EC] =	sst s16;
	s17 =	simm.s32 $0x9800  }
0x25: {  	s18 =	simm.s32 $0x14A00;
	[smem:$0x7E9] =	sst s17  }
0x26: {  	s20 =	simm.s32 $0xA000;
	[smem:$0x7ED] =	sst s18  }
0x27: {  	s21 =	simm.s32 $0x14A80;
	[smem:$0x7EA] =	sst s20  }
0x28: {  	s22 =	simm.s32 $0xA800;
	[smem:$0x7EE] =	sst s21  }
0x29: {  	s23 =	simm.s32 $0x14B00;
	[smem:$0x7E2] =	sst s22  }
0x2a: {  	s24 =	simm.s32 $0xB000;
	[smem:$0x7EF] =	sst s23  }
0x2b: {  	s25 =	simm.s32 $0x14B80;
	[smem:$0x7E5] =	sst s24  }
0x2c: {  	s26 =	simm.s32 $0xB800;
	[smem:$0x7F1] =	sst s25  }
0x2d: {  	s8 =	simm.s32 $0x14C80;
	[smem:$0x7F0] =	sst s26  }
0x2e: {  	s9 =	simm.s32 $0xC800;
	[smem:$0x7F4] =	sst s8  }
0x2f: {  	s10 =	simm.s32 $0x14D00;
	[smem:$0x7F5] =	sst s9  }
0x30: {  	s11 =	simm.s32 $0xD000;
	[smem:$0x7F3] =	sst s10  }
0x31: {  	s12 =	simm.s32 $0x14D80;
	[smem:$0x7F9] =	sst s11  }
0x32: {  	s4 =	smul.u32 $0x2800, s0;
	s13 =	simm.s32 $0xD800;
	[smem:$0x7FB] =	sst s12  }
0x33: {  	s6 =	smul.u32 $0x2800, s5;
	s14 =	simm.s32 $0x14E00;
	[smem:$0x7FA] =	sst s13  }
0x34: {  	s1 =	sshrl.u32 s4, $0x3;
	s16 =	simm.s32 $0xE000;
	[smem:$0x7FC] =	sst s14  }
0x35: {  	s5 =	smul.u32 $0x280, s5;
	[smem:$0x7F8] =	sst s16;
	s20 =	simm.s32 $0x14E80  }
0x36: {  	s7 =	sadd.s32 s1, s15;
	s8 =	simm.s32 $0xE800;
	[smem:$0x7FD] =	sst s20  }
0x37: {  	s6 =	sadd.s32 s6, s15;
	s7 =	sadd.s32 $0x4000, s7;
	[smem:$0x7F2] =	sst s8  }
0x38: {  	s5 =	sadd.s32 s5, s15;
	[dreg:$0x3] =	wrdreg s7;
	s6 =	sadd.s32 $0x63000, s6  }
0x39: {  	s5 =	sadd.s32 $0x5E000, s5;
	[dreg:$0x4] =	wrdreg s6  }
0x3a: {  	s7 =	simm.s32 $0x2800;
	[dreg:$0x5] =	wrdreg s5  }
0x3b: {  	s6 =	simm.s32 $0x14280;
	[dreg:$0xf] =	wrdreg s7  }
0x3c: {  	s7 =	simm.s32 $0x14780;
	[dreg:$0xe] =	wrdreg s6  }
0x3d: {  	s6 =	simm.s32 $0x7000;
	[smem:$0x7E1] =	sst s7  }
0x3e: {  	s7 =	simm.s32 $0xC000;
	[smem:$0x7E0] =	sst s6  }
0x3f: {  	s17 =	sadd.s32 s4, s2;
	s18 =	sshll.u32 s0, $0x6;
	[smem:$0x7F6] =	sst s7  }
0x40: {  	s4 =	sor.u32 $0x1C02, s18;
	s6 =	simm.s32 $0x14C00;
	s7 =	rddreg [dreg:$0x3]  }
0x41: {  	s5 =	simm.s32 $0x2;
	[smem:$0x7F7] =	sst s6;
	s6 =	sshrl.u32 s17, $0x3  }
0x42: {  	[spmem:s6], [sflag:s4] =	dma.local [hbm:s7], $0x500  }
0x43: {  	_ =	swait.ge [sflag:s5], $0x500  }
0x44: {  	[sflag:s5] =	ssyncset.done $0x0  }
0x45: {  	s21 =	rddreg [dreg:$0x4];
	[sflag:s5] =	ssyncadd.s32 $0xFFFFFB00  }
0x46: {  	[tilespmem:s3], [sflag:$0x2] =	stream.linear.gather [hbm4b:s21+s3], $0x14000, $0x38;
	[tilespmem:$0x17C00] =	vst v63  }
0x47: {  	_ =	swait.ge [sflag:s5], $0x14000  }
0x48: {  	[sflag:s5] =	ssyncset.done $0x0  }
0x49: {  	s7 =	simm.s32 $0x14000;
	s22 =	rddreg [dreg:$0x5];
	[sflag:s5] =	ssyncadd.s32 $0xFFFEC000  }
0x4a: {  	[tilespmem:s7], [sflag:$0x2] =	stream.linear.gather [hbm4b:s22+s3], $0x1400, $0x38;
	[tilespmem:$0x17C00] =	vst v63  }
0x4b: {  	_ =	swait.ge [sflag:s5], $0x1400  }
0x4c: {  	[sflag:s5] =	ssyncset.done $0x0  }
0x4d: {  	[sflag:s5] =	ssyncadd.s32 $0xFFFFEC00  }
0x4e: {  	[bflag:$0x0] =	sbarrier.arrive $0xFFFF  }
0x4f: {  	s23 =	rddreg [dreg:$0xa]  }
0x50: {  	s10 =	rddreg [dreg:$0x8]  }
0x51: {  	s11 =	rddreg [dreg:$0xf]  }
0x52: {  	s9 =	simm.s32 $0x80;
	s12 =	rddreg [dreg:$0xb]  }
0x53: {  	[spmem:s2] =	stream.indirect.scatter.add.f32 [tilespmem:s3], [sflag:$0x1], $0x10, s7, s9, $0xb8;
	[tilespmem:$0x17C00] =	vst v63  }
0x54: {  	s13 =	rddreg [dreg:$0x6]  }
0x55: {  	s14 =	rddreg [dreg:$0x7]  }
0x56: {  	s16 =	rddreg [dreg:$0xd]  }
0x57: {  	s17 =	rddreg [dreg:$0x9]  }
0x58: {  	[spmem:s2] =	stream.indirect.scatter.add.f32 [tilespmem:s14], [sflag:$0x1], $0x10, s13, s9, $0xb8;
	[tilespmem:$0x17C00] =	vst v63  }
0x59: {  	s18 =	rddreg [dreg:$0xc]  }
0x5a: {  	[spmem:s2] =	stream.indirect.scatter.add.f32 [tilespmem:s17], [sflag:$0x1], $0x10, s10, s9, $0xb8;
	[tilespmem:$0x17C00] =	vst v63  }
0x5b: {  	s24 =	rddreg [dreg:$0xe]  }
0x5c: {  	[spmem:s2] =	stream.indirect.scatter.add.f32 [tilespmem:s12], [sflag:$0x1], $0x10, s23, s9, $0xb8;
	[tilespmem:$0x17C00] =	vst v63  }
0x5d: {  	s25 =	rddreg [dreg:$0x11]  }
0x5e: {  	[spmem:s2] =	stream.indirect.scatter.add.f32 [tilespmem:s16], [sflag:$0x1], $0x10, s18, s9, $0xb8;
	[tilespmem:$0x17C00] =	vst v63  }
0x5f: {  	s26 =	rddreg [dreg:$0x10]  }
0x60: {  	[spmem:s2] =	stream.indirect.scatter.add.f32 [tilespmem:s11], [sflag:$0x1], $0x10, s24, s9, $0xb8;
	[tilespmem:$0x17C00] =	vst v63  }
0x61: {  	s0 =	rddreg [dreg:$0x12]  }
0x62: {  	[spmem:s2] =	stream.indirect.scatter.add.f32 [tilespmem:s25], [sflag:$0x1], $0x10, s26, s9, $0xb8;
	[tilespmem:$0x17C00] =	vst v63  }
0x63: {  	s8 =	simm.s32 $0x1;
	s14 =	rddreg [dreg:$0x13]  }
0x64: {  	[spmem:s2] =	stream.indirect.scatter.add.f32 [tilespmem:s14], [sflag:$0x1], $0x10, s0, s9, $0xb8;
	[tilespmem:$0x17C00] =	vst v63  }
0x65: {  	_ =	swait.ge [sflag:s8], $0x800  }
0x66: {  	[sflag:s8] =	ssyncset.done $0x0  }
0x67: {  	[sflag:s8] =	ssyncadd.s32 $0xFFFFF800  }
0x68: {  	_ =	swait.ge [sflag:s8], $0x800  }
0x69: {  	[sflag:s8] =	ssyncset.done $0x0  }
0x6a: {  	[sflag:s8] =	ssyncadd.s32 $0xFFFFF800  }
0x6b: {  	_ =	swait.ge [sflag:s8], $0x800  }
0x6c: {  	[sflag:s8] =	ssyncset.done $0x0  }
0x6d: {  	[sflag:s8] =	ssyncadd.s32 $0xFFFFF800  }
0x6e: {  	_ =	swait.ge [sflag:s8], $0x800  }
0x6f: {  	[sflag:s8] =	ssyncset.done $0x0  }
0x70: {  	[sflag:s8] =	ssyncadd.s32 $0xFFFFF800  }
0x71: {  	_ =	swait.ge [sflag:s8], $0x800  }
0x72: {  	[sflag:s8] =	ssyncset.done $0x0  }
0x73: {  	[sflag:s8] =	ssyncadd.s32 $0xFFFFF800  }
0x74: {  	_ =	swait.ge [sflag:s8], $0x800  }
0x75: {  	[sflag:s8] =	ssyncset.done $0x0  }
0x76: {  	[sflag:s8] =	ssyncadd.s32 $0xFFFFF800  }
0x77: {  	_ =	swait.ge [sflag:s8], $0x800  }
0x78: {  	[sflag:s8] =	ssyncset.done $0x0  }
0x79: {  	[sflag:s8] =	ssyncadd.s32 $0xFFFFF800  }
0x7a: {  	_ =	swait.ge [sflag:s8], $0x800  }
0x7b: {  	s10 =	rddreg [dreg:$0x1b]  }
0x7c: {  	s16 =	rddreg [dreg:$0x18]  }
0x7d: {  	s12 =	rddreg [dreg:$0x1d]  }
0x7e: {  	s13 =	rddreg [dreg:$0x1a]  }
0x7f: {  	s14 =	rddreg [dreg:$0x1c]  }
0x80: {  	s22 =	rddreg [dreg:$0x19]  }
0x81: {  	s23 =	rddreg [dreg:$0x14]  }
0x82: {  	s24 =	rddreg [dreg:$0x15]  }
0x83: {  	[sflag:s8] =	ssyncset.done $0x0;
	s20 =	rddreg [dreg:$0x16]  }
0x84: {  	s21 =	rddreg [dreg:$0x17];
	[sflag:s8] =	ssyncadd.s32 $0xFFFFF800  }
0x85: {  	[spmem:s2] =	stream.indirect.scatter.add.f32 [tilespmem:s24], [sflag:$0x1], $0x10, s23, s9, $0xb8;
	[tilespmem:$0x17C00] =	vst v63  }
0x86: {  	s25 =	sld [smem:$0x7DE]  }
0x87: {  	[spmem:s2] =	stream.indirect.scatter.add.f32 [tilespmem:s21], [sflag:$0x1], $0x10, s20, s9, $0xb8;
	[tilespmem:$0x17C00] =	vst v63  }
0x88: {  	s26 =	rddreg [dreg:$0x1e]  }
0x89: {  	[spmem:s2] =	stream.indirect.scatter.add.f32 [tilespmem:s22], [sflag:$0x1], $0x10, s16, s9, $0xb8;
	[tilespmem:$0x17C00] =	vst v63  }
0x8a: {  	s0 =	sld [smem:$0x7DF]  }
0x8b: {  	[spmem:s2] =	stream.indirect.scatter.add.f32 [tilespmem:s10], [sflag:$0x1], $0x10, s13, s9, $0xb8;
	[tilespmem:$0x17C00] =	vst v63  }
0x8c: {  	s16 =	sld [smem:$0x7E0]  }
0x8d: {  	[spmem:s2] =	stream.indirect.scatter.add.f32 [tilespmem:s12], [sflag:$0x1], $0x10, s14, s9, $0xb8;
	[tilespmem:$0x17C00] =	vst v63  }
0x8e: {  	s13 =	rddreg [dreg:$0x1f]  }
0x8f: {  	[spmem:s2] =	stream.indirect.scatter.add.f32 [tilespmem:s13], [sflag:$0x1], $0x10, s26, s9, $0xb8;
	[tilespmem:$0x17C00] =	vst v63  }
0x90: {  	s18 =	sld [smem:$0x7E1]  }
0x91: {  	[spmem:s2] =	stream.indirect.scatter.add.f32 [tilespmem:s16], [sflag:$0x1], $0x10, s0, s9, $0xb8;
	[tilespmem:$0x17C00] =	vst v63  }
0x92: {  	_ = 	snop  }
0x93: {  	[spmem:s2] =	stream.indirect.scatter.add.f32 [tilespmem:s25], [sflag:$0x1], $0x10, s18, s9, $0xb8;
	[tilespmem:$0x17C00] =	vst v63  }
0x94: {  	_ =	swait.ge [sflag:s8], $0x800  }
0x95: {  	[sflag:s8] =	ssyncset.done $0x0  }
0x96: {  	[sflag:s8] =	ssyncadd.s32 $0xFFFFF800  }
0x97: {  	_ =	swait.ge [sflag:s8], $0x800  }
0x98: {  	[sflag:s8] =	ssyncset.done $0x0  }
0x99: {  	[sflag:s8] =	ssyncadd.s32 $0xFFFFF800  }
0x9a: {  	_ =	swait.ge [sflag:s8], $0x800  }
0x9b: {  	[sflag:s8] =	ssyncset.done $0x0  }
0x9c: {  	[sflag:s8] =	ssyncadd.s32 $0xFFFFF800  }
0x9d: {  	_ =	swait.ge [sflag:s8], $0x800  }
0x9e: {  	[sflag:s8] =	ssyncset.done $0x0  }
0x9f: {  	[sflag:s8] =	ssyncadd.s32 $0xFFFFF800  }
0xa0: {  	_ =	swait.ge [sflag:s8], $0x800  }
0xa1: {  	[sflag:s8] =	ssyncset.done $0x0  }
0xa2: {  	[sflag:s8] =	ssyncadd.s32 $0xFFFFF800  }
0xa3: {  	_ =	swait.ge [sflag:s8], $0x800  }
0xa4: {  	[sflag:s8] =	ssyncset.done $0x0  }
0xa5: {  	[sflag:s8] =	ssyncadd.s32 $0xFFFFF800  }
0xa6: {  	_ =	swait.ge [sflag:s8], $0x800  }
0xa7: {  	[sflag:s8] =	ssyncset.done $0x0  }
0xa8: {  	[sflag:s8] =	ssyncadd.s32 $0xFFFFF800  }
0xa9: {  	_ =	swait.ge [sflag:s8], $0x800  }
0xaa: {  	s10 =	sld [smem:$0x7E2]  }
0xab: {  	s20 =	sld [smem:$0x7E3]  }
0xac: {  	s21 =	sld [smem:$0x7E4]  }
0xad: {  	s13 =	sld [smem:$0x7E5]  }
0xae: {  	s22 =	sld [smem:$0x7E6]  }
0xaf: {  	s23 =	sld [smem:$0x7E7]  }
0xb0: {  	s24 =	sld [smem:$0x7E8]  }
0xb1: {  	s25 =	sld [smem:$0x7E9]  }
0xb2: {  	[sflag:s8] =	ssyncset.done $0x0;
	s26 =	sld [smem:$0x7EA]  }
0xb3: {  	s0 =	sld [smem:$0x7EB];
	[sflag:s8] =	ssyncadd.s32 $0xFFFFF800  }
0xb4: {  	[spmem:s2] =	stream.indirect.scatter.add.f32 [tilespmem:s22], [sflag:$0x1], $0x10, s24, s9, $0xb8;
	[tilespmem:$0x17C00] =	vst v63  }
0xb5: {  	s17 =	sld [smem:$0x7EC]  }
0xb6: {  	[spmem:s2] =	stream.indirect.scatter.add.f32 [tilespmem:s20], [sflag:$0x1], $0x10, s21, s9, $0xb8;
	[tilespmem:$0x17C00] =	vst v63  }
0xb7: {  	s22 =	sld [smem:$0x7ED]  }
0xb8: {  	[spmem:s2] =	stream.indirect.scatter.add.f32 [tilespmem:s23], [sflag:$0x1], $0x10, s0, s9, $0xb8;
	[tilespmem:$0x17C00] =	vst v63  }
0xb9: {  	s24 =	sld [smem:$0x7EF]  }
0xba: {  	[spmem:s2] =	stream.indirect.scatter.add.f32 [tilespmem:s25], [sflag:$0x1], $0x10, s17, s9, $0xb8;
	[tilespmem:$0x17C00] =	vst v63  }
0xbb: {  	s23 =	sld [smem:$0x7EE]  }
0xbc: {  	[spmem:s2] =	stream.indirect.scatter.add.f32 [tilespmem:s26], [sflag:$0x1], $0x10, s22, s9, $0xb8;
	[tilespmem:$0x17C00] =	vst v63  }
0xbd: {  	s25 =	sld [smem:$0x7F0]  }
0xbe: {  	[spmem:s2] =	stream.indirect.scatter.add.f32 [tilespmem:s10], [sflag:$0x1], $0x10, s23, s9, $0xb8;
	[tilespmem:$0x17C00] =	vst v63  }
0xbf: {  	s26 =	sld [smem:$0x7F1]  }
0xc0: {  	[spmem:s2] =	stream.indirect.scatter.add.f32 [tilespmem:s13], [sflag:$0x1], $0x10, s24, s9, $0xb8;
	[tilespmem:$0x17C00] =	vst v63  }
0xc1: {  	_ = 	snop  }
0xc2: {  	[spmem:s2] =	stream.indirect.scatter.add.f32 [tilespmem:s25], [sflag:$0x1], $0x10, s26, s9, $0xb8;
	[tilespmem:$0x17C00] =	vst v63  }
0xc3: {  	_ =	swait.ge [sflag:s8], $0x800  }
0xc4: {  	[sflag:s8] =	ssyncset.done $0x0  }
0xc5: {  	[sflag:s8] =	ssyncadd.s32 $0xFFFFF800  }
0xc6: {  	_ =	swait.ge [sflag:s8], $0x800  }
0xc7: {  	[sflag:s8] =	ssyncset.done $0x0  }
0xc8: {  	[sflag:s8] =	ssyncadd.s32 $0xFFFFF800  }
0xc9: {  	_ =	swait.ge [sflag:s8], $0x800  }
0xca: {  	[sflag:s8] =	ssyncset.done $0x0  }
0xcb: {  	[sflag:s8] =	ssyncadd.s32 $0xFFFFF800  }
0xcc: {  	_ =	swait.ge [sflag:s8], $0x800  }
0xcd: {  	[sflag:s8] =	ssyncset.done $0x0  }
0xce: {  	[sflag:s8] =	ssyncadd.s32 $0xFFFFF800  }
0xcf: {  	_ =	swait.ge [sflag:s8], $0x800  }
0xd0: {  	[sflag:s8] =	ssyncset.done $0x0  }
0xd1: {  	[sflag:s8] =	ssyncadd.s32 $0xFFFFF800  }
0xd2: {  	_ =	swait.ge [sflag:s8], $0x800  }
0xd3: {  	[sflag:s8] =	ssyncset.done $0x0  }
0xd4: {  	[sflag:s8] =	ssyncadd.s32 $0xFFFFF800  }
0xd5: {  	_ =	swait.ge [sflag:s8], $0x800  }
0xd6: {  	[sflag:s8] =	ssyncset.done $0x0  }
0xd7: {  	[sflag:s8] =	ssyncadd.s32 $0xFFFFF800  }
0xd8: {  	_ =	swait.ge [sflag:s8], $0x800  }
0xd9: {  	s10 =	sld [smem:$0x7F2]  }
0xda: {  	s0 =	sld [smem:$0x7F3]  }
0xdb: {  	s17 =	sld [smem:$0x7F4]  }
0xdc: {  	s18 =	sld [smem:$0x7F5]  }
0xdd: {  	s20 =	sld [smem:$0x7F6]  }
0xde: {  	s21 =	sld [smem:$0x7F7]  }
0xdf: {  	[sflag:s8] =	ssyncset.done $0x0;
	s22 =	sld [smem:$0x7F8]  }
0xe0: {  	s23 =	sld [smem:$0x7F9];
	[sflag:s8] =	ssyncadd.s32 $0xFFFFF800  }
0xe1: {  	[spmem:s2] =	stream.indirect.scatter.add.f32 [tilespmem:s20], [sflag:$0x1], $0x10, s21, s9, $0xb8;
	[tilespmem:$0x17C00] =	vst v63  }
0xe2: {  	s24 =	sld [smem:$0x7FA]  }
0xe3: {  	[spmem:s2] =	stream.indirect.scatter.add.f32 [tilespmem:s18], [sflag:$0x1], $0x10, s17, s9, $0xb8;
	[tilespmem:$0x17C00] =	vst v63  }
0xe4: {  	s25 =	sld [smem:$0x7FB]  }
0xe5: {  	[spmem:s2] =	stream.indirect.scatter.add.f32 [tilespmem:s23], [sflag:$0x1], $0x10, s0, s9, $0xb8;
	[tilespmem:$0x17C00] =	vst v63  }
0xe6: {  	s26 =	sld [smem:$0x7FC]  }
0xe7: {  	[spmem:s2] =	stream.indirect.scatter.add.f32 [tilespmem:s24], [sflag:$0x1], $0x10, s25, s9, $0xb8;
	[tilespmem:$0x17C00] =	vst v63  }
0xe8: {  	s0 =	sld [smem:$0x7FD]  }
0xe9: {  	[spmem:s2] =	stream.indirect.scatter.add.f32 [tilespmem:s22], [sflag:$0x1], $0x10, s26, s9, $0xb8;
	[tilespmem:$0x17C00] =	vst v63  }
0xea: {  	_ = 	snop  }
0xeb: {  	[spmem:s2] =	stream.indirect.scatter.add.f32 [tilespmem:s10], [sflag:$0x1], $0x10, s0, s9, $0xb8;
	[tilespmem:$0x17C00] =	vst v63  }
0xec: {  	s14 =	simm.s32 $0xF000;
	s13 =	simm.s32 $0x14F00  }
0xed: {  	[spmem:s2] =	stream.indirect.scatter.add.f32 [tilespmem:s14], [sflag:$0x1], $0x10, s13, s9, $0xb8;
	[tilespmem:$0x17C00] =	vst v63  }
0xee: {  	s16 =	simm.s32 $0x14F80;
	s17 =	simm.s32 $0xF800  }
0xef: {  	[spmem:s2] =	stream.indirect.scatter.add.f32 [tilespmem:s17], [sflag:$0x1], $0x10, s16, s9, $0xb8;
	[tilespmem:$0x17C00] =	vst v63  }
0xf0: {  	_ =	swait.ge [sflag:s8], $0x800  }
0xf1: {  	[sflag:s8] =	ssyncset.done $0x0  }
0xf2: {  	[sflag:s8] =	ssyncadd.s32 $0xFFFFF800  }
0xf3: {  	_ =	swait.ge [sflag:s8], $0x800  }
0xf4: {  	[sflag:s8] =	ssyncset.done $0x0  }
0xf5: {  	[sflag:s8] =	ssyncadd.s32 $0xFFFFF800  }
0xf6: {  	_ =	swait.ge [sflag:s8], $0x800  }
0xf7: {  	[sflag:s8] =	ssyncset.done $0x0  }
0xf8: {  	[sflag:s8] =	ssyncadd.s32 $0xFFFFF800  }
0xf9: {  	_ =	swait.ge [sflag:s8], $0x800  }
0xfa: {  	[sflag:s8] =	ssyncset.done $0x0  }
0xfb: {  	[sflag:s8] =	ssyncadd.s32 $0xFFFFF800  }
0xfc: {  	_ =	swait.ge [sflag:s8], $0x800  }
0xfd: {  	[sflag:s8] =	ssyncset.done $0x0  }
0xfe: {  	[sflag:s8] =	ssyncadd.s32 $0xFFFFF800  }
0xff: {  	_ =	swait.ge [sflag:s8], $0x800  }
0x100: {  	[sflag:s8] =	ssyncset.done $0x0  }
0x101: {  	[sflag:s8] =	ssyncadd.s32 $0xFFFFF800  }
0x102: {  	_ =	swait.ge [sflag:s8], $0x800  }
0x103: {  	[sflag:s8] =	ssyncset.done $0x0  }
0x104: {  	[sflag:s8] =	ssyncadd.s32 $0xFFFFF800  }
0x105: {  	_ =	swait.ge [sflag:s8], $0x800  }
0x106: {  	[sflag:s8] =	ssyncset.done $0x0  }
0x107: {  	s20 =	simm.s32 $0x15000;
	s21 =	simm.s32 $0x10000;
	[sflag:s8] =	ssyncadd.s32 $0xFFFFF800  }
0x108: {  	[spmem:s2] =	stream.indirect.scatter.add.f32 [tilespmem:s21], [sflag:$0x1], $0x10, s20, s9, $0xb8;
	[tilespmem:$0x17C00] =	vst v63  }
0x109: {  	s18 =	smul.u32 $0x5000, s19;
	s23 =	simm.s32 $0x10800;
	s22 =	simm.s32 $0x15080  }
0x10a: {  	[spmem:s2] =	stream.indirect.scatter.add.f32 [tilespmem:s23], [sflag:$0x1], $0x10, s22, s9, $0xb8;
	[tilespmem:$0x17C00] =	vst v63  }
0x10b: {  	s24 =	simm.s32 $0x15100;
	s25 =	simm.s32 $0x11000;
	s23 =	ssub.s32 $0x2, s19  }
0x10c: {  	[spmem:s2] =	stream.indirect.scatter.add.f32 [tilespmem:s25], [sflag:$0x1], $0x10, s24, s9, $0xb8;
	[tilespmem:$0x17C00] =	vst v63  }
0x10d: {  	s15 =	sadd.s32 s18, s15;
	s24 =	sshrl.u32 s23, $0x1  }
0x10e: {  	s26 =	simm.s32 $0x15180;
	s22 =	simm.s32 $0x11800;
	s28 =	ssub.s32 s23, s24  }
0x10f: {  	[spmem:s2] =	stream.indirect.scatter.add.f32 [tilespmem:s22], [sflag:$0x1], $0x10, s26, s9, $0xb8;
	[tilespmem:$0x17C00] =	vst v63  }
0x110: {  	s15 =	sadd.s32 $0x13000, s15;
	s30 =	smax.u32 s28, $0x1  }
0x111: {  	s23 =	simm.s32 $0x15200;
	s24 =	simm.s32 $0x12000;
	p0 =	sne.s32 s30, $0x1  }
0x112: {  	[spmem:s2] =	stream.indirect.scatter.add.f32 [tilespmem:s24], [sflag:$0x1], $0x10, s23, s9, $0xb8;
	[tilespmem:$0x17C00] =	vst v63  }
.Ltmp0:
0x113: {  	s29 =	simm.s32 $0x13000;
	s15 =	sadd.s32 s1, s15;
	(pc) =	sbr.rel @!p0 .LBB2_2-.Ltmp0, $4  }
0x114: {  	s1 =	simm.s32 $0x13800;
	s25 =	simm.s32 $0x15280;
	s26 =	simm.s32 $0x12800  }
0x115: {  	[spmem:s2] =	stream.indirect.scatter.add.f32 [tilespmem:s26], [sflag:$0x1], $0x10, s25, s9, $0xb8;
	[tilespmem:$0x17C00] =	vst v63  }
0x116: {  	s28 =	simm.s32 $0x15300;
	s31 =	sadd.s32 $0xFFFFFFFF, s30;
	s30 =	simm.s32 $0x15380  }
0x117: {  	[spmem:s2] =	stream.indirect.scatter.add.f32 [tilespmem:s29], [sflag:$0x1], $0x10, s28, s9, $0xb8;
	[tilespmem:$0x17C00] =	vst v63  }
.LBB2_1:
0x118: {  	[spmem:s2] =	stream.indirect.scatter.add.f32 [tilespmem:s1], [sflag:$0x1], $0x10, s30, s9, $0xb8;
	[tilespmem:$0x17C00] =	vst v63  }
0x119: {  	_ =	swait.ge [sflag:s8], $0x800  }
0x11a: {  	[sflag:s8] =	ssyncset.done $0x0  }
0x11b: {  	[sflag:s8] =	ssyncadd.s32 $0xFFFFF800  }
0x11c: {  	_ =	swait.ge [sflag:s8], $0x800  }
0x11d: {  	[sflag:s8] =	ssyncset.done $0x0  }
0x11e: {  	[sflag:s8] =	ssyncadd.s32 $0xFFFFF800  }
0x11f: {  	_ =	swait.ge [sflag:s8], $0x800  }
0x120: {  	[sflag:s8] =	ssyncset.done $0x0  }
0x121: {  	[sflag:s8] =	ssyncadd.s32 $0xFFFFF800  }
0x122: {  	_ =	swait.ge [sflag:s8], $0x800  }
0x123: {  	[sflag:s8] =	ssyncset.done $0x0  }
0x124: {  	[sflag:s8] =	ssyncadd.s32 $0xFFFFF800  }
0x125: {  	_ =	swait.ge [sflag:s8], $0x800  }
0x126: {  	[sflag:s8] =	ssyncset.done $0x0  }
0x127: {  	[sflag:s8] =	ssyncadd.s32 $0xFFFFF800  }
0x128: {  	_ =	swait.ge [sflag:s8], $0x800  }
0x129: {  	[sflag:s8] =	ssyncset.done $0x0  }
0x12a: {  	[sflag:s8] =	ssyncadd.s32 $0xFFFFF800  }
0x12b: {  	_ =	swait.ge [sflag:s8], $0x800  }
0x12c: {  	[sflag:s8] =	ssyncset.done $0x0  }
0x12d: {  	[sflag:s8] =	ssyncadd.s32 $0xFFFFF800  }
0x12e: {  	_ =	swait.ge [sflag:s8], $0x800  }
0x12f: {  	[sflag:s8] =	ssyncset.done $0x0  }
0x130: {  	[sflag:s8] =	ssyncadd.s32 $0xFFFFF800  }
0x131: {  	[bflag:$0x0] =	sbarrier.arrive $0xFFFF  }
0x132: {  	[hbm:s15], [sflag:s4] =	dma.local [spmem:s6], $0x500  }
0x133: {  	_ =	swait.ge [sflag:s5], $0x500  }
0x134: {  	[sflag:s5] =	ssyncset.done $0x0  }
0x135: {  	s0 =	rddreg [dreg:$0x3];
	[sflag:s5] =	ssyncadd.s32 $0xFFFFFB00  }
0x136: {  	[spmem:s6], [sflag:s4] =	dma.local [hbm:s0], $0x500  }
0x137: {  	_ =	swait.ge [sflag:s5], $0x500  }
0x138: {  	[sflag:s5] =	ssyncset.done $0x0  }
0x139: {  	s17 =	rddreg [dreg:$0x4];
	[sflag:s5] =	ssyncadd.s32 $0xFFFFFB00  }
0x13a: {  	[tilespmem:s3], [sflag:$0x2] =	stream.linear.gather [hbm4b:s17+s3], $0x14000, $0x38;
	[tilespmem:$0x17C00] =	vst v63  }
0x13b: {  	_ =	swait.ge [sflag:s5], $0x14000  }
0x13c: {  	[sflag:s5] =	ssyncset.done $0x0  }
0x13d: {  	s18 =	rddreg [dreg:$0x5];
	[sflag:s5] =	ssyncadd.s32 $0xFFFEC000  }
0x13e: {  	[tilespmem:s7], [sflag:$0x2] =	stream.linear.gather [hbm4b:s18+s3], $0x1400, $0x38;
	[tilespmem:$0x17C00] =	vst v63  }
0x13f: {  	_ =	swait.ge [sflag:s5], $0x1400  }
0x140: {  	[sflag:s5] =	ssyncset.done $0x0  }
0x141: {  	[sflag:s5] =	ssyncadd.s32 $0xFFFFEC00  }
0x142: {  	[bflag:$0x0] =	sbarrier.arrive $0xFFFF  }
0x143: {  	s19 =	rddreg [dreg:$0xa]  }
0x144: {  	s10 =	rddreg [dreg:$0x8]  }
0x145: {  	s11 =	rddreg [dreg:$0xf]  }
0x146: {  	s12 =	rddreg [dreg:$0xb]  }
0x147: {  	[spmem:s2] =	stream.indirect.scatter.add.f32 [tilespmem:s3], [sflag:$0x1], $0x10, s7, s9, $0xb8;
	[tilespmem:$0x17C00] =	vst v63  }
0x148: {  	s13 =	rddreg [dreg:$0x6]  }
0x149: {  	s14 =	rddreg [dreg:$0x7]  }
0x14a: {  	s16 =	rddreg [dreg:$0xd]  }
0x14b: {  	s17 =	rddreg [dreg:$0x9]  }
0x14c: {  	[spmem:s2] =	stream.indirect.scatter.add.f32 [tilespmem:s14], [sflag:$0x1], $0x10, s13, s9, $0xb8;
	[tilespmem:$0x17C00] =	vst v63  }
0x14d: {  	s18 =	rddreg [dreg:$0xc]  }
0x14e: {  	[spmem:s2] =	stream.indirect.scatter.add.f32 [tilespmem:s17], [sflag:$0x1], $0x10, s10, s9, $0xb8;
	[tilespmem:$0x17C00] =	vst v63  }
0x14f: {  	s20 =	rddreg [dreg:$0xe]  }
0x150: {  	[spmem:s2] =	stream.indirect.scatter.add.f32 [tilespmem:s12], [sflag:$0x1], $0x10, s19, s9, $0xb8;
	[tilespmem:$0x17C00] =	vst v63  }
0x151: {  	s21 =	rddreg [dreg:$0x11]  }
0x152: {  	[spmem:s2] =	stream.indirect.scatter.add.f32 [tilespmem:s16], [sflag:$0x1], $0x10, s18, s9, $0xb8;
	[tilespmem:$0x17C00] =	vst v63  }
0x153: {  	s14 =	rddreg [dreg:$0x10]  }
0x154: {  	[spmem:s2] =	stream.indirect.scatter.add.f32 [tilespmem:s11], [sflag:$0x1], $0x10, s20, s9, $0xb8;
	[tilespmem:$0x17C00] =	vst v63  }
0x155: {  	s17 =	rddreg [dreg:$0x13]  }
0x156: {  	[spmem:s2] =	stream.indirect.scatter.add.f32 [tilespmem:s21], [sflag:$0x1], $0x10, s14, s9, $0xb8;
	[tilespmem:$0x17C00] =	vst v63  }
0x157: {  	s16 =	rddreg [dreg:$0x12]  }
0x158: {  	[spmem:s2] =	stream.indirect.scatter.add.f32 [tilespmem:s17], [sflag:$0x1], $0x10, s16, s9, $0xb8;
	[tilespmem:$0x17C00] =	vst v63  }
0x159: {  	_ =	swait.ge [sflag:s8], $0x800  }
0x15a: {  	[sflag:s8] =	ssyncset.done $0x0  }
0x15b: {  	[sflag:s8] =	ssyncadd.s32 $0xFFFFF800  }
0x15c: {  	_ =	swait.ge [sflag:s8], $0x800  }
0x15d: {  	[sflag:s8] =	ssyncset.done $0x0  }
0x15e: {  	[sflag:s8] =	ssyncadd.s32 $0xFFFFF800  }
0x15f: {  	_ =	swait.ge [sflag:s8], $0x800  }
0x160: {  	[sflag:s8] =	ssyncset.done $0x0  }
0x161: {  	[sflag:s8] =	ssyncadd.s32 $0xFFFFF800  }
0x162: {  	_ =	swait.ge [sflag:s8], $0x800  }
0x163: {  	[sflag:s8] =	ssyncset.done $0x0  }
0x164: {  	[sflag:s8] =	ssyncadd.s32 $0xFFFFF800  }
0x165: {  	_ =	swait.ge [sflag:s8], $0x800  }
0x166: {  	[sflag:s8] =	ssyncset.done $0x0  }
0x167: {  	[sflag:s8] =	ssyncadd.s32 $0xFFFFF800  }
0x168: {  	_ =	swait.ge [sflag:s8], $0x800  }
0x169: {  	[sflag:s8] =	ssyncset.done $0x0  }
0x16a: {  	[sflag:s8] =	ssyncadd.s32 $0xFFFFF800  }
0x16b: {  	_ =	swait.ge [sflag:s8], $0x800  }
0x16c: {  	[sflag:s8] =	ssyncset.done $0x0  }
0x16d: {  	[sflag:s8] =	ssyncadd.s32 $0xFFFFF800  }
0x16e: {  	_ =	swait.ge [sflag:s8], $0x800  }
0x16f: {  	s0 =	rddreg [dreg:$0x1b]  }
0x170: {  	s10 =	rddreg [dreg:$0x18]  }
0x171: {  	s11 =	rddreg [dreg:$0x1d]  }
0x172: {  	s12 =	rddreg [dreg:$0x1a]  }
0x173: {  	s13 =	rddreg [dreg:$0x1c]  }
0x174: {  	s14 =	rddreg [dreg:$0x19]  }
0x175: {  	s16 =	rddreg [dreg:$0x16]  }
0x176: {  	s17 =	rddreg [dreg:$0x14]  }
0x177: {  	[sflag:s8] =	ssyncset.done $0x0;
	s18 =	rddreg [dreg:$0x15]  }
0x178: {  	s19 =	sld [smem:$0x7DE];
	[sflag:s8] =	ssyncadd.s32 $0xFFFFF800  }
0x179: {  	[spmem:s2] =	stream.indirect.scatter.add.f32 [tilespmem:s18], [sflag:$0x1], $0x10, s17, s9, $0xb8;
	[tilespmem:$0x17C00] =	vst v63  }
0x17a: {  	s20 =	rddreg [dreg:$0x17]  }
0x17b: {  	[spmem:s2] =	stream.indirect.scatter.add.f32 [tilespmem:s20], [sflag:$0x1], $0x10, s16, s9, $0xb8;
	[tilespmem:$0x17C00] =	vst v63  }
0x17c: {  	s21 =	rddreg [dreg:$0x1e]  }
0x17d: {  	[spmem:s2] =	stream.indirect.scatter.add.f32 [tilespmem:s14], [sflag:$0x1], $0x10, s10, s9, $0xb8;
	[tilespmem:$0x17C00] =	vst v63  }
0x17e: {  	s18 =	sld [smem:$0x7DF]  }
0x17f: {  	[spmem:s2] =	stream.indirect.scatter.add.f32 [tilespmem:s0], [sflag:$0x1], $0x10, s12, s9, $0xb8;
	[tilespmem:$0x17C00] =	vst v63  }
0x180: {  	s14 =	sld [smem:$0x7E0]  }
0x181: {  	[spmem:s2] =	stream.indirect.scatter.add.f32 [tilespmem:s11], [sflag:$0x1], $0x10, s13, s9, $0xb8;
	[tilespmem:$0x17C00] =	vst v63  }
0x182: {  	s12 =	rddreg [dreg:$0x1f]  }
0x183: {  	[spmem:s2] =	stream.indirect.scatter.add.f32 [tilespmem:s12], [sflag:$0x1], $0x10, s21, s9, $0xb8;
	[tilespmem:$0x17C00] =	vst v63  }
0x184: {  	s20 =	sld [smem:$0x7E1]  }
0x185: {  	[spmem:s2] =	stream.indirect.scatter.add.f32 [tilespmem:s14], [sflag:$0x1], $0x10, s18, s9, $0xb8;
	[tilespmem:$0x17C00] =	vst v63  }
0x186: {  	_ = 	snop  }
0x187: {  	[spmem:s2] =	stream.indirect.scatter.add.f32 [tilespmem:s19], [sflag:$0x1], $0x10, s20, s9, $0xb8;
	[tilespmem:$0x17C00] =	vst v63  }
0x188: {  	_ =	swait.ge [sflag:s8], $0x800  }
0x189: {  	[sflag:s8] =	ssyncset.done $0x0  }
0x18a: {  	[sflag:s8] =	ssyncadd.s32 $0xFFFFF800  }
0x18b: {  	_ =	swait.ge [sflag:s8], $0x800  }
0x18c: {  	[sflag:s8] =	ssyncset.done $0x0  }
0x18d: {  	[sflag:s8] =	ssyncadd.s32 $0xFFFFF800  }
0x18e: {  	_ =	swait.ge [sflag:s8], $0x800  }
0x18f: {  	[sflag:s8] =	ssyncset.done $0x0  }
0x190: {  	[sflag:s8] =	ssyncadd.s32 $0xFFFFF800  }
0x191: {  	_ =	swait.ge [sflag:s8], $0x800  }
0x192: {  	[sflag:s8] =	ssyncset.done $0x0  }
0x193: {  	[sflag:s8] =	ssyncadd.s32 $0xFFFFF800  }
0x194: {  	_ =	swait.ge [sflag:s8], $0x800  }
0x195: {  	[sflag:s8] =	ssyncset.done $0x0  }
0x196: {  	[sflag:s8] =	ssyncadd.s32 $0xFFFFF800  }
0x197: {  	_ =	swait.ge [sflag:s8], $0x800  }
0x198: {  	[sflag:s8] =	ssyncset.done $0x0  }
0x199: {  	[sflag:s8] =	ssyncadd.s32 $0xFFFFF800  }
0x19a: {  	_ =	swait.ge [sflag:s8], $0x800  }
0x19b: {  	[sflag:s8] =	ssyncset.done $0x0  }
0x19c: {  	[sflag:s8] =	ssyncadd.s32 $0xFFFFF800  }
0x19d: {  	_ =	swait.ge [sflag:s8], $0x800  }
0x19e: {  	s0 =	sld [smem:$0x7E2]  }
0x19f: {  	s10 =	sld [smem:$0x7E3]  }
0x1a0: {  	s11 =	sld [smem:$0x7E4]  }
0x1a1: {  	s12 =	sld [smem:$0x7E5]  }
0x1a2: {  	s16 =	sld [smem:$0x7E6]  }
0x1a3: {  	s14 =	sld [smem:$0x7E7]  }
0x1a4: {  	s19 =	sld [smem:$0x7E8]  }
0x1a5: {  	s17 =	sld [smem:$0x7E9]  }
0x1a6: {  	[sflag:s8] =	ssyncset.done $0x0;
	s18 =	sld [smem:$0x7EA]  }
0x1a7: {  	s20 =	sld [smem:$0x7EB];
	[sflag:s8] =	ssyncadd.s32 $0xFFFFF800  }
0x1a8: {  	[spmem:s2] =	stream.indirect.scatter.add.f32 [tilespmem:s16], [sflag:$0x1], $0x10, s19, s9, $0xb8;
	[tilespmem:$0x17C00] =	vst v63  }
0x1a9: {  	s21 =	sld [smem:$0x7EC]  }
0x1aa: {  	[spmem:s2] =	stream.indirect.scatter.add.f32 [tilespmem:s10], [sflag:$0x1], $0x10, s11, s9, $0xb8;
	[tilespmem:$0x17C00] =	vst v63  }
0x1ab: {  	s16 =	sld [smem:$0x7ED]  }
0x1ac: {  	[spmem:s2] =	stream.indirect.scatter.add.f32 [tilespmem:s14], [sflag:$0x1], $0x10, s20, s9, $0xb8;
	[tilespmem:$0x17C00] =	vst v63  }
0x1ad: {  	s19 =	sld [smem:$0x7EE]  }
0x1ae: {  	[spmem:s2] =	stream.indirect.scatter.add.f32 [tilespmem:s17], [sflag:$0x1], $0x10, s21, s9, $0xb8;
	[tilespmem:$0x17C00] =	vst v63  }
0x1af: {  	s11 =	sld [smem:$0x7F1]  }
0x1b0: {  	[spmem:s2] =	stream.indirect.scatter.add.f32 [tilespmem:s18], [sflag:$0x1], $0x10, s16, s9, $0xb8;
	[tilespmem:$0x17C00] =	vst v63  }
0x1b1: {  	s20 =	sld [smem:$0x7EF]  }
0x1b2: {  	[spmem:s2] =	stream.indirect.scatter.add.f32 [tilespmem:s0], [sflag:$0x1], $0x10, s19, s9, $0xb8;
	[tilespmem:$0x17C00] =	vst v63  }
0x1b3: {  	s21 =	sld [smem:$0x7F0]  }
0x1b4: {  	[spmem:s2] =	stream.indirect.scatter.add.f32 [tilespmem:s12], [sflag:$0x1], $0x10, s20, s9, $0xb8;
	[tilespmem:$0x17C00] =	vst v63  }
0x1b5: {  	_ = 	snop  }
0x1b6: {  	[spmem:s2] =	stream.indirect.scatter.add.f32 [tilespmem:s21], [sflag:$0x1], $0x10, s11, s9, $0xb8;
	[tilespmem:$0x17C00] =	vst v63  }
0x1b7: {  	_ =	swait.ge [sflag:s8], $0x800  }
0x1b8: {  	[sflag:s8] =	ssyncset.done $0x0  }
0x1b9: {  	[sflag:s8] =	ssyncadd.s32 $0xFFFFF800  }
0x1ba: {  	_ =	swait.ge [sflag:s8], $0x800  }
0x1bb: {  	[sflag:s8] =	ssyncset.done $0x0  }
0x1bc: {  	[sflag:s8] =	ssyncadd.s32 $0xFFFFF800  }
0x1bd: {  	_ =	swait.ge [sflag:s8], $0x800  }
0x1be: {  	[sflag:s8] =	ssyncset.done $0x0  }
0x1bf: {  	[sflag:s8] =	ssyncadd.s32 $0xFFFFF800  }
0x1c0: {  	_ =	swait.ge [sflag:s8], $0x800  }
0x1c1: {  	[sflag:s8] =	ssyncset.done $0x0  }
0x1c2: {  	[sflag:s8] =	ssyncadd.s32 $0xFFFFF800  }
0x1c3: {  	_ =	swait.ge [sflag:s8], $0x800  }
0x1c4: {  	[sflag:s8] =	ssyncset.done $0x0  }
0x1c5: {  	[sflag:s8] =	ssyncadd.s32 $0xFFFFF800  }
0x1c6: {  	_ =	swait.ge [sflag:s8], $0x800  }
0x1c7: {  	[sflag:s8] =	ssyncset.done $0x0  }
0x1c8: {  	[sflag:s8] =	ssyncadd.s32 $0xFFFFF800  }
0x1c9: {  	_ =	swait.ge [sflag:s8], $0x800  }
0x1ca: {  	[sflag:s8] =	ssyncset.done $0x0  }
0x1cb: {  	[sflag:s8] =	ssyncadd.s32 $0xFFFFF800  }
0x1cc: {  	_ =	swait.ge [sflag:s8], $0x800  }
0x1cd: {  	s0 =	sld [smem:$0x7F2]  }
0x1ce: {  	s10 =	sld [smem:$0x7F3]  }
0x1cf: {  	s12 =	sld [smem:$0x7F4]  }
0x1d0: {  	s17 =	sld [smem:$0x7F5]  }
0x1d1: {  	s19 =	sld [smem:$0x7F6]  }
0x1d2: {  	s20 =	sld [smem:$0x7F7]  }
0x1d3: {  	[sflag:s8] =	ssyncset.done $0x0;
	s16 =	sld [smem:$0x7F8]  }
0x1d4: {  	s21 =	sld [smem:$0x7F9];
	[sflag:s8] =	ssyncadd.s32 $0xFFFFF800  }
0x1d5: {  	[spmem:s2] =	stream.indirect.scatter.add.f32 [tilespmem:s19], [sflag:$0x1], $0x10, s20, s9, $0xb8;
	[tilespmem:$0x17C00] =	vst v63  }
0x1d6: {  	s18 =	sld [smem:$0x7FA]  }
0x1d7: {  	[spmem:s2] =	stream.indirect.scatter.add.f32 [tilespmem:s17], [sflag:$0x1], $0x10, s12, s9, $0xb8;
	[tilespmem:$0x17C00] =	vst v63  }
0x1d8: {  	s19 =	sld [smem:$0x7FB]  }
0x1d9: {  	[spmem:s2] =	stream.indirect.scatter.add.f32 [tilespmem:s21], [sflag:$0x1], $0x10, s10, s9, $0xb8;
	[tilespmem:$0x17C00] =	vst v63  }
0x1da: {  	s20 =	sld [smem:$0x7FC]  }
0x1db: {  	[spmem:s2] =	stream.indirect.scatter.add.f32 [tilespmem:s18], [sflag:$0x1], $0x10, s19, s9, $0xb8;
	[tilespmem:$0x17C00] =	vst v63  }
0x1dc: {  	s21 =	sld [smem:$0x7FD]  }
0x1dd: {  	[spmem:s2] =	stream.indirect.scatter.add.f32 [tilespmem:s16], [sflag:$0x1], $0x10, s20, s9, $0xb8;
	[tilespmem:$0x17C00] =	vst v63  }
0x1de: {  	_ = 	snop  }
0x1df: {  	[spmem:s2] =	stream.indirect.scatter.add.f32 [tilespmem:s0], [sflag:$0x1], $0x10, s21, s9, $0xb8;
	[tilespmem:$0x17C00] =	vst v63  }
0x1e0: {  	s11 =	simm.s32 $0xF000;
	s10 =	simm.s32 $0x14F00  }
0x1e1: {  	[spmem:s2] =	stream.indirect.scatter.add.f32 [tilespmem:s11], [sflag:$0x1], $0x10, s10, s9, $0xb8;
	[tilespmem:$0x17C00] =	vst v63  }
0x1e2: {  	s13 =	simm.s32 $0xF800;
	s12 =	simm.s32 $0x14F80  }
0x1e3: {  	[spmem:s2] =	stream.indirect.scatter.add.f32 [tilespmem:s13], [sflag:$0x1], $0x10, s12, s9, $0xb8;
	[tilespmem:$0x17C00] =	vst v63  }
0x1e4: {  	_ =	swait.ge [sflag:s8], $0x800  }
0x1e5: {  	[sflag:s8] =	ssyncset.done $0x0  }
0x1e6: {  	[sflag:s8] =	ssyncadd.s32 $0xFFFFF800  }
0x1e7: {  	_ =	swait.ge [sflag:s8], $0x800  }
0x1e8: {  	[sflag:s8] =	ssyncset.done $0x0  }
0x1e9: {  	[sflag:s8] =	ssyncadd.s32 $0xFFFFF800  }
0x1ea: {  	_ =	swait.ge [sflag:s8], $0x800  }
0x1eb: {  	[sflag:s8] =	ssyncset.done $0x0  }
0x1ec: {  	[sflag:s8] =	ssyncadd.s32 $0xFFFFF800  }
0x1ed: {  	_ =	swait.ge [sflag:s8], $0x800  }
0x1ee: {  	[sflag:s8] =	ssyncset.done $0x0  }
0x1ef: {  	[sflag:s8] =	ssyncadd.s32 $0xFFFFF800  }
0x1f0: {  	_ =	swait.ge [sflag:s8], $0x800  }
0x1f1: {  	[sflag:s8] =	ssyncset.done $0x0  }
0x1f2: {  	[sflag:s8] =	ssyncadd.s32 $0xFFFFF800  }
0x1f3: {  	_ =	swait.ge [sflag:s8], $0x800  }
0x1f4: {  	[sflag:s8] =	ssyncset.done $0x0  }
0x1f5: {  	[sflag:s8] =	ssyncadd.s32 $0xFFFFF800  }
0x1f6: {  	_ =	swait.ge [sflag:s8], $0x800  }
0x1f7: {  	[sflag:s8] =	ssyncset.done $0x0  }
0x1f8: {  	[sflag:s8] =	ssyncadd.s32 $0xFFFFF800  }
0x1f9: {  	_ =	swait.ge [sflag:s8], $0x800  }
0x1fa: {  	[sflag:s8] =	ssyncset.done $0x0  }
0x1fb: {  	s14 =	simm.s32 $0x15000;
	s16 =	simm.s32 $0x10000;
	[sflag:s8] =	ssyncadd.s32 $0xFFFFF800  }
0x1fc: {  	[spmem:s2] =	stream.indirect.scatter.add.f32 [tilespmem:s16], [sflag:$0x1], $0x10, s14, s9, $0xb8;
	[tilespmem:$0x17C00] =	vst v63  }
0x1fd: {  	s17 =	simm.s32 $0x15080;
	s18 =	simm.s32 $0x10800  }
0x1fe: {  	[spmem:s2] =	stream.indirect.scatter.add.f32 [tilespmem:s18], [sflag:$0x1], $0x10, s17, s9, $0xb8;
	[tilespmem:$0x17C00] =	vst v63  }
0x1ff: {  	s19 =	simm.s32 $0x15100;
	s20 =	simm.s32 $0x11000  }
0x200: {  	[spmem:s2] =	stream.indirect.scatter.add.f32 [tilespmem:s20], [sflag:$0x1], $0x10, s19, s9, $0xb8;
	[tilespmem:$0x17C00] =	vst v63  }
0x201: {  	s21 =	simm.s32 $0x15180  }
0x202: {  	[spmem:s2] =	stream.indirect.scatter.add.f32 [tilespmem:s22], [sflag:$0x1], $0x10, s21, s9, $0xb8;
	[tilespmem:$0x17C00] =	vst v63  }
0x203: {  	p0 =	sne.s32 s31, $0x1  }
0x204: {  	[spmem:s2] =	stream.indirect.scatter.add.f32 [tilespmem:s24], [sflag:$0x1], $0x10, s23, s9, $0xb8;
	[tilespmem:$0x17C00] =	vst v63  }
.Ltmp1:
0x205: {  	_ = 	snop;
	(pc) =	sbr.rel @p0 .LBB2_1-.Ltmp1, $4  }
0x206: {  	_ = 	snop  }
0x207: {  	[spmem:s2] =	stream.indirect.scatter.add.f32 [tilespmem:s26], [sflag:$0x1], $0x10, s25, s9, $0xb8;
	[tilespmem:$0x17C00] =	vst v63  }
0x208: {  	s31 =	sadd.s32 $0xFFFFFFFF, s31  }
0x209: {  	[spmem:s2] =	stream.indirect.scatter.add.f32 [tilespmem:s29], [sflag:$0x1], $0x10, s28, s9, $0xb8;
	[tilespmem:$0x17C00] =	vst v63  }
.LBB2_2:
0x20a: {  	[spmem:s2] =	stream.indirect.scatter.add.f32 [tilespmem:s1], [sflag:$0x1], $0x10, s30, s9, $0xb8;
	[tilespmem:$0x17C00] =	vst v63  }
0x20b: {  	_ =	swait.ge [sflag:s8], $0x800  }
0x20c: {  	[sflag:s8] =	ssyncset.done $0x0  }
0x20d: {  	[sflag:s8] =	ssyncadd.s32 $0xFFFFF800  }
0x20e: {  	_ =	swait.ge [sflag:s8], $0x800  }
0x20f: {  	[sflag:s8] =	ssyncset.done $0x0  }
0x210: {  	[sflag:s8] =	ssyncadd.s32 $0xFFFFF800  }
0x211: {  	_ =	swait.ge [sflag:s8], $0x800  }
0x212: {  	[sflag:s8] =	ssyncset.done $0x0  }
0x213: {  	[sflag:s8] =	ssyncadd.s32 $0xFFFFF800  }
0x214: {  	_ =	swait.ge [sflag:s8], $0x800  }
0x215: {  	[sflag:s8] =	ssyncset.done $0x0  }
0x216: {  	[sflag:s8] =	ssyncadd.s32 $0xFFFFF800  }
0x217: {  	_ =	swait.ge [sflag:s8], $0x800  }
0x218: {  	[sflag:s8] =	ssyncset.done $0x0  }
0x219: {  	[sflag:s8] =	ssyncadd.s32 $0xFFFFF800  }
0x21a: {  	_ =	swait.ge [sflag:s8], $0x800  }
0x21b: {  	[sflag:s8] =	ssyncset.done $0x0  }
0x21c: {  	[sflag:s8] =	ssyncadd.s32 $0xFFFFF800  }
0x21d: {  	_ =	swait.ge [sflag:s8], $0x800  }
0x21e: {  	[sflag:s8] =	ssyncset.done $0x0  }
0x21f: {  	[sflag:s8] =	ssyncadd.s32 $0xFFFFF800  }
0x220: {  	_ =	swait.ge [sflag:s8], $0x800  }
0x221: {  	[sflag:s8] =	ssyncset.done $0x0  }
0x222: {  	[sflag:s8] =	ssyncadd.s32 $0xFFFFF800  }
0x223: {  	[bflag:$0x0] =	sbarrier.arrive $0xFFFF  }
0x224: {  	[hbm:s15], [sflag:s4] =	dma.local [spmem:s6], $0x500  }
0x225: {  	_ =	swait.ge [sflag:s5], $0x500  }
0x226: {  	[sflag:s5] =	ssyncset.done $0x0  }
0x227: {  	[sflag:s5] =	ssyncadd.s32 $0xFFFFFB00  }
0x228: {  	_ =	sfence.sel $0x180000  }
0x229: {  	[bflag:$0x0] =	sbarrier.arrive $0xFFFF  }
0x22a: {  	_ =	strace $0x90000050  }
0x22b: {  	s0 =	stileid.u32;
	[bflag:$0x2] =	sbarrier.arrive $0xFFFF  }
0x22c: {  	p0 =	sne.s32 s0, $0x0;
	s0 =	rddreg [dreg:$0x2]  }
0x22d: {  	s0 =	sadd.s32 @!p0 $0x100000, s0  }
0x22e: {  	[sflag:s0] =	ssyncadd.tile.s32 @!p0 $0x1;
	_ =	shalt  }
.Lfunc_end2:
_tile_overlayer_lowered:
.L_overlay_start_2:
0x22f: {  	(tag) =	ssettag $0x2  }
0x230: {  	s0 =	rddreg [dreg:$0x0];
	s2 =	stileid.u32  }
0x231: {  	s1 =	rddreg [dreg:$0x1];
	p0 =	sne.s32 s2, $0x0  }
0x232: {  	s3 =	rddreg [dreg:$0x2];
	[bflag:$0x3] =	sbarrier.arrive $0xFFFF;
	s2 =	simm.s32 @!p0 $0x1C02  }
0x233: {  	[timem:s3], [sflag:s2] =	dma.local @!p0 [hbm:s0], s1  }
0x234: {  	s0 =	simm.s32 @!p0 $0x2  }
0x235: {  	_ =	swait.ge @!p0 [sflag:s0], s1  }
0x236: {  	s1 =	ssub.s32 @!p0 $0x0, s1;
	[sflag:s0] =	ssyncset.done @!p0 $0x0  }
0x237: {  	[sflag:s0] =	ssyncadd.s32 @!p0 s1  }
0x238: {  	[bflag:$0x3] =	sbarrier.arrive $0xFFFF  }
0x239: {  	_ =	shalt  }

</sc_bundles>
